<compile_context>
chip_gen: v7x
topology: tpu7x:2x2x1
jax: 0.10.2.dev20260603
libtpu: 0.0.44.dev20260713+nightly
codegen_flags: <defaults>
</compile_context>

<pallas_src>
import functools

import jax
import jax.numpy as jnp
from jax import lax
from jax.experimental import pallas as pl
from jax.experimental.pallas import tpu as pltpu
from jax.experimental.pallas import tpu_sc as plsc

N = 10000
D = 128
NP = 10240
RB = 1280
ROWS_PER_TILE = NP // 16

K = 96
NW = 32
SLAB = 27
NSLAB = 4
CH = SLAB * NSLAB
EP = NW * CH * K


def _t1_body(x_ref, w_ref, as_ref, ad_ref, h_ref, asrc_ref, adst_ref, ms_ref):
    i = pl.program_id(0)
    h = jnp.dot(x_ref[...], w_ref[...], preferred_element_type=jnp.float32)
    h_ref[...] = h
    asv = jnp.sum(h * as_ref[...], axis=1, keepdims=True)
    adv = jnp.sum(h * ad_ref[...], axis=1, keepdims=True)
    asrc_ref[...] = asv
    adst_ref[...] = adv

    @pl.when(i == 0)
    def _():
        ms_ref[...] = jnp.full((1, 1), -jnp.inf, jnp.float32)

    ms_ref[...] = jnp.maximum(ms_ref[...], jnp.max(asv))


def _t1(x, w, a_s, a_d):
    return pl.pallas_call(
        _t1_body,
        grid=(NP // RB,),
        in_specs=[
            pl.BlockSpec((RB, D), lambda i: (i, 0)),
            pl.BlockSpec((D, D), lambda i: (0, 0)),
            pl.BlockSpec((1, D), lambda i: (0, 0)),
            pl.BlockSpec((1, D), lambda i: (0, 0)),
        ],
        out_specs=[
            pl.BlockSpec((RB, D), lambda i: (i, 0)),
            pl.BlockSpec((RB, 1), lambda i: (i, 0)),
            pl.BlockSpec((RB, 1), lambda i: (i, 0)),
            pl.BlockSpec((1, 1), lambda i: (0, 0)),
        ],
        out_shape=[
            jax.ShapeDtypeStruct((NP, D), jnp.float32),
            jax.ShapeDtypeStruct((NP, 1), jnp.float32),
            jax.ShapeDtypeStruct((NP, 1), jnp.float32),
            jax.ShapeDtypeStruct((1, 1), jnp.float32),
        ],
    )(x, w, a_s, a_d)


def _lrelu(v):
    return jnp.where(v > 0, v, 0.2 * v)


def _sck1_body(asrc_hbm, adst_hbm, ms_hbm, src_hbm, dst_hbm, ex_out,
               den_out, asrc_v, adst_v, ms_v, srcb, dstb, exb, den_v):
    cid = lax.axis_index("c")
    sid = lax.axis_index("s")
    wid = cid * 16 + sid

    pltpu.sync_copy(asrc_hbm, asrc_v)
    pltpu.sync_copy(adst_hbm, adst_v)
    pltpu.sync_copy(ms_hbm, ms_v)
    pltpu.sync_copy(src_hbm.at[wid], srcb)
    pltpu.sync_copy(dst_hbm.at[wid], dstb)

    def zden(i, _):
        for u in range(4):
            den_v[pl.ds((4 * i + u) * 16, 16)] = jnp.zeros((16,), jnp.float32)
        return _

    lax.fori_loop(0, NP // 64, zden, None)

    ms_vec = ms_v[...]

    def grp_body(g, _):
        for u in range(2):
            o = (2 * g + u) * 16
            s16 = srcb[pl.ds(o, 16)]
            d16 = dstb[pl.ds(o, 16)]
            a_s = plsc.load_gather(asrc_v, [s16])
            a_d = plsc.load_gather(adst_v, [d16])
            e = _lrelu(a_s + a_d)
            shift = _lrelu(ms_vec + a_d)
            ex = jnp.exp(e - shift)
            exb[pl.ds(o, 16)] = ex
            plsc.addupdate_scatter(den_v, [d16], ex)
        return _

    lax.fori_loop(0, (CH * K) // 32, grp_body, None)
    pltpu.sync_copy(exb, ex_out.at[wid])
    pltpu.sync_copy(den_v, den_out.at[wid])


def _sc_scalar_pass(asrc, adst, ms16, srcf, dstf):
    mesh = plsc.VectorSubcoreMesh(core_axis_name="c", subcore_axis_name="s")
    k = pl.kernel(
        _sck1_body,
        out_type=[
            jax.ShapeDtypeStruct((NW, CH * K), jnp.float32),
            jax.ShapeDtypeStruct((NW, NP), jnp.float32),
        ],
        mesh=mesh,
        scratch_types=[
            pltpu.VMEM((NP,), jnp.float32),
            pltpu.VMEM((NP,), jnp.float32),
            pltpu.VMEM((16,), jnp.float32),
            pltpu.VMEM((CH * K,), jnp.int32),
            pltpu.VMEM((CH * K,), jnp.int32),
            pltpu.VMEM((CH * K,), jnp.float32),
            pltpu.VMEM((NP,), jnp.float32),
        ],
        compiler_params=pltpu.CompilerParams(needs_layout_passes=False),
    )
    return k(asrc, adst, ms16, srcf, dstf)


def _sck2_body(h_hbm, src_hbm, dst_hbm, ex_hbm, zer_hbm, acc_out,
               srcs, dsts, exsl, rows0, rows1, rows2, acc_s,
               gs0, gs1, gs2, ss0, ss1, ss2):
    cid = lax.axis_index("c")
    sid = lax.axis_index("s")
    wid = cid * 16 + sid

    pltpu.sync_copy(zer_hbm, acc_s.at[pl.ds(sid * ROWS_PER_TILE, ROWS_PER_TILE)])
    plsc.subcore_barrier()

    rows = (rows0, rows1, rows2)
    gsem = (gs0, gs1, gs2)
    ssem = (ss0, ss1, ss2)

    def gath(r, b):
        return pltpu.make_async_copy(h_hbm.at[srcs.at[r]], rows[b], gsem[b])

    def scat(r, b):
        return pltpu.make_async_copy(rows[b], acc_s.at[dsts.at[r]], ssem[b])

    def slab_body(s, _):
        pltpu.sync_copy(src_hbm.at[wid, s], srcs)
        pltpu.sync_copy(dst_hbm.at[wid, s], dsts)
        pltpu.sync_copy(ex_hbm.at[wid, s], exsl)
        gath(0, 0).start()

        def grp_body(p, _):
            for b in range(3):
                r = 3 * p + b

                @pl.when(r >= 2)
                def _():
                    scat(r - 2, (b + 1) % 3).wait()

                @pl.when(r < SLAB - 1)
                def _():
                    gath(r + 1, (b + 1) % 3).start()

                gath(r, b).wait()
                rbase = jnp.zeros((16,), jnp.int32) + r * K

                def scale_row(jj, _):
                    for u in range(4):
                        j = 4 * jj + u
                        exj = plsc.load_gather(exsl, [rbase + j])
                        for c in range(D // 16):
                            sl = pl.ds(c * 16, 16)
                            rows[b][j, sl] = rows[b][j, sl] * exj
                    return _

                lax.fori_loop(0, K // 4, scale_row, None)
                scat(r, b).start(add=True)
            return _

        lax.fori_loop(0, SLAB // 3, grp_body, None)
        scat(SLAB - 2, (SLAB - 2) % 3).wait()
        scat(SLAB - 1, (SLAB - 1) % 3).wait()
        return _

    lax.fori_loop(0, NSLAB, slab_body, None)
    plsc.subcore_barrier()
    pltpu.sync_copy(acc_s.at[pl.ds(sid * ROWS_PER_TILE, ROWS_PER_TILE)],
                    acc_out.at[cid, pl.ds(sid * ROWS_PER_TILE, ROWS_PER_TILE)])


def _sc_vector_pass(h, srcr, dstr, ex, zer):
    mesh = plsc.VectorSubcoreMesh(core_axis_name="c", subcore_axis_name="s")
    k = pl.kernel(
        _sck2_body,
        out_type=jax.ShapeDtypeStruct((2, NP, D), jnp.float32),
        mesh=mesh,
        scratch_types=[
            pltpu.VMEM((SLAB, K), jnp.int32),
            pltpu.VMEM((SLAB, K), jnp.int32),
            pltpu.VMEM((SLAB * K,), jnp.float32),
            pltpu.VMEM((K, D), jnp.float32),
            pltpu.VMEM((K, D), jnp.float32),
            pltpu.VMEM((K, D), jnp.float32),
            pltpu.VMEM_SHARED((NP, D), jnp.float32),
            pltpu.SemaphoreType.DMA,
            pltpu.SemaphoreType.DMA,
            pltpu.SemaphoreType.DMA,
            pltpu.SemaphoreType.DMA,
            pltpu.SemaphoreType.DMA,
            pltpu.SemaphoreType.DMA,
        ],
        compiler_params=pltpu.CompilerParams(needs_layout_passes=False),
    )
    return k(h, srcr.reshape(NW, NSLAB, SLAB, K),
             dstr.reshape(NW, NSLAB, SLAB, K),
             ex.reshape(NW, NSLAB, SLAB * K), zer)


def _tmid_body(acc_ref, den_ref, b_ref, w_ref, as_ref, ad_ref,
               h_ref, asrc_ref, adst_ref, ms_ref):
    i = pl.program_id(0)
    a = acc_ref[0] + acc_ref[1]
    den = jnp.sum(den_ref[...], axis=0)[:, None]
    y = a / (den + 1e-16) + b_ref[...]
    y = jnp.maximum(y, 0.0)
    rows = i * RB + lax.broadcasted_iota(jnp.int32, (RB, 1), 0)
    x2 = jnp.where(rows < N, y, 0.0)
    h = jnp.dot(x2, w_ref[...], preferred_element_type=jnp.float32)
    h_ref[...] = h
    asv = jnp.sum(h * as_ref[...], axis=1, keepdims=True)
    adv = jnp.sum(h * ad_ref[...], axis=1, keepdims=True)
    asrc_ref[...] = asv
    adst_ref[...] = adv

    @pl.when(i == 0)
    def _():
        ms_ref[...] = jnp.full((1, 1), -jnp.inf, jnp.float32)

    ms_ref[...] = jnp.maximum(ms_ref[...], jnp.max(asv))


def _tmid(acc, den, b, w, a_s, a_d):
    return pl.pallas_call(
        _tmid_body,
        grid=(NP // RB,),
        in_specs=[
            pl.BlockSpec((2, RB, D), lambda i: (0, i, 0)),
            pl.BlockSpec((NW, RB), lambda i: (0, i)),
            pl.BlockSpec((1, D), lambda i: (0, 0)),
            pl.BlockSpec((D, D), lambda i: (0, 0)),
            pl.BlockSpec((1, D), lambda i: (0, 0)),
            pl.BlockSpec((1, D), lambda i: (0, 0)),
        ],
        out_specs=[
            pl.BlockSpec((RB, D), lambda i: (i, 0)),
            pl.BlockSpec((RB, 1), lambda i: (i, 0)),
            pl.BlockSpec((RB, 1), lambda i: (i, 0)),
            pl.BlockSpec((1, 1), lambda i: (0, 0)),
        ],
        out_shape=[
            jax.ShapeDtypeStruct((NP, D), jnp.float32),
            jax.ShapeDtypeStruct((NP, 1), jnp.float32),
            jax.ShapeDtypeStruct((NP, 1), jnp.float32),
            jax.ShapeDtypeStruct((1, 1), jnp.float32),
        ],
    )(acc, den, b, w, a_s, a_d)


def _t3_body(acc_ref, den_ref, b_ref, out_ref):
    i = pl.program_id(0)
    a = acc_ref[0] + acc_ref[1]
    den = jnp.sum(den_ref[...], axis=0)[:, None]
    y = a / (den + 1e-16) + b_ref[...]
    y = jnp.maximum(y, 0.0)
    rows = i * RB + lax.broadcasted_iota(jnp.int32, (RB, 1), 0)
    out_ref[...] = jnp.where(rows < N, y, 0.0)


def _t3(acc, den, b):
    return pl.pallas_call(
        _t3_body,
        grid=(NP // RB,),
        in_specs=[
            pl.BlockSpec((2, RB, D), lambda i: (0, i, 0)),
            pl.BlockSpec((NW, RB), lambda i: (0, i)),
            pl.BlockSpec((1, D), lambda i: (0, 0)),
        ],
        out_specs=pl.BlockSpec((RB, D), lambda i: (i, 0)),
        out_shape=jax.ShapeDtypeStruct((NP, D), jnp.float32),
    )(acc, den, b)


def kernel(x, edge_index, W1, a_src1, a_dst1, b1, W2, a_src2, a_dst2, b2):
    x = x.astype(jnp.float32)
    xp = jnp.zeros((NP, D), jnp.float32).at[:N].set(x)
    loop = jnp.arange(N, dtype=edge_index.dtype)
    ei = jnp.concatenate([edge_index, jnp.stack([loop, loop])], axis=1)
    npad = EP - ei.shape[1]
    padv = N + (jnp.arange(npad, dtype=ei.dtype) % (NP - N))
    ei = jnp.concatenate([ei, jnp.stack([padv, padv])], axis=1)
    srcr = ei[0].reshape(NW, CH, K)
    dstr = ei[1].reshape(NW, CH, K)
    srcf = ei[0].reshape(NW, CH * K)
    dstf = ei[1].reshape(NW, CH * K)
    zer = jnp.zeros((ROWS_PER_TILE, D), jnp.float32)

    def edge_pass(h, asrc, adst, ms):
        ms16 = jnp.broadcast_to(ms.reshape(()), (16,))
        ex, den = _sc_scalar_pass(asrc.reshape(NP), adst.reshape(NP), ms16,
                                  srcf, dstf)
        acc = _sc_vector_pass(h, srcr, dstr, ex.reshape(NW, CH, K), zer)
        return acc, den

    h1, asrc1, adst1, ms1 = _t1(xp, W1, a_src1.reshape(1, D),
                                a_dst1.reshape(1, D))
    acc1, den1 = edge_pass(h1, asrc1, adst1, ms1)
    h2, asrc2, adst2, ms2 = _tmid(acc1, den1, b1.reshape(1, D), W2,
                                  a_src2.reshape(1, D), a_dst2.reshape(1, D))
    acc2, den2 = edge_pass(h2, asrc2, adst2, ms2)
    return _t3(acc2, den2, b2.reshape(1, D))[:N]

# --- scband reference (transcript-rebuilt; emitter-appended) ---
"""Pipeline reference for scband-gatbackbone-52312701665404 (READ-ONLY COPY).

The authoritative reference and input builder live on the scoring server;
editing this copy changes nothing except your own understanding.
"""

import jax, jax.numpy as jnp
import numpy as np

N = 10000
E = 320000
D = 128
C = 128


def setup_inputs(seed: int = 0) -> dict:
    key = jax.random.key(seed)
    ks = jax.random.split(key, 12)
    x = jax.random.normal(ks[0], (N, D), dtype=jnp.float32)
    edge_index = jax.random.randint(ks[1], (2, E), 0, N, dtype=jnp.int32)
    s = 1.0 / np.sqrt(D)
    W1 = jax.random.normal(ks[2], (D, C), dtype=jnp.float32) * s
    a_src1 = jax.random.normal(ks[3], (C,), dtype=jnp.float32) * s
    a_dst1 = jax.random.normal(ks[4], (C,), dtype=jnp.float32) * s
    b1 = jnp.zeros((C,), dtype=jnp.float32)
    W2 = jax.random.normal(ks[5], (C, C), dtype=jnp.float32) * s
    a_src2 = jax.random.normal(ks[6], (C,), dtype=jnp.float32) * s
    a_dst2 = jax.random.normal(ks[7], (C,), dtype=jnp.float32) * s
    b2 = jnp.zeros((C,), dtype=jnp.float32)
    return {"x": x, "edge_index": edge_index, "W1": W1, "a_src1": a_src1,
            "a_dst1": a_dst1, "b1": b1, "W2": W2, "a_src2": a_src2,
            "a_dst2": a_dst2, "b2": b2}


def _gat_layer(x, edge_index, W, a_s, a_d, b):
    n = x.shape[0]
    loop = jnp.arange(n, dtype=edge_index.dtype)
    ei = jnp.concatenate([edge_index, jnp.stack([loop, loop])], axis=1)
    src, dst = ei[0], ei[1]
    h = x @ W  # [n, C], heads=1
    alpha_src = (h * a_s).sum(-1)  # [n]
    alpha_dst = (h * a_d).sum(-1)  # [n]
    e = alpha_src[src] + alpha_dst[dst]
    e = jnp.where(e > 0, e, 0.2 * e)  # leaky_relu(0.2)
    emax = jax.ops.segment_max(e, dst, num_segments=n)
    emax = jnp.where(jnp.isfinite(emax), emax, 0.0)
    ex = jnp.exp(e - emax[dst])
    denom = jax.ops.segment_sum(ex, dst, num_segments=n)
    alpha = ex / (denom[dst] + 1e-16)
    out = jax.ops.segment_sum(h[src] * alpha[:, None], dst, num_segments=n)
    return out + b


def reference(x, edge_index, W1, a_src1, a_dst1, b1, W2, a_src2, a_dst2, b2):
    x = x.astype(jnp.float32)
    h = _gat_layer(x, edge_index, W1, a_src1, a_dst1, b1)
    h = jax.nn.relu(h)
    h = _gat_layer(h, edge_index, W2, a_src2, a_dst2, b2)
    h = jax.nn.relu(h)
    return h

if __name__ == "__main__":
    import jax
    _d = setup_inputs()
    print(jax.jit(kernel)(*tuple(_d.values())))

</pallas_src>

<mosaic_0001>
#map = affine_map<(d0, d1) -> (0)>
#map1 = affine_map<(d0, d1) -> (0, 0)>
module attributes {stable_mosaic.version = 14 : i64} {
  func.func @_sck1_body(%arg0: i32, %arg1: i32, %arg2: memref<10240xf32, #tpu.memory_space<hbm>>, %arg3: memref<10240xf32, #tpu.memory_space<hbm>>, %arg4: memref<16xf32, #tpu.memory_space<hbm>>, %arg5: memref<32x10368xi32, #tpu.memory_space<hbm>>, %arg6: memref<32x10368xi32, #tpu.memory_space<hbm>>, %arg7: memref<32x10368xf32, #tpu.memory_space<hbm>>, %arg8: memref<32x10240xf32, #tpu.memory_space<hbm>>, %arg9: memref<10240xf32, #tpu.memory_space<vmem>>, %arg10: memref<10240xf32, #tpu.memory_space<vmem>>, %arg11: memref<16xf32, #tpu.memory_space<vmem>>, %arg12: memref<10368xi32, #tpu.memory_space<vmem>>, %arg13: memref<10368xi32, #tpu.memory_space<vmem>>, %arg14: memref<10368xf32, #tpu.memory_space<vmem>>, %arg15: memref<10240xf32, #tpu.memory_space<vmem>>) attributes {dimension_semantics = [#tpu.dimension_semantics<core_parallel>, #tpu.dimension_semantics<subcore_parallel>], iteration_bounds = array<i64: 2, 16>, scalar_prefetch = 0 : i64, scratch_operands = 7 : i64, tpu.core_type = #tpu.core_type<sc_vector_subcore>, window_params = [{transform_indices = #map}, {transform_indices = #map}, {transform_indices = #map}, {transform_indices = #map1}, {transform_indices = #map1}, {transform_indices = #map1}, {transform_indices = #map1}]} {
    %mul3A = arith.constant 16 : i32
    %mul3A_0 = arith.muli %arg0, %mul3A : i32
    %add3A = arith.addi %mul3A_0, %arg1 : i32
    "tpu.region"() ({
      %run_scoped3A = tpu.sem_alloc : memref<!tpu.dma_semaphore, #tpu.memory_space<semaphore_mem>>
      tpu.enqueue_dma source(%arg2 : memref<10240xf32, #tpu.memory_space<hbm>>) target(%arg9 : memref<10240xf32, #tpu.memory_space<vmem>>) target_semaphore(%run_scoped3A : memref<!tpu.dma_semaphore, #tpu.memory_space<semaphore_mem>>)
      tpu.wait_dma2 semaphore(%run_scoped3A : memref<!tpu.dma_semaphore, #tpu.memory_space<semaphore_mem>>) src(%arg2 : memref<10240xf32, #tpu.memory_space<hbm>>) dst(%arg9 : memref<10240xf32, #tpu.memory_space<vmem>>)
      tpu.yield
    }) : () -> ()
    "tpu.region"() ({
      %run_scoped3A = tpu.sem_alloc : memref<!tpu.dma_semaphore, #tpu.memory_space<semaphore_mem>>
      tpu.enqueue_dma source(%arg3 : memref<10240xf32, #tpu.memory_space<hbm>>) target(%arg10 : memref<10240xf32, #tpu.memory_space<vmem>>) target_semaphore(%run_scoped3A : memref<!tpu.dma_semaphore, #tpu.memory_space<semaphore_mem>>)
      tpu.wait_dma2 semaphore(%run_scoped3A : memref<!tpu.dma_semaphore, #tpu.memory_space<semaphore_mem>>) src(%arg3 : memref<10240xf32, #tpu.memory_space<hbm>>) dst(%arg10 : memref<10240xf32, #tpu.memory_space<vmem>>)
      tpu.yield
    }) : () -> ()
    "tpu.region"() ({
      %run_scoped3A = tpu.sem_alloc : memref<!tpu.dma_semaphore, #tpu.memory_space<semaphore_mem>>
      tpu.enqueue_dma source(%arg4 : memref<16xf32, #tpu.memory_space<hbm>>) target(%arg11 : memref<16xf32, #tpu.memory_space<vmem>>) target_semaphore(%run_scoped3A : memref<!tpu.dma_semaphore, #tpu.memory_space<semaphore_mem>>)
      tpu.wait_dma2 semaphore(%run_scoped3A : memref<!tpu.dma_semaphore, #tpu.memory_space<semaphore_mem>>) src(%arg4 : memref<16xf32, #tpu.memory_space<hbm>>) dst(%arg11 : memref<16xf32, #tpu.memory_space<vmem>>)
      tpu.yield
    }) : () -> ()
    "tpu.region"() ({
      %run_scoped3A = tpu.sem_alloc : memref<!tpu.dma_semaphore, #tpu.memory_space<semaphore_mem>>
      %dma_start3A = arith.constant 0 : i32
      %dma_start3A_11 = tpu.memref_slice %arg5[%add3A, %dma_start3A] : memref<32x10368xi32, #tpu.memory_space<hbm>> -> memref<1x10368xi32, #tpu.memory_space<hbm>>
      %dma_start3A_12 = tpu.memref_squeeze %dma_start3A_11 : memref<1x10368xi32, #tpu.memory_space<hbm>> -> memref<10368xi32, #tpu.memory_space<hbm>>
      %dma_start3A_13 = arith.constant 0 : i32
      %dma_start3A_14 = tpu.memref_slice %arg5[%add3A, %dma_start3A_13] : memref<32x10368xi32, #tpu.memory_space<hbm>> -> memref<1x10368xi32, #tpu.memory_space<hbm>>
      %dma_start3A_15 = tpu.memref_squeeze %dma_start3A_14 : memref<1x10368xi32, #tpu.memory_space<hbm>> -> memref<10368xi32, #tpu.memory_space<hbm>>
      tpu.enqueue_dma source(%dma_start3A_15 : memref<10368xi32, #tpu.memory_space<hbm>>) target(%arg12 : memref<10368xi32, #tpu.memory_space<vmem>>) target_semaphore(%run_scoped3A : memref<!tpu.dma_semaphore, #tpu.memory_space<semaphore_mem>>)
      %dma_wait3A = arith.constant 0 : i32
      %dma_wait3A_16 = tpu.memref_slice %arg5[%add3A, %dma_wait3A] : memref<32x10368xi32, #tpu.memory_space<hbm>> -> memref<1x10368xi32, #tpu.memory_space<hbm>>
      %dma_wait3A_17 = tpu.memref_squeeze %dma_wait3A_16 : memref<1x10368xi32, #tpu.memory_space<hbm>> -> memref<10368xi32, #tpu.memory_space<hbm>>
      %dma_wait3A_18 = arith.constant 0 : i32
      %dma_wait3A_19 = tpu.memref_slice %arg5[%add3A, %dma_wait3A_18] : memref<32x10368xi32, #tpu.memory_space<hbm>> -> memref<1x10368xi32, #tpu.memory_space<hbm>>
      %dma_wait3A_20 = tpu.memref_squeeze %dma_wait3A_19 : memref<1x10368xi32, #tpu.memory_space<hbm>> -> memref<10368xi32, #tpu.memory_space<hbm>>
      tpu.wait_dma2 semaphore(%run_scoped3A : memref<!tpu.dma_semaphore, #tpu.memory_space<semaphore_mem>>) src(%dma_wait3A_20 : memref<10368xi32, #tpu.memory_space<hbm>>) dst(%arg12 : memref<10368xi32, #tpu.memory_space<vmem>>)
      tpu.yield
    }) : () -> ()
    "tpu.region"() ({
      %run_scoped3A = tpu.sem_alloc : memref<!tpu.dma_semaphore, #tpu.memory_space<semaphore_mem>>
      %dma_start3A = arith.constant 0 : i32
      %dma_start3A_11 = tpu.memref_slice %arg6[%add3A, %dma_start3A] : memref<32x10368xi32, #tpu.memory_space<hbm>> -> memref<1x10368xi32, #tpu.memory_space<hbm>>
      %dma_start3A_12 = tpu.memref_squeeze %dma_start3A_11 : memref<1x10368xi32, #tpu.memory_space<hbm>> -> memref<10368xi32, #tpu.memory_space<hbm>>
      %dma_start3A_13 = arith.constant 0 : i32
      %dma_start3A_14 = tpu.memref_slice %arg6[%add3A, %dma_start3A_13] : memref<32x10368xi32, #tpu.memory_space<hbm>> -> memref<1x10368xi32, #tpu.memory_space<hbm>>
      %dma_start3A_15 = tpu.memref_squeeze %dma_start3A_14 : memref<1x10368xi32, #tpu.memory_space<hbm>> -> memref<10368xi32, #tpu.memory_space<hbm>>
      tpu.enqueue_dma source(%dma_start3A_15 : memref<10368xi32, #tpu.memory_space<hbm>>) target(%arg13 : memref<10368xi32, #tpu.memory_space<vmem>>) target_semaphore(%run_scoped3A : memref<!tpu.dma_semaphore, #tpu.memory_space<semaphore_mem>>)
      %dma_wait3A = arith.constant 0 : i32
      %dma_wait3A_16 = tpu.memref_slice %arg6[%add3A, %dma_wait3A] : memref<32x10368xi32, #tpu.memory_space<hbm>> -> memref<1x10368xi32, #tpu.memory_space<hbm>>
      %dma_wait3A_17 = tpu.memref_squeeze %dma_wait3A_16 : memref<1x10368xi32, #tpu.memory_space<hbm>> -> memref<10368xi32, #tpu.memory_space<hbm>>
      %dma_wait3A_18 = arith.constant 0 : i32
      %dma_wait3A_19 = tpu.memref_slice %arg6[%add3A, %dma_wait3A_18] : memref<32x10368xi32, #tpu.memory_space<hbm>> -> memref<1x10368xi32, #tpu.memory_space<hbm>>
      %dma_wait3A_20 = tpu.memref_squeeze %dma_wait3A_19 : memref<1x10368xi32, #tpu.memory_space<hbm>> -> memref<10368xi32, #tpu.memory_space<hbm>>
      tpu.wait_dma2 semaphore(%run_scoped3A : memref<!tpu.dma_semaphore, #tpu.memory_space<semaphore_mem>>) src(%dma_wait3A_20 : memref<10368xi32, #tpu.memory_space<hbm>>) dst(%arg13 : memref<10368xi32, #tpu.memory_space<vmem>>)
      tpu.yield
    }) : () -> ()
    %scan3A = arith.constant 0 : i32
    %scan3A_1 = arith.constant 160 : i32
    %scan3A_2 = arith.addi %scan3A, %scan3A_1 : i32
    %scan3A_3 = arith.constant 1 : i32
    scf.for %scan3A_11 = %scan3A to %scan3A_2 step %scan3A_3  : i32 {
      %broadcast_in_dim3A = arith.constant 0.000000e+00 : f32
      %broadcast_in_dim3A_12 = vector.broadcast %broadcast_in_dim3A : f32 to vector<16xf32>
      %mul3A_13 = arith.constant 4 : i32
      %mul3A_14 = arith.muli %mul3A_13, %scan3A_11 : i32
      %add3A_15 = arith.constant 0 : i32
      %add3A_16 = arith.addi %mul3A_14, %add3A_15 : i32
      %mul3A_17 = arith.constant 16 : i32
      %mul3A_18 = arith.muli %add3A_16, %mul3A_17 : i32
      %swap3A = arith.index_cast %mul3A_18 : i32 to index
      %swap3A_19 = tpu.vector_load %arg15[%swap3A] {strides = array<i32>} : memref<10240xf32, #tpu.memory_space<vmem>>, vector<16xf32>,
      tpu.vector_store %arg15[%swap3A], %broadcast_in_dim3A_12 {strides = array<i32>} : memref<10240xf32, #tpu.memory_space<vmem>>, vector<16xf32>,
      %broadcast_in_dim3A_20 = arith.constant 0.000000e+00 : f32
      %broadcast_in_dim3A_21 = vector.broadcast %broadcast_in_dim3A_20 : f32 to vector<16xf32>
      %mul3A_22 = arith.constant 4 : i32
      %mul3A_23 = arith.muli %mul3A_22, %scan3A_11 : i32
      %add3A_24 = arith.constant 1 : i32
      %add3A_25 = arith.addi %mul3A_23, %add3A_24 : i32
      %mul3A_26 = arith.constant 16 : i32
      %mul3A_27 = arith.muli %add3A_25, %mul3A_26 : i32
      %swap3A_28 = arith.index_cast %mul3A_27 : i32 to index
      %swap3A_29 = tpu.vector_load %arg15[%swap3A_28] {strides = array<i32>} : memref<10240xf32, #tpu.memory_space<vmem>>, vector<16xf32>,
      tpu.vector_store %arg15[%swap3A_28], %broadcast_in_dim3A_21 {strides = array<i32>} : memref<10240xf32, #tpu.memory_space<vmem>>, vector<16xf32>,
      %broadcast_in_dim3A_30 = arith.constant 0.000000e+00 : f32
      %broadcast_in_dim3A_31 = vector.broadcast %broadcast_in_dim3A_30 : f32 to vector<16xf32>
      %mul3A_32 = arith.constant 4 : i32
      %mul3A_33 = arith.muli %mul3A_32, %scan3A_11 : i32
      %add3A_34 = arith.constant 2 : i32
      %add3A_35 = arith.addi %mul3A_33, %add3A_34 : i32
      %mul3A_36 = arith.constant 16 : i32
      %mul3A_37 = arith.muli %add3A_35, %mul3A_36 : i32
      %swap3A_38 = arith.index_cast %mul3A_37 : i32 to index
      %swap3A_39 = tpu.vector_load %arg15[%swap3A_38] {strides = array<i32>} : memref<10240xf32, #tpu.memory_space<vmem>>, vector<16xf32>,
      tpu.vector_store %arg15[%swap3A_38], %broadcast_in_dim3A_31 {strides = array<i32>} : memref<10240xf32, #tpu.memory_space<vmem>>, vector<16xf32>,
      %broadcast_in_dim3A_40 = arith.constant 0.000000e+00 : f32
      %broadcast_in_dim3A_41 = vector.broadcast %broadcast_in_dim3A_40 : f32 to vector<16xf32>
      %mul3A_42 = arith.constant 4 : i32
      %mul3A_43 = arith.muli %mul3A_42, %scan3A_11 : i32
      %add3A_44 = arith.constant 3 : i32
      %add3A_45 = arith.addi %mul3A_43, %add3A_44 : i32
      %mul3A_46 = arith.constant 16 : i32
      %mul3A_47 = arith.muli %add3A_45, %mul3A_46 : i32
      %swap3A_48 = arith.index_cast %mul3A_47 : i32 to index
      %swap3A_49 = tpu.vector_load %arg15[%swap3A_48] {strides = array<i32>} : memref<10240xf32, #tpu.memory_space<vmem>>, vector<16xf32>,
      tpu.vector_store %arg15[%swap3A_48], %broadcast_in_dim3A_41 {strides = array<i32>} : memref<10240xf32, #tpu.memory_space<vmem>>, vector<16xf32>,
    }
    %scan3A_4 = arith.constant 160 : i32
    %get3A = arith.constant 0 : index
    %get3A_5 = tpu.vector_load %arg11[%get3A] {strides = array<i32>} : memref<16xf32, #tpu.memory_space<vmem>>, vector<16xf32>,
    %scan3A_6 = arith.constant 0 : i32
    %scan3A_7 = arith.constant 324 : i32
    %scan3A_8 = arith.addi %scan3A_6, %scan3A_7 : i32
    %scan3A_9 = arith.constant 1 : i32
    scf.for %scan3A_11 = %scan3A_6 to %scan3A_8 step %scan3A_9  : i32 {
      %mul3A_12 = arith.constant 2 : i32
      %mul3A_13 = arith.muli %mul3A_12, %scan3A_11 : i32
      %add3A_14 = arith.constant 0 : i32
      %add3A_15 = arith.addi %mul3A_13, %add3A_14 : i32
      %mul3A_16 = arith.constant 16 : i32
      %mul3A_17 = arith.muli %add3A_15, %mul3A_16 : i32
      %get3A_18 = arith.index_cast %mul3A_17 : i32 to index
      %get3A_19 = tpu.vector_load %arg12[%get3A_18] {strides = array<i32>} : memref<10368xi32, #tpu.memory_space<vmem>>, vector<16xi32>,
      %get3A_20 = arith.index_cast %mul3A_17 : i32 to index
      %get3A_21 = tpu.vector_load %arg13[%get3A_20] {strides = array<i32>} : memref<10368xi32, #tpu.memory_space<vmem>>, vector<16xi32>,
      %gather3A = tpu.vector_load_idx %arg9[%get3A_19] : memref<10240xf32, #tpu.memory_space<vmem>>[vector<16xi32>], vector<16xf32>,
      %gather3A_22 = tpu.vector_load_idx %arg10[%get3A_21] : memref<10240xf32, #tpu.memory_space<vmem>>[vector<16xi32>], vector<16xf32>,
      %add3A_23 = arith.addf %gather3A, %gather3A_22 : vector<16xf32>
      %gt3A = arith.constant 0.000000e+00 : f32
      %gt3A_24 = vector.broadcast %gt3A : f32 to vector<16xf32>
      %gt3A_25 = arith.cmpf ogt, %add3A_23, %gt3A_24 : vector<16xf32>
      %mul3A_26 = arith.constant 2.000000e-01 : f32
      %mul3A_27 = vector.broadcast %mul3A_26 : f32 to vector<16xf32>
      %mul3A_28 = arith.mulf %mul3A_27, %add3A_23 : vector<16xf32>
      %select_n3A = arith.select %gt3A_25, %add3A_23, %mul3A_28 : vector<16xi1>, vector<16xf32>
      %add3A_29 = arith.addf %get3A_5, %gather3A_22 : vector<16xf32>
      %gt3A_30 = arith.constant 0.000000e+00 : f32
      %gt3A_31 = vector.broadcast %gt3A_30 : f32 to vector<16xf32>
      %gt3A_32 = arith.cmpf ogt, %add3A_29, %gt3A_31 : vector<16xf32>
      %mul3A_33 = arith.constant 2.000000e-01 : f32
      %mul3A_34 = vector.broadcast %mul3A_33 : f32 to vector<16xf32>
      %mul3A_35 = arith.mulf %mul3A_34, %add3A_29 : vector<16xf32>
      %select_n3A_36 = arith.select %gt3A_32, %add3A_29, %mul3A_35 : vector<16xi1>, vector<16xf32>
      %sub3A = arith.subf %select_n3A, %select_n3A_36 : vector<16xf32>
      %exp3A = math.exp %sub3A : vector<16xf32>
      %swap3A = arith.index_cast %mul3A_17 : i32 to index
      %swap3A_37 = tpu.vector_load %arg14[%swap3A] {strides = array<i32>} : memref<10368xf32, #tpu.memory_space<vmem>>, vector<16xf32>,
      tpu.vector_store %arg14[%swap3A], %exp3A {strides = array<i32>} : memref<10368xf32, #tpu.memory_space<vmem>>, vector<16xf32>,
      tpu.vector_store_idx %arg15[%get3A_21], %exp3A {add = true} : memref<10240xf32, #tpu.memory_space<vmem>>[vector<16xi32>], vector<16xf32>,
      %mul3A_38 = arith.constant 2 : i32
      %mul3A_39 = arith.muli %mul3A_38, %scan3A_11 : i32
      %add3A_40 = arith.constant 1 : i32
      %add3A_41 = arith.addi %mul3A_39, %add3A_40 : i32
      %mul3A_42 = arith.constant 16 : i32
      %mul3A_43 = arith.muli %add3A_41, %mul3A_42 : i32
      %get3A_44 = arith.index_cast %mul3A_43 : i32 to index
      %get3A_45 = tpu.vector_load %arg12[%get3A_44] {strides = array<i32>} : memref<10368xi32, #tpu.memory_space<vmem>>, vector<16xi32>,
      %get3A_46 = arith.index_cast %mul3A_43 : i32 to index
      %get3A_47 = tpu.vector_load %arg13[%get3A_46] {strides = array<i32>} : memref<10368xi32, #tpu.memory_space<vmem>>, vector<16xi32>,
      %gather3A_48 = tpu.vector_load_idx %arg9[%get3A_45] : memref<10240xf32, #tpu.memory_space<vmem>>[vector<16xi32>], vector<16xf32>,
      %gather3A_49 = tpu.vector_load_idx %arg10[%get3A_47] : memref<10240xf32, #tpu.memory_space<vmem>>[vector<16xi32>], vector<16xf32>,
      %add3A_50 = arith.addf %gather3A_48, %gather3A_49 : vector<16xf32>
      %gt3A_51 = arith.constant 0.000000e+00 : f32
      %gt3A_52 = vector.broadcast %gt3A_51 : f32 to vector<16xf32>
      %gt3A_53 = arith.cmpf ogt, %add3A_50, %gt3A_52 : vector<16xf32>
      %mul3A_54 = arith.constant 2.000000e-01 : f32
      %mul3A_55 = vector.broadcast %mul3A_54 : f32 to vector<16xf32>
      %mul3A_56 = arith.mulf %mul3A_55, %add3A_50 : vector<16xf32>
      %select_n3A_57 = arith.select %gt3A_53, %add3A_50, %mul3A_56 : vector<16xi1>, vector<16xf32>
      %add3A_58 = arith.addf %get3A_5, %gather3A_49 : vector<16xf32>
      %gt3A_59 = arith.constant 0.000000e+00 : f32
      %gt3A_60 = vector.broadcast %gt3A_59 : f32 to vector<16xf32>
      %gt3A_61 = arith.cmpf ogt, %add3A_58, %gt3A_60 : vector<16xf32>
      %mul3A_62 = arith.constant 2.000000e-01 : f32
      %mul3A_63 = vector.broadcast %mul3A_62 : f32 to vector<16xf32>
      %mul3A_64 = arith.mulf %mul3A_63, %add3A_58 : vector<16xf32>
      %select_n3A_65 = arith.select %gt3A_61, %add3A_58, %mul3A_64 : vector<16xi1>, vector<16xf32>
      %sub3A_66 = arith.subf %select_n3A_57, %select_n3A_65 : vector<16xf32>
      %exp3A_67 = math.exp %sub3A_66 : vector<16xf32>
      %swap3A_68 = arith.index_cast %mul3A_43 : i32 to index
      %swap3A_69 = tpu.vector_load %arg14[%swap3A_68] {strides = array<i32>} : memref<10368xf32, #tpu.memory_space<vmem>>, vector<16xf32>,
      tpu.vector_store %arg14[%swap3A_68], %exp3A_67 {strides = array<i32>} : memref<10368xf32, #tpu.memory_space<vmem>>, vector<16xf32>,
      tpu.vector_store_idx %arg15[%get3A_47], %exp3A_67 {add = true} : memref<10240xf32, #tpu.memory_space<vmem>>[vector<16xi32>], vector<16xf32>,
    }
    %scan3A_10 = arith.constant 324 : i32
    "tpu.region"() ({
      %run_scoped3A = tpu.sem_alloc : memref<!tpu.dma_semaphore, #tpu.memory_space<semaphore_mem>>
      %dma_start3A = arith.constant 0 : i32
      %dma_start3A_11 = tpu.memref_slice %arg7[%add3A, %dma_start3A] : memref<32x10368xf32, #tpu.memory_space<hbm>> -> memref<1x10368xf32, #tpu.memory_space<hbm>>
      %dma_start3A_12 = tpu.memref_squeeze %dma_start3A_11 : memref<1x10368xf32, #tpu.memory_space<hbm>> -> memref<10368xf32, #tpu.memory_space<hbm>>
      %dma_start3A_13 = arith.constant 0 : i32
      %dma_start3A_14 = tpu.memref_slice %arg7[%add3A, %dma_start3A_13] : memref<32x10368xf32, #tpu.memory_space<hbm>> -> memref<1x10368xf32, #tpu.memory_space<hbm>>
      %dma_start3A_15 = tpu.memref_squeeze %dma_start3A_14 : memref<1x10368xf32, #tpu.memory_space<hbm>> -> memref<10368xf32, #tpu.memory_space<hbm>>
      tpu.enqueue_dma source(%arg14 : memref<10368xf32, #tpu.memory_space<vmem>>) target(%dma_start3A_15 : memref<10368xf32, #tpu.memory_space<hbm>>) target_semaphore(%run_scoped3A : memref<!tpu.dma_semaphore, #tpu.memory_space<semaphore_mem>>)
      %dma_wait3A = arith.constant 0 : i32
      %dma_wait3A_16 = tpu.memref_slice %arg7[%add3A, %dma_wait3A] : memref<32x10368xf32, #tpu.memory_space<hbm>> -> memref<1x10368xf32, #tpu.memory_space<hbm>>
      %dma_wait3A_17 = tpu.memref_squeeze %dma_wait3A_16 : memref<1x10368xf32, #tpu.memory_space<hbm>> -> memref<10368xf32, #tpu.memory_space<hbm>>
      %dma_wait3A_18 = arith.constant 0 : i32
      %dma_wait3A_19 = tpu.memref_slice %arg7[%add3A, %dma_wait3A_18] : memref<32x10368xf32, #tpu.memory_space<hbm>> -> memref<1x10368xf32, #tpu.memory_space<hbm>>
      %dma_wait3A_20 = tpu.memref_squeeze %dma_wait3A_19 : memref<1x10368xf32, #tpu.memory_space<hbm>> -> memref<10368xf32, #tpu.memory_space<hbm>>
      tpu.wait_dma2 semaphore(%run_scoped3A : memref<!tpu.dma_semaphore, #tpu.memory_space<semaphore_mem>>) src(%arg14 : memref<10368xf32, #tpu.memory_space<vmem>>) dst(%dma_wait3A_20 : memref<10368xf32, #tpu.memory_space<hbm>>)
      tpu.yield
    }) : () -> ()
    "tpu.region"() ({
      %run_scoped3A = tpu.sem_alloc : memref<!tpu.dma_semaphore, #tpu.memory_space<semaphore_mem>>
      %dma_start3A = arith.constant 0 : i32
      %dma_start3A_11 = tpu.memref_slice %arg8[%add3A, %dma_start3A] : memref<32x10240xf32, #tpu.memory_space<hbm>> -> memref<1x10240xf32, #tpu.memory_space<hbm>>
      %dma_start3A_12 = tpu.memref_squeeze %dma_start3A_11 : memref<1x10240xf32, #tpu.memory_space<hbm>> -> memref<10240xf32, #tpu.memory_space<hbm>>
      %dma_start3A_13 = arith.constant 0 : i32
      %dma_start3A_14 = tpu.memref_slice %arg8[%add3A, %dma_start3A_13] : memref<32x10240xf32, #tpu.memory_space<hbm>> -> memref<1x10240xf32, #tpu.memory_space<hbm>>
      %dma_start3A_15 = tpu.memref_squeeze %dma_start3A_14 : memref<1x10240xf32, #tpu.memory_space<hbm>> -> memref<10240xf32, #tpu.memory_space<hbm>>
      tpu.enqueue_dma source(%arg15 : memref<10240xf32, #tpu.memory_space<vmem>>) target(%dma_start3A_15 : memref<10240xf32, #tpu.memory_space<hbm>>) target_semaphore(%run_scoped3A : memref<!tpu.dma_semaphore, #tpu.memory_space<semaphore_mem>>)
      %dma_wait3A = arith.constant 0 : i32
      %dma_wait3A_16 = tpu.memref_slice %arg8[%add3A, %dma_wait3A] : memref<32x10240xf32, #tpu.memory_space<hbm>> -> memref<1x10240xf32, #tpu.memory_space<hbm>>
      %dma_wait3A_17 = tpu.memref_squeeze %dma_wait3A_16 : memref<1x10240xf32, #tpu.memory_space<hbm>> -> memref<10240xf32, #tpu.memory_space<hbm>>
      %dma_wait3A_18 = arith.constant 0 : i32
      %dma_wait3A_19 = tpu.memref_slice %arg8[%add3A, %dma_wait3A_18] : memref<32x10240xf32, #tpu.memory_space<hbm>> -> memref<1x10240xf32, #tpu.memory_space<hbm>>
      %dma_wait3A_20 = tpu.memref_squeeze %dma_wait3A_19 : memref<1x10240xf32, #tpu.memory_space<hbm>> -> memref<10240xf32, #tpu.memory_space<hbm>>
      tpu.wait_dma2 semaphore(%run_scoped3A : memref<!tpu.dma_semaphore, #tpu.memory_space<semaphore_mem>>) src(%arg15 : memref<10240xf32, #tpu.memory_space<vmem>>) dst(%dma_wait3A_20 : memref<10240xf32, #tpu.memory_space<hbm>>)
      tpu.yield
    }) : () -> ()
    return
  }
}

#map = affine_map<(d0, d1) -> (0)>
#map1 = affine_map<(d0, d1) -> (0, 0)>
module attributes {stable_mosaic.version = 14 : i64} {
  func.func @_sck1_body(%arg0: i32, %arg1: i32, %arg2: memref<10240xf32, #tpu.memory_space<hbm>>, %arg3: memref<10240xf32, #tpu.memory_space<hbm>>, %arg4: memref<16xf32, #tpu.memory_space<hbm>>, %arg5: memref<32x10368xi32, #tpu.memory_space<hbm>>, %arg6: memref<32x10368xi32, #tpu.memory_space<hbm>>, %arg7: memref<32x10368xf32, #tpu.memory_space<hbm>>, %arg8: memref<32x10240xf32, #tpu.memory_space<hbm>>, %arg9: memref<10240xf32, #tpu.memory_space<vmem>>, %arg10: memref<10240xf32, #tpu.memory_space<vmem>>, %arg11: memref<16xf32, #tpu.memory_space<vmem>>, %arg12: memref<10368xi32, #tpu.memory_space<vmem>>, %arg13: memref<10368xi32, #tpu.memory_space<vmem>>, %arg14: memref<10368xf32, #tpu.memory_space<vmem>>, %arg15: memref<10240xf32, #tpu.memory_space<vmem>>) attributes {dimension_semantics = [#tpu.dimension_semantics<core_parallel>, #tpu.dimension_semantics<subcore_parallel>], iteration_bounds = array<i64: 2, 16>, scalar_prefetch = 0 : i64, scratch_operands = 7 : i64, tpu.core_type = #tpu.core_type<sc_vector_subcore>, window_params = [{transform_indices = #map}, {transform_indices = #map}, {transform_indices = #map}, {transform_indices = #map1}, {transform_indices = #map1}, {transform_indices = #map1}, {transform_indices = #map1}]} {
    %mul3A = arith.constant 16 : i32
    %mul3A_0 = arith.muli %arg0, %mul3A : i32
    %add3A = arith.addi %mul3A_0, %arg1 : i32
    "tpu.region"() ({
      %run_scoped3A = tpu.sem_alloc : memref<!tpu.dma_semaphore, #tpu.memory_space<semaphore_mem>>
      tpu.enqueue_dma source(%arg2 : memref<10240xf32, #tpu.memory_space<hbm>>) target(%arg9 : memref<10240xf32, #tpu.memory_space<vmem>>) target_semaphore(%run_scoped3A : memref<!tpu.dma_semaphore, #tpu.memory_space<semaphore_mem>>)
      tpu.wait_dma2 semaphore(%run_scoped3A : memref<!tpu.dma_semaphore, #tpu.memory_space<semaphore_mem>>) src(%arg2 : memref<10240xf32, #tpu.memory_space<hbm>>) dst(%arg9 : memref<10240xf32, #tpu.memory_space<vmem>>)
      tpu.yield
    }) : () -> ()
    "tpu.region"() ({
      %run_scoped3A = tpu.sem_alloc : memref<!tpu.dma_semaphore, #tpu.memory_space<semaphore_mem>>
      tpu.enqueue_dma source(%arg3 : memref<10240xf32, #tpu.memory_space<hbm>>) target(%arg10 : memref<10240xf32, #tpu.memory_space<vmem>>) target_semaphore(%run_scoped3A : memref<!tpu.dma_semaphore, #tpu.memory_space<semaphore_mem>>)
      tpu.wait_dma2 semaphore(%run_scoped3A : memref<!tpu.dma_semaphore, #tpu.memory_space<semaphore_mem>>) src(%arg3 : memref<10240xf32, #tpu.memory_space<hbm>>) dst(%arg10 : memref<10240xf32, #tpu.memory_space<vmem>>)
      tpu.yield
    }) : () -> ()
    "tpu.region"() ({
      %run_scoped3A = tpu.sem_alloc : memref<!tpu.dma_semaphore, #tpu.memory_space<semaphore_mem>>
      tpu.enqueue_dma source(%arg4 : memref<16xf32, #tpu.memory_space<hbm>>) target(%arg11 : memref<16xf32, #tpu.memory_space<vmem>>) target_semaphore(%run_scoped3A : memref<!tpu.dma_semaphore, #tpu.memory_space<semaphore_mem>>)
      tpu.wait_dma2 semaphore(%run_scoped3A : memref<!tpu.dma_semaphore, #tpu.memory_space<semaphore_mem>>) src(%arg4 : memref<16xf32, #tpu.memory_space<hbm>>) dst(%arg11 : memref<16xf32, #tpu.memory_space<vmem>>)
      tpu.yield
    }) : () -> ()
    "tpu.region"() ({
      %run_scoped3A = tpu.sem_alloc : memref<!tpu.dma_semaphore, #tpu.memory_space<semaphore_mem>>
      %dma_start3A = arith.constant 0 : i32
      %dma_start3A_11 = tpu.memref_slice %arg5[%add3A, %dma_start3A] : memref<32x10368xi32, #tpu.memory_space<hbm>> -> memref<1x10368xi32, #tpu.memory_space<hbm>>
      %dma_start3A_12 = tpu.memref_squeeze %dma_start3A_11 : memref<1x10368xi32, #tpu.memory_space<hbm>> -> memref<10368xi32, #tpu.memory_space<hbm>>
      %dma_start3A_13 = arith.constant 0 : i32
      %dma_start3A_14 = tpu.memref_slice %arg5[%add3A, %dma_start3A_13] : memref<32x10368xi32, #tpu.memory_space<hbm>> -> memref<1x10368xi32, #tpu.memory_space<hbm>>
      %dma_start3A_15 = tpu.memref_squeeze %dma_start3A_14 : memref<1x10368xi32, #tpu.memory_space<hbm>> -> memref<10368xi32, #tpu.memory_space<hbm>>
      tpu.enqueue_dma source(%dma_start3A_15 : memref<10368xi32, #tpu.memory_space<hbm>>) target(%arg12 : memref<10368xi32, #tpu.memory_space<vmem>>) target_semaphore(%run_scoped3A : memref<!tpu.dma_semaphore, #tpu.memory_space<semaphore_mem>>)
      %dma_wait3A = arith.constant 0 : i32
      %dma_wait3A_16 = tpu.memref_slice %arg5[%add3A, %dma_wait3A] : memref<32x10368xi32, #tpu.memory_space<hbm>> -> memref<1x10368xi32, #tpu.memory_space<hbm>>
      %dma_wait3A_17 = tpu.memref_squeeze %dma_wait3A_16 : memref<1x10368xi32, #tpu.memory_space<hbm>> -> memref<10368xi32, #tpu.memory_space<hbm>>
      %dma_wait3A_18 = arith.constant 0 : i32
      %dma_wait3A_19 = tpu.memref_slice %arg5[%add3A, %dma_wait3A_18] : memref<32x10368xi32, #tpu.memory_space<hbm>> -> memref<1x10368xi32, #tpu.memory_space<hbm>>
      %dma_wait3A_20 = tpu.memref_squeeze %dma_wait3A_19 : memref<1x10368xi32, #tpu.memory_space<hbm>> -> memref<10368xi32, #tpu.memory_space<hbm>>
      tpu.wait_dma2 semaphore(%run_scoped3A : memref<!tpu.dma_semaphore, #tpu.memory_space<semaphore_mem>>) src(%dma_wait3A_20 : memref<10368xi32, #tpu.memory_space<hbm>>) dst(%arg12 : memref<10368xi32, #tpu.memory_space<vmem>>)
      tpu.yield
    }) : () -> ()
    "tpu.region"() ({
      %run_scoped3A = tpu.sem_alloc : memref<!tpu.dma_semaphore, #tpu.memory_space<semaphore_mem>>
      %dma_start3A = arith.constant 0 : i32
      %dma_start3A_11 = tpu.memref_slice %arg6[%add3A, %dma_start3A] : memref<32x10368xi32, #tpu.memory_space<hbm>> -> memref<1x10368xi32, #tpu.memory_space<hbm>>
      %dma_start3A_12 = tpu.memref_squeeze %dma_start3A_11 : memref<1x10368xi32, #tpu.memory_space<hbm>> -> memref<10368xi32, #tpu.memory_space<hbm>>
      %dma_start3A_13 = arith.constant 0 : i32
      %dma_start3A_14 = tpu.memref_slice %arg6[%add3A, %dma_start3A_13] : memref<32x10368xi32, #tpu.memory_space<hbm>> -> memref<1x10368xi32, #tpu.memory_space<hbm>>
      %dma_start3A_15 = tpu.memref_squeeze %dma_start3A_14 : memref<1x10368xi32, #tpu.memory_space<hbm>> -> memref<10368xi32, #tpu.memory_space<hbm>>
      tpu.enqueue_dma source(%dma_start3A_15 : memref<10368xi32, #tpu.memory_space<hbm>>) target(%arg13 : memref<10368xi32, #tpu.memory_space<vmem>>) target_semaphore(%run_scoped3A : memref<!tpu.dma_semaphore, #tpu.memory_space<semaphore_mem>>)
      %dma_wait3A = arith.constant 0 : i32
      %dma_wait3A_16 = tpu.memref_slice %arg6[%add3A, %dma_wait3A] : memref<32x10368xi32, #tpu.memory_space<hbm>> -> memref<1x10368xi32, #tpu.memory_space<hbm>>
      %dma_wait3A_17 = tpu.memref_squeeze %dma_wait3A_16 : memref<1x10368xi32, #tpu.memory_space<hbm>> -> memref<10368xi32, #tpu.memory_space<hbm>>
      %dma_wait3A_18 = arith.constant 0 : i32
      %dma_wait3A_19 = tpu.memref_slice %arg6[%add3A, %dma_wait3A_18] : memref<32x10368xi32, #tpu.memory_space<hbm>> -> memref<1x10368xi32, #tpu.memory_space<hbm>>
      %dma_wait3A_20 = tpu.memref_squeeze %dma_wait3A_19 : memref<1x10368xi32, #tpu.memory_space<hbm>> -> memref<10368xi32, #tpu.memory_space<hbm>>
      tpu.wait_dma2 semaphore(%run_scoped3A : memref<!tpu.dma_semaphore, #tpu.memory_space<semaphore_mem>>) src(%dma_wait3A_20 : memref<10368xi32, #tpu.memory_space<hbm>>) dst(%arg13 : memref<10368xi32, #tpu.memory_space<vmem>>)
      tpu.yield
    }) : () -> ()
    %scan3A = arith.constant 0 : i32
    %scan3A_1 = arith.constant 160 : i32
    %scan3A_2 = arith.addi %scan3A, %scan3A_1 : i32
    %scan3A_3 = arith.constant 1 : i32
    scf.for %scan3A_11 = %scan3A to %scan3A_2 step %scan3A_3  : i32 {
      %broadcast_in_dim3A = arith.constant 0.000000e+00 : f32
      %broadcast_in_dim3A_12 = vector.broadcast %broadcast_in_dim3A : f32 to vector<16xf32>
      %mul3A_13 = arith.constant 4 : i32
      %mul3A_14 = arith.muli %mul3A_13, %scan3A_11 : i32
      %add3A_15 = arith.constant 0 : i32
      %add3A_16 = arith.addi %mul3A_14, %add3A_15 : i32
      %mul3A_17 = arith.constant 16 : i32
      %mul3A_18 = arith.muli %add3A_16, %mul3A_17 : i32
      %swap3A = arith.index_cast %mul3A_18 : i32 to index
      %swap3A_19 = tpu.vector_load %arg15[%swap3A] {strides = array<i32>} : memref<10240xf32, #tpu.memory_space<vmem>>, vector<16xf32>,
      tpu.vector_store %arg15[%swap3A], %broadcast_in_dim3A_12 {strides = array<i32>} : memref<10240xf32, #tpu.memory_space<vmem>>, vector<16xf32>,
      %broadcast_in_dim3A_20 = arith.constant 0.000000e+00 : f32
      %broadcast_in_dim3A_21 = vector.broadcast %broadcast_in_dim3A_20 : f32 to vector<16xf32>
      %mul3A_22 = arith.constant 4 : i32
      %mul3A_23 = arith.muli %mul3A_22, %scan3A_11 : i32
      %add3A_24 = arith.constant 1 : i32
      %add3A_25 = arith.addi %mul3A_23, %add3A_24 : i32
      %mul3A_26 = arith.constant 16 : i32
      %mul3A_27 = arith.muli %add3A_25, %mul3A_26 : i32
      %swap3A_28 = arith.index_cast %mul3A_27 : i32 to index
      %swap3A_29 = tpu.vector_load %arg15[%swap3A_28] {strides = array<i32>} : memref<10240xf32, #tpu.memory_space<vmem>>, vector<16xf32>,
      tpu.vector_store %arg15[%swap3A_28], %broadcast_in_dim3A_21 {strides = array<i32>} : memref<10240xf32, #tpu.memory_space<vmem>>, vector<16xf32>,
      %broadcast_in_dim3A_30 = arith.constant 0.000000e+00 : f32
      %broadcast_in_dim3A_31 = vector.broadcast %broadcast_in_dim3A_30 : f32 to vector<16xf32>
      %mul3A_32 = arith.constant 4 : i32
      %mul3A_33 = arith.muli %mul3A_32, %scan3A_11 : i32
      %add3A_34 = arith.constant 2 : i32
      %add3A_35 = arith.addi %mul3A_33, %add3A_34 : i32
      %mul3A_36 = arith.constant 16 : i32
      %mul3A_37 = arith.muli %add3A_35, %mul3A_36 : i32
      %swap3A_38 = arith.index_cast %mul3A_37 : i32 to index
      %swap3A_39 = tpu.vector_load %arg15[%swap3A_38] {strides = array<i32>} : memref<10240xf32, #tpu.memory_space<vmem>>, vector<16xf32>,
      tpu.vector_store %arg15[%swap3A_38], %broadcast_in_dim3A_31 {strides = array<i32>} : memref<10240xf32, #tpu.memory_space<vmem>>, vector<16xf32>,
      %broadcast_in_dim3A_40 = arith.constant 0.000000e+00 : f32
      %broadcast_in_dim3A_41 = vector.broadcast %broadcast_in_dim3A_40 : f32 to vector<16xf32>
      %mul3A_42 = arith.constant 4 : i32
      %mul3A_43 = arith.muli %mul3A_42, %scan3A_11 : i32
      %add3A_44 = arith.constant 3 : i32
      %add3A_45 = arith.addi %mul3A_43, %add3A_44 : i32
      %mul3A_46 = arith.constant 16 : i32
      %mul3A_47 = arith.muli %add3A_45, %mul3A_46 : i32
      %swap3A_48 = arith.index_cast %mul3A_47 : i32 to index
      %swap3A_49 = tpu.vector_load %arg15[%swap3A_48] {strides = array<i32>} : memref<10240xf32, #tpu.memory_space<vmem>>, vector<16xf32>,
      tpu.vector_store %arg15[%swap3A_48], %broadcast_in_dim3A_41 {strides = array<i32>} : memref<10240xf32, #tpu.memory_space<vmem>>, vector<16xf32>,
    }
    %scan3A_4 = arith.constant 160 : i32
    %get3A = arith.constant 0 : index
    %get3A_5 = tpu.vector_load %arg11[%get3A] {strides = array<i32>} : memref<16xf32, #tpu.memory_space<vmem>>, vector<16xf32>,
    %scan3A_6 = arith.constant 0 : i32
    %scan3A_7 = arith.constant 324 : i32
    %scan3A_8 = arith.addi %scan3A_6, %scan3A_7 : i32
    %scan3A_9 = arith.constant 1 : i32
    scf.for %scan3A_11 = %scan3A_6 to %scan3A_8 step %scan3A_9  : i32 {
      %mul3A_12 = arith.constant 2 : i32
      %mul3A_13 = arith.muli %mul3A_12, %scan3A_11 : i32
      %add3A_14 = arith.constant 0 : i32
      %add3A_15 = arith.addi %mul3A_13, %add3A_14 : i32
      %mul3A_16 = arith.constant 16 : i32
      %mul3A_17 = arith.muli %add3A_15, %mul3A_16 : i32
      %get3A_18 = arith.index_cast %mul3A_17 : i32 to index
      %get3A_19 = tpu.vector_load %arg12[%get3A_18] {strides = array<i32>} : memref<10368xi32, #tpu.memory_space<vmem>>, vector<16xi32>,
      %get3A_20 = arith.index_cast %mul3A_17 : i32 to index
      %get3A_21 = tpu.vector_load %arg13[%get3A_20] {strides = array<i32>} : memref<10368xi32, #tpu.memory_space<vmem>>, vector<16xi32>,
      %gather3A = tpu.vector_load_idx %arg9[%get3A_19] : memref<10240xf32, #tpu.memory_space<vmem>>[vector<16xi32>], vector<16xf32>,
      %gather3A_22 = tpu.vector_load_idx %arg10[%get3A_21] : memref<10240xf32, #tpu.memory_space<vmem>>[vector<16xi32>], vector<16xf32>,
      %add3A_23 = arith.addf %gather3A, %gather3A_22 : vector<16xf32>
      %gt3A = arith.constant 0.000000e+00 : f32
      %gt3A_24 = vector.broadcast %gt3A : f32 to vector<16xf32>
      %gt3A_25 = arith.cmpf ogt, %add3A_23, %gt3A_24 : vector<16xf32>
      %mul3A_26 = arith.constant 2.000000e-01 : f32
      %mul3A_27 = vector.broadcast %mul3A_26 : f32 to vector<16xf32>
      %mul3A_28 = arith.mulf %mul3A_27, %add3A_23 : vector<16xf32>
      %select_n3A = arith.select %gt3A_25, %add3A_23, %mul3A_28 : vector<16xi1>, vector<16xf32>
      %add3A_29 = arith.addf %get3A_5, %gather3A_22 : vector<16xf32>
      %gt3A_30 = arith.constant 0.000000e+00 : f32
      %gt3A_31 = vector.broadcast %gt3A_30 : f32 to vector<16xf32>
      %gt3A_32 = arith.cmpf ogt, %add3A_29, %gt3A_31 : vector<16xf32>
      %mul3A_33 = arith.constant 2.000000e-01 : f32
      %mul3A_34 = vector.broadcast %mul3A_33 : f32 to vector<16xf32>
      %mul3A_35 = arith.mulf %mul3A_34, %add3A_29 : vector<16xf32>
      %select_n3A_36 = arith.select %gt3A_32, %add3A_29, %mul3A_35 : vector<16xi1>, vector<16xf32>
      %sub3A = arith.subf %select_n3A, %select_n3A_36 : vector<16xf32>
      %exp3A = math.exp %sub3A : vector<16xf32>
      %swap3A = arith.index_cast %mul3A_17 : i32 to index
      %swap3A_37 = tpu.vector_load %arg14[%swap3A] {strides = array<i32>} : memref<10368xf32, #tpu.memory_space<vmem>>, vector<16xf32>,
      tpu.vector_store %arg14[%swap3A], %exp3A {strides = array<i32>} : memref<10368xf32, #tpu.memory_space<vmem>>, vector<16xf32>,
      tpu.vector_store_idx %arg15[%get3A_21], %exp3A {add = true} : memref<10240xf32, #tpu.memory_space<vmem>>[vector<16xi32>], vector<16xf32>,
      %mul3A_38 = arith.constant 2 : i32
      %mul3A_39 = arith.muli %mul3A_38, %scan3A_11 : i32
      %add3A_40 = arith.constant 1 : i32
      %add3A_41 = arith.addi %mul3A_39, %add3A_40 : i32
      %mul3A_42 = arith.constant 16 : i32
      %mul3A_43 = arith.muli %add3A_41, %mul3A_42 : i32
      %get3A_44 = arith.index_cast %mul3A_43 : i32 to index
      %get3A_45 = tpu.vector_load %arg12[%get3A_44] {strides = array<i32>} : memref<10368xi32, #tpu.memory_space<vmem>>, vector<16xi32>,
      %get3A_46 = arith.index_cast %mul3A_43 : i32 to index
      %get3A_47 = tpu.vector_load %arg13[%get3A_46] {strides = array<i32>} : memref<10368xi32, #tpu.memory_space<vmem>>, vector<16xi32>,
      %gather3A_48 = tpu.vector_load_idx %arg9[%get3A_45] : memref<10240xf32, #tpu.memory_space<vmem>>[vector<16xi32>], vector<16xf32>,
      %gather3A_49 = tpu.vector_load_idx %arg10[%get3A_47] : memref<10240xf32, #tpu.memory_space<vmem>>[vector<16xi32>], vector<16xf32>,
      %add3A_50 = arith.addf %gather3A_48, %gather3A_49 : vector<16xf32>
      %gt3A_51 = arith.constant 0.000000e+00 : f32
      %gt3A_52 = vector.broadcast %gt3A_51 : f32 to vector<16xf32>
      %gt3A_53 = arith.cmpf ogt, %add3A_50, %gt3A_52 : vector<16xf32>
      %mul3A_54 = arith.constant 2.000000e-01 : f32
      %mul3A_55 = vector.broadcast %mul3A_54 : f32 to vector<16xf32>
      %mul3A_56 = arith.mulf %mul3A_55, %add3A_50 : vector<16xf32>
      %select_n3A_57 = arith.select %gt3A_53, %add3A_50, %mul3A_56 : vector<16xi1>, vector<16xf32>
      %add3A_58 = arith.addf %get3A_5, %gather3A_49 : vector<16xf32>
      %gt3A_59 = arith.constant 0.000000e+00 : f32
      %gt3A_60 = vector.broadcast %gt3A_59 : f32 to vector<16xf32>
      %gt3A_61 = arith.cmpf ogt, %add3A_58, %gt3A_60 : vector<16xf32>
      %mul3A_62 = arith.constant 2.000000e-01 : f32
      %mul3A_63 = vector.broadcast %mul3A_62 : f32 to vector<16xf32>
      %mul3A_64 = arith.mulf %mul3A_63, %add3A_58 : vector<16xf32>
      %select_n3A_65 = arith.select %gt3A_61, %add3A_58, %mul3A_64 : vector<16xi1>, vector<16xf32>
      %sub3A_66 = arith.subf %select_n3A_57, %select_n3A_65 : vector<16xf32>
      %exp3A_67 = math.exp %sub3A_66 : vector<16xf32>
      %swap3A_68 = arith.index_cast %mul3A_43 : i32 to index
      %swap3A_69 = tpu.vector_load %arg14[%swap3A_68] {strides = array<i32>} : memref<10368xf32, #tpu.memory_space<vmem>>, vector<16xf32>,
      tpu.vector_store %arg14[%swap3A_68], %exp3A_67 {strides = array<i32>} : memref<10368xf32, #tpu.memory_space<vmem>>, vector<16xf32>,
      tpu.vector_store_idx %arg15[%get3A_47], %exp3A_67 {add = true} : memref<10240xf32, #tpu.memory_space<vmem>>[vector<16xi32>], vector<16xf32>,
    }
    %scan3A_10 = arith.constant 324 : i32
    "tpu.region"() ({
      %run_scoped3A = tpu.sem_alloc : memref<!tpu.dma_semaphore, #tpu.memory_space<semaphore_mem>>
      %dma_start3A = arith.constant 0 : i32
      %dma_start3A_11 = tpu.memref_slice %arg7[%add3A, %dma_start3A] : memref<32x10368xf32, #tpu.memory_space<hbm>> -> memref<1x10368xf32, #tpu.memory_space<hbm>>
      %dma_start3A_12 = tpu.memref_squeeze %dma_start3A_11 : memref<1x10368xf32, #tpu.memory_space<hbm>> -> memref<10368xf32, #tpu.memory_space<hbm>>
      %dma_start3A_13 = arith.constant 0 : i32
      %dma_start3A_14 = tpu.memref_slice %arg7[%add3A, %dma_start3A_13] : memref<32x10368xf32, #tpu.memory_space<hbm>> -> memref<1x10368xf32, #tpu.memory_space<hbm>>
      %dma_start3A_15 = tpu.memref_squeeze %dma_start3A_14 : memref<1x10368xf32, #tpu.memory_space<hbm>> -> memref<10368xf32, #tpu.memory_space<hbm>>
      tpu.enqueue_dma source(%arg14 : memref<10368xf32, #tpu.memory_space<vmem>>) target(%dma_start3A_15 : memref<10368xf32, #tpu.memory_space<hbm>>) target_semaphore(%run_scoped3A : memref<!tpu.dma_semaphore, #tpu.memory_space<semaphore_mem>>)
      %dma_wait3A = arith.constant 0 : i32
      %dma_wait3A_16 = tpu.memref_slice %arg7[%add3A, %dma_wait3A] : memref<32x10368xf32, #tpu.memory_space<hbm>> -> memref<1x10368xf32, #tpu.memory_space<hbm>>
      %dma_wait3A_17 = tpu.memref_squeeze %dma_wait3A_16 : memref<1x10368xf32, #tpu.memory_space<hbm>> -> memref<10368xf32, #tpu.memory_space<hbm>>
      %dma_wait3A_18 = arith.constant 0 : i32
      %dma_wait3A_19 = tpu.memref_slice %arg7[%add3A, %dma_wait3A_18] : memref<32x10368xf32, #tpu.memory_space<hbm>> -> memref<1x10368xf32, #tpu.memory_space<hbm>>
      %dma_wait3A_20 = tpu.memref_squeeze %dma_wait3A_19 : memref<1x10368xf32, #tpu.memory_space<hbm>> -> memref<10368xf32, #tpu.memory_space<hbm>>
      tpu.wait_dma2 semaphore(%run_scoped3A : memref<!tpu.dma_semaphore, #tpu.memory_space<semaphore_mem>>) src(%arg14 : memref<10368xf32, #tpu.memory_space<vmem>>) dst(%dma_wait3A_20 : memref<10368xf32, #tpu.memory_space<hbm>>)
      tpu.yield
    }) : () -> ()
    "tpu.region"() ({
      %run_scoped3A = tpu.sem_alloc : memref<!tpu.dma_semaphore, #tpu.memory_space<semaphore_mem>>
      %dma_start3A = arith.constant 0 : i32
      %dma_start3A_11 = tpu.memref_slice %arg8[%add3A, %dma_start3A] : memref<32x10240xf32, #tpu.memory_space<hbm>> -> memref<1x10240xf32, #tpu.memory_space<hbm>>
      %dma_start3A_12 = tpu.memref_squeeze %dma_start3A_11 : memref<1x10240xf32, #tpu.memory_space<hbm>> -> memref<10240xf32, #tpu.memory_space<hbm>>
      %dma_start3A_13 = arith.constant 0 : i32
      %dma_start3A_14 = tpu.memref_slice %arg8[%add3A, %dma_start3A_13] : memref<32x10240xf32, #tpu.memory_space<hbm>> -> memref<1x10240xf32, #tpu.memory_space<hbm>>
      %dma_start3A_15 = tpu.memref_squeeze %dma_start3A_14 : memref<1x10240xf32, #tpu.memory_space<hbm>> -> memref<10240xf32, #tpu.memory_space<hbm>>
      tpu.enqueue_dma source(%arg15 : memref<10240xf32, #tpu.memory_space<vmem>>) target(%dma_start3A_15 : memref<10240xf32, #tpu.memory_space<hbm>>) target_semaphore(%run_scoped3A : memref<!tpu.dma_semaphore, #tpu.memory_space<semaphore_mem>>)
      %dma_wait3A = arith.constant 0 : i32
      %dma_wait3A_16 = tpu.memref_slice %arg8[%add3A, %dma_wait3A] : memref<32x10240xf32, #tpu.memory_space<hbm>> -> memref<1x10240xf32, #tpu.memory_space<hbm>>
      %dma_wait3A_17 = tpu.memref_squeeze %dma_wait3A_16 : memref<1x10240xf32, #tpu.memory_space<hbm>> -> memref<10240xf32, #tpu.memory_space<hbm>>
      %dma_wait3A_18 = arith.constant 0 : i32
      %dma_wait3A_19 = tpu.memref_slice %arg8[%add3A, %dma_wait3A_18] : memref<32x10240xf32, #tpu.memory_space<hbm>> -> memref<1x10240xf32, #tpu.memory_space<hbm>>
      %dma_wait3A_20 = tpu.memref_squeeze %dma_wait3A_19 : memref<1x10240xf32, #tpu.memory_space<hbm>> -> memref<10240xf32, #tpu.memory_space<hbm>>
      tpu.wait_dma2 semaphore(%run_scoped3A : memref<!tpu.dma_semaphore, #tpu.memory_space<semaphore_mem>>) src(%arg15 : memref<10240xf32, #tpu.memory_space<vmem>>) dst(%dma_wait3A_20 : memref<10240xf32, #tpu.memory_space<hbm>>)
      tpu.yield
    }) : () -> ()
    return
  }
}

#map = affine_map<(d0, d1) -> (0, 0)>
#map1 = affine_map<(d0, d1) -> (0, 0, 0, 0)>
#map2 = affine_map<(d0, d1) -> (0, 0, 0)>
module attributes {stable_mosaic.version = 14 : i64} {
  func.func @_sck2_body(%arg0: i32, %arg1: i32, %arg2: memref<10240x128xf32, #tpu.memory_space<hbm>>, %arg3: memref<32x4x27x96xi32, #tpu.memory_space<hbm>>, %arg4: memref<32x4x27x96xi32, #tpu.memory_space<hbm>>, %arg5: memref<32x4x2592xf32, #tpu.memory_space<hbm>>, %arg6: memref<640x128xf32, #tpu.memory_space<hbm>>, %arg7: memref<2x10240x128xf32, #tpu.memory_space<hbm>>, %arg8: memref<27x96xi32, #tpu.memory_space<vmem>>, %arg9: memref<27x96xi32, #tpu.memory_space<vmem>>, %arg10: memref<2592xf32, #tpu.memory_space<vmem>>, %arg11: memref<96x128xf32, #tpu.memory_space<vmem>>, %arg12: memref<96x128xf32, #tpu.memory_space<vmem>>, %arg13: memref<96x128xf32, #tpu.memory_space<vmem>>, %arg14: memref<10240x128xf32, #tpu.memory_space<vmem_shared>>, %arg15: memref<!tpu.dma_semaphore, #tpu.memory_space<semaphore_mem>>, %arg16: memref<!tpu.dma_semaphore, #tpu.memory_space<semaphore_mem>>, %arg17: memref<!tpu.dma_semaphore, #tpu.memory_space<semaphore_mem>>, %arg18: memref<!tpu.dma_semaphore, #tpu.memory_space<semaphore_mem>>, %arg19: memref<!tpu.dma_semaphore, #tpu.memory_space<semaphore_mem>>, %arg20: memref<!tpu.dma_semaphore, #tpu.memory_space<semaphore_mem>>) attributes {dimension_semantics = [#tpu.dimension_semantics<core_parallel>, #tpu.dimension_semantics<subcore_parallel>], iteration_bounds = array<i64: 2, 16>, scalar_prefetch = 0 : i64, scratch_operands = 13 : i64, tpu.core_type = #tpu.core_type<sc_vector_subcore>, window_params = [{transform_indices = #map}, {transform_indices = #map1}, {transform_indices = #map1}, {transform_indices = #map2}, {transform_indices = #map}, {transform_indices = #map2}]} {
    %mul3A = arith.constant 16 : i32
    %mul3A_0 = arith.muli %arg0, %mul3A : i32
    %add3A = arith.addi %mul3A_0, %arg1 : i32
    %mul3A_1 = arith.constant 640 : i32
    %mul3A_2 = arith.muli %arg1, %mul3A_1 : i32
    "tpu.region"() ({
      %run_scoped3A = tpu.sem_alloc : memref<!tpu.dma_semaphore, #tpu.memory_space<semaphore_mem>>
      %dma_start3A = arith.constant 0 : i32
      %dma_start3A_12 = tpu.memref_slice %arg14[%mul3A_2, %dma_start3A] : memref<10240x128xf32, #tpu.memory_space<vmem_shared>> -> memref<640x128xf32, #tpu.memory_space<vmem_shared>>
      tpu.enqueue_dma source(%arg6 : memref<640x128xf32, #tpu.memory_space<hbm>>) target(%dma_start3A_12 : memref<640x128xf32, #tpu.memory_space<vmem_shared>>) target_semaphore(%run_scoped3A : memref<!tpu.dma_semaphore, #tpu.memory_space<semaphore_mem>>)
      %dma_wait3A = arith.constant 0 : i32
      %dma_wait3A_13 = tpu.memref_slice %arg14[%mul3A_2, %dma_wait3A] : memref<10240x128xf32, #tpu.memory_space<vmem_shared>> -> memref<640x128xf32, #tpu.memory_space<vmem_shared>>
      tpu.wait_dma2 semaphore(%run_scoped3A : memref<!tpu.dma_semaphore, #tpu.memory_space<semaphore_mem>>) src(%arg6 : memref<640x128xf32, #tpu.memory_space<hbm>>) dst(%dma_wait3A_13 : memref<640x128xf32, #tpu.memory_space<vmem_shared>>)
      tpu.yield
    }) : () -> ()
    %barrier3A = arith.constant 0 : index
    tpu.barrier barrier_id(%barrier3A)
    %scan3A = arith.constant 0 : i32
    %scan3A_3 = arith.constant 4 : i32
    %scan3A_4 = arith.addi %scan3A, %scan3A_3 : i32
    %scan3A_5 = arith.constant 1 : i32
    scf.for %scan3A_12 = %scan3A to %scan3A_4 step %scan3A_5  : i32 {
      "tpu.region"() ({
        %run_scoped3A = tpu.sem_alloc : memref<!tpu.dma_semaphore, #tpu.memory_space<semaphore_mem>>
        %dma_start3A_37 = arith.constant 0 : i32
        %dma_start3A_38 = arith.constant 0 : i32
        %dma_start3A_39 = tpu.memref_slice %arg3[%add3A, %scan3A_12, %dma_start3A_37, %dma_start3A_38] : memref<32x4x27x96xi32, #tpu.memory_space<hbm>> -> memref<1x1x27x96xi32, #tpu.memory_space<hbm>>
        %dma_start3A_40 = tpu.memref_squeeze %dma_start3A_39 : memref<1x1x27x96xi32, #tpu.memory_space<hbm>> -> memref<27x96xi32, #tpu.memory_space<hbm>>
        %dma_start3A_41 = arith.constant 0 : i32
        %dma_start3A_42 = arith.constant 0 : i32
        %dma_start3A_43 = tpu.memref_slice %arg3[%add3A, %scan3A_12, %dma_start3A_41, %dma_start3A_42] : memref<32x4x27x96xi32, #tpu.memory_space<hbm>> -> memref<1x1x27x96xi32, #tpu.memory_space<hbm>>
        %dma_start3A_44 = tpu.memref_squeeze %dma_start3A_43 : memref<1x1x27x96xi32, #tpu.memory_space<hbm>> -> memref<27x96xi32, #tpu.memory_space<hbm>>
        tpu.enqueue_dma source(%dma_start3A_44 : memref<27x96xi32, #tpu.memory_space<hbm>>) target(%arg8 : memref<27x96xi32, #tpu.memory_space<vmem>>) target_semaphore(%run_scoped3A : memref<!tpu.dma_semaphore, #tpu.memory_space<semaphore_mem>>)
        %dma_wait3A_45 = arith.constant 0 : i32
        %dma_wait3A_46 = arith.constant 0 : i32
        %dma_wait3A_47 = tpu.memref_slice %arg3[%add3A, %scan3A_12, %dma_wait3A_45, %dma_wait3A_46] : memref<32x4x27x96xi32, #tpu.memory_space<hbm>> -> memref<1x1x27x96xi32, #tpu.memory_space<hbm>>
        %dma_wait3A_48 = tpu.memref_squeeze %dma_wait3A_47 : memref<1x1x27x96xi32, #tpu.memory_space<hbm>> -> memref<27x96xi32, #tpu.memory_space<hbm>>
        %dma_wait3A_49 = arith.constant 0 : i32
        %dma_wait3A_50 = arith.constant 0 : i32
        %dma_wait3A_51 = tpu.memref_slice %arg3[%add3A, %scan3A_12, %dma_wait3A_49, %dma_wait3A_50] : memref<32x4x27x96xi32, #tpu.memory_space<hbm>> -> memref<1x1x27x96xi32, #tpu.memory_space<hbm>>
        %dma_wait3A_52 = tpu.memref_squeeze %dma_wait3A_51 : memref<1x1x27x96xi32, #tpu.memory_space<hbm>> -> memref<27x96xi32, #tpu.memory_space<hbm>>
        tpu.wait_dma2 semaphore(%run_scoped3A : memref<!tpu.dma_semaphore, #tpu.memory_space<semaphore_mem>>) src(%dma_wait3A_52 : memref<27x96xi32, #tpu.memory_space<hbm>>) dst(%arg8 : memref<27x96xi32, #tpu.memory_space<vmem>>)
        tpu.yield
      }) : () -> ()
      "tpu.region"() ({
        %run_scoped3A = tpu.sem_alloc : memref<!tpu.dma_semaphore, #tpu.memory_space<semaphore_mem>>
        %dma_start3A_37 = arith.constant 0 : i32
        %dma_start3A_38 = arith.constant 0 : i32
        %dma_start3A_39 = tpu.memref_slice %arg4[%add3A, %scan3A_12, %dma_start3A_37, %dma_start3A_38] : memref<32x4x27x96xi32, #tpu.memory_space<hbm>> -> memref<1x1x27x96xi32, #tpu.memory_space<hbm>>
        %dma_start3A_40 = tpu.memref_squeeze %dma_start3A_39 : memref<1x1x27x96xi32, #tpu.memory_space<hbm>> -> memref<27x96xi32, #tpu.memory_space<hbm>>
        %dma_start3A_41 = arith.constant 0 : i32
        %dma_start3A_42 = arith.constant 0 : i32
        %dma_start3A_43 = tpu.memref_slice %arg4[%add3A, %scan3A_12, %dma_start3A_41, %dma_start3A_42] : memref<32x4x27x96xi32, #tpu.memory_space<hbm>> -> memref<1x1x27x96xi32, #tpu.memory_space<hbm>>
        %dma_start3A_44 = tpu.memref_squeeze %dma_start3A_43 : memref<1x1x27x96xi32, #tpu.memory_space<hbm>> -> memref<27x96xi32, #tpu.memory_space<hbm>>
        tpu.enqueue_dma source(%dma_start3A_44 : memref<27x96xi32, #tpu.memory_space<hbm>>) target(%arg9 : memref<27x96xi32, #tpu.memory_space<vmem>>) target_semaphore(%run_scoped3A : memref<!tpu.dma_semaphore, #tpu.memory_space<semaphore_mem>>)
        %dma_wait3A_45 = arith.constant 0 : i32
        %dma_wait3A_46 = arith.constant 0 : i32
        %dma_wait3A_47 = tpu.memref_slice %arg4[%add3A, %scan3A_12, %dma_wait3A_45, %dma_wait3A_46] : memref<32x4x27x96xi32, #tpu.memory_space<hbm>> -> memref<1x1x27x96xi32, #tpu.memory_space<hbm>>
        %dma_wait3A_48 = tpu.memref_squeeze %dma_wait3A_47 : memref<1x1x27x96xi32, #tpu.memory_space<hbm>> -> memref<27x96xi32, #tpu.memory_space<hbm>>
        %dma_wait3A_49 = arith.constant 0 : i32
        %dma_wait3A_50 = arith.constant 0 : i32
        %dma_wait3A_51 = tpu.memref_slice %arg4[%add3A, %scan3A_12, %dma_wait3A_49, %dma_wait3A_50] : memref<32x4x27x96xi32, #tpu.memory_space<hbm>> -> memref<1x1x27x96xi32, #tpu.memory_space<hbm>>
        %dma_wait3A_52 = tpu.memref_squeeze %dma_wait3A_51 : memref<1x1x27x96xi32, #tpu.memory_space<hbm>> -> memref<27x96xi32, #tpu.memory_space<hbm>>
        tpu.wait_dma2 semaphore(%run_scoped3A : memref<!tpu.dma_semaphore, #tpu.memory_space<semaphore_mem>>) src(%dma_wait3A_52 : memref<27x96xi32, #tpu.memory_space<hbm>>) dst(%arg9 : memref<27x96xi32, #tpu.memory_space<vmem>>)
        tpu.yield
      }) : () -> ()
      "tpu.region"() ({
        %run_scoped3A = tpu.sem_alloc : memref<!tpu.dma_semaphore, #tpu.memory_space<semaphore_mem>>
        %dma_start3A_37 = arith.constant 0 : i32
        %dma_start3A_38 = tpu.memref_slice %arg5[%add3A, %scan3A_12, %dma_start3A_37] : memref<32x4x2592xf32, #tpu.memory_space<hbm>> -> memref<1x1x2592xf32, #tpu.memory_space<hbm>>
        %dma_start3A_39 = tpu.memref_squeeze %dma_start3A_38 : memref<1x1x2592xf32, #tpu.memory_space<hbm>> -> memref<2592xf32, #tpu.memory_space<hbm>>
        %dma_start3A_40 = arith.constant 0 : i32
        %dma_start3A_41 = tpu.memref_slice %arg5[%add3A, %scan3A_12, %dma_start3A_40] : memref<32x4x2592xf32, #tpu.memory_space<hbm>> -> memref<1x1x2592xf32, #tpu.memory_space<hbm>>
        %dma_start3A_42 = tpu.memref_squeeze %dma_start3A_41 : memref<1x1x2592xf32, #tpu.memory_space<hbm>> -> memref<2592xf32, #tpu.memory_space<hbm>>
        tpu.enqueue_dma source(%dma_start3A_42 : memref<2592xf32, #tpu.memory_space<hbm>>) target(%arg10 : memref<2592xf32, #tpu.memory_space<vmem>>) target_semaphore(%run_scoped3A : memref<!tpu.dma_semaphore, #tpu.memory_space<semaphore_mem>>)
        %dma_wait3A_43 = arith.constant 0 : i32
        %dma_wait3A_44 = tpu.memref_slice %arg5[%add3A, %scan3A_12, %dma_wait3A_43] : memref<32x4x2592xf32, #tpu.memory_space<hbm>> -> memref<1x1x2592xf32, #tpu.memory_space<hbm>>
        %dma_wait3A_45 = tpu.memref_squeeze %dma_wait3A_44 : memref<1x1x2592xf32, #tpu.memory_space<hbm>> -> memref<2592xf32, #tpu.memory_space<hbm>>
        %dma_wait3A_46 = arith.constant 0 : i32
        %dma_wait3A_47 = tpu.memref_slice %arg5[%add3A, %scan3A_12, %dma_wait3A_46] : memref<32x4x2592xf32, #tpu.memory_space<hbm>> -> memref<1x1x2592xf32, #tpu.memory_space<hbm>>
        %dma_wait3A_48 = tpu.memref_squeeze %dma_wait3A_47 : memref<1x1x2592xf32, #tpu.memory_space<hbm>> -> memref<2592xf32, #tpu.memory_space<hbm>>
        tpu.wait_dma2 semaphore(%run_scoped3A : memref<!tpu.dma_semaphore, #tpu.memory_space<semaphore_mem>>) src(%dma_wait3A_48 : memref<2592xf32, #tpu.memory_space<hbm>>) dst(%arg10 : memref<2592xf32, #tpu.memory_space<vmem>>)
        tpu.yield
      }) : () -> ()
      %dma_start3A = arith.constant 0 : i32
      %dma_start3A_13 = arith.constant 0 : i32
      %dma_start3A_14 = tpu.memref_slice %arg8[%dma_start3A, %dma_start3A_13] : memref<27x96xi32, #tpu.memory_space<vmem>> -> memref<1x96xi32, #tpu.memory_space<vmem>>
      %dma_start3A_15 = tpu.memref_squeeze %dma_start3A_14 : memref<1x96xi32, #tpu.memory_space<vmem>> -> memref<96xi32, #tpu.memory_space<vmem>>
      %dma_start3A_16 = arith.constant 0 : i32
      %dma_start3A_17 = arith.constant 0 : i32
      %dma_start3A_18 = tpu.memref_slice %arg2[%dma_start3A_16, %dma_start3A_17] : memref<10240x128xf32, #tpu.memory_space<hbm>> -> memref<10240x128xf32, #tpu.memory_space<hbm>>
      tpu.enqueue_indirect_dma source(%dma_start3A_18 : memref<10240x128xf32, #tpu.memory_space<hbm>>) target(%arg11 : memref<96x128xf32, #tpu.memory_space<vmem>>) offsets(%dma_start3A_15 : memref<96xi32, #tpu.memory_space<vmem>>) semaphore(%arg15 : memref<!tpu.dma_semaphore, #tpu.memory_space<semaphore_mem>>)
      %scan3A_19 = arith.constant 0 : i32
      %scan3A_20 = arith.constant 9 : i32
      %scan3A_21 = arith.addi %scan3A_19, %scan3A_20 : i32
      %scan3A_22 = arith.constant 1 : i32
      scf.for %scan3A_37 = %scan3A_19 to %scan3A_21 step %scan3A_22  : i32 {
        %mul3A_38 = arith.constant 3 : i32
        %mul3A_39 = arith.muli %mul3A_38, %scan3A_37 : i32
        %add3A_40 = arith.constant 0 : i32
        %add3A_41 = arith.addi %mul3A_39, %add3A_40 : i32
        %ge3A = arith.constant 2 : i32
        %ge3A_42 = arith.cmpi sge, %add3A_41, %ge3A : i32
        %convert_element_type3A = arith.extui %ge3A_42 : i1 to i32
        %cond3A = arith.constant 0 : i32
        %cond3A_43 = arith.cmpi ne, %convert_element_type3A, %cond3A : i32
        scf.if %cond3A_43 {
          %sub3A = arith.constant 2 : i32
          %sub3A_144 = arith.subi %add3A_41, %sub3A : i32
          %dma_wait3A_145 = arith.constant 0 : i32
          %dma_wait3A_146 = tpu.memref_slice %arg9[%sub3A_144, %dma_wait3A_145] : memref<27x96xi32, #tpu.memory_space<vmem>> -> memref<1x96xi32, #tpu.memory_space<vmem>>
          %dma_wait3A_147 = tpu.memref_squeeze %dma_wait3A_146 : memref<1x96xi32, #tpu.memory_space<vmem>> -> memref<96xi32, #tpu.memory_space<vmem>>
          %dma_wait3A_148 = arith.constant 0 : i32
          %dma_wait3A_149 = arith.constant 0 : i32
          %dma_wait3A_150 = tpu.memref_slice %arg14[%dma_wait3A_148, %dma_wait3A_149] : memref<10240x128xf32, #tpu.memory_space<vmem_shared>> -> memref<10240x128xf32, #tpu.memory_space<vmem_shared>>
          tpu.wait_indirect_dma semaphore(%arg19 : memref<!tpu.dma_semaphore, #tpu.memory_space<semaphore_mem>>) src(%arg12 : memref<96x128xf32, #tpu.memory_space<vmem>>) dst(%dma_wait3A_150 : memref<10240x128xf32, #tpu.memory_space<vmem_shared>>)
        } else {
        }
        %lt3A = arith.constant 26 : i32
        %lt3A_44 = arith.cmpi slt, %add3A_41, %lt3A : i32
        %convert_element_type3A_45 = arith.extui %lt3A_44 : i1 to i32
        %cond3A_46 = arith.constant 0 : i32
        %cond3A_47 = arith.cmpi ne, %convert_element_type3A_45, %cond3A_46 : i32
        scf.if %cond3A_47 {
          %add3A_144 = arith.constant 1 : i32
          %add3A_145 = arith.addi %add3A_41, %add3A_144 : i32
          %dma_start3A_146 = arith.constant 0 : i32
          %dma_start3A_147 = tpu.memref_slice %arg8[%add3A_145, %dma_start3A_146] : memref<27x96xi32, #tpu.memory_space<vmem>> -> memref<1x96xi32, #tpu.memory_space<vmem>>
          %dma_start3A_148 = tpu.memref_squeeze %dma_start3A_147 : memref<1x96xi32, #tpu.memory_space<vmem>> -> memref<96xi32, #tpu.memory_space<vmem>>
          %dma_start3A_149 = arith.constant 0 : i32
          %dma_start3A_150 = arith.constant 0 : i32
          %dma_start3A_151 = tpu.memref_slice %arg2[%dma_start3A_149, %dma_start3A_150] : memref<10240x128xf32, #tpu.memory_space<hbm>> -> memref<10240x128xf32, #tpu.memory_space<hbm>>
          tpu.enqueue_indirect_dma source(%dma_start3A_151 : memref<10240x128xf32, #tpu.memory_space<hbm>>) target(%arg12 : memref<96x128xf32, #tpu.memory_space<vmem>>) offsets(%dma_start3A_148 : memref<96xi32, #tpu.memory_space<vmem>>) semaphore(%arg16 : memref<!tpu.dma_semaphore, #tpu.memory_space<semaphore_mem>>)
        } else {
        }
        %dma_wait3A_48 = arith.constant 0 : i32
        %dma_wait3A_49 = tpu.memref_slice %arg8[%add3A_41, %dma_wait3A_48] : memref<27x96xi32, #tpu.memory_space<vmem>> -> memref<1x96xi32, #tpu.memory_space<vmem>>
        %dma_wait3A_50 = tpu.memref_squeeze %dma_wait3A_49 : memref<1x96xi32, #tpu.memory_space<vmem>> -> memref<96xi32, #tpu.memory_space<vmem>>
        %dma_wait3A_51 = arith.constant 0 : i32
        %dma_wait3A_52 = arith.constant 0 : i32
        %dma_wait3A_53 = tpu.memref_slice %arg2[%dma_wait3A_51, %dma_wait3A_52] : memref<10240x128xf32, #tpu.memory_space<hbm>> -> memref<10240x128xf32, #tpu.memory_space<hbm>>
        tpu.wait_indirect_dma semaphore(%arg15 : memref<!tpu.dma_semaphore, #tpu.memory_space<semaphore_mem>>) src(%dma_wait3A_53 : memref<10240x128xf32, #tpu.memory_space<hbm>>) dst(%arg11 : memref<96x128xf32, #tpu.memory_space<vmem>>)
        %broadcast_in_dim3A = arith.constant 0 : i32
        %broadcast_in_dim3A_54 = vector.broadcast %broadcast_in_dim3A : i32 to vector<16xi32>
        %mul3A_55 = arith.constant 96 : i32
        %mul3A_56 = arith.muli %add3A_41, %mul3A_55 : i32
        %add3A_57 = vector.broadcast %mul3A_56 : i32 to vector<16xi32>
        %add3A_58 = arith.addi %broadcast_in_dim3A_54, %add3A_57 : vector<16xi32>
        %scan3A_59 = arith.constant 0 : i32
        %scan3A_60 = arith.constant 24 : i32
        %scan3A_61 = arith.addi %scan3A_59, %scan3A_60 : i32
        %scan3A_62 = arith.constant 1 : i32
        scf.for %scan3A_144 = %scan3A_59 to %scan3A_61 step %scan3A_62  : i32 {
          %mul3A_145 = arith.constant 4 : i32
          %mul3A_146 = arith.muli %mul3A_145, %scan3A_144 : i32
          %add3A_147 = arith.constant 0 : i32
          %add3A_148 = arith.addi %mul3A_146, %add3A_147 : i32
          %add3A_149 = vector.broadcast %add3A_148 : i32 to vector<16xi32>
          %add3A_150 = arith.addi %add3A_58, %add3A_149 : vector<16xi32>
          %gather3A = tpu.vector_load_idx %arg10[%add3A_150] : memref<2592xf32, #tpu.memory_space<vmem>>[vector<16xi32>], vector<16xf32>,
          %get3A = arith.index_cast %add3A_148 : i32 to index
          %get3A_151 = arith.constant 0 : index
          %get3A_152 = tpu.vector_load %arg11[%get3A, %get3A_151] {strides = array<i32>} : memref<96x128xf32, #tpu.memory_space<vmem>>, vector<16xf32>,
          %mul3A_153 = arith.mulf %get3A_152, %gather3A : vector<16xf32>
          %swap3A = arith.index_cast %add3A_148 : i32 to index
          %swap3A_154 = arith.constant 0 : index
          %swap3A_155 = tpu.vector_load %arg11[%swap3A, %swap3A_154] {strides = array<i32>} : memref<96x128xf32, #tpu.memory_space<vmem>>, vector<16xf32>,
          tpu.vector_store %arg11[%swap3A, %swap3A_154], %mul3A_153 {strides = array<i32>} : memref<96x128xf32, #tpu.memory_space<vmem>>, vector<16xf32>,
          %get3A_156 = arith.index_cast %add3A_148 : i32 to index
          %get3A_157 = arith.constant 16 : index
          %get3A_158 = tpu.vector_load %arg11[%get3A_156, %get3A_157] {strides = array<i32>} : memref<96x128xf32, #tpu.memory_space<vmem>>, vector<16xf32>,
          %mul3A_159 = arith.mulf %get3A_158, %gather3A : vector<16xf32>
          %swap3A_160 = arith.index_cast %add3A_148 : i32 to index
          %swap3A_161 = arith.constant 16 : index
          %swap3A_162 = tpu.vector_load %arg11[%swap3A_160, %swap3A_161] {strides = array<i32>} : memref<96x128xf32, #tpu.memory_space<vmem>>, vector<16xf32>,
          tpu.vector_store %arg11[%swap3A_160, %swap3A_161], %mul3A_159 {strides = array<i32>} : memref<96x128xf32, #tpu.memory_space<vmem>>, vector<16xf32>,
          %get3A_163 = arith.index_cast %add3A_148 : i32 to index
          %get3A_164 = arith.constant 32 : index
          %get3A_165 = tpu.vector_load %arg11[%get3A_163, %get3A_164] {strides = array<i32>} : memref<96x128xf32, #tpu.memory_space<vmem>>, vector<16xf32>,
          %mul3A_166 = arith.mulf %get3A_165, %gather3A : vector<16xf32>
          %swap3A_167 = arith.index_cast %add3A_148 : i32 to index
          %swap3A_168 = arith.constant 32 : index
          %swap3A_169 = tpu.vector_load %arg11[%swap3A_167, %swap3A_168] {strides = array<i32>} : memref<96x128xf32, #tpu.memory_space<vmem>>, vector<16xf32>,
          tpu.vector_store %arg11[%swap3A_167, %swap3A_168], %mul3A_166 {strides = array<i32>} : memref<96x128xf32, #tpu.memory_space<vmem>>, vector<16xf32>,
          %get3A_170 = arith.index_cast %add3A_148 : i32 to index
          %get3A_171 = arith.constant 48 : index
          %get3A_172 = tpu.vector_load %arg11[%get3A_170, %get3A_171] {strides = array<i32>} : memref<96x128xf32, #tpu.memory_space<vmem>>, vector<16xf32>,
          %mul3A_173 = arith.mulf %get3A_172, %gather3A : vector<16xf32>
          %swap3A_174 = arith.index_cast %add3A_148 : i32 to index
          %swap3A_175 = arith.constant 48 : index
          %swap3A_176 = tpu.vector_load %arg11[%swap3A_174, %swap3A_175] {strides = array<i32>} : memref<96x128xf32, #tpu.memory_space<vmem>>, vector<16xf32>,
          tpu.vector_store %arg11[%swap3A_174, %swap3A_175], %mul3A_173 {strides = array<i32>} : memref<96x128xf32, #tpu.memory_space<vmem>>, vector<16xf32>,
          %get3A_177 = arith.index_cast %add3A_148 : i32 to index
          %get3A_178 = arith.constant 64 : index
          %get3A_179 = tpu.vector_load %arg11[%get3A_177, %get3A_178] {strides = array<i32>} : memref<96x128xf32, #tpu.memory_space<vmem>>, vector<16xf32>,
          %mul3A_180 = arith.mulf %get3A_179, %gather3A : vector<16xf32>
          %swap3A_181 = arith.index_cast %add3A_148 : i32 to index
          %swap3A_182 = arith.constant 64 : index
          %swap3A_183 = tpu.vector_load %arg11[%swap3A_181, %swap3A_182] {strides = array<i32>} : memref<96x128xf32, #tpu.memory_space<vmem>>, vector<16xf32>,
          tpu.vector_store %arg11[%swap3A_181, %swap3A_182], %mul3A_180 {strides = array<i32>} : memref<96x128xf32, #tpu.memory_space<vmem>>, vector<16xf32>,
          %get3A_184 = arith.index_cast %add3A_148 : i32 to index
          %get3A_185 = arith.constant 80 : index
          %get3A_186 = tpu.vector_load %arg11[%get3A_184, %get3A_185] {strides = array<i32>} : memref<96x128xf32, #tpu.memory_space<vmem>>, vector<16xf32>,
          %mul3A_187 = arith.mulf %get3A_186, %gather3A : vector<16xf32>
          %swap3A_188 = arith.index_cast %add3A_148 : i32 to index
          %swap3A_189 = arith.constant 80 : index
          %swap3A_190 = tpu.vector_load %arg11[%swap3A_188, %swap3A_189] {strides = array<i32>} : memref<96x128xf32, #tpu.memory_space<vmem>>, vector<16xf32>,
          tpu.vector_store %arg11[%swap3A_188, %swap3A_189], %mul3A_187 {strides = array<i32>} : memref<96x128xf32, #tpu.memory_space<vmem>>, vector<16xf32>,
          %get3A_191 = arith.index_cast %add3A_148 : i32 to index
          %get3A_192 = arith.constant 96 : index
          %get3A_193 = tpu.vector_load %arg11[%get3A_191, %get3A_192] {strides = array<i32>} : memref<96x128xf32, #tpu.memory_space<vmem>>, vector<16xf32>,
          %mul3A_194 = arith.mulf %get3A_193, %gather3A : vector<16xf32>
          %swap3A_195 = arith.index_cast %add3A_148 : i32 to index
          %swap3A_196 = arith.constant 96 : index
          %swap3A_197 = tpu.vector_load %arg11[%swap3A_195, %swap3A_196] {strides = array<i32>} : memref<96x128xf32, #tpu.memory_space<vmem>>, vector<16xf32>,
          tpu.vector_store %arg11[%swap3A_195, %swap3A_196], %mul3A_194 {strides = array<i32>} : memref<96x128xf32, #tpu.memory_space<vmem>>, vector<16xf32>,
          %get3A_198 = arith.index_cast %add3A_148 : i32 to index
          %get3A_199 = arith.constant 112 : index
          %get3A_200 = tpu.vector_load %arg11[%get3A_198, %get3A_199] {strides = array<i32>} : memref<96x128xf32, #tpu.memory_space<vmem>>, vector<16xf32>,
          %mul3A_201 = arith.mulf %get3A_200, %gather3A : vector<16xf32>
          %swap3A_202 = arith.index_cast %add3A_148 : i32 to index
          %swap3A_203 = arith.constant 112 : index
          %swap3A_204 = tpu.vector_load %arg11[%swap3A_202, %swap3A_203] {strides = array<i32>} : memref<96x128xf32, #tpu.memory_space<vmem>>, vector<16xf32>,
          tpu.vector_store %arg11[%swap3A_202, %swap3A_203], %mul3A_201 {strides = array<i32>} : memref<96x128xf32, #tpu.memory_space<vmem>>, vector<16xf32>,
          %mul3A_205 = arith.constant 4 : i32
          %mul3A_206 = arith.muli %mul3A_205, %scan3A_144 : i32
          %add3A_207 = arith.constant 1 : i32
          %add3A_208 = arith.addi %mul3A_206, %add3A_207 : i32
          %add3A_209 = vector.broadcast %add3A_208 : i32 to vector<16xi32>
          %add3A_210 = arith.addi %add3A_58, %add3A_209 : vector<16xi32>
          %gather3A_211 = tpu.vector_load_idx %arg10[%add3A_210] : memref<2592xf32, #tpu.memory_space<vmem>>[vector<16xi32>], vector<16xf32>,
          %get3A_212 = arith.index_cast %add3A_208 : i32 to index
          %get3A_213 = arith.constant 0 : index
          %get3A_214 = tpu.vector_load %arg11[%get3A_212, %get3A_213] {strides = array<i32>} : memref<96x128xf32, #tpu.memory_space<vmem>>, vector<16xf32>,
          %mul3A_215 = arith.mulf %get3A_214, %gather3A_211 : vector<16xf32>
          %swap3A_216 = arith.index_cast %add3A_208 : i32 to index
          %swap3A_217 = arith.constant 0 : index
          %swap3A_218 = tpu.vector_load %arg11[%swap3A_216, %swap3A_217] {strides = array<i32>} : memref<96x128xf32, #tpu.memory_space<vmem>>, vector<16xf32>,
          tpu.vector_store %arg11[%swap3A_216, %swap3A_217], %mul3A_215 {strides = array<i32>} : memref<96x128xf32, #tpu.memory_space<vmem>>, vector<16xf32>,
          %get3A_219 = arith.index_cast %add3A_208 : i32 to index
          %get3A_220 = arith.constant 16 : index
          %get3A_221 = tpu.vector_load %arg11[%get3A_219, %get3A_220] {strides = array<i32>} : memref<96x128xf32, #tpu.memory_space<vmem>>, vector<16xf32>,
          %mul3A_222 = arith.mulf %get3A_221, %gather3A_211 : vector<16xf32>
          %swap3A_223 = arith.index_cast %add3A_208 : i32 to index
          %swap3A_224 = arith.constant 16 : index
          %swap3A_225 = tpu.vector_load %arg11[%swap3A_223, %swap3A_224] {strides = array<i32>} : memref<96x128xf32, #tpu.memory_space<vmem>>, vector<16xf32>,
          tpu.vector_store %arg11[%swap3A_223, %swap3A_224], %mul3A_222 {strides = array<i32>} : memref<96x128xf32, #tpu.memory_space<vmem>>, vector<16xf32>,
          %get3A_226 = arith.index_cast %add3A_208 : i32 to index
          %get3A_227 = arith.constant 32 : index
          %get3A_228 = tpu.vector_load %arg11[%get3A_226, %get3A_227] {strides = array<i32>} : memref<96x128xf32, #tpu.memory_space<vmem>>, vector<16xf32>,
          %mul3A_229 = arith.mulf %get3A_228, %gather3A_211 : vector<16xf32>
          %swap3A_230 = arith.index_cast %add3A_208 : i32 to index
          %swap3A_231 = arith.constant 32 : index
          %swap3A_232 = tpu.vector_load %arg11[%swap3A_230, %swap3A_231] {strides = array<i32>} : memref<96x128xf32, #tpu.memory_space<vmem>>, vector<16xf32>,
          tpu.vector_store %arg11[%swap3A_230, %swap3A_231], %mul3A_229 {strides = array<i32>} : memref<96x128xf32, #tpu.memory_space<vmem>>, vector<16xf32>,
          %get3A_233 = arith.index_cast %add3A_208 : i32 to index
          %get3A_234 = arith.constant 48 : index
          %get3A_235 = tpu.vector_load %arg11[%get3A_233, %get3A_234] {strides = array<i32>} : memref<96x128xf32, #tpu.memory_space<vmem>>, vector<16xf32>,
          %mul3A_236 = arith.mulf %get3A_235, %gather3A_211 : vector<16xf32>
          %swap3A_237 = arith.index_cast %add3A_208 : i32 to index
          %swap3A_238 = arith.constant 48 : index
          %swap3A_239 = tpu.vector_load %arg11[%swap3A_237, %swap3A_238] {strides = array<i32>} : memref<96x128xf32, #tpu.memory_space<vmem>>, vector<16xf32>,
          tpu.vector_store %arg11[%swap3A_237, %swap3A_238], %mul3A_236 {strides = array<i32>} : memref<96x128xf32, #tpu.memory_space<vmem>>, vector<16xf32>,
          %get3A_240 = arith.index_cast %add3A_208 : i32 to index
          %get3A_241 = arith.constant 64 : index
          %get3A_242 = tpu.vector_load %arg11[%get3A_240, %get3A_241] {strides = array<i32>} : memref<96x128xf32, #tpu.memory_space<vmem>>, vector<16xf32>,
          %mul3A_243 = arith.mulf %get3A_242, %gather3A_211 : vector<16xf32>
          %swap3A_244 = arith.index_cast %add3A_208 : i32 to index
          %swap3A_245 = arith.constant 64 : index
          %swap3A_246 = tpu.vector_load %arg11[%swap3A_244, %swap3A_245] {strides = array<i32>} : memref<96x128xf32, #tpu.memory_space<vmem>>, vector<16xf32>,
          tpu.vector_store %arg11[%swap3A_244, %swap3A_245], %mul3A_243 {strides = array<i32>} : memref<96x128xf32, #tpu.memory_space<vmem>>, vector<16xf32>,
          %get3A_247 = arith.index_cast %add3A_208 : i32 to index
          %get3A_248 = arith.constant 80 : index
          %get3A_249 = tpu.vector_load %arg11[%get3A_247, %get3A_248] {strides = array<i32>} : memref<96x128xf32, #tpu.memory_space<vmem>>, vector<16xf32>,
          %mul3A_250 = arith.mulf %get3A_249, %gather3A_211 : vector<16xf32>
          %swap3A_251 = arith.index_cast %add3A_208 : i32 to index
          %swap3A_252 = arith.constant 80 : index
          %swap3A_253 = tpu.vector_load %arg11[%swap3A_251, %swap3A_252] {strides = array<i32>} : memref<96x128xf32, #tpu.memory_space<vmem>>, vector<16xf32>,
          tpu.vector_store %arg11[%swap3A_251, %swap3A_252], %mul3A_250 {strides = array<i32>} : memref<96x128xf32, #tpu.memory_space<vmem>>, vector<16xf32>,
          %get3A_254 = arith.index_cast %add3A_208 : i32 to index
          %get3A_255 = arith.constant 96 : index
          %get3A_256 = tpu.vector_load %arg11[%get3A_254, %get3A_255] {strides = array<i32>} : memref<96x128xf32, #tpu.memory_space<vmem>>, vector<16xf32>,
          %mul3A_257 = arith.mulf %get3A_256, %gather3A_211 : vector<16xf32>
          %swap3A_258 = arith.index_cast %add3A_208 : i32 to index
          %swap3A_259 = arith.constant 96 : index
          %swap3A_260 = tpu.vector_load %arg11[%swap3A_258, %swap3A_259] {strides = array<i32>} : memref<96x128xf32, #tpu.memory_space<vmem>>, vector<16xf32>,
          tpu.vector_store %arg11[%swap3A_258, %swap3A_259], %mul3A_257 {strides = array<i32>} : memref<96x128xf32, #tpu.memory_space<vmem>>, vector<16xf32>,
          %get3A_261 = arith.index_cast %add3A_208 : i32 to index
          %get3A_262 = arith.constant 112 : index
          %get3A_263 = tpu.vector_load %arg11[%get3A_261, %get3A_262] {strides = array<i32>} : memref<96x128xf32, #tpu.memory_space<vmem>>, vector<16xf32>,
          %mul3A_264 = arith.mulf %get3A_263, %gather3A_211 : vector<16xf32>
          %swap3A_265 = arith.index_cast %add3A_208 : i32 to index
          %swap3A_266 = arith.constant 112 : index
          %swap3A_267 = tpu.vector_load %arg11[%swap3A_265, %swap3A_266] {strides = array<i32>} : memref<96x128xf32, #tpu.memory_space<vmem>>, vector<16xf32>,
          tpu.vector_store %arg11[%swap3A_265, %swap3A_266], %mul3A_264 {strides = array<i32>} : memref<96x128xf32, #tpu.memory_space<vmem>>, vector<16xf32>,
          %mul3A_268 = arith.constant 4 : i32
          %mul3A_269 = arith.muli %mul3A_268, %scan3A_144 : i32
          %add3A_270 = arith.constant 2 : i32
          %add3A_271 = arith.addi %mul3A_269, %add3A_270 : i32
          %add3A_272 = vector.broadcast %add3A_271 : i32 to vector<16xi32>
          %add3A_273 = arith.addi %add3A_58, %add3A_272 : vector<16xi32>
          %gather3A_274 = tpu.vector_load_idx %arg10[%add3A_273] : memref<2592xf32, #tpu.memory_space<vmem>>[vector<16xi32>], vector<16xf32>,
          %get3A_275 = arith.index_cast %add3A_271 : i32 to index
          %get3A_276 = arith.constant 0 : index
          %get3A_277 = tpu.vector_load %arg11[%get3A_275, %get3A_276] {strides = array<i32>} : memref<96x128xf32, #tpu.memory_space<vmem>>, vector<16xf32>,
          %mul3A_278 = arith.mulf %get3A_277, %gather3A_274 : vector<16xf32>
          %swap3A_279 = arith.index_cast %add3A_271 : i32 to index
          %swap3A_280 = arith.constant 0 : index
          %swap3A_281 = tpu.vector_load %arg11[%swap3A_279, %swap3A_280] {strides = array<i32>} : memref<96x128xf32, #tpu.memory_space<vmem>>, vector<16xf32>,
          tpu.vector_store %arg11[%swap3A_279, %swap3A_280], %mul3A_278 {strides = array<i32>} : memref<96x128xf32, #tpu.memory_space<vmem>>, vector<16xf32>,
          %get3A_282 = arith.index_cast %add3A_271 : i32 to index
          %get3A_283 = arith.constant 16 : index
          %get3A_284 = tpu.vector_load %arg11[%get3A_282, %get3A_283] {strides = array<i32>} : memref<96x128xf32, #tpu.memory_space<vmem>>, vector<16xf32>,
          %mul3A_285 = arith.mulf %get3A_284, %gather3A_274 : vector<16xf32>
          %swap3A_286 = arith.index_cast %add3A_271 : i32 to index
          %swap3A_287 = arith.constant 16 : index
          %swap3A_288 = tpu.vector_load %arg11[%swap3A_286, %swap3A_287] {strides = array<i32>} : memref<96x128xf32, #tpu.memory_space<vmem>>, vector<16xf32>,
          tpu.vector_store %arg11[%swap3A_286, %swap3A_287], %mul3A_285 {strides = array<i32>} : memref<96x128xf32, #tpu.memory_space<vmem>>, vector<16xf32>,
          %get3A_289 = arith.index_cast %add3A_271 : i32 to index
          %get3A_290 = arith.constant 32 : index
          %get3A_291 = tpu.vector_load %arg11[%get3A_289, %get3A_290] {strides = array<i32>} : memref<96x128xf32, #tpu.memory_space<vmem>>, vector<16xf32>,
          %mul3A_292 = arith.mulf %get3A_291, %gather3A_274 : vector<16xf32>
          %swap3A_293 = arith.index_cast %add3A_271 : i32 to index
          %swap3A_294 = arith.constant 32 : index
          %swap3A_295 = tpu.vector_load %arg11[%swap3A_293, %swap3A_294] {strides = array<i32>} : memref<96x128xf32, #tpu.memory_space<vmem>>, vector<16xf32>,
          tpu.vector_store %arg11[%swap3A_293, %swap3A_294], %mul3A_292 {strides = array<i32>} : memref<96x128xf32, #tpu.memory_space<vmem>>, vector<16xf32>,
          %get3A_296 = arith.index_cast %add3A_271 : i32 to index
          %get3A_297 = arith.constant 48 : index
          %get3A_298 = tpu.vector_load %arg11[%get3A_296, %get3A_297] {strides = array<i32>} : memref<96x128xf32, #tpu.memory_space<vmem>>, vector<16xf32>,
          %mul3A_299 = arith.mulf %get3A_298, %gather3A_274 : vector<16xf32>
          %swap3A_300 = arith.index_cast %add3A_271 : i32 to index
          %swap3A_301 = arith.constant 48 : index
          %swap3A_302 = tpu.vector_load %arg11[%swap3A_300, %swap3A_301] {strides = array<i32>} : memref<96x128xf32, #tpu.memory_space<vmem>>, vector<16xf32>,
          tpu.vector_store %arg11[%swap3A_300, %swap3A_301], %mul3A_299 {strides = array<i32>} : memref<96x128xf32, #tpu.memory_space<vmem>>, vector<16xf32>,
          %get3A_303 = arith.index_cast %add3A_271 : i32 to index
          %get3A_304 = arith.constant 64 : index
          %get3A_305 = tpu.vector_load %arg11[%get3A_303, %get3A_304] {strides = array<i32>} : memref<96x128xf32, #tpu.memory_space<vmem>>, vector<16xf32>,
          %mul3A_306 = arith.mulf %get3A_305, %gather3A_274 : vector<16xf32>
          %swap3A_307 = arith.index_cast %add3A_271 : i32 to index
          %swap3A_308 = arith.constant 64 : index
          %swap3A_309 = tpu.vector_load %arg11[%swap3A_307, %swap3A_308] {strides = array<i32>} : memref<96x128xf32, #tpu.memory_space<vmem>>, vector<16xf32>,
          tpu.vector_store %arg11[%swap3A_307, %swap3A_308], %mul3A_306 {strides = array<i32>} : memref<96x128xf32, #tpu.memory_space<vmem>>, vector<16xf32>,
          %get3A_310 = arith.index_cast %add3A_271 : i32 to index
          %get3A_311 = arith.constant 80 : index
          %get3A_312 = tpu.vector_load %arg11[%get3A_310, %get3A_311] {strides = array<i32>} : memref<96x128xf32, #tpu.memory_space<vmem>>, vector<16xf32>,
          %mul3A_313 = arith.mulf %get3A_312, %gather3A_274 : vector<16xf32>
          %swap3A_314 = arith.index_cast %add3A_271 : i32 to index
          %swap3A_315 = arith.constant 80 : index
          %swap3A_316 = tpu.vector_load %arg11[%swap3A_314, %swap3A_315] {strides = array<i32>} : memref<96x128xf32, #tpu.memory_space<vmem>>, vector<16xf32>,
          tpu.vector_store %arg11[%swap3A_314, %swap3A_315], %mul3A_313 {strides = array<i32>} : memref<96x128xf32, #tpu.memory_space<vmem>>, vector<16xf32>,
          %get3A_317 = arith.index_cast %add3A_271 : i32 to index
          %get3A_318 = arith.constant 96 : index
          %get3A_319 = tpu.vector_load %arg11[%get3A_317, %get3A_318] {strides = array<i32>} : memref<96x128xf32, #tpu.memory_space<vmem>>, vector<16xf32>,
          %mul3A_320 = arith.mulf %get3A_319, %gather3A_274 : vector<16xf32>
          %swap3A_321 = arith.index_cast %add3A_271 : i32 to index
          %swap3A_322 = arith.constant 96 : index
          %swap3A_323 = tpu.vector_load %arg11[%swap3A_321, %swap3A_322] {strides = array<i32>} : memref<96x128xf32, #tpu.memory_space<vmem>>, vector<16xf32>,
          tpu.vector_store %arg11[%swap3A_321, %swap3A_322], %mul3A_320 {strides = array<i32>} : memref<96x128xf32, #tpu.memory_space<vmem>>, vector<16xf32>,
          %get3A_324 = arith.index_cast %add3A_271 : i32 to index
          %get3A_325 = arith.constant 112 : index
          %get3A_326 = tpu.vector_load %arg11[%get3A_324, %get3A_325] {strides = array<i32>} : memref<96x128xf32, #tpu.memory_space<vmem>>, vector<16xf32>,
          %mul3A_327 = arith.mulf %get3A_326, %gather3A_274 : vector<16xf32>
          %swap3A_328 = arith.index_cast %add3A_271 : i32 to index
          %swap3A_329 = arith.constant 112 : index
          %swap3A_330 = tpu.vector_load %arg11[%swap3A_328, %swap3A_329] {strides = array<i32>} : memref<96x128xf32, #tpu.memory_space<vmem>>, vector<16xf32>,
          tpu.vector_store %arg11[%swap3A_328, %swap3A_329], %mul3A_327 {strides = array<i32>} : memref<96x128xf32, #tpu.memory_space<vmem>>, vector<16xf32>,
          %mul3A_331 = arith.constant 4 : i32
          %mul3A_332 = arith.muli %mul3A_331, %scan3A_144 : i32
          %add3A_333 = arith.constant 3 : i32
          %add3A_334 = arith.addi %mul3A_332, %add3A_333 : i32
          %add3A_335 = vector.broadcast %add3A_334 : i32 to vector<16xi32>
          %add3A_336 = arith.addi %add3A_58, %add3A_335 : vector<16xi32>
          %gather3A_337 = tpu.vector_load_idx %arg10[%add3A_336] : memref<2592xf32, #tpu.memory_space<vmem>>[vector<16xi32>], vector<16xf32>,
          %get3A_338 = arith.index_cast %add3A_334 : i32 to index
          %get3A_339 = arith.constant 0 : index
          %get3A_340 = tpu.vector_load %arg11[%get3A_338, %get3A_339] {strides = array<i32>} : memref<96x128xf32, #tpu.memory_space<vmem>>, vector<16xf32>,
          %mul3A_341 = arith.mulf %get3A_340, %gather3A_337 : vector<16xf32>
          %swap3A_342 = arith.index_cast %add3A_334 : i32 to index
          %swap3A_343 = arith.constant 0 : index
          %swap3A_344 = tpu.vector_load %arg11[%swap3A_342, %swap3A_343] {strides = array<i32>} : memref<96x128xf32, #tpu.memory_space<vmem>>, vector<16xf32>,
          tpu.vector_store %arg11[%swap3A_342, %swap3A_343], %mul3A_341 {strides = array<i32>} : memref<96x128xf32, #tpu.memory_space<vmem>>, vector<16xf32>,
          %get3A_345 = arith.index_cast %add3A_334 : i32 to index
          %get3A_346 = arith.constant 16 : index
          %get3A_347 = tpu.vector_load %arg11[%get3A_345, %get3A_346] {strides = array<i32>} : memref<96x128xf32, #tpu.memory_space<vmem>>, vector<16xf32>,
          %mul3A_348 = arith.mulf %get3A_347, %gather3A_337 : vector<16xf32>
          %swap3A_349 = arith.index_cast %add3A_334 : i32 to index
          %swap3A_350 = arith.constant 16 : index
          %swap3A_351 = tpu.vector_load %arg11[%swap3A_349, %swap3A_350] {strides = array<i32>} : memref<96x128xf32, #tpu.memory_space<vmem>>, vector<16xf32>,
          tpu.vector_store %arg11[%swap3A_349, %swap3A_350], %mul3A_348 {strides = array<i32>} : memref<96x128xf32, #tpu.memory_space<vmem>>, vector<16xf32>,
          %get3A_352 = arith.index_cast %add3A_334 : i32 to index
          %get3A_353 = arith.constant 32 : index
          %get3A_354 = tpu.vector_load %arg11[%get3A_352, %get3A_353] {strides = array<i32>} : memref<96x128xf32, #tpu.memory_space<vmem>>, vector<16xf32>,
          %mul3A_355 = arith.mulf %get3A_354, %gather3A_337 : vector<16xf32>
          %swap3A_356 = arith.index_cast %add3A_334 : i32 to index
          %swap3A_357 = arith.constant 32 : index
          %swap3A_358 = tpu.vector_load %arg11[%swap3A_356, %swap3A_357] {strides = array<i32>} : memref<96x128xf32, #tpu.memory_space<vmem>>, vector<16xf32>,
          tpu.vector_store %arg11[%swap3A_356, %swap3A_357], %mul3A_355 {strides = array<i32>} : memref<96x128xf32, #tpu.memory_space<vmem>>, vector<16xf32>,
          %get3A_359 = arith.index_cast %add3A_334 : i32 to index
          %get3A_360 = arith.constant 48 : index
          %get3A_361 = tpu.vector_load %arg11[%get3A_359, %get3A_360] {strides = array<i32>} : memref<96x128xf32, #tpu.memory_space<vmem>>, vector<16xf32>,
          %mul3A_362 = arith.mulf %get3A_361, %gather3A_337 : vector<16xf32>
          %swap3A_363 = arith.index_cast %add3A_334 : i32 to index
          %swap3A_364 = arith.constant 48 : index
          %swap3A_365 = tpu.vector_load %arg11[%swap3A_363, %swap3A_364] {strides = array<i32>} : memref<96x128xf32, #tpu.memory_space<vmem>>, vector<16xf32>,
          tpu.vector_store %arg11[%swap3A_363, %swap3A_364], %mul3A_362 {strides = array<i32>} : memref<96x128xf32, #tpu.memory_space<vmem>>, vector<16xf32>,
          %get3A_366 = arith.index_cast %add3A_334 : i32 to index
          %get3A_367 = arith.constant 64 : index
          %get3A_368 = tpu.vector_load %arg11[%get3A_366, %get3A_367] {strides = array<i32>} : memref<96x128xf32, #tpu.memory_space<vmem>>, vector<16xf32>,
          %mul3A_369 = arith.mulf %get3A_368, %gather3A_337 : vector<16xf32>
          %swap3A_370 = arith.index_cast %add3A_334 : i32 to index
          %swap3A_371 = arith.constant 64 : index
          %swap3A_372 = tpu.vector_load %arg11[%swap3A_370, %swap3A_371] {strides = array<i32>} : memref<96x128xf32, #tpu.memory_space<vmem>>, vector<16xf32>,
          tpu.vector_store %arg11[%swap3A_370, %swap3A_371], %mul3A_369 {strides = array<i32>} : memref<96x128xf32, #tpu.memory_space<vmem>>, vector<16xf32>,
          %get3A_373 = arith.index_cast %add3A_334 : i32 to index
          %get3A_374 = arith.constant 80 : index
          %get3A_375 = tpu.vector_load %arg11[%get3A_373, %get3A_374] {strides = array<i32>} : memref<96x128xf32, #tpu.memory_space<vmem>>, vector<16xf32>,
          %mul3A_376 = arith.mulf %get3A_375, %gather3A_337 : vector<16xf32>
          %swap3A_377 = arith.index_cast %add3A_334 : i32 to index
          %swap3A_378 = arith.constant 80 : index
          %swap3A_379 = tpu.vector_load %arg11[%swap3A_377, %swap3A_378] {strides = array<i32>} : memref<96x128xf32, #tpu.memory_space<vmem>>, vector<16xf32>,
          tpu.vector_store %arg11[%swap3A_377, %swap3A_378], %mul3A_376 {strides = array<i32>} : memref<96x128xf32, #tpu.memory_space<vmem>>, vector<16xf32>,
          %get3A_380 = arith.index_cast %add3A_334 : i32 to index
          %get3A_381 = arith.constant 96 : index
          %get3A_382 = tpu.vector_load %arg11[%get3A_380, %get3A_381] {strides = array<i32>} : memref<96x128xf32, #tpu.memory_space<vmem>>, vector<16xf32>,
          %mul3A_383 = arith.mulf %get3A_382, %gather3A_337 : vector<16xf32>
          %swap3A_384 = arith.index_cast %add3A_334 : i32 to index
          %swap3A_385 = arith.constant 96 : index
          %swap3A_386 = tpu.vector_load %arg11[%swap3A_384, %swap3A_385] {strides = array<i32>} : memref<96x128xf32, #tpu.memory_space<vmem>>, vector<16xf32>,
          tpu.vector_store %arg11[%swap3A_384, %swap3A_385], %mul3A_383 {strides = array<i32>} : memref<96x128xf32, #tpu.memory_space<vmem>>, vector<16xf32>,
          %get3A_387 = arith.index_cast %add3A_334 : i32 to index
          %get3A_388 = arith.constant 112 : index
          %get3A_389 = tpu.vector_load %arg11[%get3A_387, %get3A_388] {strides = array<i32>} : memref<96x128xf32, #tpu.memory_space<vmem>>, vector<16xf32>,
          %mul3A_390 = arith.mulf %get3A_389, %gather3A_337 : vector<16xf32>
          %swap3A_391 = arith.index_cast %add3A_334 : i32 to index
          %swap3A_392 = arith.constant 112 : index
          %swap3A_393 = tpu.vector_load %arg11[%swap3A_391, %swap3A_392] {strides = array<i32>} : memref<96x128xf32, #tpu.memory_space<vmem>>, vector<16xf32>,
          tpu.vector_store %arg11[%swap3A_391, %swap3A_392], %mul3A_390 {strides = array<i32>} : memref<96x128xf32, #tpu.memory_space<vmem>>, vector<16xf32>,
        }
        %scan3A_63 = arith.constant 24 : i32
        %dma_start3A_64 = arith.constant 0 : i32
        %dma_start3A_65 = tpu.memref_slice %arg9[%add3A_41, %dma_start3A_64] : memref<27x96xi32, #tpu.memory_space<vmem>> -> memref<1x96xi32, #tpu.memory_space<vmem>>
        %dma_start3A_66 = tpu.memref_squeeze %dma_start3A_65 : memref<1x96xi32, #tpu.memory_space<vmem>> -> memref<96xi32, #tpu.memory_space<vmem>>
        %dma_start3A_67 = arith.constant 0 : i32
        %dma_start3A_68 = arith.constant 0 : i32
        %dma_start3A_69 = tpu.memref_slice %arg14[%dma_start3A_67, %dma_start3A_68] : memref<10240x128xf32, #tpu.memory_space<vmem_shared>> -> memref<10240x128xf32, #tpu.memory_space<vmem_shared>>
        tpu.enqueue_indirect_dma source(%arg11 : memref<96x128xf32, #tpu.memory_space<vmem>>) target(%dma_start3A_69 : memref<10240x128xf32, #tpu.memory_space<vmem_shared>>) offsets(%dma_start3A_66 : memref<96xi32, #tpu.memory_space<vmem>>) semaphore(%arg18 : memref<!tpu.dma_semaphore, #tpu.memory_space<semaphore_mem>>) {add = true}
        %mul3A_70 = arith.constant 3 : i32
        %mul3A_71 = arith.muli %mul3A_70, %scan3A_37 : i32
        %add3A_72 = arith.constant 1 : i32
        %add3A_73 = arith.addi %mul3A_71, %add3A_72 : i32
        %ge3A_74 = arith.constant 2 : i32
        %ge3A_75 = arith.cmpi sge, %add3A_73, %ge3A_74 : i32
        %convert_element_type3A_76 = arith.extui %ge3A_75 : i1 to i32
        %cond3A_77 = arith.constant 0 : i32
        %cond3A_78 = arith.cmpi ne, %convert_element_type3A_76, %cond3A_77 : i32
        scf.if %cond3A_78 {
          %sub3A = arith.constant 2 : i32
          %sub3A_144 = arith.subi %add3A_73, %sub3A : i32
          %dma_wait3A_145 = arith.constant 0 : i32
          %dma_wait3A_146 = tpu.memref_slice %arg9[%sub3A_144, %dma_wait3A_145] : memref<27x96xi32, #tpu.memory_space<vmem>> -> memref<1x96xi32, #tpu.memory_space<vmem>>
          %dma_wait3A_147 = tpu.memref_squeeze %dma_wait3A_146 : memref<1x96xi32, #tpu.memory_space<vmem>> -> memref<96xi32, #tpu.memory_space<vmem>>
          %dma_wait3A_148 = arith.constant 0 : i32
          %dma_wait3A_149 = arith.constant 0 : i32
          %dma_wait3A_150 = tpu.memref_slice %arg14[%dma_wait3A_148, %dma_wait3A_149] : memref<10240x128xf32, #tpu.memory_space<vmem_shared>> -> memref<10240x128xf32, #tpu.memory_space<vmem_shared>>
          tpu.wait_indirect_dma semaphore(%arg20 : memref<!tpu.dma_semaphore, #tpu.memory_space<semaphore_mem>>) src(%arg13 : memref<96x128xf32, #tpu.memory_space<vmem>>) dst(%dma_wait3A_150 : memref<10240x128xf32, #tpu.memory_space<vmem_shared>>)
        } else {
        }
        %lt3A_79 = arith.constant 26 : i32
        %lt3A_80 = arith.cmpi slt, %add3A_73, %lt3A_79 : i32
        %convert_element_type3A_81 = arith.extui %lt3A_80 : i1 to i32
        %cond3A_82 = arith.constant 0 : i32
        %cond3A_83 = arith.cmpi ne, %convert_element_type3A_81, %cond3A_82 : i32
        scf.if %cond3A_83 {
          %add3A_144 = arith.constant 1 : i32
          %add3A_145 = arith.addi %add3A_73, %add3A_144 : i32
          %dma_start3A_146 = arith.constant 0 : i32
          %dma_start3A_147 = tpu.memref_slice %arg8[%add3A_145, %dma_start3A_146] : memref<27x96xi32, #tpu.memory_space<vmem>> -> memref<1x96xi32, #tpu.memory_space<vmem>>
          %dma_start3A_148 = tpu.memref_squeeze %dma_start3A_147 : memref<1x96xi32, #tpu.memory_space<vmem>> -> memref<96xi32, #tpu.memory_space<vmem>>
          %dma_start3A_149 = arith.constant 0 : i32
          %dma_start3A_150 = arith.constant 0 : i32
          %dma_start3A_151 = tpu.memref_slice %arg2[%dma_start3A_149, %dma_start3A_150] : memref<10240x128xf32, #tpu.memory_space<hbm>> -> memref<10240x128xf32, #tpu.memory_space<hbm>>
          tpu.enqueue_indirect_dma source(%dma_start3A_151 : memref<10240x128xf32, #tpu.memory_space<hbm>>) target(%arg13 : memref<96x128xf32, #tpu.memory_space<vmem>>) offsets(%dma_start3A_148 : memref<96xi32, #tpu.memory_space<vmem>>) semaphore(%arg17 : memref<!tpu.dma_semaphore, #tpu.memory_space<semaphore_mem>>)
        } else {
        }
        %dma_wait3A_84 = arith.constant 0 : i32
        %dma_wait3A_85 = tpu.memref_slice %arg8[%add3A_73, %dma_wait3A_84] : memref<27x96xi32, #tpu.memory_space<vmem>> -> memref<1x96xi32, #tpu.memory_space<vmem>>
        %dma_wait3A_86 = tpu.memref_squeeze %dma_wait3A_85 : memref<1x96xi32, #tpu.memory_space<vmem>> -> memref<96xi32, #tpu.memory_space<vmem>>
        %dma_wait3A_87 = arith.constant 0 : i32
        %dma_wait3A_88 = arith.constant 0 : i32
        %dma_wait3A_89 = tpu.memref_slice %arg2[%dma_wait3A_87, %dma_wait3A_88] : memref<10240x128xf32, #tpu.memory_space<hbm>> -> memref<10240x128xf32, #tpu.memory_space<hbm>>
        tpu.wait_indirect_dma semaphore(%arg16 : memref<!tpu.dma_semaphore, #tpu.memory_space<semaphore_mem>>) src(%dma_wait3A_89 : memref<10240x128xf32, #tpu.memory_space<hbm>>) dst(%arg12 : memref<96x128xf32, #tpu.memory_space<vmem>>)
        %broadcast_in_dim3A_90 = arith.constant 0 : i32
        %broadcast_in_dim3A_91 = vector.broadcast %broadcast_in_dim3A_90 : i32 to vector<16xi32>
        %mul3A_92 = arith.constant 96 : i32
        %mul3A_93 = arith.muli %add3A_73, %mul3A_92 : i32
        %add3A_94 = vector.broadcast %mul3A_93 : i32 to vector<16xi32>
        %add3A_95 = arith.addi %broadcast_in_dim3A_91, %add3A_94 : vector<16xi32>
        %scan3A_96 = arith.constant 0 : i32
        %scan3A_97 = arith.constant 24 : i32
        %scan3A_98 = arith.addi %scan3A_96, %scan3A_97 : i32
        %scan3A_99 = arith.constant 1 : i32
        scf.for %scan3A_144 = %scan3A_96 to %scan3A_98 step %scan3A_99  : i32 {
          %mul3A_145 = arith.constant 4 : i32
          %mul3A_146 = arith.muli %mul3A_145, %scan3A_144 : i32
          %add3A_147 = arith.constant 0 : i32
          %add3A_148 = arith.addi %mul3A_146, %add3A_147 : i32
          %add3A_149 = vector.broadcast %add3A_148 : i32 to vector<16xi32>
          %add3A_150 = arith.addi %add3A_95, %add3A_149 : vector<16xi32>
          %gather3A = tpu.vector_load_idx %arg10[%add3A_150] : memref<2592xf32, #tpu.memory_space<vmem>>[vector<16xi32>], vector<16xf32>,
          %get3A = arith.index_cast %add3A_148 : i32 to index
          %get3A_151 = arith.constant 0 : index
          %get3A_152 = tpu.vector_load %arg12[%get3A, %get3A_151] {strides = array<i32>} : memref<96x128xf32, #tpu.memory_space<vmem>>, vector<16xf32>,
          %mul3A_153 = arith.mulf %get3A_152, %gather3A : vector<16xf32>
          %swap3A = arith.index_cast %add3A_148 : i32 to index
          %swap3A_154 = arith.constant 0 : index
          %swap3A_155 = tpu.vector_load %arg12[%swap3A, %swap3A_154] {strides = array<i32>} : memref<96x128xf32, #tpu.memory_space<vmem>>, vector<16xf32>,
          tpu.vector_store %arg12[%swap3A, %swap3A_154], %mul3A_153 {strides = array<i32>} : memref<96x128xf32, #tpu.memory_space<vmem>>, vector<16xf32>,
          %get3A_156 = arith.index_cast %add3A_148 : i32 to index
          %get3A_157 = arith.constant 16 : index
          %get3A_158 = tpu.vector_load %arg12[%get3A_156, %get3A_157] {strides = array<i32>} : memref<96x128xf32, #tpu.memory_space<vmem>>, vector<16xf32>,
          %mul3A_159 = arith.mulf %get3A_158, %gather3A : vector<16xf32>
          %swap3A_160 = arith.index_cast %add3A_148 : i32 to index
          %swap3A_161 = arith.constant 16 : index
          %swap3A_162 = tpu.vector_load %arg12[%swap3A_160, %swap3A_161] {strides = array<i32>} : memref<96x128xf32, #tpu.memory_space<vmem>>, vector<16xf32>,
          tpu.vector_store %arg12[%swap3A_160, %swap3A_161], %mul3A_159 {strides = array<i32>} : memref<96x128xf32, #tpu.memory_space<vmem>>, vector<16xf32>,
          %get3A_163 = arith.index_cast %add3A_148 : i32 to index
          %get3A_164 = arith.constant 32 : index
          %get3A_165 = tpu.vector_load %arg12[%get3A_163, %get3A_164] {strides = array<i32>} : memref<96x128xf32, #tpu.memory_space<vmem>>, vector<16xf32>,
          %mul3A_166 = arith.mulf %get3A_165, %gather3A : vector<16xf32>
          %swap3A_167 = arith.index_cast %add3A_148 : i32 to index
          %swap3A_168 = arith.constant 32 : index
          %swap3A_169 = tpu.vector_load %arg12[%swap3A_167, %swap3A_168] {strides = array<i32>} : memref<96x128xf32, #tpu.memory_space<vmem>>, vector<16xf32>,
          tpu.vector_store %arg12[%swap3A_167, %swap3A_168], %mul3A_166 {strides = array<i32>} : memref<96x128xf32, #tpu.memory_space<vmem>>, vector<16xf32>,
          %get3A_170 = arith.index_cast %add3A_148 : i32 to index
          %get3A_171 = arith.constant 48 : index
          %get3A_172 = tpu.vector_load %arg12[%get3A_170, %get3A_171] {strides = array<i32>} : memref<96x128xf32, #tpu.memory_space<vmem>>, vector<16xf32>,
          %mul3A_173 = arith.mulf %get3A_172, %gather3A : vector<16xf32>
          %swap3A_174 = arith.index_cast %add3A_148 : i32 to index
          %swap3A_175 = arith.constant 48 : index
          %swap3A_176 = tpu.vector_load %arg12[%swap3A_174, %swap3A_175] {strides = array<i32>} : memref<96x128xf32, #tpu.memory_space<vmem>>, vector<16xf32>,
          tpu.vector_store %arg12[%swap3A_174, %swap3A_175], %mul3A_173 {strides = array<i32>} : memref<96x128xf32, #tpu.memory_space<vmem>>, vector<16xf32>,
          %get3A_177 = arith.index_cast %add3A_148 : i32 to index
          %get3A_178 = arith.constant 64 : index
          %get3A_179 = tpu.vector_load %arg12[%get3A_177, %get3A_178] {strides = array<i32>} : memref<96x128xf32, #tpu.memory_space<vmem>>, vector<16xf32>,
          %mul3A_180 = arith.mulf %get3A_179, %gather3A : vector<16xf32>
          %swap3A_181 = arith.index_cast %add3A_148 : i32 to index
          %swap3A_182 = arith.constant 64 : index
          %swap3A_183 = tpu.vector_load %arg12[%swap3A_181, %swap3A_182] {strides = array<i32>} : memref<96x128xf32, #tpu.memory_space<vmem>>, vector<16xf32>,
          tpu.vector_store %arg12[%swap3A_181, %swap3A_182], %mul3A_180 {strides = array<i32>} : memref<96x128xf32, #tpu.memory_space<vmem>>, vector<16xf32>,
          %get3A_184 = arith.index_cast %add3A_148 : i32 to index
          %get3A_185 = arith.constant 80 : index
          %get3A_186 = tpu.vector_load %arg12[%get3A_184, %get3A_185] {strides = array<i32>} : memref<96x128xf32, #tpu.memory_space<vmem>>, vector<16xf32>,
          %mul3A_187 = arith.mulf %get3A_186, %gather3A : vector<16xf32>
          %swap3A_188 = arith.index_cast %add3A_148 : i32 to index
          %swap3A_189 = arith.constant 80 : index
          %swap3A_190 = tpu.vector_load %arg12[%swap3A_188, %swap3A_189] {strides = array<i32>} : memref<96x128xf32, #tpu.memory_space<vmem>>, vector<16xf32>,
          tpu.vector_store %arg12[%swap3A_188, %swap3A_189], %mul3A_187 {strides = array<i32>} : memref<96x128xf32, #tpu.memory_space<vmem>>, vector<16xf32>,
          %get3A_191 = arith.index_cast %add3A_148 : i32 to index
          %get3A_192 = arith.constant 96 : index
          %get3A_193 = tpu.vector_load %arg12[%get3A_191, %get3A_192] {strides = array<i32>} : memref<96x128xf32, #tpu.memory_space<vmem>>, vector<16xf32>,
          %mul3A_194 = arith.mulf %get3A_193, %gather3A : vector<16xf32>
          %swap3A_195 = arith.index_cast %add3A_148 : i32 to index
          %swap3A_196 = arith.constant 96 : index
          %swap3A_197 = tpu.vector_load %arg12[%swap3A_195, %swap3A_196] {strides = array<i32>} : memref<96x128xf32, #tpu.memory_space<vmem>>, vector<16xf32>,
          tpu.vector_store %arg12[%swap3A_195, %swap3A_196], %mul3A_194 {strides = array<i32>} : memref<96x128xf32, #tpu.memory_space<vmem>>, vector<16xf32>,
          %get3A_198 = arith.index_cast %add3A_148 : i32 to index
          %get3A_199 = arith.constant 112 : index
          %get3A_200 = tpu.vector_load %arg12[%get3A_198, %get3A_199] {strides = array<i32>} : memref<96x128xf32, #tpu.memory_space<vmem>>, vector<16xf32>,
          %mul3A_201 = arith.mulf %get3A_200, %gather3A : vector<16xf32>
          %swap3A_202 = arith.index_cast %add3A_148 : i32 to index
          %swap3A_203 = arith.constant 112 : index
          %swap3A_204 = tpu.vector_load %arg12[%swap3A_202, %swap3A_203] {strides = array<i32>} : memref<96x128xf32, #tpu.memory_space<vmem>>, vector<16xf32>,
          tpu.vector_store %arg12[%swap3A_202, %swap3A_203], %mul3A_201 {strides = array<i32>} : memref<96x128xf32, #tpu.memory_space<vmem>>, vector<16xf32>,
          %mul3A_205 = arith.constant 4 : i32
          %mul3A_206 = arith.muli %mul3A_205, %scan3A_144 : i32
          %add3A_207 = arith.constant 1 : i32
          %add3A_208 = arith.addi %mul3A_206, %add3A_207 : i32
          %add3A_209 = vector.broadcast %add3A_208 : i32 to vector<16xi32>
          %add3A_210 = arith.addi %add3A_95, %add3A_209 : vector<16xi32>
          %gather3A_211 = tpu.vector_load_idx %arg10[%add3A_210] : memref<2592xf32, #tpu.memory_space<vmem>>[vector<16xi32>], vector<16xf32>,
          %get3A_212 = arith.index_cast %add3A_208 : i32 to index
          %get3A_213 = arith.constant 0 : index
          %get3A_214 = tpu.vector_load %arg12[%get3A_212, %get3A_213] {strides = array<i32>} : memref<96x128xf32, #tpu.memory_space<vmem>>, vector<16xf32>,
          %mul3A_215 = arith.mulf %get3A_214, %gather3A_211 : vector<16xf32>
          %swap3A_216 = arith.index_cast %add3A_208 : i32 to index
          %swap3A_217 = arith.constant 0 : index
          %swap3A_218 = tpu.vector_load %arg12[%swap3A_216, %swap3A_217] {strides = array<i32>} : memref<96x128xf32, #tpu.memory_space<vmem>>, vector<16xf32>,
          tpu.vector_store %arg12[%swap3A_216, %swap3A_217], %mul3A_215 {strides = array<i32>} : memref<96x128xf32, #tpu.memory_space<vmem>>, vector<16xf32>,
          %get3A_219 = arith.index_cast %add3A_208 : i32 to index
          %get3A_220 = arith.constant 16 : index
          %get3A_221 = tpu.vector_load %arg12[%get3A_219, %get3A_220] {strides = array<i32>} : memref<96x128xf32, #tpu.memory_space<vmem>>, vector<16xf32>,
          %mul3A_222 = arith.mulf %get3A_221, %gather3A_211 : vector<16xf32>
          %swap3A_223 = arith.index_cast %add3A_208 : i32 to index
          %swap3A_224 = arith.constant 16 : index
          %swap3A_225 = tpu.vector_load %arg12[%swap3A_223, %swap3A_224] {strides = array<i32>} : memref<96x128xf32, #tpu.memory_space<vmem>>, vector<16xf32>,
          tpu.vector_store %arg12[%swap3A_223, %swap3A_224], %mul3A_222 {strides = array<i32>} : memref<96x128xf32, #tpu.memory_space<vmem>>, vector<16xf32>,
          %get3A_226 = arith.index_cast %add3A_208 : i32 to index
          %get3A_227 = arith.constant 32 : index
          %get3A_228 = tpu.vector_load %arg12[%get3A_226, %get3A_227] {strides = array<i32>} : memref<96x128xf32, #tpu.memory_space<vmem>>, vector<16xf32>,
          %mul3A_229 = arith.mulf %get3A_228, %gather3A_211 : vector<16xf32>
          %swap3A_230 = arith.index_cast %add3A_208 : i32 to index
          %swap3A_231 = arith.constant 32 : index
          %swap3A_232 = tpu.vector_load %arg12[%swap3A_230, %swap3A_231] {strides = array<i32>} : memref<96x128xf32, #tpu.memory_space<vmem>>, vector<16xf32>,
          tpu.vector_store %arg12[%swap3A_230, %swap3A_231], %mul3A_229 {strides = array<i32>} : memref<96x128xf32, #tpu.memory_space<vmem>>, vector<16xf32>,
          %get3A_233 = arith.index_cast %add3A_208 : i32 to index
          %get3A_234 = arith.constant 48 : index
          %get3A_235 = tpu.vector_load %arg12[%get3A_233, %get3A_234] {strides = array<i32>} : memref<96x128xf32, #tpu.memory_space<vmem>>, vector<16xf32>,
          %mul3A_236 = arith.mulf %get3A_235, %gather3A_211 : vector<16xf32>
          %swap3A_237 = arith.index_cast %add3A_208 : i32 to index
          %swap3A_238 = arith.constant 48 : index
          %swap3A_239 = tpu.vector_load %arg12[%swap3A_237, %swap3A_238] {strides = array<i32>} : memref<96x128xf32, #tpu.memory_space<vmem>>, vector<16xf32>,
          tpu.vector_store %arg12[%swap3A_237, %swap3A_238], %mul3A_236 {strides = array<i32>} : memref<96x128xf32, #tpu.memory_space<vmem>>, vector<16xf32>,
          %get3A_240 = arith.index_cast %add3A_208 : i32 to index
          %get3A_241 = arith.constant 64 : index
          %get3A_242 = tpu.vector_load %arg12[%get3A_240, %get3A_241] {strides = array<i32>} : memref<96x128xf32, #tpu.memory_space<vmem>>, vector<16xf32>,
          %mul3A_243 = arith.mulf %get3A_242, %gather3A_211 : vector<16xf32>
          %swap3A_244 = arith.index_cast %add3A_208 : i32 to index
          %swap3A_245 = arith.constant 64 : index
          %swap3A_246 = tpu.vector_load %arg12[%swap3A_244, %swap3A_245] {strides = array<i32>} : memref<96x128xf32, #tpu.memory_space<vmem>>, vector<16xf32>,
          tpu.vector_store %arg12[%swap3A_244, %swap3A_245], %mul3A_243 {strides = array<i32>} : memref<96x128xf32, #tpu.memory_space<vmem>>, vector<16xf32>,
          %get3A_247 = arith.index_cast %add3A_208 : i32 to index
          %get3A_248 = arith.constant 80 : index
          %get3A_249 = tpu.vector_load %arg12[%get3A_247, %get3A_248] {strides = array<i32>} : memref<96x128xf32, #tpu.memory_space<vmem>>, vector<16xf32>,
          %mul3A_250 = arith.mulf %get3A_249, %gather3A_211 : vector<16xf32>
          %swap3A_251 = arith.index_cast %add3A_208 : i32 to index
          %swap3A_252 = arith.constant 80 : index
          %swap3A_253 = tpu.vector_load %arg12[%swap3A_251, %swap3A_252] {strides = array<i32>} : memref<96x128xf32, #tpu.memory_space<vmem>>, vector<16xf32>,
          tpu.vector_store %arg12[%swap3A_251, %swap3A_252], %mul3A_250 {strides = array<i32>} : memref<96x128xf32, #tpu.memory_space<vmem>>, vector<16xf32>,
          %get3A_254 = arith.index_cast %add3A_208 : i32 to index
          %get3A_255 = arith.constant 96 : index
          %get3A_256 = tpu.vector_load %arg12[%get3A_254, %get3A_255] {strides = array<i32>} : memref<96x128xf32, #tpu.memory_space<vmem>>, vector<16xf32>,
          %mul3A_257 = arith.mulf %get3A_256, %gather3A_211 : vector<16xf32>
          %swap3A_258 = arith.index_cast %add3A_208 : i32 to index
          %swap3A_259 = arith.constant 96 : index
          %swap3A_260 = tpu.vector_load %arg12[%swap3A_258, %swap3A_259] {strides = array<i32>} : memref<96x128xf32, #tpu.memory_space<vmem>>, vector<16xf32>,
          tpu.vector_store %arg12[%swap3A_258, %swap3A_259], %mul3A_257 {strides = array<i32>} : memref<96x128xf32, #tpu.memory_space<vmem>>, vector<16xf32>,
          %get3A_261 = arith.index_cast %add3A_208 : i32 to index
          %get3A_262 = arith.constant 112 : index
          %get3A_263 = tpu.vector_load %arg12[%get3A_261, %get3A_262] {strides = array<i32>} : memref<96x128xf32, #tpu.memory_space<vmem>>, vector<16xf32>,
          %mul3A_264 = arith.mulf %get3A_263, %gather3A_211 : vector<16xf32>
          %swap3A_265 = arith.index_cast %add3A_208 : i32 to index
          %swap3A_266 = arith.constant 112 : index
          %swap3A_267 = tpu.vector_load %arg12[%swap3A_265, %swap3A_266] {strides = array<i32>} : memref<96x128xf32, #tpu.memory_space<vmem>>, vector<16xf32>,
          tpu.vector_store %arg12[%swap3A_265, %swap3A_266], %mul3A_264 {strides = array<i32>} : memref<96x128xf32, #tpu.memory_space<vmem>>, vector<16xf32>,
          %mul3A_268 = arith.constant 4 : i32
          %mul3A_269 = arith.muli %mul3A_268, %scan3A_144 : i32
          %add3A_270 = arith.constant 2 : i32
          %add3A_271 = arith.addi %mul3A_269, %add3A_270 : i32
          %add3A_272 = vector.broadcast %add3A_271 : i32 to vector<16xi32>
          %add3A_273 = arith.addi %add3A_95, %add3A_272 : vector<16xi32>
          %gather3A_274 = tpu.vector_load_idx %arg10[%add3A_273] : memref<2592xf32, #tpu.memory_space<vmem>>[vector<16xi32>], vector<16xf32>,
          %get3A_275 = arith.index_cast %add3A_271 : i32 to index
          %get3A_276 = arith.constant 0 : index
          %get3A_277 = tpu.vector_load %arg12[%get3A_275, %get3A_276] {strides = array<i32>} : memref<96x128xf32, #tpu.memory_space<vmem>>, vector<16xf32>,
          %mul3A_278 = arith.mulf %get3A_277, %gather3A_274 : vector<16xf32>
          %swap3A_279 = arith.index_cast %add3A_271 : i32 to index
          %swap3A_280 = arith.constant 0 : index
          %swap3A_281 = tpu.vector_load %arg12[%swap3A_279, %swap3A_280] {strides = array<i32>} : memref<96x128xf32, #tpu.memory_space<vmem>>, vector<16xf32>,
          tpu.vector_store %arg12[%swap3A_279, %swap3A_280], %mul3A_278 {strides = array<i32>} : memref<96x128xf32, #tpu.memory_space<vmem>>, vector<16xf32>,
          %get3A_282 = arith.index_cast %add3A_271 : i32 to index
          %get3A_283 = arith.constant 16 : index
          %get3A_284 = tpu.vector_load %arg12[%get3A_282, %get3A_283] {strides = array<i32>} : memref<96x128xf32, #tpu.memory_space<vmem>>, vector<16xf32>,
          %mul3A_285 = arith.mulf %get3A_284, %gather3A_274 : vector<16xf32>
          %swap3A_286 = arith.index_cast %add3A_271 : i32 to index
          %swap3A_287 = arith.constant 16 : index
          %swap3A_288 = tpu.vector_load %arg12[%swap3A_286, %swap3A_287] {strides = array<i32>} : memref<96x128xf32, #tpu.memory_space<vmem>>, vector<16xf32>,
          tpu.vector_store %arg12[%swap3A_286, %swap3A_287], %mul3A_285 {strides = array<i32>} : memref<96x128xf32, #tpu.memory_space<vmem>>, vector<16xf32>,
          %get3A_289 = arith.index_cast %add3A_271 : i32 to index
          %get3A_290 = arith.constant 32 : index
          %get3A_291 = tpu.vector_load %arg12[%get3A_289, %get3A_290] {strides = array<i32>} : memref<96x128xf32, #tpu.memory_space<vmem>>, vector<16xf32>,
          %mul3A_292 = arith.mulf %get3A_291, %gather3A_274 : vector<16xf32>
          %swap3A_293 = arith.index_cast %add3A_271 : i32 to index
          %swap3A_294 = arith.constant 32 : index
          %swap3A_295 = tpu.vector_load %arg12[%swap3A_293, %swap3A_294] {strides = array<i32>} : memref<96x128xf32, #tpu.memory_space<vmem>>, vector<16xf32>,
          tpu.vector_store %arg12[%swap3A_293, %swap3A_294], %mul3A_292 {strides = array<i32>} : memref<96x128xf32, #tpu.memory_space<vmem>>, vector<16xf32>,
          %get3A_296 = arith.index_cast %add3A_271 : i32 to index
          %get3A_297 = arith.constant 48 : index
          %get3A_298 = tpu.vector_load %arg12[%get3A_296, %get3A_297] {strides = array<i32>} : memref<96x128xf32, #tpu.memory_space<vmem>>, vector<16xf32>,
          %mul3A_299 = arith.mulf %get3A_298, %gather3A_274 : vector<16xf32>
          %swap3A_300 = arith.index_cast %add3A_271 : i32 to index
          %swap3A_301 = arith.constant 48 : index
          %swap3A_302 = tpu.vector_load %arg12[%swap3A_300, %swap3A_301] {strides = array<i32>} : memref<96x128xf32, #tpu.memory_space<vmem>>, vector<16xf32>,
          tpu.vector_store %arg12[%swap3A_300, %swap3A_301], %mul3A_299 {strides = array<i32>} : memref<96x128xf32, #tpu.memory_space<vmem>>, vector<16xf32>,
          %get3A_303 = arith.index_cast %add3A_271 : i32 to index
          %get3A_304 = arith.constant 64 : index
          %get3A_305 = tpu.vector_load %arg12[%get3A_303, %get3A_304] {strides = array<i32>} : memref<96x128xf32, #tpu.memory_space<vmem>>, vector<16xf32>,
          %mul3A_306 = arith.mulf %get3A_305, %gather3A_274 : vector<16xf32>
          %swap3A_307 = arith.index_cast %add3A_271 : i32 to index
          %swap3A_308 = arith.constant 64 : index
          %swap3A_309 = tpu.vector_load %arg12[%swap3A_307, %swap3A_308] {strides = array<i32>} : memref<96x128xf32, #tpu.memory_space<vmem>>, vector<16xf32>,
          tpu.vector_store %arg12[%swap3A_307, %swap3A_308], %mul3A_306 {strides = array<i32>} : memref<96x128xf32, #tpu.memory_space<vmem>>, vector<16xf32>,
          %get3A_310 = arith.index_cast %add3A_271 : i32 to index
          %get3A_311 = arith.constant 80 : index
          %get3A_312 = tpu.vector_load %arg12[%get3A_310, %get3A_311] {strides = array<i32>} : memref<96x128xf32, #tpu.memory_space<vmem>>, vector<16xf32>,
          %mul3A_313 = arith.mulf %get3A_312, %gather3A_274 : vector<16xf32>
          %swap3A_314 = arith.index_cast %add3A_271 : i32 to index
          %swap3A_315 = arith.constant 80 : index
          %swap3A_316 = tpu.vector_load %arg12[%swap3A_314, %swap3A_315] {strides = array<i32>} : memref<96x128xf32, #tpu.memory_space<vmem>>, vector<16xf32>,
          tpu.vector_store %arg12[%swap3A_314, %swap3A_315], %mul3A_313 {strides = array<i32>} : memref<96x128xf32, #tpu.memory_space<vmem>>, vector<16xf32>,
          %get3A_317 = arith.index_cast %add3A_271 : i32 to index
          %get3A_318 = arith.constant 96 : index
          %get3A_319 = tpu.vector_load %arg12[%get3A_317, %get3A_318] {strides = array<i32>} : memref<96x128xf32, #tpu.memory_space<vmem>>, vector<16xf32>,
          %mul3A_320 = arith.mulf %get3A_319, %gather3A_274 : vector<16xf32>
          %swap3A_321 = arith.index_cast %add3A_271 : i32 to index
          %swap3A_322 = arith.constant 96 : index
          %swap3A_323 = tpu.vector_load %arg12[%swap3A_321, %swap3A_322] {strides = array<i32>} : memref<96x128xf32, #tpu.memory_space<vmem>>, vector<16xf32>,
          tpu.vector_store %arg12[%swap3A_321, %swap3A_322], %mul3A_320 {strides = array<i32>} : memref<96x128xf32, #tpu.memory_space<vmem>>, vector<16xf32>,
          %get3A_324 = arith.index_cast %add3A_271 : i32 to index
          %get3A_325 = arith.constant 112 : index
          %get3A_326 = tpu.vector_load %arg12[%get3A_324, %get3A_325] {strides = array<i32>} : memref<96x128xf32, #tpu.memory_space<vmem>>, vector<16xf32>,
          %mul3A_327 = arith.mulf %get3A_326, %gather3A_274 : vector<16xf32>
          %swap3A_328 = arith.index_cast %add3A_271 : i32 to index
          %swap3A_329 = arith.constant 112 : index
          %swap3A_330 = tpu.vector_load %arg12[%swap3A_328, %swap3A_329] {strides = array<i32>} : memref<96x128xf32, #tpu.memory_space<vmem>>, vector<16xf32>,
          tpu.vector_store %arg12[%swap3A_328, %swap3A_329], %mul3A_327 {strides = array<i32>} : memref<96x128xf32, #tpu.memory_space<vmem>>, vector<16xf32>,
          %mul3A_331 = arith.constant 4 : i32
          %mul3A_332 = arith.muli %mul3A_331, %scan3A_144 : i32
          %add3A_333 = arith.constant 3 : i32
          %add3A_334 = arith.addi %mul3A_332, %add3A_333 : i32
          %add3A_335 = vector.broadcast %add3A_334 : i32 to vector<16xi32>
          %add3A_336 = arith.addi %add3A_95, %add3A_335 : vector<16xi32>
          %gather3A_337 = tpu.vector_load_idx %arg10[%add3A_336] : memref<2592xf32, #tpu.memory_space<vmem>>[vector<16xi32>], vector<16xf32>,
          %get3A_338 = arith.index_cast %add3A_334 : i32 to index
          %get3A_339 = arith.constant 0 : index
          %get3A_340 = tpu.vector_load %arg12[%get3A_338, %get3A_339] {strides = array<i32>} : memref<96x128xf32, #tpu.memory_space<vmem>>, vector<16xf32>,
          %mul3A_341 = arith.mulf %get3A_340, %gather3A_337 : vector<16xf32>
          %swap3A_342 = arith.index_cast %add3A_334 : i32 to index
          %swap3A_343 = arith.constant 0 : index
          %swap3A_344 = tpu.vector_load %arg12[%swap3A_342, %swap3A_343] {strides = array<i32>} : memref<96x128xf32, #tpu.memory_space<vmem>>, vector<16xf32>,
          tpu.vector_store %arg12[%swap3A_342, %swap3A_343], %mul3A_341 {strides = array<i32>} : memref<96x128xf32, #tpu.memory_space<vmem>>, vector<16xf32>,
          %get3A_345 = arith.index_cast %add3A_334 : i32 to index
          %get3A_346 = arith.constant 16 : index
          %get3A_347 = tpu.vector_load %arg12[%get3A_345, %get3A_346] {strides = array<i32>} : memref<96x128xf32, #tpu.memory_space<vmem>>, vector<16xf32>,
          %mul3A_348 = arith.mulf %get3A_347, %gather3A_337 : vector<16xf32>
          %swap3A_349 = arith.index_cast %add3A_334 : i32 to index
          %swap3A_350 = arith.constant 16 : index
          %swap3A_351 = tpu.vector_load %arg12[%swap3A_349, %swap3A_350] {strides = array<i32>} : memref<96x128xf32, #tpu.memory_space<vmem>>, vector<16xf32>,
          tpu.vector_store %arg12[%swap3A_349, %swap3A_350], %mul3A_348 {strides = array<i32>} : memref<96x128xf32, #tpu.memory_space<vmem>>, vector<16xf32>,
          %get3A_352 = arith.index_cast %add3A_334 : i32 to index
          %get3A_353 = arith.constant 32 : index
          %get3A_354 = tpu.vector_load %arg12[%get3A_352, %get3A_353] {strides = array<i32>} : memref<96x128xf32, #tpu.memory_space<vmem>>, vector<16xf32>,
          %mul3A_355 = arith.mulf %get3A_354, %gather3A_337 : vector<16xf32>
          %swap3A_356 = arith.index_cast %add3A_334 : i32 to index
          %swap3A_357 = arith.constant 32 : index
          %swap3A_358 = tpu.vector_load %arg12[%swap3A_356, %swap3A_357] {strides = array<i32>} : memref<96x128xf32, #tpu.memory_space<vmem>>, vector<16xf32>,
          tpu.vector_store %arg12[%swap3A_356, %swap3A_357], %mul3A_355 {strides = array<i32>} : memref<96x128xf32, #tpu.memory_space<vmem>>, vector<16xf32>,
          %get3A_359 = arith.index_cast %add3A_334 : i32 to index
          %get3A_360 = arith.constant 48 : index
          %get3A_361 = tpu.vector_load %arg12[%get3A_359, %get3A_360] {strides = array<i32>} : memref<96x128xf32, #tpu.memory_space<vmem>>, vector<16xf32>,
          %mul3A_362 = arith.mulf %get3A_361, %gather3A_337 : vector<16xf32>
          %swap3A_363 = arith.index_cast %add3A_334 : i32 to index
          %swap3A_364 = arith.constant 48 : index
          %swap3A_365 = tpu.vector_load %arg12[%swap3A_363, %swap3A_364] {strides = array<i32>} : memref<96x128xf32, #tpu.memory_space<vmem>>, vector<16xf32>,
          tpu.vector_store %arg12[%swap3A_363, %swap3A_364], %mul3A_362 {strides = array<i32>} : memref<96x128xf32, #tpu.memory_space<vmem>>, vector<16xf32>,
          %get3A_366 = arith.index_cast %add3A_334 : i32 to index
          %get3A_367 = arith.constant 64 : index
          %get3A_368 = tpu.vector_load %arg12[%get3A_366, %get3A_367] {strides = array<i32>} : memref<96x128xf32, #tpu.memory_space<vmem>>, vector<16xf32>,
          %mul3A_369 = arith.mulf %get3A_368, %gather3A_337 : vector<16xf32>
          %swap3A_370 = arith.index_cast %add3A_334 : i32 to index
          %swap3A_371 = arith.constant 64 : index
          %swap3A_372 = tpu.vector_load %arg12[%swap3A_370, %swap3A_371] {strides = array<i32>} : memref<96x128xf32, #tpu.memory_space<vmem>>, vector<16xf32>,
          tpu.vector_store %arg12[%swap3A_370, %swap3A_371], %mul3A_369 {strides = array<i32>} : memref<96x128xf32, #tpu.memory_space<vmem>>, vector<16xf32>,
          %get3A_373 = arith.index_cast %add3A_334 : i32 to index
          %get3A_374 = arith.constant 80 : index
          %get3A_375 = tpu.vector_load %arg12[%get3A_373, %get3A_374] {strides = array<i32>} : memref<96x128xf32, #tpu.memory_space<vmem>>, vector<16xf32>,
          %mul3A_376 = arith.mulf %get3A_375, %gather3A_337 : vector<16xf32>
          %swap3A_377 = arith.index_cast %add3A_334 : i32 to index
          %swap3A_378 = arith.constant 80 : index
          %swap3A_379 = tpu.vector_load %arg12[%swap3A_377, %swap3A_378] {strides = array<i32>} : memref<96x128xf32, #tpu.memory_space<vmem>>, vector<16xf32>,
          tpu.vector_store %arg12[%swap3A_377, %swap3A_378], %mul3A_376 {strides = array<i32>} : memref<96x128xf32, #tpu.memory_space<vmem>>, vector<16xf32>,
          %get3A_380 = arith.index_cast %add3A_334 : i32 to index
          %get3A_381 = arith.constant 96 : index
          %get3A_382 = tpu.vector_load %arg12[%get3A_380, %get3A_381] {strides = array<i32>} : memref<96x128xf32, #tpu.memory_space<vmem>>, vector<16xf32>,
          %mul3A_383 = arith.mulf %get3A_382, %gather3A_337 : vector<16xf32>
          %swap3A_384 = arith.index_cast %add3A_334 : i32 to index
          %swap3A_385 = arith.constant 96 : index
          %swap3A_386 = tpu.vector_load %arg12[%swap3A_384, %swap3A_385] {strides = array<i32>} : memref<96x128xf32, #tpu.memory_space<vmem>>, vector<16xf32>,
          tpu.vector_store %arg12[%swap3A_384, %swap3A_385], %mul3A_383 {strides = array<i32>} : memref<96x128xf32, #tpu.memory_space<vmem>>, vector<16xf32>,
          %get3A_387 = arith.index_cast %add3A_334 : i32 to index
          %get3A_388 = arith.constant 112 : index
          %get3A_389 = tpu.vector_load %arg12[%get3A_387, %get3A_388] {strides = array<i32>} : memref<96x128xf32, #tpu.memory_space<vmem>>, vector<16xf32>,
          %mul3A_390 = arith.mulf %get3A_389, %gather3A_337 : vector<16xf32>
          %swap3A_391 = arith.index_cast %add3A_334 : i32 to index
          %swap3A_392 = arith.constant 112 : index
          %swap3A_393 = tpu.vector_load %arg12[%swap3A_391, %swap3A_392] {strides = array<i32>} : memref<96x128xf32, #tpu.memory_space<vmem>>, vector<16xf32>,
          tpu.vector_store %arg12[%swap3A_391, %swap3A_392], %mul3A_390 {strides = array<i32>} : memref<96x128xf32, #tpu.memory_space<vmem>>, vector<16xf32>,
        }
        %scan3A_100 = arith.constant 24 : i32
        %dma_start3A_101 = arith.constant 0 : i32
        %dma_start3A_102 = tpu.memref_slice %arg9[%add3A_73, %dma_start3A_101] : memref<27x96xi32, #tpu.memory_space<vmem>> -> memref<1x96xi32, #tpu.memory_space<vmem>>
        %dma_start3A_103 = tpu.memref_squeeze %dma_start3A_102 : memref<1x96xi32, #tpu.memory_space<vmem>> -> memref<96xi32, #tpu.memory_space<vmem>>
        %dma_start3A_104 = arith.constant 0 : i32
        %dma_start3A_105 = arith.constant 0 : i32
        %dma_start3A_106 = tpu.memref_slice %arg14[%dma_start3A_104, %dma_start3A_105] : memref<10240x128xf32, #tpu.memory_space<vmem_shared>> -> memref<10240x128xf32, #tpu.memory_space<vmem_shared>>
        tpu.enqueue_indirect_dma source(%arg12 : memref<96x128xf32, #tpu.memory_space<vmem>>) target(%dma_start3A_106 : memref<10240x128xf32, #tpu.memory_space<vmem_shared>>) offsets(%dma_start3A_103 : memref<96xi32, #tpu.memory_space<vmem>>) semaphore(%arg19 : memref<!tpu.dma_semaphore, #tpu.memory_space<semaphore_mem>>) {add = true}
        %mul3A_107 = arith.constant 3 : i32
        %mul3A_108 = arith.muli %mul3A_107, %scan3A_37 : i32
        %add3A_109 = arith.constant 2 : i32
        %add3A_110 = arith.addi %mul3A_108, %add3A_109 : i32
        %ge3A_111 = arith.constant 2 : i32
        %ge3A_112 = arith.cmpi sge, %add3A_110, %ge3A_111 : i32
        %convert_element_type3A_113 = arith.extui %ge3A_112 : i1 to i32
        %cond3A_114 = arith.constant 0 : i32
        %cond3A_115 = arith.cmpi ne, %convert_element_type3A_113, %cond3A_114 : i32
        scf.if %cond3A_115 {
          %sub3A = arith.constant 2 : i32
          %sub3A_144 = arith.subi %add3A_110, %sub3A : i32
          %dma_wait3A_145 = arith.constant 0 : i32
          %dma_wait3A_146 = tpu.memref_slice %arg9[%sub3A_144, %dma_wait3A_145] : memref<27x96xi32, #tpu.memory_space<vmem>> -> memref<1x96xi32, #tpu.memory_space<vmem>>
          %dma_wait3A_147 = tpu.memref_squeeze %dma_wait3A_146 : memref<1x96xi32, #tpu.memory_space<vmem>> -> memref<96xi32, #tpu.memory_space<vmem>>
          %dma_wait3A_148 = arith.constant 0 : i32
          %dma_wait3A_149 = arith.constant 0 : i32
          %dma_wait3A_150 = tpu.memref_slice %arg14[%dma_wait3A_148, %dma_wait3A_149] : memref<10240x128xf32, #tpu.memory_space<vmem_shared>> -> memref<10240x128xf32, #tpu.memory_space<vmem_shared>>
          tpu.wait_indirect_dma semaphore(%arg18 : memref<!tpu.dma_semaphore, #tpu.memory_space<semaphore_mem>>) src(%arg11 : memref<96x128xf32, #tpu.memory_space<vmem>>) dst(%dma_wait3A_150 : memref<10240x128xf32, #tpu.memory_space<vmem_shared>>)
        } else {
        }
        %lt3A_116 = arith.constant 26 : i32
        %lt3A_117 = arith.cmpi slt, %add3A_110, %lt3A_116 : i32
        %convert_element_type3A_118 = arith.extui %lt3A_117 : i1 to i32
        %cond3A_119 = arith.constant 0 : i32
        %cond3A_120 = arith.cmpi ne, %convert_element_type3A_118, %cond3A_119 : i32
        scf.if %cond3A_120 {
          %add3A_144 = arith.constant 1 : i32
          %add3A_145 = arith.addi %add3A_110, %add3A_144 : i32
          %dma_start3A_146 = arith.constant 0 : i32
          %dma_start3A_147 = tpu.memref_slice %arg8[%add3A_145, %dma_start3A_146] : memref<27x96xi32, #tpu.memory_space<vmem>> -> memref<1x96xi32, #tpu.memory_space<vmem>>
          %dma_start3A_148 = tpu.memref_squeeze %dma_start3A_147 : memref<1x96xi32, #tpu.memory_space<vmem>> -> memref<96xi32, #tpu.memory_space<vmem>>
          %dma_start3A_149 = arith.constant 0 : i32
          %dma_start3A_150 = arith.constant 0 : i32
          %dma_start3A_151 = tpu.memref_slice %arg2[%dma_start3A_149, %dma_start3A_150] : memref<10240x128xf32, #tpu.memory_space<hbm>> -> memref<10240x128xf32, #tpu.memory_space<hbm>>
          tpu.enqueue_indirect_dma source(%dma_start3A_151 : memref<10240x128xf32, #tpu.memory_space<hbm>>) target(%arg11 : memref<96x128xf32, #tpu.memory_space<vmem>>) offsets(%dma_start3A_148 : memref<96xi32, #tpu.memory_space<vmem>>) semaphore(%arg15 : memref<!tpu.dma_semaphore, #tpu.memory_space<semaphore_mem>>)
        } else {
        }
        %dma_wait3A_121 = arith.constant 0 : i32
        %dma_wait3A_122 = tpu.memref_slice %arg8[%add3A_110, %dma_wait3A_121] : memref<27x96xi32, #tpu.memory_space<vmem>> -> memref<1x96xi32, #tpu.memory_space<vmem>>
        %dma_wait3A_123 = tpu.memref_squeeze %dma_wait3A_122 : memref<1x96xi32, #tpu.memory_space<vmem>> -> memref<96xi32, #tpu.memory_space<vmem>>
        %dma_wait3A_124 = arith.constant 0 : i32
        %dma_wait3A_125 = arith.constant 0 : i32
        %dma_wait3A_126 = tpu.memref_slice %arg2[%dma_wait3A_124, %dma_wait3A_125] : memref<10240x128xf32, #tpu.memory_space<hbm>> -> memref<10240x128xf32, #tpu.memory_space<hbm>>
        tpu.wait_indirect_dma semaphore(%arg17 : memref<!tpu.dma_semaphore, #tpu.memory_space<semaphore_mem>>) src(%dma_wait3A_126 : memref<10240x128xf32, #tpu.memory_space<hbm>>) dst(%arg13 : memref<96x128xf32, #tpu.memory_space<vmem>>)
        %broadcast_in_dim3A_127 = arith.constant 0 : i32
        %broadcast_in_dim3A_128 = vector.broadcast %broadcast_in_dim3A_127 : i32 to vector<16xi32>
        %mul3A_129 = arith.constant 96 : i32
        %mul3A_130 = arith.muli %add3A_110, %mul3A_129 : i32
        %add3A_131 = vector.broadcast %mul3A_130 : i32 to vector<16xi32>
        %add3A_132 = arith.addi %broadcast_in_dim3A_128, %add3A_131 : vector<16xi32>
        %scan3A_133 = arith.constant 0 : i32
        %scan3A_134 = arith.constant 24 : i32
        %scan3A_135 = arith.addi %scan3A_133, %scan3A_134 : i32
        %scan3A_136 = arith.constant 1 : i32
        scf.for %scan3A_144 = %scan3A_133 to %scan3A_135 step %scan3A_136  : i32 {
          %mul3A_145 = arith.constant 4 : i32
          %mul3A_146 = arith.muli %mul3A_145, %scan3A_144 : i32
          %add3A_147 = arith.constant 0 : i32
          %add3A_148 = arith.addi %mul3A_146, %add3A_147 : i32
          %add3A_149 = vector.broadcast %add3A_148 : i32 to vector<16xi32>
          %add3A_150 = arith.addi %add3A_132, %add3A_149 : vector<16xi32>
          %gather3A = tpu.vector_load_idx %arg10[%add3A_150] : memref<2592xf32, #tpu.memory_space<vmem>>[vector<16xi32>], vector<16xf32>,
          %get3A = arith.index_cast %add3A_148 : i32 to index
          %get3A_151 = arith.constant 0 : index
          %get3A_152 = tpu.vector_load %arg13[%get3A, %get3A_151] {strides = array<i32>} : memref<96x128xf32, #tpu.memory_space<vmem>>, vector<16xf32>,
          %mul3A_153 = arith.mulf %get3A_152, %gather3A : vector<16xf32>
          %swap3A = arith.index_cast %add3A_148 : i32 to index
          %swap3A_154 = arith.constant 0 : index
          %swap3A_155 = tpu.vector_load %arg13[%swap3A, %swap3A_154] {strides = array<i32>} : memref<96x128xf32, #tpu.memory_space<vmem>>, vector<16xf32>,
          tpu.vector_store %arg13[%swap3A, %swap3A_154], %mul3A_153 {strides = array<i32>} : memref<96x128xf32, #tpu.memory_space<vmem>>, vector<16xf32>,
          %get3A_156 = arith.index_cast %add3A_148 : i32 to index
          %get3A_157 = arith.constant 16 : index
          %get3A_158 = tpu.vector_load %arg13[%get3A_156, %get3A_157] {strides = array<i32>} : memref<96x128xf32, #tpu.memory_space<vmem>>, vector<16xf32>,
          %mul3A_159 = arith.mulf %get3A_158, %gather3A : vector<16xf32>
          %swap3A_160 = arith.index_cast %add3A_148 : i32 to index
          %swap3A_161 = arith.constant 16 : index
          %swap3A_162 = tpu.vector_load %arg13[%swap3A_160, %swap3A_161] {strides = array<i32>} : memref<96x128xf32, #tpu.memory_space<vmem>>, vector<16xf32>,
          tpu.vector_store %arg13[%swap3A_160, %swap3A_161], %mul3A_159 {strides = array<i32>} : memref<96x128xf32, #tpu.memory_space<vmem>>, vector<16xf32>,
          %get3A_163 = arith.index_cast %add3A_148 : i32 to index
          %get3A_164 = arith.constant 32 : index
          %get3A_165 = tpu.vector_load %arg13[%get3A_163, %get3A_164] {strides = array<i32>} : memref<96x128xf32, #tpu.memory_space<vmem>>, vector<16xf32>,
          %mul3A_166 = arith.mulf %get3A_165, %gather3A : vector<16xf32>
          %swap3A_167 = arith.index_cast %add3A_148 : i32 to index
          %swap3A_168 = arith.constant 32 : index
          %swap3A_169 = tpu.vector_load %arg13[%swap3A_167, %swap3A_168] {strides = array<i32>} : memref<96x128xf32, #tpu.memory_space<vmem>>, vector<16xf32>,
          tpu.vector_store %arg13[%swap3A_167, %swap3A_168], %mul3A_166 {strides = array<i32>} : memref<96x128xf32, #tpu.memory_space<vmem>>, vector<16xf32>,
          %get3A_170 = arith.index_cast %add3A_148 : i32 to index
          %get3A_171 = arith.constant 48 : index
          %get3A_172 = tpu.vector_load %arg13[%get3A_170, %get3A_171] {strides = array<i32>} : memref<96x128xf32, #tpu.memory_space<vmem>>, vector<16xf32>,
          %mul3A_173 = arith.mulf %get3A_172, %gather3A : vector<16xf32>
          %swap3A_174 = arith.index_cast %add3A_148 : i32 to index
          %swap3A_175 = arith.constant 48 : index
          %swap3A_176 = tpu.vector_load %arg13[%swap3A_174, %swap3A_175] {strides = array<i32>} : memref<96x128xf32, #tpu.memory_space<vmem>>, vector<16xf32>,
          tpu.vector_store %arg13[%swap3A_174, %swap3A_175], %mul3A_173 {strides = array<i32>} : memref<96x128xf32, #tpu.memory_space<vmem>>, vector<16xf32>,
          %get3A_177 = arith.index_cast %add3A_148 : i32 to index
          %get3A_178 = arith.constant 64 : index
          %get3A_179 = tpu.vector_load %arg13[%get3A_177, %get3A_178] {strides = array<i32>} : memref<96x128xf32, #tpu.memory_space<vmem>>, vector<16xf32>,
          %mul3A_180 = arith.mulf %get3A_179, %gather3A : vector<16xf32>
          %swap3A_181 = arith.index_cast %add3A_148 : i32 to index
          %swap3A_182 = arith.constant 64 : index
          %swap3A_183 = tpu.vector_load %arg13[%swap3A_181, %swap3A_182] {strides = array<i32>} : memref<96x128xf32, #tpu.memory_space<vmem>>, vector<16xf32>,
          tpu.vector_store %arg13[%swap3A_181, %swap3A_182], %mul3A_180 {strides = array<i32>} : memref<96x128xf32, #tpu.memory_space<vmem>>, vector<16xf32>,
          %get3A_184 = arith.index_cast %add3A_148 : i32 to index
          %get3A_185 = arith.constant 80 : index
          %get3A_186 = tpu.vector_load %arg13[%get3A_184, %get3A_185] {strides = array<i32>} : memref<96x128xf32, #tpu.memory_space<vmem>>, vector<16xf32>,
          %mul3A_187 = arith.mulf %get3A_186, %gather3A : vector<16xf32>
          %swap3A_188 = arith.index_cast %add3A_148 : i32 to index
          %swap3A_189 = arith.constant 80 : index
          %swap3A_190 = tpu.vector_load %arg13[%swap3A_188, %swap3A_189] {strides = array<i32>} : memref<96x128xf32, #tpu.memory_space<vmem>>, vector<16xf32>,
          tpu.vector_store %arg13[%swap3A_188, %swap3A_189], %mul3A_187 {strides = array<i32>} : memref<96x128xf32, #tpu.memory_space<vmem>>, vector<16xf32>,
          %get3A_191 = arith.index_cast %add3A_148 : i32 to index
          %get3A_192 = arith.constant 96 : index
          %get3A_193 = tpu.vector_load %arg13[%get3A_191, %get3A_192] {strides = array<i32>} : memref<96x128xf32, #tpu.memory_space<vmem>>, vector<16xf32>,
          %mul3A_194 = arith.mulf %get3A_193, %gather3A : vector<16xf32>
          %swap3A_195 = arith.index_cast %add3A_148 : i32 to index
          %swap3A_196 = arith.constant 96 : index
          %swap3A_197 = tpu.vector_load %arg13[%swap3A_195, %swap3A_196] {strides = array<i32>} : memref<96x128xf32, #tpu.memory_space<vmem>>, vector<16xf32>,
          tpu.vector_store %arg13[%swap3A_195, %swap3A_196], %mul3A_194 {strides = array<i32>} : memref<96x128xf32, #tpu.memory_space<vmem>>, vector<16xf32>,
          %get3A_198 = arith.index_cast %add3A_148 : i32 to index
          %get3A_199 = arith.constant 112 : index
          %get3A_200 = tpu.vector_load %arg13[%get3A_198, %get3A_199] {strides = array<i32>} : memref<96x128xf32, #tpu.memory_space<vmem>>, vector<16xf32>,
          %mul3A_201 = arith.mulf %get3A_200, %gather3A : vector<16xf32>
          %swap3A_202 = arith.index_cast %add3A_148 : i32 to index
          %swap3A_203 = arith.constant 112 : index
          %swap3A_204 = tpu.vector_load %arg13[%swap3A_202, %swap3A_203] {strides = array<i32>} : memref<96x128xf32, #tpu.memory_space<vmem>>, vector<16xf32>,
          tpu.vector_store %arg13[%swap3A_202, %swap3A_203], %mul3A_201 {strides = array<i32>} : memref<96x128xf32, #tpu.memory_space<vmem>>, vector<16xf32>,
          %mul3A_205 = arith.constant 4 : i32
          %mul3A_206 = arith.muli %mul3A_205, %scan3A_144 : i32
          %add3A_207 = arith.constant 1 : i32
          %add3A_208 = arith.addi %mul3A_206, %add3A_207 : i32
          %add3A_209 = vector.broadcast %add3A_208 : i32 to vector<16xi32>
          %add3A_210 = arith.addi %add3A_132, %add3A_209 : vector<16xi32>
          %gather3A_211 = tpu.vector_load_idx %arg10[%add3A_210] : memref<2592xf32, #tpu.memory_space<vmem>>[vector<16xi32>], vector<16xf32>,
          %get3A_212 = arith.index_cast %add3A_208 : i32 to index
          %get3A_213 = arith.constant 0 : index
          %get3A_214 = tpu.vector_load %arg13[%get3A_212, %get3A_213] {strides = array<i32>} : memref<96x128xf32, #tpu.memory_space<vmem>>, vector<16xf32>,
          %mul3A_215 = arith.mulf %get3A_214, %gather3A_211 : vector<16xf32>
          %swap3A_216 = arith.index_cast %add3A_208 : i32 to index
          %swap3A_217 = arith.constant 0 : index
          %swap3A_218 = tpu.vector_load %arg13[%swap3A_216, %swap3A_217] {strides = array<i32>} : memref<96x128xf32, #tpu.memory_space<vmem>>, vector<16xf32>,
          tpu.vector_store %arg13[%swap3A_216, %swap3A_217], %mul3A_215 {strides = array<i32>} : memref<96x128xf32, #tpu.memory_space<vmem>>, vector<16xf32>,
          %get3A_219 = arith.index_cast %add3A_208 : i32 to index
          %get3A_220 = arith.constant 16 : index
          %get3A_221 = tpu.vector_load %arg13[%get3A_219, %get3A_220] {strides = array<i32>} : memref<96x128xf32, #tpu.memory_space<vmem>>, vector<16xf32>,
          %mul3A_222 = arith.mulf %get3A_221, %gather3A_211 : vector<16xf32>
          %swap3A_223 = arith.index_cast %add3A_208 : i32 to index
          %swap3A_224 = arith.constant 16 : index
          %swap3A_225 = tpu.vector_load %arg13[%swap3A_223, %swap3A_224] {strides = array<i32>} : memref<96x128xf32, #tpu.memory_space<vmem>>, vector<16xf32>,
          tpu.vector_store %arg13[%swap3A_223, %swap3A_224], %mul3A_222 {strides = array<i32>} : memref<96x128xf32, #tpu.memory_space<vmem>>, vector<16xf32>,
          %get3A_226 = arith.index_cast %add3A_208 : i32 to index
          %get3A_227 = arith.constant 32 : index
          %get3A_228 = tpu.vector_load %arg13[%get3A_226, %get3A_227] {strides = array<i32>} : memref<96x128xf32, #tpu.memory_space<vmem>>, vector<16xf32>,
          %mul3A_229 = arith.mulf %get3A_228, %gather3A_211 : vector<16xf32>
          %swap3A_230 = arith.index_cast %add3A_208 : i32 to index
          %swap3A_231 = arith.constant 32 : index
          %swap3A_232 = tpu.vector_load %arg13[%swap3A_230, %swap3A_231] {strides = array<i32>} : memref<96x128xf32, #tpu.memory_space<vmem>>, vector<16xf32>,
          tpu.vector_store %arg13[%swap3A_230, %swap3A_231], %mul3A_229 {strides = array<i32>} : memref<96x128xf32, #tpu.memory_space<vmem>>, vector<16xf32>,
          %get3A_233 = arith.index_cast %add3A_208 : i32 to index
          %get3A_234 = arith.constant 48 : index
          %get3A_235 = tpu.vector_load %arg13[%get3A_233, %get3A_234] {strides = array<i32>} : memref<96x128xf32, #tpu.memory_space<vmem>>, vector<16xf32>,
          %mul3A_236 = arith.mulf %get3A_235, %gather3A_211 : vector<16xf32>
          %swap3A_237 = arith.index_cast %add3A_208 : i32 to index
          %swap3A_238 = arith.constant 48 : index
          %swap3A_239 = tpu.vector_load %arg13[%swap3A_237, %swap3A_238] {strides = array<i32>} : memref<96x128xf32, #tpu.memory_space<vmem>>, vector<16xf32>,
          tpu.vector_store %arg13[%swap3A_237, %swap3A_238], %mul3A_236 {strides = array<i32>} : memref<96x128xf32, #tpu.memory_space<vmem>>, vector<16xf32>,
          %get3A_240 = arith.index_cast %add3A_208 : i32 to index
          %get3A_241 = arith.constant 64 : index
          %get3A_242 = tpu.vector_load %arg13[%get3A_240, %get3A_241] {strides = array<i32>} : memref<96x128xf32, #tpu.memory_space<vmem>>, vector<16xf32>,
          %mul3A_243 = arith.mulf %get3A_242, %gather3A_211 : vector<16xf32>
          %swap3A_244 = arith.index_cast %add3A_208 : i32 to index
          %swap3A_245 = arith.constant 64 : index
          %swap3A_246 = tpu.vector_load %arg13[%swap3A_244, %swap3A_245] {strides = array<i32>} : memref<96x128xf32, #tpu.memory_space<vmem>>, vector<16xf32>,
          tpu.vector_store %arg13[%swap3A_244, %swap3A_245], %mul3A_243 {strides = array<i32>} : memref<96x128xf32, #tpu.memory_space<vmem>>, vector<16xf32>,
          %get3A_247 = arith.index_cast %add3A_208 : i32 to index
          %get3A_248 = arith.constant 80 : index
          %get3A_249 = tpu.vector_load %arg13[%get3A_247, %get3A_248] {strides = array<i32>} : memref<96x128xf32, #tpu.memory_space<vmem>>, vector<16xf32>,
          %mul3A_250 = arith.mulf %get3A_249, %gather3A_211 : vector<16xf32>
          %swap3A_251 = arith.index_cast %add3A_208 : i32 to index
          %swap3A_252 = arith.constant 80 : index
          %swap3A_253 = tpu.vector_load %arg13[%swap3A_251, %swap3A_252] {strides = array<i32>} : memref<96x128xf32, #tpu.memory_space<vmem>>, vector<16xf32>,
          tpu.vector_store %arg13[%swap3A_251, %swap3A_252], %mul3A_250 {strides = array<i32>} : memref<96x128xf32, #tpu.memory_space<vmem>>, vector<16xf32>,
          %get3A_254 = arith.index_cast %add3A_208 : i32 to index
          %get3A_255 = arith.constant 96 : index
          %get3A_256 = tpu.vector_load %arg13[%get3A_254, %get3A_255] {strides = array<i32>} : memref<96x128xf32, #tpu.memory_space<vmem>>, vector<16xf32>,
          %mul3A_257 = arith.mulf %get3A_256, %gather3A_211 : vector<16xf32>
          %swap3A_258 = arith.index_cast %add3A_208 : i32 to index
          %swap3A_259 = arith.constant 96 : index
          %swap3A_260 = tpu.vector_load %arg13[%swap3A_258, %swap3A_259] {strides = array<i32>} : memref<96x128xf32, #tpu.memory_space<vmem>>, vector<16xf32>,
          tpu.vector_store %arg13[%swap3A_258, %swap3A_259], %mul3A_257 {strides = array<i32>} : memref<96x128xf32, #tpu.memory_space<vmem>>, vector<16xf32>,
          %get3A_261 = arith.index_cast %add3A_208 : i32 to index
          %get3A_262 = arith.constant 112 : index
          %get3A_263 = tpu.vector_load %arg13[%get3A_261, %get3A_262] {strides = array<i32>} : memref<96x128xf32, #tpu.memory_space<vmem>>, vector<16xf32>,
          %mul3A_264 = arith.mulf %get3A_263, %gather3A_211 : vector<16xf32>
          %swap3A_265 = arith.index_cast %add3A_208 : i32 to index
          %swap3A_266 = arith.constant 112 : index
          %swap3A_267 = tpu.vector_load %arg13[%swap3A_265, %swap3A_266] {strides = array<i32>} : memref<96x128xf32, #tpu.memory_space<vmem>>, vector<16xf32>,
          tpu.vector_store %arg13[%swap3A_265, %swap3A_266], %mul3A_264 {strides = array<i32>} : memref<96x128xf32, #tpu.memory_space<vmem>>, vector<16xf32>,
          %mul3A_268 = arith.constant 4 : i32
          %mul3A_269 = arith.muli %mul3A_268, %scan3A_144 : i32
          %add3A_270 = arith.constant 2 : i32
          %add3A_271 = arith.addi %mul3A_269, %add3A_270 : i32
          %add3A_272 = vector.broadcast %add3A_271 : i32 to vector<16xi32>
          %add3A_273 = arith.addi %add3A_132, %add3A_272 : vector<16xi32>
          %gather3A_274 = tpu.vector_load_idx %arg10[%add3A_273] : memref<2592xf32, #tpu.memory_space<vmem>>[vector<16xi32>], vector<16xf32>,
          %get3A_275 = arith.index_cast %add3A_271 : i32 to index
          %get3A_276 = arith.constant 0 : index
          %get3A_277 = tpu.vector_load %arg13[%get3A_275, %get3A_276] {strides = array<i32>} : memref<96x128xf32, #tpu.memory_space<vmem>>, vector<16xf32>,
          %mul3A_278 = arith.mulf %get3A_277, %gather3A_274 : vector<16xf32>
          %swap3A_279 = arith.index_cast %add3A_271 : i32 to index
          %swap3A_280 = arith.constant 0 : index
          %swap3A_281 = tpu.vector_load %arg13[%swap3A_279, %swap3A_280] {strides = array<i32>} : memref<96x128xf32, #tpu.memory_space<vmem>>, vector<16xf32>,
          tpu.vector_store %arg13[%swap3A_279, %swap3A_280], %mul3A_278 {strides = array<i32>} : memref<96x128xf32, #tpu.memory_space<vmem>>, vector<16xf32>,
          %get3A_282 = arith.index_cast %add3A_271 : i32 to index
          %get3A_283 = arith.constant 16 : index
          %get3A_284 = tpu.vector_load %arg13[%get3A_282, %get3A_283] {strides = array<i32>} : memref<96x128xf32, #tpu.memory_space<vmem>>, vector<16xf32>,
          %mul3A_285 = arith.mulf %get3A_284, %gather3A_274 : vector<16xf32>
          %swap3A_286 = arith.index_cast %add3A_271 : i32 to index
          %swap3A_287 = arith.constant 16 : index
          %swap3A_288 = tpu.vector_load %arg13[%swap3A_286, %swap3A_287] {strides = array<i32>} : memref<96x128xf32, #tpu.memory_space<vmem>>, vector<16xf32>,
          tpu.vector_store %arg13[%swap3A_286, %swap3A_287], %mul3A_285 {strides = array<i32>} : memref<96x128xf32, #tpu.memory_space<vmem>>, vector<16xf32>,
          %get3A_289 = arith.index_cast %add3A_271 : i32 to index
          %get3A_290 = arith.constant 32 : index
          %get3A_291 = tpu.vector_load %arg13[%get3A_289, %get3A_290] {strides = array<i32>} : memref<96x128xf32, #tpu.memory_space<vmem>>, vector<16xf32>,
          %mul3A_292 = arith.mulf %get3A_291, %gather3A_274 : vector<16xf32>
          %swap3A_293 = arith.index_cast %add3A_271 : i32 to index
          %swap3A_294 = arith.constant 32 : index
          %swap3A_295 = tpu.vector_load %arg13[%swap3A_293, %swap3A_294] {strides = array<i32>} : memref<96x128xf32, #tpu.memory_space<vmem>>, vector<16xf32>,
          tpu.vector_store %arg13[%swap3A_293, %swap3A_294], %mul3A_292 {strides = array<i32>} : memref<96x128xf32, #tpu.memory_space<vmem>>, vector<16xf32>,
          %get3A_296 = arith.index_cast %add3A_271 : i32 to index
          %get3A_297 = arith.constant 48 : index
          %get3A_298 = tpu.vector_load %arg13[%get3A_296, %get3A_297] {strides = array<i32>} : memref<96x128xf32, #tpu.memory_space<vmem>>, vector<16xf32>,
          %mul3A_299 = arith.mulf %get3A_298, %gather3A_274 : vector<16xf32>
          %swap3A_300 = arith.index_cast %add3A_271 : i32 to index
          %swap3A_301 = arith.constant 48 : index
          %swap3A_302 = tpu.vector_load %arg13[%swap3A_300, %swap3A_301] {strides = array<i32>} : memref<96x128xf32, #tpu.memory_space<vmem>>, vector<16xf32>,
          tpu.vector_store %arg13[%swap3A_300, %swap3A_301], %mul3A_299 {strides = array<i32>} : memref<96x128xf32, #tpu.memory_space<vmem>>, vector<16xf32>,
          %get3A_303 = arith.index_cast %add3A_271 : i32 to index
          %get3A_304 = arith.constant 64 : index
          %get3A_305 = tpu.vector_load %arg13[%get3A_303, %get3A_304] {strides = array<i32>} : memref<96x128xf32, #tpu.memory_space<vmem>>, vector<16xf32>,
          %mul3A_306 = arith.mulf %get3A_305, %gather3A_274 : vector<16xf32>
          %swap3A_307 = arith.index_cast %add3A_271 : i32 to index
          %swap3A_308 = arith.constant 64 : index
          %swap3A_309 = tpu.vector_load %arg13[%swap3A_307, %swap3A_308] {strides = array<i32>} : memref<96x128xf32, #tpu.memory_space<vmem>>, vector<16xf32>,
          tpu.vector_store %arg13[%swap3A_307, %swap3A_308], %mul3A_306 {strides = array<i32>} : memref<96x128xf32, #tpu.memory_space<vmem>>, vector<16xf32>,
          %get3A_310 = arith.index_cast %add3A_271 : i32 to index
          %get3A_311 = arith.constant 80 : index
          %get3A_312 = tpu.vector_load %arg13[%get3A_310, %get3A_311] {strides = array<i32>} : memref<96x128xf32, #tpu.memory_space<vmem>>, vector<16xf32>,
          %mul3A_313 = arith.mulf %get3A_312, %gather3A_274 : vector<16xf32>
          %swap3A_314 = arith.index_cast %add3A_271 : i32 to index
          %swap3A_315 = arith.constant 80 : index
          %swap3A_316 = tpu.vector_load %arg13[%swap3A_314, %swap3A_315] {strides = array<i32>} : memref<96x128xf32, #tpu.memory_space<vmem>>, vector<16xf32>,
          tpu.vector_store %arg13[%swap3A_314, %swap3A_315], %mul3A_313 {strides = array<i32>} : memref<96x128xf32, #tpu.memory_space<vmem>>, vector<16xf32>,
          %get3A_317 = arith.index_cast %add3A_271 : i32 to index
          %get3A_318 = arith.constant 96 : index
          %get3A_319 = tpu.vector_load %arg13[%get3A_317, %get3A_318] {strides = array<i32>} : memref<96x128xf32, #tpu.memory_space<vmem>>, vector<16xf32>,
          %mul3A_320 = arith.mulf %get3A_319, %gather3A_274 : vector<16xf32>
          %swap3A_321 = arith.index_cast %add3A_271 : i32 to index
          %swap3A_322 = arith.constant 96 : index
          %swap3A_323 = tpu.vector_load %arg13[%swap3A_321, %swap3A_322] {strides = array<i32>} : memref<96x128xf32, #tpu.memory_space<vmem>>, vector<16xf32>,
          tpu.vector_store %arg13[%swap3A_321, %swap3A_322], %mul3A_320 {strides = array<i32>} : memref<96x128xf32, #tpu.memory_space<vmem>>, vector<16xf32>,
          %get3A_324 = arith.index_cast %add3A_271 : i32 to index
          %get3A_325 = arith.constant 112 : index
          %get3A_326 = tpu.vector_load %arg13[%get3A_324, %get3A_325] {strides = array<i32>} : memref<96x128xf32, #tpu.memory_space<vmem>>, vector<16xf32>,
          %mul3A_327 = arith.mulf %get3A_326, %gather3A_274 : vector<16xf32>
          %swap3A_328 = arith.index_cast %add3A_271 : i32 to index
          %swap3A_329 = arith.constant 112 : index
          %swap3A_330 = tpu.vector_load %arg13[%swap3A_328, %swap3A_329] {strides = array<i32>} : memref<96x128xf32, #tpu.memory_space<vmem>>, vector<16xf32>,
          tpu.vector_store %arg13[%swap3A_328, %swap3A_329], %mul3A_327 {strides = array<i32>} : memref<96x128xf32, #tpu.memory_space<vmem>>, vector<16xf32>,
          %mul3A_331 = arith.constant 4 : i32
          %mul3A_332 = arith.muli %mul3A_331, %scan3A_144 : i32
          %add3A_333 = arith.constant 3 : i32
          %add3A_334 = arith.addi %mul3A_332, %add3A_333 : i32
          %add3A_335 = vector.broadcast %add3A_334 : i32 to vector<16xi32>
          %add3A_336 = arith.addi %add3A_132, %add3A_335 : vector<16xi32>
          %gather3A_337 = tpu.vector_load_idx %arg10[%add3A_336] : memref<2592xf32, #tpu.memory_space<vmem>>[vector<16xi32>], vector<16xf32>,
          %get3A_338 = arith.index_cast %add3A_334 : i32 to index
          %get3A_339 = arith.constant 0 : index
          %get3A_340 = tpu.vector_load %arg13[%get3A_338, %get3A_339] {strides = array<i32>} : memref<96x128xf32, #tpu.memory_space<vmem>>, vector<16xf32>,
          %mul3A_341 = arith.mulf %get3A_340, %gather3A_337 : vector<16xf32>
          %swap3A_342 = arith.index_cast %add3A_334 : i32 to index
          %swap3A_343 = arith.constant 0 : index
          %swap3A_344 = tpu.vector_load %arg13[%swap3A_342, %swap3A_343] {strides = array<i32>} : memref<96x128xf32, #tpu.memory_space<vmem>>, vector<16xf32>,
          tpu.vector_store %arg13[%swap3A_342, %swap3A_343], %mul3A_341 {strides = array<i32>} : memref<96x128xf32, #tpu.memory_space<vmem>>, vector<16xf32>,
          %get3A_345 = arith.index_cast %add3A_334 : i32 to index
          %get3A_346 = arith.constant 16 : index
          %get3A_347 = tpu.vector_load %arg13[%get3A_345, %get3A_346] {strides = array<i32>} : memref<96x128xf32, #tpu.memory_space<vmem>>, vector<16xf32>,
          %mul3A_348 = arith.mulf %get3A_347, %gather3A_337 : vector<16xf32>
          %swap3A_349 = arith.index_cast %add3A_334 : i32 to index
          %swap3A_350 = arith.constant 16 : index
          %swap3A_351 = tpu.vector_load %arg13[%swap3A_349, %swap3A_350] {strides = array<i32>} : memref<96x128xf32, #tpu.memory_space<vmem>>, vector<16xf32>,
          tpu.vector_store %arg13[%swap3A_349, %swap3A_350], %mul3A_348 {strides = array<i32>} : memref<96x128xf32, #tpu.memory_space<vmem>>, vector<16xf32>,
          %get3A_352 = arith.index_cast %add3A_334 : i32 to index
          %get3A_353 = arith.constant 32 : index
          %get3A_354 = tpu.vector_load %arg13[%get3A_352, %get3A_353] {strides = array<i32>} : memref<96x128xf32, #tpu.memory_space<vmem>>, vector<16xf32>,
          %mul3A_355 = arith.mulf %get3A_354, %gather3A_337 : vector<16xf32>
          %swap3A_356 = arith.index_cast %add3A_334 : i32 to index
          %swap3A_357 = arith.constant 32 : index
          %swap3A_358 = tpu.vector_load %arg13[%swap3A_356, %swap3A_357] {strides = array<i32>} : memref<96x128xf32, #tpu.memory_space<vmem>>, vector<16xf32>,
          tpu.vector_store %arg13[%swap3A_356, %swap3A_357], %mul3A_355 {strides = array<i32>} : memref<96x128xf32, #tpu.memory_space<vmem>>, vector<16xf32>,
          %get3A_359 = arith.index_cast %add3A_334 : i32 to index
          %get3A_360 = arith.constant 48 : index
          %get3A_361 = tpu.vector_load %arg13[%get3A_359, %get3A_360] {strides = array<i32>} : memref<96x128xf32, #tpu.memory_space<vmem>>, vector<16xf32>,
          %mul3A_362 = arith.mulf %get3A_361, %gather3A_337 : vector<16xf32>
          %swap3A_363 = arith.index_cast %add3A_334 : i32 to index
          %swap3A_364 = arith.constant 48 : index
          %swap3A_365 = tpu.vector_load %arg13[%swap3A_363, %swap3A_364] {strides = array<i32>} : memref<96x128xf32, #tpu.memory_space<vmem>>, vector<16xf32>,
          tpu.vector_store %arg13[%swap3A_363, %swap3A_364], %mul3A_362 {strides = array<i32>} : memref<96x128xf32, #tpu.memory_space<vmem>>, vector<16xf32>,
          %get3A_366 = arith.index_cast %add3A_334 : i32 to index
          %get3A_367 = arith.constant 64 : index
          %get3A_368 = tpu.vector_load %arg13[%get3A_366, %get3A_367] {strides = array<i32>} : memref<96x128xf32, #tpu.memory_space<vmem>>, vector<16xf32>,
          %mul3A_369 = arith.mulf %get3A_368, %gather3A_337 : vector<16xf32>
          %swap3A_370 = arith.index_cast %add3A_334 : i32 to index
          %swap3A_371 = arith.constant 64 : index
          %swap3A_372 = tpu.vector_load %arg13[%swap3A_370, %swap3A_371] {strides = array<i32>} : memref<96x128xf32, #tpu.memory_space<vmem>>, vector<16xf32>,
          tpu.vector_store %arg13[%swap3A_370, %swap3A_371], %mul3A_369 {strides = array<i32>} : memref<96x128xf32, #tpu.memory_space<vmem>>, vector<16xf32>,
          %get3A_373 = arith.index_cast %add3A_334 : i32 to index
          %get3A_374 = arith.constant 80 : index
          %get3A_375 = tpu.vector_load %arg13[%get3A_373, %get3A_374] {strides = array<i32>} : memref<96x128xf32, #tpu.memory_space<vmem>>, vector<16xf32>,
          %mul3A_376 = arith.mulf %get3A_375, %gather3A_337 : vector<16xf32>
          %swap3A_377 = arith.index_cast %add3A_334 : i32 to index
          %swap3A_378 = arith.constant 80 : index
          %swap3A_379 = tpu.vector_load %arg13[%swap3A_377, %swap3A_378] {strides = array<i32>} : memref<96x128xf32, #tpu.memory_space<vmem>>, vector<16xf32>,
          tpu.vector_store %arg13[%swap3A_377, %swap3A_378], %mul3A_376 {strides = array<i32>} : memref<96x128xf32, #tpu.memory_space<vmem>>, vector<16xf32>,
          %get3A_380 = arith.index_cast %add3A_334 : i32 to index
          %get3A_381 = arith.constant 96 : index
          %get3A_382 = tpu.vector_load %arg13[%get3A_380, %get3A_381] {strides = array<i32>} : memref<96x128xf32, #tpu.memory_space<vmem>>, vector<16xf32>,
          %mul3A_383 = arith.mulf %get3A_382, %gather3A_337 : vector<16xf32>
          %swap3A_384 = arith.index_cast %add3A_334 : i32 to index
          %swap3A_385 = arith.constant 96 : index
          %swap3A_386 = tpu.vector_load %arg13[%swap3A_384, %swap3A_385] {strides = array<i32>} : memref<96x128xf32, #tpu.memory_space<vmem>>, vector<16xf32>,
          tpu.vector_store %arg13[%swap3A_384, %swap3A_385], %mul3A_383 {strides = array<i32>} : memref<96x128xf32, #tpu.memory_space<vmem>>, vector<16xf32>,
          %get3A_387 = arith.index_cast %add3A_334 : i32 to index
          %get3A_388 = arith.constant 112 : index
          %get3A_389 = tpu.vector_load %arg13[%get3A_387, %get3A_388] {strides = array<i32>} : memref<96x128xf32, #tpu.memory_space<vmem>>, vector<16xf32>,
          %mul3A_390 = arith.mulf %get3A_389, %gather3A_337 : vector<16xf32>
          %swap3A_391 = arith.index_cast %add3A_334 : i32 to index
          %swap3A_392 = arith.constant 112 : index
          %swap3A_393 = tpu.vector_load %arg13[%swap3A_391, %swap3A_392] {strides = array<i32>} : memref<96x128xf32, #tpu.memory_space<vmem>>, vector<16xf32>,
          tpu.vector_store %arg13[%swap3A_391, %swap3A_392], %mul3A_390 {strides = array<i32>} : memref<96x128xf32, #tpu.memory_space<vmem>>, vector<16xf32>,
        }
        %scan3A_137 = arith.constant 24 : i32
        %dma_start3A_138 = arith.constant 0 : i32
        %dma_start3A_139 = tpu.memref_slice %arg9[%add3A_110, %dma_start3A_138] : memref<27x96xi32, #tpu.memory_space<vmem>> -> memref<1x96xi32, #tpu.memory_space<vmem>>
        %dma_start3A_140 = tpu.memref_squeeze %dma_start3A_139 : memref<1x96xi32, #tpu.memory_space<vmem>> -> memref<96xi32, #tpu.memory_space<vmem>>
        %dma_start3A_141 = arith.constant 0 : i32
        %dma_start3A_142 = arith.constant 0 : i32
        %dma_start3A_143 = tpu.memref_slice %arg14[%dma_start3A_141, %dma_start3A_142] : memref<10240x128xf32, #tpu.memory_space<vmem_shared>> -> memref<10240x128xf32, #tpu.memory_space<vmem_shared>>
        tpu.enqueue_indirect_dma source(%arg13 : memref<96x128xf32, #tpu.memory_space<vmem>>) target(%dma_start3A_143 : memref<10240x128xf32, #tpu.memory_space<vmem_shared>>) offsets(%dma_start3A_140 : memref<96xi32, #tpu.memory_space<vmem>>) semaphore(%arg20 : memref<!tpu.dma_semaphore, #tpu.memory_space<semaphore_mem>>) {add = true}
      }
      %scan3A_23 = arith.constant 9 : i32
      %dma_wait3A = arith.constant 25 : i32
      %dma_wait3A_24 = arith.constant 0 : i32
      %dma_wait3A_25 = tpu.memref_slice %arg9[%dma_wait3A, %dma_wait3A_24] : memref<27x96xi32, #tpu.memory_space<vmem>> -> memref<1x96xi32, #tpu.memory_space<vmem>>
      %dma_wait3A_26 = tpu.memref_squeeze %dma_wait3A_25 : memref<1x96xi32, #tpu.memory_space<vmem>> -> memref<96xi32, #tpu.memory_space<vmem>>
      %dma_wait3A_27 = arith.constant 0 : i32
      %dma_wait3A_28 = arith.constant 0 : i32
      %dma_wait3A_29 = tpu.memref_slice %arg14[%dma_wait3A_27, %dma_wait3A_28] : memref<10240x128xf32, #tpu.memory_space<vmem_shared>> -> memref<10240x128xf32, #tpu.memory_space<vmem_shared>>
      tpu.wait_indirect_dma semaphore(%arg19 : memref<!tpu.dma_semaphore, #tpu.memory_space<semaphore_mem>>) src(%arg12 : memref<96x128xf32, #tpu.memory_space<vmem>>) dst(%dma_wait3A_29 : memref<10240x128xf32, #tpu.memory_space<vmem_shared>>)
      %dma_wait3A_30 = arith.constant 26 : i32
      %dma_wait3A_31 = arith.constant 0 : i32
      %dma_wait3A_32 = tpu.memref_slice %arg9[%dma_wait3A_30, %dma_wait3A_31] : memref<27x96xi32, #tpu.memory_space<vmem>> -> memref<1x96xi32, #tpu.memory_space<vmem>>
      %dma_wait3A_33 = tpu.memref_squeeze %dma_wait3A_32 : memref<1x96xi32, #tpu.memory_space<vmem>> -> memref<96xi32, #tpu.memory_space<vmem>>
      %dma_wait3A_34 = arith.constant 0 : i32
      %dma_wait3A_35 = arith.constant 0 : i32
      %dma_wait3A_36 = tpu.memref_slice %arg14[%dma_wait3A_34, %dma_wait3A_35] : memref<10240x128xf32, #tpu.memory_space<vmem_shared>> -> memref<10240x128xf32, #tpu.memory_space<vmem_shared>>
      tpu.wait_indirect_dma semaphore(%arg20 : memref<!tpu.dma_semaphore, #tpu.memory_space<semaphore_mem>>) src(%arg13 : memref<96x128xf32, #tpu.memory_space<vmem>>) dst(%dma_wait3A_36 : memref<10240x128xf32, #tpu.memory_space<vmem_shared>>)
    }
    %scan3A_6 = arith.constant 4 : i32
    %barrier3A_7 = arith.constant 0 : index
    tpu.barrier barrier_id(%barrier3A_7)
    %mul3A_8 = arith.constant 640 : i32
    %mul3A_9 = arith.muli %arg1, %mul3A_8 : i32
    %mul3A_10 = arith.constant 640 : i32
    %mul3A_11 = arith.muli %arg1, %mul3A_10 : i32
    "tpu.region"() ({
      %run_scoped3A = tpu.sem_alloc : memref<!tpu.dma_semaphore, #tpu.memory_space<semaphore_mem>>
      %dma_start3A = arith.constant 0 : i32
      %dma_start3A_12 = tpu.memref_slice %arg7[%arg0, %mul3A_11, %dma_start3A] : memref<2x10240x128xf32, #tpu.memory_space<hbm>> -> memref<1x640x128xf32, #tpu.memory_space<hbm>>
      %dma_start3A_13 = tpu.memref_squeeze %dma_start3A_12 : memref<1x640x128xf32, #tpu.memory_space<hbm>> -> memref<640x128xf32, #tpu.memory_space<hbm>>
      %dma_start3A_14 = arith.constant 0 : i32
      %dma_start3A_15 = tpu.memref_slice %arg14[%mul3A_9, %dma_start3A_14] : memref<10240x128xf32, #tpu.memory_space<vmem_shared>> -> memref<640x128xf32, #tpu.memory_space<vmem_shared>>
      tpu.enqueue_dma source(%dma_start3A_15 : memref<640x128xf32, #tpu.memory_space<vmem_shared>>) target(%dma_start3A_13 : memref<640x128xf32, #tpu.memory_space<hbm>>) target_semaphore(%run_scoped3A : memref<!tpu.dma_semaphore, #tpu.memory_space<semaphore_mem>>)
      %dma_wait3A = arith.constant 0 : i32
      %dma_wait3A_16 = tpu.memref_slice %arg7[%arg0, %mul3A_11, %dma_wait3A] : memref<2x10240x128xf32, #tpu.memory_space<hbm>> -> memref<1x640x128xf32, #tpu.memory_space<hbm>>
      %dma_wait3A_17 = tpu.memref_squeeze %dma_wait3A_16 : memref<1x640x128xf32, #tpu.memory_space<hbm>> -> memref<640x128xf32, #tpu.memory_space<hbm>>
      %dma_wait3A_18 = arith.constant 0 : i32
      %dma_wait3A_19 = tpu.memref_slice %arg14[%mul3A_9, %dma_wait3A_18] : memref<10240x128xf32, #tpu.memory_space<vmem_shared>> -> memref<640x128xf32, #tpu.memory_space<vmem_shared>>
      tpu.wait_dma2 semaphore(%run_scoped3A : memref<!tpu.dma_semaphore, #tpu.memory_space<semaphore_mem>>) src(%dma_wait3A_19 : memref<640x128xf32, #tpu.memory_space<vmem_shared>>) dst(%dma_wait3A_17 : memref<640x128xf32, #tpu.memory_space<hbm>>)
      tpu.yield
    }) : () -> ()
    return
  }
}

#map = affine_map<(d0, d1) -> (0, 0)>
#map1 = affine_map<(d0, d1) -> (0, 0, 0, 0)>
#map2 = affine_map<(d0, d1) -> (0, 0, 0)>
module attributes {stable_mosaic.version = 14 : i64} {
  func.func @_sck2_body(%arg0: i32, %arg1: i32, %arg2: memref<10240x128xf32, #tpu.memory_space<hbm>>, %arg3: memref<32x4x27x96xi32, #tpu.memory_space<hbm>>, %arg4: memref<32x4x27x96xi32, #tpu.memory_space<hbm>>, %arg5: memref<32x4x2592xf32, #tpu.memory_space<hbm>>, %arg6: memref<640x128xf32, #tpu.memory_space<hbm>>, %arg7: memref<2x10240x128xf32, #tpu.memory_space<hbm>>, %arg8: memref<27x96xi32, #tpu.memory_space<vmem>>, %arg9: memref<27x96xi32, #tpu.memory_space<vmem>>, %arg10: memref<2592xf32, #tpu.memory_space<vmem>>, %arg11: memref<96x128xf32, #tpu.memory_space<vmem>>, %arg12: memref<96x128xf32, #tpu.memory_space<vmem>>, %arg13: memref<96x128xf32, #tpu.memory_space<vmem>>, %arg14: memref<10240x128xf32, #tpu.memory_space<vmem_shared>>, %arg15: memref<!tpu.dma_semaphore, #tpu.memory_space<semaphore_mem>>, %arg16: memref<!tpu.dma_semaphore, #tpu.memory_space<semaphore_mem>>, %arg17: memref<!tpu.dma_semaphore, #tpu.memory_space<semaphore_mem>>, %arg18: memref<!tpu.dma_semaphore, #tpu.memory_space<semaphore_mem>>, %arg19: memref<!tpu.dma_semaphore, #tpu.memory_space<semaphore_mem>>, %arg20: memref<!tpu.dma_semaphore, #tpu.memory_space<semaphore_mem>>) attributes {dimension_semantics = [#tpu.dimension_semantics<core_parallel>, #tpu.dimension_semantics<subcore_parallel>], iteration_bounds = array<i64: 2, 16>, scalar_prefetch = 0 : i64, scratch_operands = 13 : i64, tpu.core_type = #tpu.core_type<sc_vector_subcore>, window_params = [{transform_indices = #map}, {transform_indices = #map1}, {transform_indices = #map1}, {transform_indices = #map2}, {transform_indices = #map}, {transform_indices = #map2}]} {
    %mul3A = arith.constant 16 : i32
    %mul3A_0 = arith.muli %arg0, %mul3A : i32
    %add3A = arith.addi %mul3A_0, %arg1 : i32
    %mul3A_1 = arith.constant 640 : i32
    %mul3A_2 = arith.muli %arg1, %mul3A_1 : i32
    "tpu.region"() ({
      %run_scoped3A = tpu.sem_alloc : memref<!tpu.dma_semaphore, #tpu.memory_space<semaphore_mem>>
      %dma_start3A = arith.constant 0 : i32
      %dma_start3A_12 = tpu.memref_slice %arg14[%mul3A_2, %dma_start3A] : memref<10240x128xf32, #tpu.memory_space<vmem_shared>> -> memref<640x128xf32, #tpu.memory_space<vmem_shared>>
      tpu.enqueue_dma source(%arg6 : memref<640x128xf32, #tpu.memory_space<hbm>>) target(%dma_start3A_12 : memref<640x128xf32, #tpu.memory_space<vmem_shared>>) target_semaphore(%run_scoped3A : memref<!tpu.dma_semaphore, #tpu.memory_space<semaphore_mem>>)
      %dma_wait3A = arith.constant 0 : i32
      %dma_wait3A_13 = tpu.memref_slice %arg14[%mul3A_2, %dma_wait3A] : memref<10240x128xf32, #tpu.memory_space<vmem_shared>> -> memref<640x128xf32, #tpu.memory_space<vmem_shared>>
      tpu.wait_dma2 semaphore(%run_scoped3A : memref<!tpu.dma_semaphore, #tpu.memory_space<semaphore_mem>>) src(%arg6 : memref<640x128xf32, #tpu.memory_space<hbm>>) dst(%dma_wait3A_13 : memref<640x128xf32, #tpu.memory_space<vmem_shared>>)
      tpu.yield
    }) : () -> ()
    %barrier3A = arith.constant 0 : index
    tpu.barrier barrier_id(%barrier3A)
    %scan3A = arith.constant 0 : i32
    %scan3A_3 = arith.constant 4 : i32
    %scan3A_4 = arith.addi %scan3A, %scan3A_3 : i32
    %scan3A_5 = arith.constant 1 : i32
    scf.for %scan3A_12 = %scan3A to %scan3A_4 step %scan3A_5  : i32 {
      "tpu.region"() ({
        %run_scoped3A = tpu.sem_alloc : memref<!tpu.dma_semaphore, #tpu.memory_space<semaphore_mem>>
        %dma_start3A_37 = arith.constant 0 : i32
        %dma_start3A_38 = arith.constant 0 : i32
        %dma_start3A_39 = tpu.memref_slice %arg3[%add3A, %scan3A_12, %dma_start3A_37, %dma_start3A_38] : memref<32x4x27x96xi32, #tpu.memory_space<hbm>> -> memref<1x1x27x96xi32, #tpu.memory_space<hbm>>
        %dma_start3A_40 = tpu.memref_squeeze %dma_start3A_39 : memref<1x1x27x96xi32, #tpu.memory_space<hbm>> -> memref<27x96xi32, #tpu.memory_space<hbm>>
        %dma_start3A_41 = arith.constant 0 : i32
        %dma_start3A_42 = arith.constant 0 : i32
        %dma_start3A_43 = tpu.memref_slice %arg3[%add3A, %scan3A_12, %dma_start3A_41, %dma_start3A_42] : memref<32x4x27x96xi32, #tpu.memory_space<hbm>> -> memref<1x1x27x96xi32, #tpu.memory_space<hbm>>
        %dma_start3A_44 = tpu.memref_squeeze %dma_start3A_43 : memref<1x1x27x96xi32, #tpu.memory_space<hbm>> -> memref<27x96xi32, #tpu.memory_space<hbm>>
        tpu.enqueue_dma source(%dma_start3A_44 : memref<27x96xi32, #tpu.memory_space<hbm>>) target(%arg8 : memref<27x96xi32, #tpu.memory_space<vmem>>) target_semaphore(%run_scoped3A : memref<!tpu.dma_semaphore, #tpu.memory_space<semaphore_mem>>)
        %dma_wait3A_45 = arith.constant 0 : i32
        %dma_wait3A_46 = arith.constant 0 : i32
        %dma_wait3A_47 = tpu.memref_slice %arg3[%add3A, %scan3A_12, %dma_wait3A_45, %dma_wait3A_46] : memref<32x4x27x96xi32, #tpu.memory_space<hbm>> -> memref<1x1x27x96xi32, #tpu.memory_space<hbm>>
        %dma_wait3A_48 = tpu.memref_squeeze %dma_wait3A_47 : memref<1x1x27x96xi32, #tpu.memory_space<hbm>> -> memref<27x96xi32, #tpu.memory_space<hbm>>
        %dma_wait3A_49 = arith.constant 0 : i32
        %dma_wait3A_50 = arith.constant 0 : i32
        %dma_wait3A_51 = tpu.memref_slice %arg3[%add3A, %scan3A_12, %dma_wait3A_49, %dma_wait3A_50] : memref<32x4x27x96xi32, #tpu.memory_space<hbm>> -> memref<1x1x27x96xi32, #tpu.memory_space<hbm>>
        %dma_wait3A_52 = tpu.memref_squeeze %dma_wait3A_51 : memref<1x1x27x96xi32, #tpu.memory_space<hbm>> -> memref<27x96xi32, #tpu.memory_space<hbm>>
        tpu.wait_dma2 semaphore(%run_scoped3A : memref<!tpu.dma_semaphore, #tpu.memory_space<semaphore_mem>>) src(%dma_wait3A_52 : memref<27x96xi32, #tpu.memory_space<hbm>>) dst(%arg8 : memref<27x96xi32, #tpu.memory_space<vmem>>)
        tpu.yield
      }) : () -> ()
      "tpu.region"() ({
        %run_scoped3A = tpu.sem_alloc : memref<!tpu.dma_semaphore, #tpu.memory_space<semaphore_mem>>
        %dma_start3A_37 = arith.constant 0 : i32
        %dma_start3A_38 = arith.constant 0 : i32
        %dma_start3A_39 = tpu.memref_slice %arg4[%add3A, %scan3A_12, %dma_start3A_37, %dma_start3A_38] : memref<32x4x27x96xi32, #tpu.memory_space<hbm>> -> memref<1x1x27x96xi32, #tpu.memory_space<hbm>>
        %dma_start3A_40 = tpu.memref_squeeze %dma_start3A_39 : memref<1x1x27x96xi32, #tpu.memory_space<hbm>> -> memref<27x96xi32, #tpu.memory_space<hbm>>
        %dma_start3A_41 = arith.constant 0 : i32
        %dma_start3A_42 = arith.constant 0 : i32
        %dma_start3A_43 = tpu.memref_slice %arg4[%add3A, %scan3A_12, %dma_start3A_41, %dma_start3A_42] : memref<32x4x27x96xi32, #tpu.memory_space<hbm>> -> memref<1x1x27x96xi32, #tpu.memory_space<hbm>>
        %dma_start3A_44 = tpu.memref_squeeze %dma_start3A_43 : memref<1x1x27x96xi32, #tpu.memory_space<hbm>> -> memref<27x96xi32, #tpu.memory_space<hbm>>
        tpu.enqueue_dma source(%dma_start3A_44 : memref<27x96xi32, #tpu.memory_space<hbm>>) target(%arg9 : memref<27x96xi32, #tpu.memory_space<vmem>>) target_semaphore(%run_scoped3A : memref<!tpu.dma_semaphore, #tpu.memory_space<semaphore_mem>>)
        %dma_wait3A_45 = arith.constant 0 : i32
        %dma_wait3A_46 = arith.constant 0 : i32
        %dma_wait3A_47 = tpu.memref_slice %arg4[%add3A, %scan3A_12, %dma_wait3A_45, %dma_wait3A_46] : memref<32x4x27x96xi32, #tpu.memory_space<hbm>> -> memref<1x1x27x96xi32, #tpu.memory_space<hbm>>
        %dma_wait3A_48 = tpu.memref_squeeze %dma_wait3A_47 : memref<1x1x27x96xi32, #tpu.memory_space<hbm>> -> memref<27x96xi32, #tpu.memory_space<hbm>>
        %dma_wait3A_49 = arith.constant 0 : i32
        %dma_wait3A_50 = arith.constant 0 : i32
        %dma_wait3A_51 = tpu.memref_slice %arg4[%add3A, %scan3A_12, %dma_wait3A_49, %dma_wait3A_50] : memref<32x4x27x96xi32, #tpu.memory_space<hbm>> -> memref<1x1x27x96xi32, #tpu.memory_space<hbm>>
        %dma_wait3A_52 = tpu.memref_squeeze %dma_wait3A_51 : memref<1x1x27x96xi32, #tpu.memory_space<hbm>> -> memref<27x96xi32, #tpu.memory_space<hbm>>
        tpu.wait_dma2 semaphore(%run_scoped3A : memref<!tpu.dma_semaphore, #tpu.memory_space<semaphore_mem>>) src(%dma_wait3A_52 : memref<27x96xi32, #tpu.memory_space<hbm>>) dst(%arg9 : memref<27x96xi32, #tpu.memory_space<vmem>>)
        tpu.yield
      }) : () -> ()
      "tpu.region"() ({
        %run_scoped3A = tpu.sem_alloc : memref<!tpu.dma_semaphore, #tpu.memory_space<semaphore_mem>>
        %dma_start3A_37 = arith.constant 0 : i32
        %dma_start3A_38 = tpu.memref_slice %arg5[%add3A, %scan3A_12, %dma_start3A_37] : memref<32x4x2592xf32, #tpu.memory_space<hbm>> -> memref<1x1x2592xf32, #tpu.memory_space<hbm>>
        %dma_start3A_39 = tpu.memref_squeeze %dma_start3A_38 : memref<1x1x2592xf32, #tpu.memory_space<hbm>> -> memref<2592xf32, #tpu.memory_space<hbm>>
        %dma_start3A_40 = arith.constant 0 : i32
        %dma_start3A_41 = tpu.memref_slice %arg5[%add3A, %scan3A_12, %dma_start3A_40] : memref<32x4x2592xf32, #tpu.memory_space<hbm>> -> memref<1x1x2592xf32, #tpu.memory_space<hbm>>
        %dma_start3A_42 = tpu.memref_squeeze %dma_start3A_41 : memref<1x1x2592xf32, #tpu.memory_space<hbm>> -> memref<2592xf32, #tpu.memory_space<hbm>>
        tpu.enqueue_dma source(%dma_start3A_42 : memref<2592xf32, #tpu.memory_space<hbm>>) target(%arg10 : memref<2592xf32, #tpu.memory_space<vmem>>) target_semaphore(%run_scoped3A : memref<!tpu.dma_semaphore, #tpu.memory_space<semaphore_mem>>)
        %dma_wait3A_43 = arith.constant 0 : i32
        %dma_wait3A_44 = tpu.memref_slice %arg5[%add3A, %scan3A_12, %dma_wait3A_43] : memref<32x4x2592xf32, #tpu.memory_space<hbm>> -> memref<1x1x2592xf32, #tpu.memory_space<hbm>>
        %dma_wait3A_45 = tpu.memref_squeeze %dma_wait3A_44 : memref<1x1x2592xf32, #tpu.memory_space<hbm>> -> memref<2592xf32, #tpu.memory_space<hbm>>
        %dma_wait3A_46 = arith.constant 0 : i32
        %dma_wait3A_47 = tpu.memref_slice %arg5[%add3A, %scan3A_12, %dma_wait3A_46] : memref<32x4x2592xf32, #tpu.memory_space<hbm>> -> memref<1x1x2592xf32, #tpu.memory_space<hbm>>
        %dma_wait3A_48 = tpu.memref_squeeze %dma_wait3A_47 : memref<1x1x2592xf32, #tpu.memory_space<hbm>> -> memref<2592xf32, #tpu.memory_space<hbm>>
        tpu.wait_dma2 semaphore(%run_scoped3A : memref<!tpu.dma_semaphore, #tpu.memory_space<semaphore_mem>>) src(%dma_wait3A_48 : memref<2592xf32, #tpu.memory_space<hbm>>) dst(%arg10 : memref<2592xf32, #tpu.memory_space<vmem>>)
        tpu.yield
      }) : () -> ()
      %dma_start3A = arith.constant 0 : i32
      %dma_start3A_13 = arith.constant 0 : i32
      %dma_start3A_14 = tpu.memref_slice %arg8[%dma_start3A, %dma_start3A_13] : memref<27x96xi32, #tpu.memory_space<vmem>> -> memref<1x96xi32, #tpu.memory_space<vmem>>
      %dma_start3A_15 = tpu.memref_squeeze %dma_start3A_14 : memref<1x96xi32, #tpu.memory_space<vmem>> -> memref<96xi32, #tpu.memory_space<vmem>>
      %dma_start3A_16 = arith.constant 0 : i32
      %dma_start3A_17 = arith.constant 0 : i32
      %dma_start3A_18 = tpu.memref_slice %arg2[%dma_start3A_16, %dma_start3A_17] : memref<10240x128xf32, #tpu.memory_space<hbm>> -> memref<10240x128xf32, #tpu.memory_space<hbm>>
      tpu.enqueue_indirect_dma source(%dma_start3A_18 : memref<10240x128xf32, #tpu.memory_space<hbm>>) target(%arg11 : memref<96x128xf32, #tpu.memory_space<vmem>>) offsets(%dma_start3A_15 : memref<96xi32, #tpu.memory_space<vmem>>) semaphore(%arg15 : memref<!tpu.dma_semaphore, #tpu.memory_space<semaphore_mem>>)
      %scan3A_19 = arith.constant 0 : i32
      %scan3A_20 = arith.constant 9 : i32
      %scan3A_21 = arith.addi %scan3A_19, %scan3A_20 : i32
      %scan3A_22 = arith.constant 1 : i32
      scf.for %scan3A_37 = %scan3A_19 to %scan3A_21 step %scan3A_22  : i32 {
        %mul3A_38 = arith.constant 3 : i32
        %mul3A_39 = arith.muli %mul3A_38, %scan3A_37 : i32
        %add3A_40 = arith.constant 0 : i32
        %add3A_41 = arith.addi %mul3A_39, %add3A_40 : i32
        %ge3A = arith.constant 2 : i32
        %ge3A_42 = arith.cmpi sge, %add3A_41, %ge3A : i32
        %convert_element_type3A = arith.extui %ge3A_42 : i1 to i32
        %cond3A = arith.constant 0 : i32
        %cond3A_43 = arith.cmpi ne, %convert_element_type3A, %cond3A : i32
        scf.if %cond3A_43 {
          %sub3A = arith.constant 2 : i32
          %sub3A_144 = arith.subi %add3A_41, %sub3A : i32
          %dma_wait3A_145 = arith.constant 0 : i32
          %dma_wait3A_146 = tpu.memref_slice %arg9[%sub3A_144, %dma_wait3A_145] : memref<27x96xi32, #tpu.memory_space<vmem>> -> memref<1x96xi32, #tpu.memory_space<vmem>>
          %dma_wait3A_147 = tpu.memref_squeeze %dma_wait3A_146 : memref<1x96xi32, #tpu.memory_space<vmem>> -> memref<96xi32, #tpu.memory_space<vmem>>
          %dma_wait3A_148 = arith.constant 0 : i32
          %dma_wait3A_149 = arith.constant 0 : i32
          %dma_wait3A_150 = tpu.memref_slice %arg14[%dma_wait3A_148, %dma_wait3A_149] : memref<10240x128xf32, #tpu.memory_space<vmem_shared>> -> memref<10240x128xf32, #tpu.memory_space<vmem_shared>>
          tpu.wait_indirect_dma semaphore(%arg19 : memref<!tpu.dma_semaphore, #tpu.memory_space<semaphore_mem>>) src(%arg12 : memref<96x128xf32, #tpu.memory_space<vmem>>) dst(%dma_wait3A_150 : memref<10240x128xf32, #tpu.memory_space<vmem_shared>>)
        } else {
        }
        %lt3A = arith.constant 26 : i32
        %lt3A_44 = arith.cmpi slt, %add3A_41, %lt3A : i32
        %convert_element_type3A_45 = arith.extui %lt3A_44 : i1 to i32
        %cond3A_46 = arith.constant 0 : i32
        %cond3A_47 = arith.cmpi ne, %convert_element_type3A_45, %cond3A_46 : i32
        scf.if %cond3A_47 {
          %add3A_144 = arith.constant 1 : i32
          %add3A_145 = arith.addi %add3A_41, %add3A_144 : i32
          %dma_start3A_146 = arith.constant 0 : i32
          %dma_start3A_147 = tpu.memref_slice %arg8[%add3A_145, %dma_start3A_146] : memref<27x96xi32, #tpu.memory_space<vmem>> -> memref<1x96xi32, #tpu.memory_space<vmem>>
          %dma_start3A_148 = tpu.memref_squeeze %dma_start3A_147 : memref<1x96xi32, #tpu.memory_space<vmem>> -> memref<96xi32, #tpu.memory_space<vmem>>
          %dma_start3A_149 = arith.constant 0 : i32
          %dma_start3A_150 = arith.constant 0 : i32
          %dma_start3A_151 = tpu.memref_slice %arg2[%dma_start3A_149, %dma_start3A_150] : memref<10240x128xf32, #tpu.memory_space<hbm>> -> memref<10240x128xf32, #tpu.memory_space<hbm>>
          tpu.enqueue_indirect_dma source(%dma_start3A_151 : memref<10240x128xf32, #tpu.memory_space<hbm>>) target(%arg12 : memref<96x128xf32, #tpu.memory_space<vmem>>) offsets(%dma_start3A_148 : memref<96xi32, #tpu.memory_space<vmem>>) semaphore(%arg16 : memref<!tpu.dma_semaphore, #tpu.memory_space<semaphore_mem>>)
        } else {
        }
        %dma_wait3A_48 = arith.constant 0 : i32
        %dma_wait3A_49 = tpu.memref_slice %arg8[%add3A_41, %dma_wait3A_48] : memref<27x96xi32, #tpu.memory_space<vmem>> -> memref<1x96xi32, #tpu.memory_space<vmem>>
        %dma_wait3A_50 = tpu.memref_squeeze %dma_wait3A_49 : memref<1x96xi32, #tpu.memory_space<vmem>> -> memref<96xi32, #tpu.memory_space<vmem>>
        %dma_wait3A_51 = arith.constant 0 : i32
        %dma_wait3A_52 = arith.constant 0 : i32
        %dma_wait3A_53 = tpu.memref_slice %arg2[%dma_wait3A_51, %dma_wait3A_52] : memref<10240x128xf32, #tpu.memory_space<hbm>> -> memref<10240x128xf32, #tpu.memory_space<hbm>>
        tpu.wait_indirect_dma semaphore(%arg15 : memref<!tpu.dma_semaphore, #tpu.memory_space<semaphore_mem>>) src(%dma_wait3A_53 : memref<10240x128xf32, #tpu.memory_space<hbm>>) dst(%arg11 : memref<96x128xf32, #tpu.memory_space<vmem>>)
        %broadcast_in_dim3A = arith.constant 0 : i32
        %broadcast_in_dim3A_54 = vector.broadcast %broadcast_in_dim3A : i32 to vector<16xi32>
        %mul3A_55 = arith.constant 96 : i32
        %mul3A_56 = arith.muli %add3A_41, %mul3A_55 : i32
        %add3A_57 = vector.broadcast %mul3A_56 : i32 to vector<16xi32>
        %add3A_58 = arith.addi %broadcast_in_dim3A_54, %add3A_57 : vector<16xi32>
        %scan3A_59 = arith.constant 0 : i32
        %scan3A_60 = arith.constant 24 : i32
        %scan3A_61 = arith.addi %scan3A_59, %scan3A_60 : i32
        %scan3A_62 = arith.constant 1 : i32
        scf.for %scan3A_144 = %scan3A_59 to %scan3A_61 step %scan3A_62  : i32 {
          %mul3A_145 = arith.constant 4 : i32
          %mul3A_146 = arith.muli %mul3A_145, %scan3A_144 : i32
          %add3A_147 = arith.constant 0 : i32
          %add3A_148 = arith.addi %mul3A_146, %add3A_147 : i32
          %add3A_149 = vector.broadcast %add3A_148 : i32 to vector<16xi32>
          %add3A_150 = arith.addi %add3A_58, %add3A_149 : vector<16xi32>
          %gather3A = tpu.vector_load_idx %arg10[%add3A_150] : memref<2592xf32, #tpu.memory_space<vmem>>[vector<16xi32>], vector<16xf32>,
          %get3A = arith.index_cast %add3A_148 : i32 to index
          %get3A_151 = arith.constant 0 : index
          %get3A_152 = tpu.vector_load %arg11[%get3A, %get3A_151] {strides = array<i32>} : memref<96x128xf32, #tpu.memory_space<vmem>>, vector<16xf32>,
          %mul3A_153 = arith.mulf %get3A_152, %gather3A : vector<16xf32>
          %swap3A = arith.index_cast %add3A_148 : i32 to index
          %swap3A_154 = arith.constant 0 : index
          %swap3A_155 = tpu.vector_load %arg11[%swap3A, %swap3A_154] {strides = array<i32>} : memref<96x128xf32, #tpu.memory_space<vmem>>, vector<16xf32>,
          tpu.vector_store %arg11[%swap3A, %swap3A_154], %mul3A_153 {strides = array<i32>} : memref<96x128xf32, #tpu.memory_space<vmem>>, vector<16xf32>,
          %get3A_156 = arith.index_cast %add3A_148 : i32 to index
          %get3A_157 = arith.constant 16 : index
          %get3A_158 = tpu.vector_load %arg11[%get3A_156, %get3A_157] {strides = array<i32>} : memref<96x128xf32, #tpu.memory_space<vmem>>, vector<16xf32>,
          %mul3A_159 = arith.mulf %get3A_158, %gather3A : vector<16xf32>
          %swap3A_160 = arith.index_cast %add3A_148 : i32 to index
          %swap3A_161 = arith.constant 16 : index
          %swap3A_162 = tpu.vector_load %arg11[%swap3A_160, %swap3A_161] {strides = array<i32>} : memref<96x128xf32, #tpu.memory_space<vmem>>, vector<16xf32>,
          tpu.vector_store %arg11[%swap3A_160, %swap3A_161], %mul3A_159 {strides = array<i32>} : memref<96x128xf32, #tpu.memory_space<vmem>>, vector<16xf32>,
          %get3A_163 = arith.index_cast %add3A_148 : i32 to index
          %get3A_164 = arith.constant 32 : index
          %get3A_165 = tpu.vector_load %arg11[%get3A_163, %get3A_164] {strides = array<i32>} : memref<96x128xf32, #tpu.memory_space<vmem>>, vector<16xf32>,
          %mul3A_166 = arith.mulf %get3A_165, %gather3A : vector<16xf32>
          %swap3A_167 = arith.index_cast %add3A_148 : i32 to index
          %swap3A_168 = arith.constant 32 : index
          %swap3A_169 = tpu.vector_load %arg11[%swap3A_167, %swap3A_168] {strides = array<i32>} : memref<96x128xf32, #tpu.memory_space<vmem>>, vector<16xf32>,
          tpu.vector_store %arg11[%swap3A_167, %swap3A_168], %mul3A_166 {strides = array<i32>} : memref<96x128xf32, #tpu.memory_space<vmem>>, vector<16xf32>,
          %get3A_170 = arith.index_cast %add3A_148 : i32 to index
          %get3A_171 = arith.constant 48 : index
          %get3A_172 = tpu.vector_load %arg11[%get3A_170, %get3A_171] {strides = array<i32>} : memref<96x128xf32, #tpu.memory_space<vmem>>, vector<16xf32>,
          %mul3A_173 = arith.mulf %get3A_172, %gather3A : vector<16xf32>
          %swap3A_174 = arith.index_cast %add3A_148 : i32 to index
          %swap3A_175 = arith.constant 48 : index
          %swap3A_176 = tpu.vector_load %arg11[%swap3A_174, %swap3A_175] {strides = array<i32>} : memref<96x128xf32, #tpu.memory_space<vmem>>, vector<16xf32>,
          tpu.vector_store %arg11[%swap3A_174, %swap3A_175], %mul3A_173 {strides = array<i32>} : memref<96x128xf32, #tpu.memory_space<vmem>>, vector<16xf32>,
          %get3A_177 = arith.index_cast %add3A_148 : i32 to index
          %get3A_178 = arith.constant 64 : index
          %get3A_179 = tpu.vector_load %arg11[%get3A_177, %get3A_178] {strides = array<i32>} : memref<96x128xf32, #tpu.memory_space<vmem>>, vector<16xf32>,
          %mul3A_180 = arith.mulf %get3A_179, %gather3A : vector<16xf32>
          %swap3A_181 = arith.index_cast %add3A_148 : i32 to index
          %swap3A_182 = arith.constant 64 : index
          %swap3A_183 = tpu.vector_load %arg11[%swap3A_181, %swap3A_182] {strides = array<i32>} : memref<96x128xf32, #tpu.memory_space<vmem>>, vector<16xf32>,
          tpu.vector_store %arg11[%swap3A_181, %swap3A_182], %mul3A_180 {strides = array<i32>} : memref<96x128xf32, #tpu.memory_space<vmem>>, vector<16xf32>,
          %get3A_184 = arith.index_cast %add3A_148 : i32 to index
          %get3A_185 = arith.constant 80 : index
          %get3A_186 = tpu.vector_load %arg11[%get3A_184, %get3A_185] {strides = array<i32>} : memref<96x128xf32, #tpu.memory_space<vmem>>, vector<16xf32>,
          %mul3A_187 = arith.mulf %get3A_186, %gather3A : vector<16xf32>
          %swap3A_188 = arith.index_cast %add3A_148 : i32 to index
          %swap3A_189 = arith.constant 80 : index
          %swap3A_190 = tpu.vector_load %arg11[%swap3A_188, %swap3A_189] {strides = array<i32>} : memref<96x128xf32, #tpu.memory_space<vmem>>, vector<16xf32>,
          tpu.vector_store %arg11[%swap3A_188, %swap3A_189], %mul3A_187 {strides = array<i32>} : memref<96x128xf32, #tpu.memory_space<vmem>>, vector<16xf32>,
          %get3A_191 = arith.index_cast %add3A_148 : i32 to index
          %get3A_192 = arith.constant 96 : index
          %get3A_193 = tpu.vector_load %arg11[%get3A_191, %get3A_192] {strides = array<i32>} : memref<96x128xf32, #tpu.memory_space<vmem>>, vector<16xf32>,
          %mul3A_194 = arith.mulf %get3A_193, %gather3A : vector<16xf32>
          %swap3A_195 = arith.index_cast %add3A_148 : i32 to index
          %swap3A_196 = arith.constant 96 : index
          %swap3A_197 = tpu.vector_load %arg11[%swap3A_195, %swap3A_196] {strides = array<i32>} : memref<96x128xf32, #tpu.memory_space<vmem>>, vector<16xf32>,
          tpu.vector_store %arg11[%swap3A_195, %swap3A_196], %mul3A_194 {strides = array<i32>} : memref<96x128xf32, #tpu.memory_space<vmem>>, vector<16xf32>,
          %get3A_198 = arith.index_cast %add3A_148 : i32 to index
          %get3A_199 = arith.constant 112 : index
          %get3A_200 = tpu.vector_load %arg11[%get3A_198, %get3A_199] {strides = array<i32>} : memref<96x128xf32, #tpu.memory_space<vmem>>, vector<16xf32>,
          %mul3A_201 = arith.mulf %get3A_200, %gather3A : vector<16xf32>
          %swap3A_202 = arith.index_cast %add3A_148 : i32 to index
          %swap3A_203 = arith.constant 112 : index
          %swap3A_204 = tpu.vector_load %arg11[%swap3A_202, %swap3A_203] {strides = array<i32>} : memref<96x128xf32, #tpu.memory_space<vmem>>, vector<16xf32>,
          tpu.vector_store %arg11[%swap3A_202, %swap3A_203], %mul3A_201 {strides = array<i32>} : memref<96x128xf32, #tpu.memory_space<vmem>>, vector<16xf32>,
          %mul3A_205 = arith.constant 4 : i32
          %mul3A_206 = arith.muli %mul3A_205, %scan3A_144 : i32
          %add3A_207 = arith.constant 1 : i32
          %add3A_208 = arith.addi %mul3A_206, %add3A_207 : i32
          %add3A_209 = vector.broadcast %add3A_208 : i32 to vector<16xi32>
          %add3A_210 = arith.addi %add3A_58, %add3A_209 : vector<16xi32>
          %gather3A_211 = tpu.vector_load_idx %arg10[%add3A_210] : memref<2592xf32, #tpu.memory_space<vmem>>[vector<16xi32>], vector<16xf32>,
          %get3A_212 = arith.index_cast %add3A_208 : i32 to index
          %get3A_213 = arith.constant 0 : index
          %get3A_214 = tpu.vector_load %arg11[%get3A_212, %get3A_213] {strides = array<i32>} : memref<96x128xf32, #tpu.memory_space<vmem>>, vector<16xf32>,
          %mul3A_215 = arith.mulf %get3A_214, %gather3A_211 : vector<16xf32>
          %swap3A_216 = arith.index_cast %add3A_208 : i32 to index
          %swap3A_217 = arith.constant 0 : index
          %swap3A_218 = tpu.vector_load %arg11[%swap3A_216, %swap3A_217] {strides = array<i32>} : memref<96x128xf32, #tpu.memory_space<vmem>>, vector<16xf32>,
          tpu.vector_store %arg11[%swap3A_216, %swap3A_217], %mul3A_215 {strides = array<i32>} : memref<96x128xf32, #tpu.memory_space<vmem>>, vector<16xf32>,
          %get3A_219 = arith.index_cast %add3A_208 : i32 to index
          %get3A_220 = arith.constant 16 : index
          %get3A_221 = tpu.vector_load %arg11[%get3A_219, %get3A_220] {strides = array<i32>} : memref<96x128xf32, #tpu.memory_space<vmem>>, vector<16xf32>,
          %mul3A_222 = arith.mulf %get3A_221, %gather3A_211 : vector<16xf32>
          %swap3A_223 = arith.index_cast %add3A_208 : i32 to index
          %swap3A_224 = arith.constant 16 : index
          %swap3A_225 = tpu.vector_load %arg11[%swap3A_223, %swap3A_224] {strides = array<i32>} : memref<96x128xf32, #tpu.memory_space<vmem>>, vector<16xf32>,
          tpu.vector_store %arg11[%swap3A_223, %swap3A_224], %mul3A_222 {strides = array<i32>} : memref<96x128xf32, #tpu.memory_space<vmem>>, vector<16xf32>,
          %get3A_226 = arith.index_cast %add3A_208 : i32 to index
          %get3A_227 = arith.constant 32 : index
          %get3A_228 = tpu.vector_load %arg11[%get3A_226, %get3A_227] {strides = array<i32>} : memref<96x128xf32, #tpu.memory_space<vmem>>, vector<16xf32>,
          %mul3A_229 = arith.mulf %get3A_228, %gather3A_211 : vector<16xf32>
          %swap3A_230 = arith.index_cast %add3A_208 : i32 to index
          %swap3A_231 = arith.constant 32 : index
          %swap3A_232 = tpu.vector_load %arg11[%swap3A_230, %swap3A_231] {strides = array<i32>} : memref<96x128xf32, #tpu.memory_space<vmem>>, vector<16xf32>,
          tpu.vector_store %arg11[%swap3A_230, %swap3A_231], %mul3A_229 {strides = array<i32>} : memref<96x128xf32, #tpu.memory_space<vmem>>, vector<16xf32>,
          %get3A_233 = arith.index_cast %add3A_208 : i32 to index
          %get3A_234 = arith.constant 48 : index
          %get3A_235 = tpu.vector_load %arg11[%get3A_233, %get3A_234] {strides = array<i32>} : memref<96x128xf32, #tpu.memory_space<vmem>>, vector<16xf32>,
          %mul3A_236 = arith.mulf %get3A_235, %gather3A_211 : vector<16xf32>
          %swap3A_237 = arith.index_cast %add3A_208 : i32 to index
          %swap3A_238 = arith.constant 48 : index
          %swap3A_239 = tpu.vector_load %arg11[%swap3A_237, %swap3A_238] {strides = array<i32>} : memref<96x128xf32, #tpu.memory_space<vmem>>, vector<16xf32>,
          tpu.vector_store %arg11[%swap3A_237, %swap3A_238], %mul3A_236 {strides = array<i32>} : memref<96x128xf32, #tpu.memory_space<vmem>>, vector<16xf32>,
          %get3A_240 = arith.index_cast %add3A_208 : i32 to index
          %get3A_241 = arith.constant 64 : index
          %get3A_242 = tpu.vector_load %arg11[%get3A_240, %get3A_241] {strides = array<i32>} : memref<96x128xf32, #tpu.memory_space<vmem>>, vector<16xf32>,
          %mul3A_243 = arith.mulf %get3A_242, %gather3A_211 : vector<16xf32>
          %swap3A_244 = arith.index_cast %add3A_208 : i32 to index
          %swap3A_245 = arith.constant 64 : index
          %swap3A_246 = tpu.vector_load %arg11[%swap3A_244, %swap3A_245] {strides = array<i32>} : memref<96x128xf32, #tpu.memory_space<vmem>>, vector<16xf32>,
          tpu.vector_store %arg11[%swap3A_244, %swap3A_245], %mul3A_243 {strides = array<i32>} : memref<96x128xf32, #tpu.memory_space<vmem>>, vector<16xf32>,
          %get3A_247 = arith.index_cast %add3A_208 : i32 to index
          %get3A_248 = arith.constant 80 : index
          %get3A_249 = tpu.vector_load %arg11[%get3A_247, %get3A_248] {strides = array<i32>} : memref<96x128xf32, #tpu.memory_space<vmem>>, vector<16xf32>,
          %mul3A_250 = arith.mulf %get3A_249, %gather3A_211 : vector<16xf32>
          %swap3A_251 = arith.index_cast %add3A_208 : i32 to index
          %swap3A_252 = arith.constant 80 : index
          %swap3A_253 = tpu.vector_load %arg11[%swap3A_251, %swap3A_252] {strides = array<i32>} : memref<96x128xf32, #tpu.memory_space<vmem>>, vector<16xf32>,
          tpu.vector_store %arg11[%swap3A_251, %swap3A_252], %mul3A_250 {strides = array<i32>} : memref<96x128xf32, #tpu.memory_space<vmem>>, vector<16xf32>,
          %get3A_254 = arith.index_cast %add3A_208 : i32 to index
          %get3A_255 = arith.constant 96 : index
          %get3A_256 = tpu.vector_load %arg11[%get3A_254, %get3A_255] {strides = array<i32>} : memref<96x128xf32, #tpu.memory_space<vmem>>, vector<16xf32>,
          %mul3A_257 = arith.mulf %get3A_256, %gather3A_211 : vector<16xf32>
          %swap3A_258 = arith.index_cast %add3A_208 : i32 to index
          %swap3A_259 = arith.constant 96 : index
          %swap3A_260 = tpu.vector_load %arg11[%swap3A_258, %swap3A_259] {strides = array<i32>} : memref<96x128xf32, #tpu.memory_space<vmem>>, vector<16xf32>,
          tpu.vector_store %arg11[%swap3A_258, %swap3A_259], %mul3A_257 {strides = array<i32>} : memref<96x128xf32, #tpu.memory_space<vmem>>, vector<16xf32>,
          %get3A_261 = arith.index_cast %add3A_208 : i32 to index
          %get3A_262 = arith.constant 112 : index
          %get3A_263 = tpu.vector_load %arg11[%get3A_261, %get3A_262] {strides = array<i32>} : memref<96x128xf32, #tpu.memory_space<vmem>>, vector<16xf32>,
          %mul3A_264 = arith.mulf %get3A_263, %gather3A_211 : vector<16xf32>
          %swap3A_265 = arith.index_cast %add3A_208 : i32 to index
          %swap3A_266 = arith.constant 112 : index
          %swap3A_267 = tpu.vector_load %arg11[%swap3A_265, %swap3A_266] {strides = array<i32>} : memref<96x128xf32, #tpu.memory_space<vmem>>, vector<16xf32>,
          tpu.vector_store %arg11[%swap3A_265, %swap3A_266], %mul3A_264 {strides = array<i32>} : memref<96x128xf32, #tpu.memory_space<vmem>>, vector<16xf32>,
          %mul3A_268 = arith.constant 4 : i32
          %mul3A_269 = arith.muli %mul3A_268, %scan3A_144 : i32
          %add3A_270 = arith.constant 2 : i32
          %add3A_271 = arith.addi %mul3A_269, %add3A_270 : i32
          %add3A_272 = vector.broadcast %add3A_271 : i32 to vector<16xi32>
          %add3A_273 = arith.addi %add3A_58, %add3A_272 : vector<16xi32>
          %gather3A_274 = tpu.vector_load_idx %arg10[%add3A_273] : memref<2592xf32, #tpu.memory_space<vmem>>[vector<16xi32>], vector<16xf32>,
          %get3A_275 = arith.index_cast %add3A_271 : i32 to index
          %get3A_276 = arith.constant 0 : index
          %get3A_277 = tpu.vector_load %arg11[%get3A_275, %get3A_276] {strides = array<i32>} : memref<96x128xf32, #tpu.memory_space<vmem>>, vector<16xf32>,
          %mul3A_278 = arith.mulf %get3A_277, %gather3A_274 : vector<16xf32>
          %swap3A_279 = arith.index_cast %add3A_271 : i32 to index
          %swap3A_280 = arith.constant 0 : index
          %swap3A_281 = tpu.vector_load %arg11[%swap3A_279, %swap3A_280] {strides = array<i32>} : memref<96x128xf32, #tpu.memory_space<vmem>>, vector<16xf32>,
          tpu.vector_store %arg11[%swap3A_279, %swap3A_280], %mul3A_278 {strides = array<i32>} : memref<96x128xf32, #tpu.memory_space<vmem>>, vector<16xf32>,
          %get3A_282 = arith.index_cast %add3A_271 : i32 to index
          %get3A_283 = arith.constant 16 : index
          %get3A_284 = tpu.vector_load %arg11[%get3A_282, %get3A_283] {strides = array<i32>} : memref<96x128xf32, #tpu.memory_space<vmem>>, vector<16xf32>,
          %mul3A_285 = arith.mulf %get3A_284, %gather3A_274 : vector<16xf32>
          %swap3A_286 = arith.index_cast %add3A_271 : i32 to index
          %swap3A_287 = arith.constant 16 : index
          %swap3A_288 = tpu.vector_load %arg11[%swap3A_286, %swap3A_287] {strides = array<i32>} : memref<96x128xf32, #tpu.memory_space<vmem>>, vector<16xf32>,
          tpu.vector_store %arg11[%swap3A_286, %swap3A_287], %mul3A_285 {strides = array<i32>} : memref<96x128xf32, #tpu.memory_space<vmem>>, vector<16xf32>,
          %get3A_289 = arith.index_cast %add3A_271 : i32 to index
          %get3A_290 = arith.constant 32 : index
          %get3A_291 = tpu.vector_load %arg11[%get3A_289, %get3A_290] {strides = array<i32>} : memref<96x128xf32, #tpu.memory_space<vmem>>, vector<16xf32>,
          %mul3A_292 = arith.mulf %get3A_291, %gather3A_274 : vector<16xf32>
          %swap3A_293 = arith.index_cast %add3A_271 : i32 to index
          %swap3A_294 = arith.constant 32 : index
          %swap3A_295 = tpu.vector_load %arg11[%swap3A_293, %swap3A_294] {strides = array<i32>} : memref<96x128xf32, #tpu.memory_space<vmem>>, vector<16xf32>,
          tpu.vector_store %arg11[%swap3A_293, %swap3A_294], %mul3A_292 {strides = array<i32>} : memref<96x128xf32, #tpu.memory_space<vmem>>, vector<16xf32>,
          %get3A_296 = arith.index_cast %add3A_271 : i32 to index
          %get3A_297 = arith.constant 48 : index
          %get3A_298 = tpu.vector_load %arg11[%get3A_296, %get3A_297] {strides = array<i32>} : memref<96x128xf32, #tpu.memory_space<vmem>>, vector<16xf32>,
          %mul3A_299 = arith.mulf %get3A_298, %gather3A_274 : vector<16xf32>
          %swap3A_300 = arith.index_cast %add3A_271 : i32 to index
          %swap3A_301 = arith.constant 48 : index
          %swap3A_302 = tpu.vector_load %arg11[%swap3A_300, %swap3A_301] {strides = array<i32>} : memref<96x128xf32, #tpu.memory_space<vmem>>, vector<16xf32>,
          tpu.vector_store %arg11[%swap3A_300, %swap3A_301], %mul3A_299 {strides = array<i32>} : memref<96x128xf32, #tpu.memory_space<vmem>>, vector<16xf32>,
          %get3A_303 = arith.index_cast %add3A_271 : i32 to index
          %get3A_304 = arith.constant 64 : index
          %get3A_305 = tpu.vector_load %arg11[%get3A_303, %get3A_304] {strides = array<i32>} : memref<96x128xf32, #tpu.memory_space<vmem>>, vector<16xf32>,
          %mul3A_306 = arith.mulf %get3A_305, %gather3A_274 : vector<16xf32>
          %swap3A_307 = arith.index_cast %add3A_271 : i32 to index
          %swap3A_308 = arith.constant 64 : index
          %swap3A_309 = tpu.vector_load %arg11[%swap3A_307, %swap3A_308] {strides = array<i32>} : memref<96x128xf32, #tpu.memory_space<vmem>>, vector<16xf32>,
          tpu.vector_store %arg11[%swap3A_307, %swap3A_308], %mul3A_306 {strides = array<i32>} : memref<96x128xf32, #tpu.memory_space<vmem>>, vector<16xf32>,
          %get3A_310 = arith.index_cast %add3A_271 : i32 to index
          %get3A_311 = arith.constant 80 : index
          %get3A_312 = tpu.vector_load %arg11[%get3A_310, %get3A_311] {strides = array<i32>} : memref<96x128xf32, #tpu.memory_space<vmem>>, vector<16xf32>,
          %mul3A_313 = arith.mulf %get3A_312, %gather3A_274 : vector<16xf32>
          %swap3A_314 = arith.index_cast %add3A_271 : i32 to index
          %swap3A_315 = arith.constant 80 : index
          %swap3A_316 = tpu.vector_load %arg11[%swap3A_314, %swap3A_315] {strides = array<i32>} : memref<96x128xf32, #tpu.memory_space<vmem>>, vector<16xf32>,
          tpu.vector_store %arg11[%swap3A_314, %swap3A_315], %mul3A_313 {strides = array<i32>} : memref<96x128xf32, #tpu.memory_space<vmem>>, vector<16xf32>,
          %get3A_317 = arith.index_cast %add3A_271 : i32 to index
          %get3A_318 = arith.constant 96 : index
          %get3A_319 = tpu.vector_load %arg11[%get3A_317, %get3A_318] {strides = array<i32>} : memref<96x128xf32, #tpu.memory_space<vmem>>, vector<16xf32>,
          %mul3A_320 = arith.mulf %get3A_319, %gather3A_274 : vector<16xf32>
          %swap3A_321 = arith.index_cast %add3A_271 : i32 to index
          %swap3A_322 = arith.constant 96 : index
          %swap3A_323 = tpu.vector_load %arg11[%swap3A_321, %swap3A_322] {strides = array<i32>} : memref<96x128xf32, #tpu.memory_space<vmem>>, vector<16xf32>,
          tpu.vector_store %arg11[%swap3A_321, %swap3A_322], %mul3A_320 {strides = array<i32>} : memref<96x128xf32, #tpu.memory_space<vmem>>, vector<16xf32>,
          %get3A_324 = arith.index_cast %add3A_271 : i32 to index
          %get3A_325 = arith.constant 112 : index
          %get3A_326 = tpu.vector_load %arg11[%get3A_324, %get3A_325] {strides = array<i32>} : memref<96x128xf32, #tpu.memory_space<vmem>>, vector<16xf32>,
          %mul3A_327 = arith.mulf %get3A_326, %gather3A_274 : vector<16xf32>
          %swap3A_328 = arith.index_cast %add3A_271 : i32 to index
          %swap3A_329 = arith.constant 112 : index
          %swap3A_330 = tpu.vector_load %arg11[%swap3A_328, %swap3A_329] {strides = array<i32>} : memref<96x128xf32, #tpu.memory_space<vmem>>, vector<16xf32>,
          tpu.vector_store %arg11[%swap3A_328, %swap3A_329], %mul3A_327 {strides = array<i32>} : memref<96x128xf32, #tpu.memory_space<vmem>>, vector<16xf32>,
          %mul3A_331 = arith.constant 4 : i32
          %mul3A_332 = arith.muli %mul3A_331, %scan3A_144 : i32
          %add3A_333 = arith.constant 3 : i32
          %add3A_334 = arith.addi %mul3A_332, %add3A_333 : i32
          %add3A_335 = vector.broadcast %add3A_334 : i32 to vector<16xi32>
          %add3A_336 = arith.addi %add3A_58, %add3A_335 : vector<16xi32>
          %gather3A_337 = tpu.vector_load_idx %arg10[%add3A_336] : memref<2592xf32, #tpu.memory_space<vmem>>[vector<16xi32>], vector<16xf32>,
          %get3A_338 = arith.index_cast %add3A_334 : i32 to index
          %get3A_339 = arith.constant 0 : index
          %get3A_340 = tpu.vector_load %arg11[%get3A_338, %get3A_339] {strides = array<i32>} : memref<96x128xf32, #tpu.memory_space<vmem>>, vector<16xf32>,
          %mul3A_341 = arith.mulf %get3A_340, %gather3A_337 : vector<16xf32>
          %swap3A_342 = arith.index_cast %add3A_334 : i32 to index
          %swap3A_343 = arith.constant 0 : index
          %swap3A_344 = tpu.vector_load %arg11[%swap3A_342, %swap3A_343] {strides = array<i32>} : memref<96x128xf32, #tpu.memory_space<vmem>>, vector<16xf32>,
          tpu.vector_store %arg11[%swap3A_342, %swap3A_343], %mul3A_341 {strides = array<i32>} : memref<96x128xf32, #tpu.memory_space<vmem>>, vector<16xf32>,
          %get3A_345 = arith.index_cast %add3A_334 : i32 to index
          %get3A_346 = arith.constant 16 : index
          %get3A_347 = tpu.vector_load %arg11[%get3A_345, %get3A_346] {strides = array<i32>} : memref<96x128xf32, #tpu.memory_space<vmem>>, vector<16xf32>,
          %mul3A_348 = arith.mulf %get3A_347, %gather3A_337 : vector<16xf32>
          %swap3A_349 = arith.index_cast %add3A_334 : i32 to index
          %swap3A_350 = arith.constant 16 : index
          %swap3A_351 = tpu.vector_load %arg11[%swap3A_349, %swap3A_350] {strides = array<i32>} : memref<96x128xf32, #tpu.memory_space<vmem>>, vector<16xf32>,
          tpu.vector_store %arg11[%swap3A_349, %swap3A_350], %mul3A_348 {strides = array<i32>} : memref<96x128xf32, #tpu.memory_space<vmem>>, vector<16xf32>,
          %get3A_352 = arith.index_cast %add3A_334 : i32 to index
          %get3A_353 = arith.constant 32 : index
          %get3A_354 = tpu.vector_load %arg11[%get3A_352, %get3A_353] {strides = array<i32>} : memref<96x128xf32, #tpu.memory_space<vmem>>, vector<16xf32>,
          %mul3A_355 = arith.mulf %get3A_354, %gather3A_337 : vector<16xf32>
          %swap3A_356 = arith.index_cast %add3A_334 : i32 to index
          %swap3A_357 = arith.constant 32 : index
          %swap3A_358 = tpu.vector_load %arg11[%swap3A_356, %swap3A_357] {strides = array<i32>} : memref<96x128xf32, #tpu.memory_space<vmem>>, vector<16xf32>,
          tpu.vector_store %arg11[%swap3A_356, %swap3A_357], %mul3A_355 {strides = array<i32>} : memref<96x128xf32, #tpu.memory_space<vmem>>, vector<16xf32>,
          %get3A_359 = arith.index_cast %add3A_334 : i32 to index
          %get3A_360 = arith.constant 48 : index
          %get3A_361 = tpu.vector_load %arg11[%get3A_359, %get3A_360] {strides = array<i32>} : memref<96x128xf32, #tpu.memory_space<vmem>>, vector<16xf32>,
          %mul3A_362 = arith.mulf %get3A_361, %gather3A_337 : vector<16xf32>
          %swap3A_363 = arith.index_cast %add3A_334 : i32 to index
          %swap3A_364 = arith.constant 48 : index
          %swap3A_365 = tpu.vector_load %arg11[%swap3A_363, %swap3A_364] {strides = array<i32>} : memref<96x128xf32, #tpu.memory_space<vmem>>, vector<16xf32>,
          tpu.vector_store %arg11[%swap3A_363, %swap3A_364], %mul3A_362 {strides = array<i32>} : memref<96x128xf32, #tpu.memory_space<vmem>>, vector<16xf32>,
          %get3A_366 = arith.index_cast %add3A_334 : i32 to index
          %get3A_367 = arith.constant 64 : index
          %get3A_368 = tpu.vector_load %arg11[%get3A_366, %get3A_367] {strides = array<i32>} : memref<96x128xf32, #tpu.memory_space<vmem>>, vector<16xf32>,
          %mul3A_369 = arith.mulf %get3A_368, %gather3A_337 : vector<16xf32>
          %swap3A_370 = arith.index_cast %add3A_334 : i32 to index
          %swap3A_371 = arith.constant 64 : index
          %swap3A_372 = tpu.vector_load %arg11[%swap3A_370, %swap3A_371] {strides = array<i32>} : memref<96x128xf32, #tpu.memory_space<vmem>>, vector<16xf32>,
          tpu.vector_store %arg11[%swap3A_370, %swap3A_371], %mul3A_369 {strides = array<i32>} : memref<96x128xf32, #tpu.memory_space<vmem>>, vector<16xf32>,
          %get3A_373 = arith.index_cast %add3A_334 : i32 to index
          %get3A_374 = arith.constant 80 : index
          %get3A_375 = tpu.vector_load %arg11[%get3A_373, %get3A_374] {strides = array<i32>} : memref<96x128xf32, #tpu.memory_space<vmem>>, vector<16xf32>,
          %mul3A_376 = arith.mulf %get3A_375, %gather3A_337 : vector<16xf32>
          %swap3A_377 = arith.index_cast %add3A_334 : i32 to index
          %swap3A_378 = arith.constant 80 : index
          %swap3A_379 = tpu.vector_load %arg11[%swap3A_377, %swap3A_378] {strides = array<i32>} : memref<96x128xf32, #tpu.memory_space<vmem>>, vector<16xf32>,
          tpu.vector_store %arg11[%swap3A_377, %swap3A_378], %mul3A_376 {strides = array<i32>} : memref<96x128xf32, #tpu.memory_space<vmem>>, vector<16xf32>,
          %get3A_380 = arith.index_cast %add3A_334 : i32 to index
          %get3A_381 = arith.constant 96 : index
          %get3A_382 = tpu.vector_load %arg11[%get3A_380, %get3A_381] {strides = array<i32>} : memref<96x128xf32, #tpu.memory_space<vmem>>, vector<16xf32>,
          %mul3A_383 = arith.mulf %get3A_382, %gather3A_337 : vector<16xf32>
          %swap3A_384 = arith.index_cast %add3A_334 : i32 to index
          %swap3A_385 = arith.constant 96 : index
          %swap3A_386 = tpu.vector_load %arg11[%swap3A_384, %swap3A_385] {strides = array<i32>} : memref<96x128xf32, #tpu.memory_space<vmem>>, vector<16xf32>,
          tpu.vector_store %arg11[%swap3A_384, %swap3A_385], %mul3A_383 {strides = array<i32>} : memref<96x128xf32, #tpu.memory_space<vmem>>, vector<16xf32>,
          %get3A_387 = arith.index_cast %add3A_334 : i32 to index
          %get3A_388 = arith.constant 112 : index
          %get3A_389 = tpu.vector_load %arg11[%get3A_387, %get3A_388] {strides = array<i32>} : memref<96x128xf32, #tpu.memory_space<vmem>>, vector<16xf32>,
          %mul3A_390 = arith.mulf %get3A_389, %gather3A_337 : vector<16xf32>
          %swap3A_391 = arith.index_cast %add3A_334 : i32 to index
          %swap3A_392 = arith.constant 112 : index
          %swap3A_393 = tpu.vector_load %arg11[%swap3A_391, %swap3A_392] {strides = array<i32>} : memref<96x128xf32, #tpu.memory_space<vmem>>, vector<16xf32>,
          tpu.vector_store %arg11[%swap3A_391, %swap3A_392], %mul3A_390 {strides = array<i32>} : memref<96x128xf32, #tpu.memory_space<vmem>>, vector<16xf32>,
        }
        %scan3A_63 = arith.constant 24 : i32
        %dma_start3A_64 = arith.constant 0 : i32
        %dma_start3A_65 = tpu.memref_slice %arg9[%add3A_41, %dma_start3A_64] : memref<27x96xi32, #tpu.memory_space<vmem>> -> memref<1x96xi32, #tpu.memory_space<vmem>>
        %dma_start3A_66 = tpu.memref_squeeze %dma_start3A_65 : memref<1x96xi32, #tpu.memory_space<vmem>> -> memref<96xi32, #tpu.memory_space<vmem>>
        %dma_start3A_67 = arith.constant 0 : i32
        %dma_start3A_68 = arith.constant 0 : i32
        %dma_start3A_69 = tpu.memref_slice %arg14[%dma_start3A_67, %dma_start3A_68] : memref<10240x128xf32, #tpu.memory_space<vmem_shared>> -> memref<10240x128xf32, #tpu.memory_space<vmem_shared>>
        tpu.enqueue_indirect_dma source(%arg11 : memref<96x128xf32, #tpu.memory_space<vmem>>) target(%dma_start3A_69 : memref<10240x128xf32, #tpu.memory_space<vmem_shared>>) offsets(%dma_start3A_66 : memref<96xi32, #tpu.memory_space<vmem>>) semaphore(%arg18 : memref<!tpu.dma_semaphore, #tpu.memory_space<semaphore_mem>>) {add = true}
        %mul3A_70 = arith.constant 3 : i32
        %mul3A_71 = arith.muli %mul3A_70, %scan3A_37 : i32
        %add3A_72 = arith.constant 1 : i32
        %add3A_73 = arith.addi %mul3A_71, %add3A_72 : i32
        %ge3A_74 = arith.constant 2 : i32
        %ge3A_75 = arith.cmpi sge, %add3A_73, %ge3A_74 : i32
        %convert_element_type3A_76 = arith.extui %ge3A_75 : i1 to i32
        %cond3A_77 = arith.constant 0 : i32
        %cond3A_78 = arith.cmpi ne, %convert_element_type3A_76, %cond3A_77 : i32
        scf.if %cond3A_78 {
          %sub3A = arith.constant 2 : i32
          %sub3A_144 = arith.subi %add3A_73, %sub3A : i32
          %dma_wait3A_145 = arith.constant 0 : i32
          %dma_wait3A_146 = tpu.memref_slice %arg9[%sub3A_144, %dma_wait3A_145] : memref<27x96xi32, #tpu.memory_space<vmem>> -> memref<1x96xi32, #tpu.memory_space<vmem>>
          %dma_wait3A_147 = tpu.memref_squeeze %dma_wait3A_146 : memref<1x96xi32, #tpu.memory_space<vmem>> -> memref<96xi32, #tpu.memory_space<vmem>>
          %dma_wait3A_148 = arith.constant 0 : i32
          %dma_wait3A_149 = arith.constant 0 : i32
          %dma_wait3A_150 = tpu.memref_slice %arg14[%dma_wait3A_148, %dma_wait3A_149] : memref<10240x128xf32, #tpu.memory_space<vmem_shared>> -> memref<10240x128xf32, #tpu.memory_space<vmem_shared>>
          tpu.wait_indirect_dma semaphore(%arg20 : memref<!tpu.dma_semaphore, #tpu.memory_space<semaphore_mem>>) src(%arg13 : memref<96x128xf32, #tpu.memory_space<vmem>>) dst(%dma_wait3A_150 : memref<10240x128xf32, #tpu.memory_space<vmem_shared>>)
        } else {
        }
        %lt3A_79 = arith.constant 26 : i32
        %lt3A_80 = arith.cmpi slt, %add3A_73, %lt3A_79 : i32
        %convert_element_type3A_81 = arith.extui %lt3A_80 : i1 to i32
        %cond3A_82 = arith.constant 0 : i32
        %cond3A_83 = arith.cmpi ne, %convert_element_type3A_81, %cond3A_82 : i32
        scf.if %cond3A_83 {
          %add3A_144 = arith.constant 1 : i32
          %add3A_145 = arith.addi %add3A_73, %add3A_144 : i32
          %dma_start3A_146 = arith.constant 0 : i32
          %dma_start3A_147 = tpu.memref_slice %arg8[%add3A_145, %dma_start3A_146] : memref<27x96xi32, #tpu.memory_space<vmem>> -> memref<1x96xi32, #tpu.memory_space<vmem>>
          %dma_start3A_148 = tpu.memref_squeeze %dma_start3A_147 : memref<1x96xi32, #tpu.memory_space<vmem>> -> memref<96xi32, #tpu.memory_space<vmem>>
          %dma_start3A_149 = arith.constant 0 : i32
          %dma_start3A_150 = arith.constant 0 : i32
          %dma_start3A_151 = tpu.memref_slice %arg2[%dma_start3A_149, %dma_start3A_150] : memref<10240x128xf32, #tpu.memory_space<hbm>> -> memref<10240x128xf32, #tpu.memory_space<hbm>>
          tpu.enqueue_indirect_dma source(%dma_start3A_151 : memref<10240x128xf32, #tpu.memory_space<hbm>>) target(%arg13 : memref<96x128xf32, #tpu.memory_space<vmem>>) offsets(%dma_start3A_148 : memref<96xi32, #tpu.memory_space<vmem>>) semaphore(%arg17 : memref<!tpu.dma_semaphore, #tpu.memory_space<semaphore_mem>>)
        } else {
        }
        %dma_wait3A_84 = arith.constant 0 : i32
        %dma_wait3A_85 = tpu.memref_slice %arg8[%add3A_73, %dma_wait3A_84] : memref<27x96xi32, #tpu.memory_space<vmem>> -> memref<1x96xi32, #tpu.memory_space<vmem>>
        %dma_wait3A_86 = tpu.memref_squeeze %dma_wait3A_85 : memref<1x96xi32, #tpu.memory_space<vmem>> -> memref<96xi32, #tpu.memory_space<vmem>>
        %dma_wait3A_87 = arith.constant 0 : i32
        %dma_wait3A_88 = arith.constant 0 : i32
        %dma_wait3A_89 = tpu.memref_slice %arg2[%dma_wait3A_87, %dma_wait3A_88] : memref<10240x128xf32, #tpu.memory_space<hbm>> -> memref<10240x128xf32, #tpu.memory_space<hbm>>
        tpu.wait_indirect_dma semaphore(%arg16 : memref<!tpu.dma_semaphore, #tpu.memory_space<semaphore_mem>>) src(%dma_wait3A_89 : memref<10240x128xf32, #tpu.memory_space<hbm>>) dst(%arg12 : memref<96x128xf32, #tpu.memory_space<vmem>>)
        %broadcast_in_dim3A_90 = arith.constant 0 : i32
        %broadcast_in_dim3A_91 = vector.broadcast %broadcast_in_dim3A_90 : i32 to vector<16xi32>
        %mul3A_92 = arith.constant 96 : i32
        %mul3A_93 = arith.muli %add3A_73, %mul3A_92 : i32
        %add3A_94 = vector.broadcast %mul3A_93 : i32 to vector<16xi32>
        %add3A_95 = arith.addi %broadcast_in_dim3A_91, %add3A_94 : vector<16xi32>
        %scan3A_96 = arith.constant 0 : i32
        %scan3A_97 = arith.constant 24 : i32
        %scan3A_98 = arith.addi %scan3A_96, %scan3A_97 : i32
        %scan3A_99 = arith.constant 1 : i32
        scf.for %scan3A_144 = %scan3A_96 to %scan3A_98 step %scan3A_99  : i32 {
          %mul3A_145 = arith.constant 4 : i32
          %mul3A_146 = arith.muli %mul3A_145, %scan3A_144 : i32
          %add3A_147 = arith.constant 0 : i32
          %add3A_148 = arith.addi %mul3A_146, %add3A_147 : i32
          %add3A_149 = vector.broadcast %add3A_148 : i32 to vector<16xi32>
          %add3A_150 = arith.addi %add3A_95, %add3A_149 : vector<16xi32>
          %gather3A = tpu.vector_load_idx %arg10[%add3A_150] : memref<2592xf32, #tpu.memory_space<vmem>>[vector<16xi32>], vector<16xf32>,
          %get3A = arith.index_cast %add3A_148 : i32 to index
          %get3A_151 = arith.constant 0 : index
          %get3A_152 = tpu.vector_load %arg12[%get3A, %get3A_151] {strides = array<i32>} : memref<96x128xf32, #tpu.memory_space<vmem>>, vector<16xf32>,
          %mul3A_153 = arith.mulf %get3A_152, %gather3A : vector<16xf32>
          %swap3A = arith.index_cast %add3A_148 : i32 to index
          %swap3A_154 = arith.constant 0 : index
          %swap3A_155 = tpu.vector_load %arg12[%swap3A, %swap3A_154] {strides = array<i32>} : memref<96x128xf32, #tpu.memory_space<vmem>>, vector<16xf32>,
          tpu.vector_store %arg12[%swap3A, %swap3A_154], %mul3A_153 {strides = array<i32>} : memref<96x128xf32, #tpu.memory_space<vmem>>, vector<16xf32>,
          %get3A_156 = arith.index_cast %add3A_148 : i32 to index
          %get3A_157 = arith.constant 16 : index
          %get3A_158 = tpu.vector_load %arg12[%get3A_156, %get3A_157] {strides = array<i32>} : memref<96x128xf32, #tpu.memory_space<vmem>>, vector<16xf32>,
          %mul3A_159 = arith.mulf %get3A_158, %gather3A : vector<16xf32>
          %swap3A_160 = arith.index_cast %add3A_148 : i32 to index
          %swap3A_161 = arith.constant 16 : index
          %swap3A_162 = tpu.vector_load %arg12[%swap3A_160, %swap3A_161] {strides = array<i32>} : memref<96x128xf32, #tpu.memory_space<vmem>>, vector<16xf32>,
          tpu.vector_store %arg12[%swap3A_160, %swap3A_161], %mul3A_159 {strides = array<i32>} : memref<96x128xf32, #tpu.memory_space<vmem>>, vector<16xf32>,
          %get3A_163 = arith.index_cast %add3A_148 : i32 to index
          %get3A_164 = arith.constant 32 : index
          %get3A_165 = tpu.vector_load %arg12[%get3A_163, %get3A_164] {strides = array<i32>} : memref<96x128xf32, #tpu.memory_space<vmem>>, vector<16xf32>,
          %mul3A_166 = arith.mulf %get3A_165, %gather3A : vector<16xf32>
          %swap3A_167 = arith.index_cast %add3A_148 : i32 to index
          %swap3A_168 = arith.constant 32 : index
          %swap3A_169 = tpu.vector_load %arg12[%swap3A_167, %swap3A_168] {strides = array<i32>} : memref<96x128xf32, #tpu.memory_space<vmem>>, vector<16xf32>,
          tpu.vector_store %arg12[%swap3A_167, %swap3A_168], %mul3A_166 {strides = array<i32>} : memref<96x128xf32, #tpu.memory_space<vmem>>, vector<16xf32>,
          %get3A_170 = arith.index_cast %add3A_148 : i32 to index
          %get3A_171 = arith.constant 48 : index
          %get3A_172 = tpu.vector_load %arg12[%get3A_170, %get3A_171] {strides = array<i32>} : memref<96x128xf32, #tpu.memory_space<vmem>>, vector<16xf32>,
          %mul3A_173 = arith.mulf %get3A_172, %gather3A : vector<16xf32>
          %swap3A_174 = arith.index_cast %add3A_148 : i32 to index
          %swap3A_175 = arith.constant 48 : index
          %swap3A_176 = tpu.vector_load %arg12[%swap3A_174, %swap3A_175] {strides = array<i32>} : memref<96x128xf32, #tpu.memory_space<vmem>>, vector<16xf32>,
          tpu.vector_store %arg12[%swap3A_174, %swap3A_175], %mul3A_173 {strides = array<i32>} : memref<96x128xf32, #tpu.memory_space<vmem>>, vector<16xf32>,
          %get3A_177 = arith.index_cast %add3A_148 : i32 to index
          %get3A_178 = arith.constant 64 : index
          %get3A_179 = tpu.vector_load %arg12[%get3A_177, %get3A_178] {strides = array<i32>} : memref<96x128xf32, #tpu.memory_space<vmem>>, vector<16xf32>,
          %mul3A_180 = arith.mulf %get3A_179, %gather3A : vector<16xf32>
          %swap3A_181 = arith.index_cast %add3A_148 : i32 to index
          %swap3A_182 = arith.constant 64 : index
          %swap3A_183 = tpu.vector_load %arg12[%swap3A_181, %swap3A_182] {strides = array<i32>} : memref<96x128xf32, #tpu.memory_space<vmem>>, vector<16xf32>,
          tpu.vector_store %arg12[%swap3A_181, %swap3A_182], %mul3A_180 {strides = array<i32>} : memref<96x128xf32, #tpu.memory_space<vmem>>, vector<16xf32>,
          %get3A_184 = arith.index_cast %add3A_148 : i32 to index
          %get3A_185 = arith.constant 80 : index
          %get3A_186 = tpu.vector_load %arg12[%get3A_184, %get3A_185] {strides = array<i32>} : memref<96x128xf32, #tpu.memory_space<vmem>>, vector<16xf32>,
          %mul3A_187 = arith.mulf %get3A_186, %gather3A : vector<16xf32>
          %swap3A_188 = arith.index_cast %add3A_148 : i32 to index
          %swap3A_189 = arith.constant 80 : index
          %swap3A_190 = tpu.vector_load %arg12[%swap3A_188, %swap3A_189] {strides = array<i32>} : memref<96x128xf32, #tpu.memory_space<vmem>>, vector<16xf32>,
          tpu.vector_store %arg12[%swap3A_188, %swap3A_189], %mul3A_187 {strides = array<i32>} : memref<96x128xf32, #tpu.memory_space<vmem>>, vector<16xf32>,
          %get3A_191 = arith.index_cast %add3A_148 : i32 to index
          %get3A_192 = arith.constant 96 : index
          %get3A_193 = tpu.vector_load %arg12[%get3A_191, %get3A_192] {strides = array<i32>} : memref<96x128xf32, #tpu.memory_space<vmem>>, vector<16xf32>,
          %mul3A_194 = arith.mulf %get3A_193, %gather3A : vector<16xf32>
          %swap3A_195 = arith.index_cast %add3A_148 : i32 to index
          %swap3A_196 = arith.constant 96 : index
          %swap3A_197 = tpu.vector_load %arg12[%swap3A_195, %swap3A_196] {strides = array<i32>} : memref<96x128xf32, #tpu.memory_space<vmem>>, vector<16xf32>,
          tpu.vector_store %arg12[%swap3A_195, %swap3A_196], %mul3A_194 {strides = array<i32>} : memref<96x128xf32, #tpu.memory_space<vmem>>, vector<16xf32>,
          %get3A_198 = arith.index_cast %add3A_148 : i32 to index
          %get3A_199 = arith.constant 112 : index
          %get3A_200 = tpu.vector_load %arg12[%get3A_198, %get3A_199] {strides = array<i32>} : memref<96x128xf32, #tpu.memory_space<vmem>>, vector<16xf32>,
          %mul3A_201 = arith.mulf %get3A_200, %gather3A : vector<16xf32>
          %swap3A_202 = arith.index_cast %add3A_148 : i32 to index
          %swap3A_203 = arith.constant 112 : index
          %swap3A_204 = tpu.vector_load %arg12[%swap3A_202, %swap3A_203] {strides = array<i32>} : memref<96x128xf32, #tpu.memory_space<vmem>>, vector<16xf32>,
          tpu.vector_store %arg12[%swap3A_202, %swap3A_203], %mul3A_201 {strides = array<i32>} : memref<96x128xf32, #tpu.memory_space<vmem>>, vector<16xf32>,
          %mul3A_205 = arith.constant 4 : i32
          %mul3A_206 = arith.muli %mul3A_205, %scan3A_144 : i32
          %add3A_207 = arith.constant 1 : i32
          %add3A_208 = arith.addi %mul3A_206, %add3A_207 : i32
          %add3A_209 = vector.broadcast %add3A_208 : i32 to vector<16xi32>
          %add3A_210 = arith.addi %add3A_95, %add3A_209 : vector<16xi32>
          %gather3A_211 = tpu.vector_load_idx %arg10[%add3A_210] : memref<2592xf32, #tpu.memory_space<vmem>>[vector<16xi32>], vector<16xf32>,
          %get3A_212 = arith.index_cast %add3A_208 : i32 to index
          %get3A_213 = arith.constant 0 : index
          %get3A_214 = tpu.vector_load %arg12[%get3A_212, %get3A_213] {strides = array<i32>} : memref<96x128xf32, #tpu.memory_space<vmem>>, vector<16xf32>,
          %mul3A_215 = arith.mulf %get3A_214, %gather3A_211 : vector<16xf32>
          %swap3A_216 = arith.index_cast %add3A_208 : i32 to index
          %swap3A_217 = arith.constant 0 : index
          %swap3A_218 = tpu.vector_load %arg12[%swap3A_216, %swap3A_217] {strides = array<i32>} : memref<96x128xf32, #tpu.memory_space<vmem>>, vector<16xf32>,
          tpu.vector_store %arg12[%swap3A_216, %swap3A_217], %mul3A_215 {strides = array<i32>} : memref<96x128xf32, #tpu.memory_space<vmem>>, vector<16xf32>,
          %get3A_219 = arith.index_cast %add3A_208 : i32 to index
          %get3A_220 = arith.constant 16 : index
          %get3A_221 = tpu.vector_load %arg12[%get3A_219, %get3A_220] {strides = array<i32>} : memref<96x128xf32, #tpu.memory_space<vmem>>, vector<16xf32>,
          %mul3A_222 = arith.mulf %get3A_221, %gather3A_211 : vector<16xf32>
          %swap3A_223 = arith.index_cast %add3A_208 : i32 to index
          %swap3A_224 = arith.constant 16 : index
          %swap3A_225 = tpu.vector_load %arg12[%swap3A_223, %swap3A_224] {strides = array<i32>} : memref<96x128xf32, #tpu.memory_space<vmem>>, vector<16xf32>,
          tpu.vector_store %arg12[%swap3A_223, %swap3A_224], %mul3A_222 {strides = array<i32>} : memref<96x128xf32, #tpu.memory_space<vmem>>, vector<16xf32>,
          %get3A_226 = arith.index_cast %add3A_208 : i32 to index
          %get3A_227 = arith.constant 32 : index
          %get3A_228 = tpu.vector_load %arg12[%get3A_226, %get3A_227] {strides = array<i32>} : memref<96x128xf32, #tpu.memory_space<vmem>>, vector<16xf32>,
          %mul3A_229 = arith.mulf %get3A_228, %gather3A_211 : vector<16xf32>
          %swap3A_230 = arith.index_cast %add3A_208 : i32 to index
          %swap3A_231 = arith.constant 32 : index
          %swap3A_232 = tpu.vector_load %arg12[%swap3A_230, %swap3A_231] {strides = array<i32>} : memref<96x128xf32, #tpu.memory_space<vmem>>, vector<16xf32>,
          tpu.vector_store %arg12[%swap3A_230, %swap3A_231], %mul3A_229 {strides = array<i32>} : memref<96x128xf32, #tpu.memory_space<vmem>>, vector<16xf32>,
          %get3A_233 = arith.index_cast %add3A_208 : i32 to index
          %get3A_234 = arith.constant 48 : index
          %get3A_235 = tpu.vector_load %arg12[%get3A_233, %get3A_234] {strides = array<i32>} : memref<96x128xf32, #tpu.memory_space<vmem>>, vector<16xf32>,
          %mul3A_236 = arith.mulf %get3A_235, %gather3A_211 : vector<16xf32>
          %swap3A_237 = arith.index_cast %add3A_208 : i32 to index
          %swap3A_238 = arith.constant 48 : index
          %swap3A_239 = tpu.vector_load %arg12[%swap3A_237, %swap3A_238] {strides = array<i32>} : memref<96x128xf32, #tpu.memory_space<vmem>>, vector<16xf32>,
          tpu.vector_store %arg12[%swap3A_237, %swap3A_238], %mul3A_236 {strides = array<i32>} : memref<96x128xf32, #tpu.memory_space<vmem>>, vector<16xf32>,
          %get3A_240 = arith.index_cast %add3A_208 : i32 to index
          %get3A_241 = arith.constant 64 : index
          %get3A_242 = tpu.vector_load %arg12[%get3A_240, %get3A_241] {strides = array<i32>} : memref<96x128xf32, #tpu.memory_space<vmem>>, vector<16xf32>,
          %mul3A_243 = arith.mulf %get3A_242, %gather3A_211 : vector<16xf32>
          %swap3A_244 = arith.index_cast %add3A_208 : i32 to index
          %swap3A_245 = arith.constant 64 : index
          %swap3A_246 = tpu.vector_load %arg12[%swap3A_244, %swap3A_245] {strides = array<i32>} : memref<96x128xf32, #tpu.memory_space<vmem>>, vector<16xf32>,
          tpu.vector_store %arg12[%swap3A_244, %swap3A_245], %mul3A_243 {strides = array<i32>} : memref<96x128xf32, #tpu.memory_space<vmem>>, vector<16xf32>,
          %get3A_247 = arith.index_cast %add3A_208 : i32 to index
          %get3A_248 = arith.constant 80 : index
          %get3A_249 = tpu.vector_load %arg12[%get3A_247, %get3A_248] {strides = array<i32>} : memref<96x128xf32, #tpu.memory_space<vmem>>, vector<16xf32>,
          %mul3A_250 = arith.mulf %get3A_249, %gather3A_211 : vector<16xf32>
          %swap3A_251 = arith.index_cast %add3A_208 : i32 to index
          %swap3A_252 = arith.constant 80 : index
          %swap3A_253 = tpu.vector_load %arg12[%swap3A_251, %swap3A_252] {strides = array<i32>} : memref<96x128xf32, #tpu.memory_space<vmem>>, vector<16xf32>,
          tpu.vector_store %arg12[%swap3A_251, %swap3A_252], %mul3A_250 {strides = array<i32>} : memref<96x128xf32, #tpu.memory_space<vmem>>, vector<16xf32>,
          %get3A_254 = arith.index_cast %add3A_208 : i32 to index
          %get3A_255 = arith.constant 96 : index
          %get3A_256 = tpu.vector_load %arg12[%get3A_254, %get3A_255] {strides = array<i32>} : memref<96x128xf32, #tpu.memory_space<vmem>>, vector<16xf32>,
          %mul3A_257 = arith.mulf %get3A_256, %gather3A_211 : vector<16xf32>
          %swap3A_258 = arith.index_cast %add3A_208 : i32 to index
          %swap3A_259 = arith.constant 96 : index
          %swap3A_260 = tpu.vector_load %arg12[%swap3A_258, %swap3A_259] {strides = array<i32>} : memref<96x128xf32, #tpu.memory_space<vmem>>, vector<16xf32>,
          tpu.vector_store %arg12[%swap3A_258, %swap3A_259], %mul3A_257 {strides = array<i32>} : memref<96x128xf32, #tpu.memory_space<vmem>>, vector<16xf32>,
          %get3A_261 = arith.index_cast %add3A_208 : i32 to index
          %get3A_262 = arith.constant 112 : index
          %get3A_263 = tpu.vector_load %arg12[%get3A_261, %get3A_262] {strides = array<i32>} : memref<96x128xf32, #tpu.memory_space<vmem>>, vector<16xf32>,
          %mul3A_264 = arith.mulf %get3A_263, %gather3A_211 : vector<16xf32>
          %swap3A_265 = arith.index_cast %add3A_208 : i32 to index
          %swap3A_266 = arith.constant 112 : index
          %swap3A_267 = tpu.vector_load %arg12[%swap3A_265, %swap3A_266] {strides = array<i32>} : memref<96x128xf32, #tpu.memory_space<vmem>>, vector<16xf32>,
          tpu.vector_store %arg12[%swap3A_265, %swap3A_266], %mul3A_264 {strides = array<i32>} : memref<96x128xf32, #tpu.memory_space<vmem>>, vector<16xf32>,
          %mul3A_268 = arith.constant 4 : i32
          %mul3A_269 = arith.muli %mul3A_268, %scan3A_144 : i32
          %add3A_270 = arith.constant 2 : i32
          %add3A_271 = arith.addi %mul3A_269, %add3A_270 : i32
          %add3A_272 = vector.broadcast %add3A_271 : i32 to vector<16xi32>
          %add3A_273 = arith.addi %add3A_95, %add3A_272 : vector<16xi32>
          %gather3A_274 = tpu.vector_load_idx %arg10[%add3A_273] : memref<2592xf32, #tpu.memory_space<vmem>>[vector<16xi32>], vector<16xf32>,
          %get3A_275 = arith.index_cast %add3A_271 : i32 to index
          %get3A_276 = arith.constant 0 : index
          %get3A_277 = tpu.vector_load %arg12[%get3A_275, %get3A_276] {strides = array<i32>} : memref<96x128xf32, #tpu.memory_space<vmem>>, vector<16xf32>,
          %mul3A_278 = arith.mulf %get3A_277, %gather3A_274 : vector<16xf32>
          %swap3A_279 = arith.index_cast %add3A_271 : i32 to index
          %swap3A_280 = arith.constant 0 : index
          %swap3A_281 = tpu.vector_load %arg12[%swap3A_279, %swap3A_280] {strides = array<i32>} : memref<96x128xf32, #tpu.memory_space<vmem>>, vector<16xf32>,
          tpu.vector_store %arg12[%swap3A_279, %swap3A_280], %mul3A_278 {strides = array<i32>} : memref<96x128xf32, #tpu.memory_space<vmem>>, vector<16xf32>,
          %get3A_282 = arith.index_cast %add3A_271 : i32 to index
          %get3A_283 = arith.constant 16 : index
          %get3A_284 = tpu.vector_load %arg12[%get3A_282, %get3A_283] {strides = array<i32>} : memref<96x128xf32, #tpu.memory_space<vmem>>, vector<16xf32>,
          %mul3A_285 = arith.mulf %get3A_284, %gather3A_274 : vector<16xf32>
          %swap3A_286 = arith.index_cast %add3A_271 : i32 to index
          %swap3A_287 = arith.constant 16 : index
          %swap3A_288 = tpu.vector_load %arg12[%swap3A_286, %swap3A_287] {strides = array<i32>} : memref<96x128xf32, #tpu.memory_space<vmem>>, vector<16xf32>,
          tpu.vector_store %arg12[%swap3A_286, %swap3A_287], %mul3A_285 {strides = array<i32>} : memref<96x128xf32, #tpu.memory_space<vmem>>, vector<16xf32>,
          %get3A_289 = arith.index_cast %add3A_271 : i32 to index
          %get3A_290 = arith.constant 32 : index
          %get3A_291 = tpu.vector_load %arg12[%get3A_289, %get3A_290] {strides = array<i32>} : memref<96x128xf32, #tpu.memory_space<vmem>>, vector<16xf32>,
          %mul3A_292 = arith.mulf %get3A_291, %gather3A_274 : vector<16xf32>
          %swap3A_293 = arith.index_cast %add3A_271 : i32 to index
          %swap3A_294 = arith.constant 32 : index
          %swap3A_295 = tpu.vector_load %arg12[%swap3A_293, %swap3A_294] {strides = array<i32>} : memref<96x128xf32, #tpu.memory_space<vmem>>, vector<16xf32>,
          tpu.vector_store %arg12[%swap3A_293, %swap3A_294], %mul3A_292 {strides = array<i32>} : memref<96x128xf32, #tpu.memory_space<vmem>>, vector<16xf32>,
          %get3A_296 = arith.index_cast %add3A_271 : i32 to index
          %get3A_297 = arith.constant 48 : index
          %get3A_298 = tpu.vector_load %arg12[%get3A_296, %get3A_297] {strides = array<i32>} : memref<96x128xf32, #tpu.memory_space<vmem>>, vector<16xf32>,
          %mul3A_299 = arith.mulf %get3A_298, %gather3A_274 : vector<16xf32>
          %swap3A_300 = arith.index_cast %add3A_271 : i32 to index
          %swap3A_301 = arith.constant 48 : index
          %swap3A_302 = tpu.vector_load %arg12[%swap3A_300, %swap3A_301] {strides = array<i32>} : memref<96x128xf32, #tpu.memory_space<vmem>>, vector<16xf32>,
          tpu.vector_store %arg12[%swap3A_300, %swap3A_301], %mul3A_299 {strides = array<i32>} : memref<96x128xf32, #tpu.memory_space<vmem>>, vector<16xf32>,
          %get3A_303 = arith.index_cast %add3A_271 : i32 to index
          %get3A_304 = arith.constant 64 : index
          %get3A_305 = tpu.vector_load %arg12[%get3A_303, %get3A_304] {strides = array<i32>} : memref<96x128xf32, #tpu.memory_space<vmem>>, vector<16xf32>,
          %mul3A_306 = arith.mulf %get3A_305, %gather3A_274 : vector<16xf32>
          %swap3A_307 = arith.index_cast %add3A_271 : i32 to index
          %swap3A_308 = arith.constant 64 : index
          %swap3A_309 = tpu.vector_load %arg12[%swap3A_307, %swap3A_308] {strides = array<i32>} : memref<96x128xf32, #tpu.memory_space<vmem>>, vector<16xf32>,
          tpu.vector_store %arg12[%swap3A_307, %swap3A_308], %mul3A_306 {strides = array<i32>} : memref<96x128xf32, #tpu.memory_space<vmem>>, vector<16xf32>,
          %get3A_310 = arith.index_cast %add3A_271 : i32 to index
          %get3A_311 = arith.constant 80 : index
          %get3A_312 = tpu.vector_load %arg12[%get3A_310, %get3A_311] {strides = array<i32>} : memref<96x128xf32, #tpu.memory_space<vmem>>, vector<16xf32>,
          %mul3A_313 = arith.mulf %get3A_312, %gather3A_274 : vector<16xf32>
          %swap3A_314 = arith.index_cast %add3A_271 : i32 to index
          %swap3A_315 = arith.constant 80 : index
          %swap3A_316 = tpu.vector_load %arg12[%swap3A_314, %swap3A_315] {strides = array<i32>} : memref<96x128xf32, #tpu.memory_space<vmem>>, vector<16xf32>,
          tpu.vector_store %arg12[%swap3A_314, %swap3A_315], %mul3A_313 {strides = array<i32>} : memref<96x128xf32, #tpu.memory_space<vmem>>, vector<16xf32>,
          %get3A_317 = arith.index_cast %add3A_271 : i32 to index
          %get3A_318 = arith.constant 96 : index
          %get3A_319 = tpu.vector_load %arg12[%get3A_317, %get3A_318] {strides = array<i32>} : memref<96x128xf32, #tpu.memory_space<vmem>>, vector<16xf32>,
          %mul3A_320 = arith.mulf %get3A_319, %gather3A_274 : vector<16xf32>
          %swap3A_321 = arith.index_cast %add3A_271 : i32 to index
          %swap3A_322 = arith.constant 96 : index
          %swap3A_323 = tpu.vector_load %arg12[%swap3A_321, %swap3A_322] {strides = array<i32>} : memref<96x128xf32, #tpu.memory_space<vmem>>, vector<16xf32>,
          tpu.vector_store %arg12[%swap3A_321, %swap3A_322], %mul3A_320 {strides = array<i32>} : memref<96x128xf32, #tpu.memory_space<vmem>>, vector<16xf32>,
          %get3A_324 = arith.index_cast %add3A_271 : i32 to index
          %get3A_325 = arith.constant 112 : index
          %get3A_326 = tpu.vector_load %arg12[%get3A_324, %get3A_325] {strides = array<i32>} : memref<96x128xf32, #tpu.memory_space<vmem>>, vector<16xf32>,
          %mul3A_327 = arith.mulf %get3A_326, %gather3A_274 : vector<16xf32>
          %swap3A_328 = arith.index_cast %add3A_271 : i32 to index
          %swap3A_329 = arith.constant 112 : index
          %swap3A_330 = tpu.vector_load %arg12[%swap3A_328, %swap3A_329] {strides = array<i32>} : memref<96x128xf32, #tpu.memory_space<vmem>>, vector<16xf32>,
          tpu.vector_store %arg12[%swap3A_328, %swap3A_329], %mul3A_327 {strides = array<i32>} : memref<96x128xf32, #tpu.memory_space<vmem>>, vector<16xf32>,
          %mul3A_331 = arith.constant 4 : i32
          %mul3A_332 = arith.muli %mul3A_331, %scan3A_144 : i32
          %add3A_333 = arith.constant 3 : i32
          %add3A_334 = arith.addi %mul3A_332, %add3A_333 : i32
          %add3A_335 = vector.broadcast %add3A_334 : i32 to vector<16xi32>
          %add3A_336 = arith.addi %add3A_95, %add3A_335 : vector<16xi32>
          %gather3A_337 = tpu.vector_load_idx %arg10[%add3A_336] : memref<2592xf32, #tpu.memory_space<vmem>>[vector<16xi32>], vector<16xf32>,
          %get3A_338 = arith.index_cast %add3A_334 : i32 to index
          %get3A_339 = arith.constant 0 : index
          %get3A_340 = tpu.vector_load %arg12[%get3A_338, %get3A_339] {strides = array<i32>} : memref<96x128xf32, #tpu.memory_space<vmem>>, vector<16xf32>,
          %mul3A_341 = arith.mulf %get3A_340, %gather3A_337 : vector<16xf32>
          %swap3A_342 = arith.index_cast %add3A_334 : i32 to index
          %swap3A_343 = arith.constant 0 : index
          %swap3A_344 = tpu.vector_load %arg12[%swap3A_342, %swap3A_343] {strides = array<i32>} : memref<96x128xf32, #tpu.memory_space<vmem>>, vector<16xf32>,
          tpu.vector_store %arg12[%swap3A_342, %swap3A_343], %mul3A_341 {strides = array<i32>} : memref<96x128xf32, #tpu.memory_space<vmem>>, vector<16xf32>,
          %get3A_345 = arith.index_cast %add3A_334 : i32 to index
          %get3A_346 = arith.constant 16 : index
          %get3A_347 = tpu.vector_load %arg12[%get3A_345, %get3A_346] {strides = array<i32>} : memref<96x128xf32, #tpu.memory_space<vmem>>, vector<16xf32>,
          %mul3A_348 = arith.mulf %get3A_347, %gather3A_337 : vector<16xf32>
          %swap3A_349 = arith.index_cast %add3A_334 : i32 to index
          %swap3A_350 = arith.constant 16 : index
          %swap3A_351 = tpu.vector_load %arg12[%swap3A_349, %swap3A_350] {strides = array<i32>} : memref<96x128xf32, #tpu.memory_space<vmem>>, vector<16xf32>,
          tpu.vector_store %arg12[%swap3A_349, %swap3A_350], %mul3A_348 {strides = array<i32>} : memref<96x128xf32, #tpu.memory_space<vmem>>, vector<16xf32>,
          %get3A_352 = arith.index_cast %add3A_334 : i32 to index
          %get3A_353 = arith.constant 32 : index
          %get3A_354 = tpu.vector_load %arg12[%get3A_352, %get3A_353] {strides = array<i32>} : memref<96x128xf32, #tpu.memory_space<vmem>>, vector<16xf32>,
          %mul3A_355 = arith.mulf %get3A_354, %gather3A_337 : vector<16xf32>
          %swap3A_356 = arith.index_cast %add3A_334 : i32 to index
          %swap3A_357 = arith.constant 32 : index
          %swap3A_358 = tpu.vector_load %arg12[%swap3A_356, %swap3A_357] {strides = array<i32>} : memref<96x128xf32, #tpu.memory_space<vmem>>, vector<16xf32>,
          tpu.vector_store %arg12[%swap3A_356, %swap3A_357], %mul3A_355 {strides = array<i32>} : memref<96x128xf32, #tpu.memory_space<vmem>>, vector<16xf32>,
          %get3A_359 = arith.index_cast %add3A_334 : i32 to index
          %get3A_360 = arith.constant 48 : index
          %get3A_361 = tpu.vector_load %arg12[%get3A_359, %get3A_360] {strides = array<i32>} : memref<96x128xf32, #tpu.memory_space<vmem>>, vector<16xf32>,
          %mul3A_362 = arith.mulf %get3A_361, %gather3A_337 : vector<16xf32>
          %swap3A_363 = arith.index_cast %add3A_334 : i32 to index
          %swap3A_364 = arith.constant 48 : index
          %swap3A_365 = tpu.vector_load %arg12[%swap3A_363, %swap3A_364] {strides = array<i32>} : memref<96x128xf32, #tpu.memory_space<vmem>>, vector<16xf32>,
          tpu.vector_store %arg12[%swap3A_363, %swap3A_364], %mul3A_362 {strides = array<i32>} : memref<96x128xf32, #tpu.memory_space<vmem>>, vector<16xf32>,
          %get3A_366 = arith.index_cast %add3A_334 : i32 to index
          %get3A_367 = arith.constant 64 : index
          %get3A_368 = tpu.vector_load %arg12[%get3A_366, %get3A_367] {strides = array<i32>} : memref<96x128xf32, #tpu.memory_space<vmem>>, vector<16xf32>,
          %mul3A_369 = arith.mulf %get3A_368, %gather3A_337 : vector<16xf32>
          %swap3A_370 = arith.index_cast %add3A_334 : i32 to index
          %swap3A_371 = arith.constant 64 : index
          %swap3A_372 = tpu.vector_load %arg12[%swap3A_370, %swap3A_371] {strides = array<i32>} : memref<96x128xf32, #tpu.memory_space<vmem>>, vector<16xf32>,
          tpu.vector_store %arg12[%swap3A_370, %swap3A_371], %mul3A_369 {strides = array<i32>} : memref<96x128xf32, #tpu.memory_space<vmem>>, vector<16xf32>,
          %get3A_373 = arith.index_cast %add3A_334 : i32 to index
          %get3A_374 = arith.constant 80 : index
          %get3A_375 = tpu.vector_load %arg12[%get3A_373, %get3A_374] {strides = array<i32>} : memref<96x128xf32, #tpu.memory_space<vmem>>, vector<16xf32>,
          %mul3A_376 = arith.mulf %get3A_375, %gather3A_337 : vector<16xf32>
          %swap3A_377 = arith.index_cast %add3A_334 : i32 to index
          %swap3A_378 = arith.constant 80 : index
          %swap3A_379 = tpu.vector_load %arg12[%swap3A_377, %swap3A_378] {strides = array<i32>} : memref<96x128xf32, #tpu.memory_space<vmem>>, vector<16xf32>,
          tpu.vector_store %arg12[%swap3A_377, %swap3A_378], %mul3A_376 {strides = array<i32>} : memref<96x128xf32, #tpu.memory_space<vmem>>, vector<16xf32>,
          %get3A_380 = arith.index_cast %add3A_334 : i32 to index
          %get3A_381 = arith.constant 96 : index
          %get3A_382 = tpu.vector_load %arg12[%get3A_380, %get3A_381] {strides = array<i32>} : memref<96x128xf32, #tpu.memory_space<vmem>>, vector<16xf32>,
          %mul3A_383 = arith.mulf %get3A_382, %gather3A_337 : vector<16xf32>
          %swap3A_384 = arith.index_cast %add3A_334 : i32 to index
          %swap3A_385 = arith.constant 96 : index
          %swap3A_386 = tpu.vector_load %arg12[%swap3A_384, %swap3A_385] {strides = array<i32>} : memref<96x128xf32, #tpu.memory_space<vmem>>, vector<16xf32>,
          tpu.vector_store %arg12[%swap3A_384, %swap3A_385], %mul3A_383 {strides = array<i32>} : memref<96x128xf32, #tpu.memory_space<vmem>>, vector<16xf32>,
          %get3A_387 = arith.index_cast %add3A_334 : i32 to index
          %get3A_388 = arith.constant 112 : index
          %get3A_389 = tpu.vector_load %arg12[%get3A_387, %get3A_388] {strides = array<i32>} : memref<96x128xf32, #tpu.memory_space<vmem>>, vector<16xf32>,
          %mul3A_390 = arith.mulf %get3A_389, %gather3A_337 : vector<16xf32>
          %swap3A_391 = arith.index_cast %add3A_334 : i32 to index
          %swap3A_392 = arith.constant 112 : index
          %swap3A_393 = tpu.vector_load %arg12[%swap3A_391, %swap3A_392] {strides = array<i32>} : memref<96x128xf32, #tpu.memory_space<vmem>>, vector<16xf32>,
          tpu.vector_store %arg12[%swap3A_391, %swap3A_392], %mul3A_390 {strides = array<i32>} : memref<96x128xf32, #tpu.memory_space<vmem>>, vector<16xf32>,
        }
        %scan3A_100 = arith.constant 24 : i32
        %dma_start3A_101 = arith.constant 0 : i32
        %dma_start3A_102 = tpu.memref_slice %arg9[%add3A_73, %dma_start3A_101] : memref<27x96xi32, #tpu.memory_space<vmem>> -> memref<1x96xi32, #tpu.memory_space<vmem>>
        %dma_start3A_103 = tpu.memref_squeeze %dma_start3A_102 : memref<1x96xi32, #tpu.memory_space<vmem>> -> memref<96xi32, #tpu.memory_space<vmem>>
        %dma_start3A_104 = arith.constant 0 : i32
        %dma_start3A_105 = arith.constant 0 : i32
        %dma_start3A_106 = tpu.memref_slice %arg14[%dma_start3A_104, %dma_start3A_105] : memref<10240x128xf32, #tpu.memory_space<vmem_shared>> -> memref<10240x128xf32, #tpu.memory_space<vmem_shared>>
        tpu.enqueue_indirect_dma source(%arg12 : memref<96x128xf32, #tpu.memory_space<vmem>>) target(%dma_start3A_106 : memref<10240x128xf32, #tpu.memory_space<vmem_shared>>) offsets(%dma_start3A_103 : memref<96xi32, #tpu.memory_space<vmem>>) semaphore(%arg19 : memref<!tpu.dma_semaphore, #tpu.memory_space<semaphore_mem>>) {add = true}
        %mul3A_107 = arith.constant 3 : i32
        %mul3A_108 = arith.muli %mul3A_107, %scan3A_37 : i32
        %add3A_109 = arith.constant 2 : i32
        %add3A_110 = arith.addi %mul3A_108, %add3A_109 : i32
        %ge3A_111 = arith.constant 2 : i32
        %ge3A_112 = arith.cmpi sge, %add3A_110, %ge3A_111 : i32
        %convert_element_type3A_113 = arith.extui %ge3A_112 : i1 to i32
        %cond3A_114 = arith.constant 0 : i32
        %cond3A_115 = arith.cmpi ne, %convert_element_type3A_113, %cond3A_114 : i32
        scf.if %cond3A_115 {
          %sub3A = arith.constant 2 : i32
          %sub3A_144 = arith.subi %add3A_110, %sub3A : i32
          %dma_wait3A_145 = arith.constant 0 : i32
          %dma_wait3A_146 = tpu.memref_slice %arg9[%sub3A_144, %dma_wait3A_145] : memref<27x96xi32, #tpu.memory_space<vmem>> -> memref<1x96xi32, #tpu.memory_space<vmem>>
          %dma_wait3A_147 = tpu.memref_squeeze %dma_wait3A_146 : memref<1x96xi32, #tpu.memory_space<vmem>> -> memref<96xi32, #tpu.memory_space<vmem>>
          %dma_wait3A_148 = arith.constant 0 : i32
          %dma_wait3A_149 = arith.constant 0 : i32
          %dma_wait3A_150 = tpu.memref_slice %arg14[%dma_wait3A_148, %dma_wait3A_149] : memref<10240x128xf32, #tpu.memory_space<vmem_shared>> -> memref<10240x128xf32, #tpu.memory_space<vmem_shared>>
          tpu.wait_indirect_dma semaphore(%arg18 : memref<!tpu.dma_semaphore, #tpu.memory_space<semaphore_mem>>) src(%arg11 : memref<96x128xf32, #tpu.memory_space<vmem>>) dst(%dma_wait3A_150 : memref<10240x128xf32, #tpu.memory_space<vmem_shared>>)
        } else {
        }
        %lt3A_116 = arith.constant 26 : i32
        %lt3A_117 = arith.cmpi slt, %add3A_110, %lt3A_116 : i32
        %convert_element_type3A_118 = arith.extui %lt3A_117 : i1 to i32
        %cond3A_119 = arith.constant 0 : i32
        %cond3A_120 = arith.cmpi ne, %convert_element_type3A_118, %cond3A_119 : i32
        scf.if %cond3A_120 {
          %add3A_144 = arith.constant 1 : i32
          %add3A_145 = arith.addi %add3A_110, %add3A_144 : i32
          %dma_start3A_146 = arith.constant 0 : i32
          %dma_start3A_147 = tpu.memref_slice %arg8[%add3A_145, %dma_start3A_146] : memref<27x96xi32, #tpu.memory_space<vmem>> -> memref<1x96xi32, #tpu.memory_space<vmem>>
          %dma_start3A_148 = tpu.memref_squeeze %dma_start3A_147 : memref<1x96xi32, #tpu.memory_space<vmem>> -> memref<96xi32, #tpu.memory_space<vmem>>
          %dma_start3A_149 = arith.constant 0 : i32
          %dma_start3A_150 = arith.constant 0 : i32
          %dma_start3A_151 = tpu.memref_slice %arg2[%dma_start3A_149, %dma_start3A_150] : memref<10240x128xf32, #tpu.memory_space<hbm>> -> memref<10240x128xf32, #tpu.memory_space<hbm>>
          tpu.enqueue_indirect_dma source(%dma_start3A_151 : memref<10240x128xf32, #tpu.memory_space<hbm>>) target(%arg11 : memref<96x128xf32, #tpu.memory_space<vmem>>) offsets(%dma_start3A_148 : memref<96xi32, #tpu.memory_space<vmem>>) semaphore(%arg15 : memref<!tpu.dma_semaphore, #tpu.memory_space<semaphore_mem>>)
        } else {
        }
        %dma_wait3A_121 = arith.constant 0 : i32
        %dma_wait3A_122 = tpu.memref_slice %arg8[%add3A_110, %dma_wait3A_121] : memref<27x96xi32, #tpu.memory_space<vmem>> -> memref<1x96xi32, #tpu.memory_space<vmem>>
        %dma_wait3A_123 = tpu.memref_squeeze %dma_wait3A_122 : memref<1x96xi32, #tpu.memory_space<vmem>> -> memref<96xi32, #tpu.memory_space<vmem>>
        %dma_wait3A_124 = arith.constant 0 : i32
        %dma_wait3A_125 = arith.constant 0 : i32
        %dma_wait3A_126 = tpu.memref_slice %arg2[%dma_wait3A_124, %dma_wait3A_125] : memref<10240x128xf32, #tpu.memory_space<hbm>> -> memref<10240x128xf32, #tpu.memory_space<hbm>>
        tpu.wait_indirect_dma semaphore(%arg17 : memref<!tpu.dma_semaphore, #tpu.memory_space<semaphore_mem>>) src(%dma_wait3A_126 : memref<10240x128xf32, #tpu.memory_space<hbm>>) dst(%arg13 : memref<96x128xf32, #tpu.memory_space<vmem>>)
        %broadcast_in_dim3A_127 = arith.constant 0 : i32
        %broadcast_in_dim3A_128 = vector.broadcast %broadcast_in_dim3A_127 : i32 to vector<16xi32>
        %mul3A_129 = arith.constant 96 : i32
        %mul3A_130 = arith.muli %add3A_110, %mul3A_129 : i32
        %add3A_131 = vector.broadcast %mul3A_130 : i32 to vector<16xi32>
        %add3A_132 = arith.addi %broadcast_in_dim3A_128, %add3A_131 : vector<16xi32>
        %scan3A_133 = arith.constant 0 : i32
        %scan3A_134 = arith.constant 24 : i32
        %scan3A_135 = arith.addi %scan3A_133, %scan3A_134 : i32
        %scan3A_136 = arith.constant 1 : i32
        scf.for %scan3A_144 = %scan3A_133 to %scan3A_135 step %scan3A_136  : i32 {
          %mul3A_145 = arith.constant 4 : i32
          %mul3A_146 = arith.muli %mul3A_145, %scan3A_144 : i32
          %add3A_147 = arith.constant 0 : i32
          %add3A_148 = arith.addi %mul3A_146, %add3A_147 : i32
          %add3A_149 = vector.broadcast %add3A_148 : i32 to vector<16xi32>
          %add3A_150 = arith.addi %add3A_132, %add3A_149 : vector<16xi32>
          %gather3A = tpu.vector_load_idx %arg10[%add3A_150] : memref<2592xf32, #tpu.memory_space<vmem>>[vector<16xi32>], vector<16xf32>,
          %get3A = arith.index_cast %add3A_148 : i32 to index
          %get3A_151 = arith.constant 0 : index
          %get3A_152 = tpu.vector_load %arg13[%get3A, %get3A_151] {strides = array<i32>} : memref<96x128xf32, #tpu.memory_space<vmem>>, vector<16xf32>,
          %mul3A_153 = arith.mulf %get3A_152, %gather3A : vector<16xf32>
          %swap3A = arith.index_cast %add3A_148 : i32 to index
          %swap3A_154 = arith.constant 0 : index
          %swap3A_155 = tpu.vector_load %arg13[%swap3A, %swap3A_154] {strides = array<i32>} : memref<96x128xf32, #tpu.memory_space<vmem>>, vector<16xf32>,
          tpu.vector_store %arg13[%swap3A, %swap3A_154], %mul3A_153 {strides = array<i32>} : memref<96x128xf32, #tpu.memory_space<vmem>>, vector<16xf32>,
          %get3A_156 = arith.index_cast %add3A_148 : i32 to index
          %get3A_157 = arith.constant 16 : index
          %get3A_158 = tpu.vector_load %arg13[%get3A_156, %get3A_157] {strides = array<i32>} : memref<96x128xf32, #tpu.memory_space<vmem>>, vector<16xf32>,
          %mul3A_159 = arith.mulf %get3A_158, %gather3A : vector<16xf32>
          %swap3A_160 = arith.index_cast %add3A_148 : i32 to index
          %swap3A_161 = arith.constant 16 : index
          %swap3A_162 = tpu.vector_load %arg13[%swap3A_160, %swap3A_161] {strides = array<i32>} : memref<96x128xf32, #tpu.memory_space<vmem>>, vector<16xf32>,
          tpu.vector_store %arg13[%swap3A_160, %swap3A_161], %mul3A_159 {strides = array<i32>} : memref<96x128xf32, #tpu.memory_space<vmem>>, vector<16xf32>,
          %get3A_163 = arith.index_cast %add3A_148 : i32 to index
          %get3A_164 = arith.constant 32 : index
          %get3A_165 = tpu.vector_load %arg13[%get3A_163, %get3A_164] {strides = array<i32>} : memref<96x128xf32, #tpu.memory_space<vmem>>, vector<16xf32>,
          %mul3A_166 = arith.mulf %get3A_165, %gather3A : vector<16xf32>
          %swap3A_167 = arith.index_cast %add3A_148 : i32 to index
          %swap3A_168 = arith.constant 32 : index
          %swap3A_169 = tpu.vector_load %arg13[%swap3A_167, %swap3A_168] {strides = array<i32>} : memref<96x128xf32, #tpu.memory_space<vmem>>, vector<16xf32>,
          tpu.vector_store %arg13[%swap3A_167, %swap3A_168], %mul3A_166 {strides = array<i32>} : memref<96x128xf32, #tpu.memory_space<vmem>>, vector<16xf32>,
          %get3A_170 = arith.index_cast %add3A_148 : i32 to index
          %get3A_171 = arith.constant 48 : index
          %get3A_172 = tpu.vector_load %arg13[%get3A_170, %get3A_171] {strides = array<i32>} : memref<96x128xf32, #tpu.memory_space<vmem>>, vector<16xf32>,
          %mul3A_173 = arith.mulf %get3A_172, %gather3A : vector<16xf32>
          %swap3A_174 = arith.index_cast %add3A_148 : i32 to index
          %swap3A_175 = arith.constant 48 : index
          %swap3A_176 = tpu.vector_load %arg13[%swap3A_174, %swap3A_175] {strides = array<i32>} : memref<96x128xf32, #tpu.memory_space<vmem>>, vector<16xf32>,
          tpu.vector_store %arg13[%swap3A_174, %swap3A_175], %mul3A_173 {strides = array<i32>} : memref<96x128xf32, #tpu.memory_space<vmem>>, vector<16xf32>,
          %get3A_177 = arith.index_cast %add3A_148 : i32 to index
          %get3A_178 = arith.constant 64 : index
          %get3A_179 = tpu.vector_load %arg13[%get3A_177, %get3A_178] {strides = array<i32>} : memref<96x128xf32, #tpu.memory_space<vmem>>, vector<16xf32>,
          %mul3A_180 = arith.mulf %get3A_179, %gather3A : vector<16xf32>
          %swap3A_181 = arith.index_cast %add3A_148 : i32 to index
          %swap3A_182 = arith.constant 64 : index
          %swap3A_183 = tpu.vector_load %arg13[%swap3A_181, %swap3A_182] {strides = array<i32>} : memref<96x128xf32, #tpu.memory_space<vmem>>, vector<16xf32>,
          tpu.vector_store %arg13[%swap3A_181, %swap3A_182], %mul3A_180 {strides = array<i32>} : memref<96x128xf32, #tpu.memory_space<vmem>>, vector<16xf32>,
          %get3A_184 = arith.index_cast %add3A_148 : i32 to index
          %get3A_185 = arith.constant 80 : index
          %get3A_186 = tpu.vector_load %arg13[%get3A_184, %get3A_185] {strides = array<i32>} : memref<96x128xf32, #tpu.memory_space<vmem>>, vector<16xf32>,
          %mul3A_187 = arith.mulf %get3A_186, %gather3A : vector<16xf32>
          %swap3A_188 = arith.index_cast %add3A_148 : i32 to index
          %swap3A_189 = arith.constant 80 : index
          %swap3A_190 = tpu.vector_load %arg13[%swap3A_188, %swap3A_189] {strides = array<i32>} : memref<96x128xf32, #tpu.memory_space<vmem>>, vector<16xf32>,
          tpu.vector_store %arg13[%swap3A_188, %swap3A_189], %mul3A_187 {strides = array<i32>} : memref<96x128xf32, #tpu.memory_space<vmem>>, vector<16xf32>,
          %get3A_191 = arith.index_cast %add3A_148 : i32 to index
          %get3A_192 = arith.constant 96 : index
          %get3A_193 = tpu.vector_load %arg13[%get3A_191, %get3A_192] {strides = array<i32>} : memref<96x128xf32, #tpu.memory_space<vmem>>, vector<16xf32>,
          %mul3A_194 = arith.mulf %get3A_193, %gather3A : vector<16xf32>
          %swap3A_195 = arith.index_cast %add3A_148 : i32 to index
          %swap3A_196 = arith.constant 96 : index
          %swap3A_197 = tpu.vector_load %arg13[%swap3A_195, %swap3A_196] {strides = array<i32>} : memref<96x128xf32, #tpu.memory_space<vmem>>, vector<16xf32>,
          tpu.vector_store %arg13[%swap3A_195, %swap3A_196], %mul3A_194 {strides = array<i32>} : memref<96x128xf32, #tpu.memory_space<vmem>>, vector<16xf32>,
          %get3A_198 = arith.index_cast %add3A_148 : i32 to index
          %get3A_199 = arith.constant 112 : index
          %get3A_200 = tpu.vector_load %arg13[%get3A_198, %get3A_199] {strides = array<i32>} : memref<96x128xf32, #tpu.memory_space<vmem>>, vector<16xf32>,
          %mul3A_201 = arith.mulf %get3A_200, %gather3A : vector<16xf32>
          %swap3A_202 = arith.index_cast %add3A_148 : i32 to index
          %swap3A_203 = arith.constant 112 : index
          %swap3A_204 = tpu.vector_load %arg13[%swap3A_202, %swap3A_203] {strides = array<i32>} : memref<96x128xf32, #tpu.memory_space<vmem>>, vector<16xf32>,
          tpu.vector_store %arg13[%swap3A_202, %swap3A_203], %mul3A_201 {strides = array<i32>} : memref<96x128xf32, #tpu.memory_space<vmem>>, vector<16xf32>,
          %mul3A_205 = arith.constant 4 : i32
          %mul3A_206 = arith.muli %mul3A_205, %scan3A_144 : i32
          %add3A_207 = arith.constant 1 : i32
          %add3A_208 = arith.addi %mul3A_206, %add3A_207 : i32
          %add3A_209 = vector.broadcast %add3A_208 : i32 to vector<16xi32>
          %add3A_210 = arith.addi %add3A_132, %add3A_209 : vector<16xi32>
          %gather3A_211 = tpu.vector_load_idx %arg10[%add3A_210] : memref<2592xf32, #tpu.memory_space<vmem>>[vector<16xi32>], vector<16xf32>,
          %get3A_212 = arith.index_cast %add3A_208 : i32 to index
          %get3A_213 = arith.constant 0 : index
          %get3A_214 = tpu.vector_load %arg13[%get3A_212, %get3A_213] {strides = array<i32>} : memref<96x128xf32, #tpu.memory_space<vmem>>, vector<16xf32>,
          %mul3A_215 = arith.mulf %get3A_214, %gather3A_211 : vector<16xf32>
          %swap3A_216 = arith.index_cast %add3A_208 : i32 to index
          %swap3A_217 = arith.constant 0 : index
          %swap3A_218 = tpu.vector_load %arg13[%swap3A_216, %swap3A_217] {strides = array<i32>} : memref<96x128xf32, #tpu.memory_space<vmem>>, vector<16xf32>,
          tpu.vector_store %arg13[%swap3A_216, %swap3A_217], %mul3A_215 {strides = array<i32>} : memref<96x128xf32, #tpu.memory_space<vmem>>, vector<16xf32>,
          %get3A_219 = arith.index_cast %add3A_208 : i32 to index
          %get3A_220 = arith.constant 16 : index
          %get3A_221 = tpu.vector_load %arg13[%get3A_219, %get3A_220] {strides = array<i32>} : memref<96x128xf32, #tpu.memory_space<vmem>>, vector<16xf32>,
          %mul3A_222 = arith.mulf %get3A_221, %gather3A_211 : vector<16xf32>
          %swap3A_223 = arith.index_cast %add3A_208 : i32 to index
          %swap3A_224 = arith.constant 16 : index
          %swap3A_225 = tpu.vector_load %arg13[%swap3A_223, %swap3A_224] {strides = array<i32>} : memref<96x128xf32, #tpu.memory_space<vmem>>, vector<16xf32>,
          tpu.vector_store %arg13[%swap3A_223, %swap3A_224], %mul3A_222 {strides = array<i32>} : memref<96x128xf32, #tpu.memory_space<vmem>>, vector<16xf32>,
          %get3A_226 = arith.index_cast %add3A_208 : i32 to index
          %get3A_227 = arith.constant 32 : index
          %get3A_228 = tpu.vector_load %arg13[%get3A_226, %get3A_227] {strides = array<i32>} : memref<96x128xf32, #tpu.memory_space<vmem>>, vector<16xf32>,
          %mul3A_229 = arith.mulf %get3A_228, %gather3A_211 : vector<16xf32>
          %swap3A_230 = arith.index_cast %add3A_208 : i32 to index
          %swap3A_231 = arith.constant 32 : index
          %swap3A_232 = tpu.vector_load %arg13[%swap3A_230, %swap3A_231] {strides = array<i32>} : memref<96x128xf32, #tpu.memory_space<vmem>>, vector<16xf32>,
          tpu.vector_store %arg13[%swap3A_230, %swap3A_231], %mul3A_229 {strides = array<i32>} : memref<96x128xf32, #tpu.memory_space<vmem>>, vector<16xf32>,
          %get3A_233 = arith.index_cast %add3A_208 : i32 to index
          %get3A_234 = arith.constant 48 : index
          %get3A_235 = tpu.vector_load %arg13[%get3A_233, %get3A_234] {strides = array<i32>} : memref<96x128xf32, #tpu.memory_space<vmem>>, vector<16xf32>,
          %mul3A_236 = arith.mulf %get3A_235, %gather3A_211 : vector<16xf32>
          %swap3A_237 = arith.index_cast %add3A_208 : i32 to index
          %swap3A_238 = arith.constant 48 : index
          %swap3A_239 = tpu.vector_load %arg13[%swap3A_237, %swap3A_238] {strides = array<i32>} : memref<96x128xf32, #tpu.memory_space<vmem>>, vector<16xf32>,
          tpu.vector_store %arg13[%swap3A_237, %swap3A_238], %mul3A_236 {strides = array<i32>} : memref<96x128xf32, #tpu.memory_space<vmem>>, vector<16xf32>,
          %get3A_240 = arith.index_cast %add3A_208 : i32 to index
          %get3A_241 = arith.constant 64 : index
          %get3A_242 = tpu.vector_load %arg13[%get3A_240, %get3A_241] {strides = array<i32>} : memref<96x128xf32, #tpu.memory_space<vmem>>, vector<16xf32>,
          %mul3A_243 = arith.mulf %get3A_242, %gather3A_211 : vector<16xf32>
          %swap3A_244 = arith.index_cast %add3A_208 : i32 to index
          %swap3A_245 = arith.constant 64 : index
          %swap3A_246 = tpu.vector_load %arg13[%swap3A_244, %swap3A_245] {strides = array<i32>} : memref<96x128xf32, #tpu.memory_space<vmem>>, vector<16xf32>,
          tpu.vector_store %arg13[%swap3A_244, %swap3A_245], %mul3A_243 {strides = array<i32>} : memref<96x128xf32, #tpu.memory_space<vmem>>, vector<16xf32>,
          %get3A_247 = arith.index_cast %add3A_208 : i32 to index
          %get3A_248 = arith.constant 80 : index
          %get3A_249 = tpu.vector_load %arg13[%get3A_247, %get3A_248] {strides = array<i32>} : memref<96x128xf32, #tpu.memory_space<vmem>>, vector<16xf32>,
          %mul3A_250 = arith.mulf %get3A_249, %gather3A_211 : vector<16xf32>
          %swap3A_251 = arith.index_cast %add3A_208 : i32 to index
          %swap3A_252 = arith.constant 80 : index
          %swap3A_253 = tpu.vector_load %arg13[%swap3A_251, %swap3A_252] {strides = array<i32>} : memref<96x128xf32, #tpu.memory_space<vmem>>, vector<16xf32>,
          tpu.vector_store %arg13[%swap3A_251, %swap3A_252], %mul3A_250 {strides = array<i32>} : memref<96x128xf32, #tpu.memory_space<vmem>>, vector<16xf32>,
          %get3A_254 = arith.index_cast %add3A_208 : i32 to index
          %get3A_255 = arith.constant 96 : index
          %get3A_256 = tpu.vector_load %arg13[%get3A_254, %get3A_255] {strides = array<i32>} : memref<96x128xf32, #tpu.memory_space<vmem>>, vector<16xf32>,
          %mul3A_257 = arith.mulf %get3A_256, %gather3A_211 : vector<16xf32>
          %swap3A_258 = arith.index_cast %add3A_208 : i32 to index
          %swap3A_259 = arith.constant 96 : index
          %swap3A_260 = tpu.vector_load %arg13[%swap3A_258, %swap3A_259] {strides = array<i32>} : memref<96x128xf32, #tpu.memory_space<vmem>>, vector<16xf32>,
          tpu.vector_store %arg13[%swap3A_258, %swap3A_259], %mul3A_257 {strides = array<i32>} : memref<96x128xf32, #tpu.memory_space<vmem>>, vector<16xf32>,
          %get3A_261 = arith.index_cast %add3A_208 : i32 to index
          %get3A_262 = arith.constant 112 : index
          %get3A_263 = tpu.vector_load %arg13[%get3A_261, %get3A_262] {strides = array<i32>} : memref<96x128xf32, #tpu.memory_space<vmem>>, vector<16xf32>,
          %mul3A_264 = arith.mulf %get3A_263, %gather3A_211 : vector<16xf32>
          %swap3A_265 = arith.index_cast %add3A_208 : i32 to index
          %swap3A_266 = arith.constant 112 : index
          %swap3A_267 = tpu.vector_load %arg13[%swap3A_265, %swap3A_266] {strides = array<i32>} : memref<96x128xf32, #tpu.memory_space<vmem>>, vector<16xf32>,
          tpu.vector_store %arg13[%swap3A_265, %swap3A_266], %mul3A_264 {strides = array<i32>} : memref<96x128xf32, #tpu.memory_space<vmem>>, vector<16xf32>,
          %mul3A_268 = arith.constant 4 : i32
          %mul3A_269 = arith.muli %mul3A_268, %scan3A_144 : i32
          %add3A_270 = arith.constant 2 : i32
          %add3A_271 = arith.addi %mul3A_269, %add3A_270 : i32
          %add3A_272 = vector.broadcast %add3A_271 : i32 to vector<16xi32>
          %add3A_273 = arith.addi %add3A_132, %add3A_272 : vector<16xi32>
          %gather3A_274 = tpu.vector_load_idx %arg10[%add3A_273] : memref<2592xf32, #tpu.memory_space<vmem>>[vector<16xi32>], vector<16xf32>,
          %get3A_275 = arith.index_cast %add3A_271 : i32 to index
          %get3A_276 = arith.constant 0 : index
          %get3A_277 = tpu.vector_load %arg13[%get3A_275, %get3A_276] {strides = array<i32>} : memref<96x128xf32, #tpu.memory_space<vmem>>, vector<16xf32>,
          %mul3A_278 = arith.mulf %get3A_277, %gather3A_274 : vector<16xf32>
          %swap3A_279 = arith.index_cast %add3A_271 : i32 to index
          %swap3A_280 = arith.constant 0 : index
          %swap3A_281 = tpu.vector_load %arg13[%swap3A_279, %swap3A_280] {strides = array<i32>} : memref<96x128xf32, #tpu.memory_space<vmem>>, vector<16xf32>,
          tpu.vector_store %arg13[%swap3A_279, %swap3A_280], %mul3A_278 {strides = array<i32>} : memref<96x128xf32, #tpu.memory_space<vmem>>, vector<16xf32>,
          %get3A_282 = arith.index_cast %add3A_271 : i32 to index
          %get3A_283 = arith.constant 16 : index
          %get3A_284 = tpu.vector_load %arg13[%get3A_282, %get3A_283] {strides = array<i32>} : memref<96x128xf32, #tpu.memory_space<vmem>>, vector<16xf32>,
          %mul3A_285 = arith.mulf %get3A_284, %gather3A_274 : vector<16xf32>
          %swap3A_286 = arith.index_cast %add3A_271 : i32 to index
          %swap3A_287 = arith.constant 16 : index
          %swap3A_288 = tpu.vector_load %arg13[%swap3A_286, %swap3A_287] {strides = array<i32>} : memref<96x128xf32, #tpu.memory_space<vmem>>, vector<16xf32>,
          tpu.vector_store %arg13[%swap3A_286, %swap3A_287], %mul3A_285 {strides = array<i32>} : memref<96x128xf32, #tpu.memory_space<vmem>>, vector<16xf32>,
          %get3A_289 = arith.index_cast %add3A_271 : i32 to index
          %get3A_290 = arith.constant 32 : index
          %get3A_291 = tpu.vector_load %arg13[%get3A_289, %get3A_290] {strides = array<i32>} : memref<96x128xf32, #tpu.memory_space<vmem>>, vector<16xf32>,
          %mul3A_292 = arith.mulf %get3A_291, %gather3A_274 : vector<16xf32>
          %swap3A_293 = arith.index_cast %add3A_271 : i32 to index
          %swap3A_294 = arith.constant 32 : index
          %swap3A_295 = tpu.vector_load %arg13[%swap3A_293, %swap3A_294] {strides = array<i32>} : memref<96x128xf32, #tpu.memory_space<vmem>>, vector<16xf32>,
          tpu.vector_store %arg13[%swap3A_293, %swap3A_294], %mul3A_292 {strides = array<i32>} : memref<96x128xf32, #tpu.memory_space<vmem>>, vector<16xf32>,
          %get3A_296 = arith.index_cast %add3A_271 : i32 to index
          %get3A_297 = arith.constant 48 : index
          %get3A_298 = tpu.vector_load %arg13[%get3A_296, %get3A_297] {strides = array<i32>} : memref<96x128xf32, #tpu.memory_space<vmem>>, vector<16xf32>,
          %mul3A_299 = arith.mulf %get3A_298, %gather3A_274 : vector<16xf32>
          %swap3A_300 = arith.index_cast %add3A_271 : i32 to index
          %swap3A_301 = arith.constant 48 : index
          %swap3A_302 = tpu.vector_load %arg13[%swap3A_300, %swap3A_301] {strides = array<i32>} : memref<96x128xf32, #tpu.memory_space<vmem>>, vector<16xf32>,
          tpu.vector_store %arg13[%swap3A_300, %swap3A_301], %mul3A_299 {strides = array<i32>} : memref<96x128xf32, #tpu.memory_space<vmem>>, vector<16xf32>,
          %get3A_303 = arith.index_cast %add3A_271 : i32 to index
          %get3A_304 = arith.constant 64 : index
          %get3A_305 = tpu.vector_load %arg13[%get3A_303, %get3A_304] {strides = array<i32>} : memref<96x128xf32, #tpu.memory_space<vmem>>, vector<16xf32>,
          %mul3A_306 = arith.mulf %get3A_305, %gather3A_274 : vector<16xf32>
          %swap3A_307 = arith.index_cast %add3A_271 : i32 to index
          %swap3A_308 = arith.constant 64 : index
          %swap3A_309 = tpu.vector_load %arg13[%swap3A_307, %swap3A_308] {strides = array<i32>} : memref<96x128xf32, #tpu.memory_space<vmem>>, vector<16xf32>,
          tpu.vector_store %arg13[%swap3A_307, %swap3A_308], %mul3A_306 {strides = array<i32>} : memref<96x128xf32, #tpu.memory_space<vmem>>, vector<16xf32>,
          %get3A_310 = arith.index_cast %add3A_271 : i32 to index
          %get3A_311 = arith.constant 80 : index
          %get3A_312 = tpu.vector_load %arg13[%get3A_310, %get3A_311] {strides = array<i32>} : memref<96x128xf32, #tpu.memory_space<vmem>>, vector<16xf32>,
          %mul3A_313 = arith.mulf %get3A_312, %gather3A_274 : vector<16xf32>
          %swap3A_314 = arith.index_cast %add3A_271 : i32 to index
          %swap3A_315 = arith.constant 80 : index
          %swap3A_316 = tpu.vector_load %arg13[%swap3A_314, %swap3A_315] {strides = array<i32>} : memref<96x128xf32, #tpu.memory_space<vmem>>, vector<16xf32>,
          tpu.vector_store %arg13[%swap3A_314, %swap3A_315], %mul3A_313 {strides = array<i32>} : memref<96x128xf32, #tpu.memory_space<vmem>>, vector<16xf32>,
          %get3A_317 = arith.index_cast %add3A_271 : i32 to index
          %get3A_318 = arith.constant 96 : index
          %get3A_319 = tpu.vector_load %arg13[%get3A_317, %get3A_318] {strides = array<i32>} : memref<96x128xf32, #tpu.memory_space<vmem>>, vector<16xf32>,
          %mul3A_320 = arith.mulf %get3A_319, %gather3A_274 : vector<16xf32>
          %swap3A_321 = arith.index_cast %add3A_271 : i32 to index
          %swap3A_322 = arith.constant 96 : index
          %swap3A_323 = tpu.vector_load %arg13[%swap3A_321, %swap3A_322] {strides = array<i32>} : memref<96x128xf32, #tpu.memory_space<vmem>>, vector<16xf32>,
          tpu.vector_store %arg13[%swap3A_321, %swap3A_322], %mul3A_320 {strides = array<i32>} : memref<96x128xf32, #tpu.memory_space<vmem>>, vector<16xf32>,
          %get3A_324 = arith.index_cast %add3A_271 : i32 to index
          %get3A_325 = arith.constant 112 : index
          %get3A_326 = tpu.vector_load %arg13[%get3A_324, %get3A_325] {strides = array<i32>} : memref<96x128xf32, #tpu.memory_space<vmem>>, vector<16xf32>,
          %mul3A_327 = arith.mulf %get3A_326, %gather3A_274 : vector<16xf32>
          %swap3A_328 = arith.index_cast %add3A_271 : i32 to index
          %swap3A_329 = arith.constant 112 : index
          %swap3A_330 = tpu.vector_load %arg13[%swap3A_328, %swap3A_329] {strides = array<i32>} : memref<96x128xf32, #tpu.memory_space<vmem>>, vector<16xf32>,
          tpu.vector_store %arg13[%swap3A_328, %swap3A_329], %mul3A_327 {strides = array<i32>} : memref<96x128xf32, #tpu.memory_space<vmem>>, vector<16xf32>,
          %mul3A_331 = arith.constant 4 : i32
          %mul3A_332 = arith.muli %mul3A_331, %scan3A_144 : i32
          %add3A_333 = arith.constant 3 : i32
          %add3A_334 = arith.addi %mul3A_332, %add3A_333 : i32
          %add3A_335 = vector.broadcast %add3A_334 : i32 to vector<16xi32>
          %add3A_336 = arith.addi %add3A_132, %add3A_335 : vector<16xi32>
          %gather3A_337 = tpu.vector_load_idx %arg10[%add3A_336] : memref<2592xf32, #tpu.memory_space<vmem>>[vector<16xi32>], vector<16xf32>,
          %get3A_338 = arith.index_cast %add3A_334 : i32 to index
          %get3A_339 = arith.constant 0 : index
          %get3A_340 = tpu.vector_load %arg13[%get3A_338, %get3A_339] {strides = array<i32>} : memref<96x128xf32, #tpu.memory_space<vmem>>, vector<16xf32>,
          %mul3A_341 = arith.mulf %get3A_340, %gather3A_337 : vector<16xf32>
          %swap3A_342 = arith.index_cast %add3A_334 : i32 to index
          %swap3A_343 = arith.constant 0 : index
          %swap3A_344 = tpu.vector_load %arg13[%swap3A_342, %swap3A_343] {strides = array<i32>} : memref<96x128xf32, #tpu.memory_space<vmem>>, vector<16xf32>,
          tpu.vector_store %arg13[%swap3A_342, %swap3A_343], %mul3A_341 {strides = array<i32>} : memref<96x128xf32, #tpu.memory_space<vmem>>, vector<16xf32>,
          %get3A_345 = arith.index_cast %add3A_334 : i32 to index
          %get3A_346 = arith.constant 16 : index
          %get3A_347 = tpu.vector_load %arg13[%get3A_345, %get3A_346] {strides = array<i32>} : memref<96x128xf32, #tpu.memory_space<vmem>>, vector<16xf32>,
          %mul3A_348 = arith.mulf %get3A_347, %gather3A_337 : vector<16xf32>
          %swap3A_349 = arith.index_cast %add3A_334 : i32 to index
          %swap3A_350 = arith.constant 16 : index
          %swap3A_351 = tpu.vector_load %arg13[%swap3A_349, %swap3A_350] {strides = array<i32>} : memref<96x128xf32, #tpu.memory_space<vmem>>, vector<16xf32>,
          tpu.vector_store %arg13[%swap3A_349, %swap3A_350], %mul3A_348 {strides = array<i32>} : memref<96x128xf32, #tpu.memory_space<vmem>>, vector<16xf32>,
          %get3A_352 = arith.index_cast %add3A_334 : i32 to index
          %get3A_353 = arith.constant 32 : index
          %get3A_354 = tpu.vector_load %arg13[%get3A_352, %get3A_353] {strides = array<i32>} : memref<96x128xf32, #tpu.memory_space<vmem>>, vector<16xf32>,
          %mul3A_355 = arith.mulf %get3A_354, %gather3A_337 : vector<16xf32>
          %swap3A_356 = arith.index_cast %add3A_334 : i32 to index
          %swap3A_357 = arith.constant 32 : index
          %swap3A_358 = tpu.vector_load %arg13[%swap3A_356, %swap3A_357] {strides = array<i32>} : memref<96x128xf32, #tpu.memory_space<vmem>>, vector<16xf32>,
          tpu.vector_store %arg13[%swap3A_356, %swap3A_357], %mul3A_355 {strides = array<i32>} : memref<96x128xf32, #tpu.memory_space<vmem>>, vector<16xf32>,
          %get3A_359 = arith.index_cast %add3A_334 : i32 to index
          %get3A_360 = arith.constant 48 : index
          %get3A_361 = tpu.vector_load %arg13[%get3A_359, %get3A_360] {strides = array<i32>} : memref<96x128xf32, #tpu.memory_space<vmem>>, vector<16xf32>,
          %mul3A_362 = arith.mulf %get3A_361, %gather3A_337 : vector<16xf32>
          %swap3A_363 = arith.index_cast %add3A_334 : i32 to index
          %swap3A_364 = arith.constant 48 : index
          %swap3A_365 = tpu.vector_load %arg13[%swap3A_363, %swap3A_364] {strides = array<i32>} : memref<96x128xf32, #tpu.memory_space<vmem>>, vector<16xf32>,
          tpu.vector_store %arg13[%swap3A_363, %swap3A_364], %mul3A_362 {strides = array<i32>} : memref<96x128xf32, #tpu.memory_space<vmem>>, vector<16xf32>,
          %get3A_366 = arith.index_cast %add3A_334 : i32 to index
          %get3A_367 = arith.constant 64 : index
          %get3A_368 = tpu.vector_load %arg13[%get3A_366, %get3A_367] {strides = array<i32>} : memref<96x128xf32, #tpu.memory_space<vmem>>, vector<16xf32>,
          %mul3A_369 = arith.mulf %get3A_368, %gather3A_337 : vector<16xf32>
          %swap3A_370 = arith.index_cast %add3A_334 : i32 to index
          %swap3A_371 = arith.constant 64 : index
          %swap3A_372 = tpu.vector_load %arg13[%swap3A_370, %swap3A_371] {strides = array<i32>} : memref<96x128xf32, #tpu.memory_space<vmem>>, vector<16xf32>,
          tpu.vector_store %arg13[%swap3A_370, %swap3A_371], %mul3A_369 {strides = array<i32>} : memref<96x128xf32, #tpu.memory_space<vmem>>, vector<16xf32>,
          %get3A_373 = arith.index_cast %add3A_334 : i32 to index
          %get3A_374 = arith.constant 80 : index
          %get3A_375 = tpu.vector_load %arg13[%get3A_373, %get3A_374] {strides = array<i32>} : memref<96x128xf32, #tpu.memory_space<vmem>>, vector<16xf32>,
          %mul3A_376 = arith.mulf %get3A_375, %gather3A_337 : vector<16xf32>
          %swap3A_377 = arith.index_cast %add3A_334 : i32 to index
          %swap3A_378 = arith.constant 80 : index
          %swap3A_379 = tpu.vector_load %arg13[%swap3A_377, %swap3A_378] {strides = array<i32>} : memref<96x128xf32, #tpu.memory_space<vmem>>, vector<16xf32>,
          tpu.vector_store %arg13[%swap3A_377, %swap3A_378], %mul3A_376 {strides = array<i32>} : memref<96x128xf32, #tpu.memory_space<vmem>>, vector<16xf32>,
          %get3A_380 = arith.index_cast %add3A_334 : i32 to index
          %get3A_381 = arith.constant 96 : index
          %get3A_382 = tpu.vector_load %arg13[%get3A_380, %get3A_381] {strides = array<i32>} : memref<96x128xf32, #tpu.memory_space<vmem>>, vector<16xf32>,
          %mul3A_383 = arith.mulf %get3A_382, %gather3A_337 : vector<16xf32>
          %swap3A_384 = arith.index_cast %add3A_334 : i32 to index
          %swap3A_385 = arith.constant 96 : index
          %swap3A_386 = tpu.vector_load %arg13[%swap3A_384, %swap3A_385] {strides = array<i32>} : memref<96x128xf32, #tpu.memory_space<vmem>>, vector<16xf32>,
          tpu.vector_store %arg13[%swap3A_384, %swap3A_385], %mul3A_383 {strides = array<i32>} : memref<96x128xf32, #tpu.memory_space<vmem>>, vector<16xf32>,
          %get3A_387 = arith.index_cast %add3A_334 : i32 to index
          %get3A_388 = arith.constant 112 : index
          %get3A_389 = tpu.vector_load %arg13[%get3A_387, %get3A_388] {strides = array<i32>} : memref<96x128xf32, #tpu.memory_space<vmem>>, vector<16xf32>,
          %mul3A_390 = arith.mulf %get3A_389, %gather3A_337 : vector<16xf32>
          %swap3A_391 = arith.index_cast %add3A_334 : i32 to index
          %swap3A_392 = arith.constant 112 : index
          %swap3A_393 = tpu.vector_load %arg13[%swap3A_391, %swap3A_392] {strides = array<i32>} : memref<96x128xf32, #tpu.memory_space<vmem>>, vector<16xf32>,
          tpu.vector_store %arg13[%swap3A_391, %swap3A_392], %mul3A_390 {strides = array<i32>} : memref<96x128xf32, #tpu.memory_space<vmem>>, vector<16xf32>,
        }
        %scan3A_137 = arith.constant 24 : i32
        %dma_start3A_138 = arith.constant 0 : i32
        %dma_start3A_139 = tpu.memref_slice %arg9[%add3A_110, %dma_start3A_138] : memref<27x96xi32, #tpu.memory_space<vmem>> -> memref<1x96xi32, #tpu.memory_space<vmem>>
        %dma_start3A_140 = tpu.memref_squeeze %dma_start3A_139 : memref<1x96xi32, #tpu.memory_space<vmem>> -> memref<96xi32, #tpu.memory_space<vmem>>
        %dma_start3A_141 = arith.constant 0 : i32
        %dma_start3A_142 = arith.constant 0 : i32
        %dma_start3A_143 = tpu.memref_slice %arg14[%dma_start3A_141, %dma_start3A_142] : memref<10240x128xf32, #tpu.memory_space<vmem_shared>> -> memref<10240x128xf32, #tpu.memory_space<vmem_shared>>
        tpu.enqueue_indirect_dma source(%arg13 : memref<96x128xf32, #tpu.memory_space<vmem>>) target(%dma_start3A_143 : memref<10240x128xf32, #tpu.memory_space<vmem_shared>>) offsets(%dma_start3A_140 : memref<96xi32, #tpu.memory_space<vmem>>) semaphore(%arg20 : memref<!tpu.dma_semaphore, #tpu.memory_space<semaphore_mem>>) {add = true}
      }
      %scan3A_23 = arith.constant 9 : i32
      %dma_wait3A = arith.constant 25 : i32
      %dma_wait3A_24 = arith.constant 0 : i32
      %dma_wait3A_25 = tpu.memref_slice %arg9[%dma_wait3A, %dma_wait3A_24] : memref<27x96xi32, #tpu.memory_space<vmem>> -> memref<1x96xi32, #tpu.memory_space<vmem>>
      %dma_wait3A_26 = tpu.memref_squeeze %dma_wait3A_25 : memref<1x96xi32, #tpu.memory_space<vmem>> -> memref<96xi32, #tpu.memory_space<vmem>>
      %dma_wait3A_27 = arith.constant 0 : i32
      %dma_wait3A_28 = arith.constant 0 : i32
      %dma_wait3A_29 = tpu.memref_slice %arg14[%dma_wait3A_27, %dma_wait3A_28] : memref<10240x128xf32, #tpu.memory_space<vmem_shared>> -> memref<10240x128xf32, #tpu.memory_space<vmem_shared>>
      tpu.wait_indirect_dma semaphore(%arg19 : memref<!tpu.dma_semaphore, #tpu.memory_space<semaphore_mem>>) src(%arg12 : memref<96x128xf32, #tpu.memory_space<vmem>>) dst(%dma_wait3A_29 : memref<10240x128xf32, #tpu.memory_space<vmem_shared>>)
      %dma_wait3A_30 = arith.constant 26 : i32
      %dma_wait3A_31 = arith.constant 0 : i32
      %dma_wait3A_32 = tpu.memref_slice %arg9[%dma_wait3A_30, %dma_wait3A_31] : memref<27x96xi32, #tpu.memory_space<vmem>> -> memref<1x96xi32, #tpu.memory_space<vmem>>
      %dma_wait3A_33 = tpu.memref_squeeze %dma_wait3A_32 : memref<1x96xi32, #tpu.memory_space<vmem>> -> memref<96xi32, #tpu.memory_space<vmem>>
      %dma_wait3A_34 = arith.constant 0 : i32
      %dma_wait3A_35 = arith.constant 0 : i32
      %dma_wait3A_36 = tpu.memref_slice %arg14[%dma_wait3A_34, %dma_wait3A_35] : memref<10240x128xf32, #tpu.memory_space<vmem_shared>> -> memref<10240x128xf32, #tpu.memory_space<vmem_shared>>
      tpu.wait_indirect_dma semaphore(%arg20 : memref<!tpu.dma_semaphore, #tpu.memory_space<semaphore_mem>>) src(%arg13 : memref<96x128xf32, #tpu.memory_space<vmem>>) dst(%dma_wait3A_36 : memref<10240x128xf32, #tpu.memory_space<vmem_shared>>)
    }
    %scan3A_6 = arith.constant 4 : i32
    %barrier3A_7 = arith.constant 0 : index
    tpu.barrier barrier_id(%barrier3A_7)
    %mul3A_8 = arith.constant 640 : i32
    %mul3A_9 = arith.muli %arg1, %mul3A_8 : i32
    %mul3A_10 = arith.constant 640 : i32
    %mul3A_11 = arith.muli %arg1, %mul3A_10 : i32
    "tpu.region"() ({
      %run_scoped3A = tpu.sem_alloc : memref<!tpu.dma_semaphore, #tpu.memory_space<semaphore_mem>>
      %dma_start3A = arith.constant 0 : i32
      %dma_start3A_12 = tpu.memref_slice %arg7[%arg0, %mul3A_11, %dma_start3A] : memref<2x10240x128xf32, #tpu.memory_space<hbm>> -> memref<1x640x128xf32, #tpu.memory_space<hbm>>
      %dma_start3A_13 = tpu.memref_squeeze %dma_start3A_12 : memref<1x640x128xf32, #tpu.memory_space<hbm>> -> memref<640x128xf32, #tpu.memory_space<hbm>>
      %dma_start3A_14 = arith.constant 0 : i32
      %dma_start3A_15 = tpu.memref_slice %arg14[%mul3A_9, %dma_start3A_14] : memref<10240x128xf32, #tpu.memory_space<vmem_shared>> -> memref<640x128xf32, #tpu.memory_space<vmem_shared>>
      tpu.enqueue_dma source(%dma_start3A_15 : memref<640x128xf32, #tpu.memory_space<vmem_shared>>) target(%dma_start3A_13 : memref<640x128xf32, #tpu.memory_space<hbm>>) target_semaphore(%run_scoped3A : memref<!tpu.dma_semaphore, #tpu.memory_space<semaphore_mem>>)
      %dma_wait3A = arith.constant 0 : i32
      %dma_wait3A_16 = tpu.memref_slice %arg7[%arg0, %mul3A_11, %dma_wait3A] : memref<2x10240x128xf32, #tpu.memory_space<hbm>> -> memref<1x640x128xf32, #tpu.memory_space<hbm>>
      %dma_wait3A_17 = tpu.memref_squeeze %dma_wait3A_16 : memref<1x640x128xf32, #tpu.memory_space<hbm>> -> memref<640x128xf32, #tpu.memory_space<hbm>>
      %dma_wait3A_18 = arith.constant 0 : i32
      %dma_wait3A_19 = tpu.memref_slice %arg14[%mul3A_9, %dma_wait3A_18] : memref<10240x128xf32, #tpu.memory_space<vmem_shared>> -> memref<640x128xf32, #tpu.memory_space<vmem_shared>>
      tpu.wait_dma2 semaphore(%run_scoped3A : memref<!tpu.dma_semaphore, #tpu.memory_space<semaphore_mem>>) src(%dma_wait3A_19 : memref<640x128xf32, #tpu.memory_space<vmem_shared>>) dst(%dma_wait3A_17 : memref<640x128xf32, #tpu.memory_space<hbm>>)
      tpu.yield
    }) : () -> ()
    return
  }
}

module attributes {stable_mosaic.version = 14 : i64} {
  func.func @_t1_body(%arg0: i32, %arg1: memref<1280x128xf32, #tpu.memory_space<vmem>>, %arg2: memref<128x128xf32, #tpu.memory_space<vmem>>, %arg3: memref<1x128xf32, #tpu.memory_space<vmem>>, %arg4: memref<1x128xf32, #tpu.memory_space<vmem>>, %arg5: memref<1280x128xf32, #tpu.memory_space<vmem>>, %arg6: memref<1280x1xf32, #tpu.memory_space<vmem>>, %arg7: memref<1280x1xf32, #tpu.memory_space<vmem>>, %arg8: memref<1x1xf32, #tpu.memory_space<vmem>>) attributes {dimension_semantics = [#tpu.dimension_semantics<arbitrary>], iteration_bounds = array<i64: 8>, scalar_prefetch = 0 : i64, scratch_operands = 0 : i64, tpu.core_type = #tpu.core_type<tc>, window_params = [{transform_indices = @transform_0, window_bounds = array<i64: 1280, 128>}, {pipeline_mode = #tpu.pipeline_mode<synchronous>, transform_indices = @transform_1, window_bounds = array<i64: 128, 128>}, {pipeline_mode = #tpu.pipeline_mode<synchronous>, transform_indices = @transform_2, window_bounds = array<i64: 1, 128>}, {pipeline_mode = #tpu.pipeline_mode<synchronous>, transform_indices = @transform_3, window_bounds = array<i64: 1, 128>}, {transform_indices = @transform_4, window_bounds = array<i64: 1280, 128>}, {transform_indices = @transform_5, window_bounds = array<i64: 1280, 1>}, {transform_indices = @transform_6, window_bounds = array<i64: 1280, 1>}, {pipeline_mode = #tpu.pipeline_mode<synchronous>, transform_indices = @transform_7, window_bounds = array<i64: 1, 1>}]} {
    %get3A = arith.constant 0 : index
    %get3A_0 = arith.constant 0 : index
    %get3A_1 = vector.load %arg1[%get3A, %get3A_0] : memref<1280x128xf32, #tpu.memory_space<vmem>>, vector<1280x128xf32>
    %get3A_2 = arith.constant 0 : index
    %get3A_3 = arith.constant 0 : index
    %get3A_4 = vector.load %arg2[%get3A_2, %get3A_3] : memref<128x128xf32, #tpu.memory_space<vmem>>, vector<128x128xf32>
    %dot_general3A = arith.constant dense<0.000000e+00> : vector<1280x128xf32>
    %dot_general3A_5 = tpu.matmul %get3A_1, %get3A_4, %dot_general3A {dimension_numbers = #tpu.dot_dimension_numbers<[1], [0], [0], [1], [0, 0, 1, 1], [], []>, transpose_lhs_hint = false} : vector<1280x128xf32>, vector<128x128xf32>, vector<1280x128xf32> -> vector<1280x128xf32>
    %swap3A = arith.constant 0 : index
    %swap3A_6 = arith.constant 0 : index
    %swap3A_7 = vector.load %arg5[%swap3A, %swap3A_6] : memref<1280x128xf32, #tpu.memory_space<vmem>>, vector<1280x128xf32>
    tpu.vector_store %arg5[%swap3A, %swap3A_6], %dot_general3A_5 {strides = array<i32>} : memref<1280x128xf32, #tpu.memory_space<vmem>>, vector<1280x128xf32>,
    %get3A_8 = arith.constant 0 : index
    %get3A_9 = arith.constant 0 : index
    %get3A_10 = vector.load %arg3[%get3A_8, %get3A_9] : memref<1x128xf32, #tpu.memory_space<vmem>>, vector<1x128xf32>
    %mul3A = vector.broadcast %get3A_10 : vector<1x128xf32> to vector<1280x128xf32>
    %mul3A_11 = arith.mulf %dot_general3A_5, %mul3A : vector<1280x128xf32>
    %reduce_sum3A = arith.constant dense<0.000000e+00> : vector<1280xf32>
    %reduce_sum3A_12 = vector.multi_reduction <add>, %mul3A_11, %reduce_sum3A [1] : vector<1280x128xf32> to vector<1280xf32>
    %broadcast_in_dim3A = vector.shape_cast %reduce_sum3A_12 : vector<1280xf32> to vector<1280x1xf32>
    %get3A_13 = arith.constant 0 : index
    %get3A_14 = arith.constant 0 : index
    %get3A_15 = vector.load %arg4[%get3A_13, %get3A_14] : memref<1x128xf32, #tpu.memory_space<vmem>>, vector<1x128xf32>
    %mul3A_16 = vector.broadcast %get3A_15 : vector<1x128xf32> to vector<1280x128xf32>
    %mul3A_17 = arith.mulf %dot_general3A_5, %mul3A_16 : vector<1280x128xf32>
    %reduce_sum3A_18 = arith.constant dense<0.000000e+00> : vector<1280xf32>
    %reduce_sum3A_19 = vector.multi_reduction <add>, %mul3A_17, %reduce_sum3A_18 [1] : vector<1280x128xf32> to vector<1280xf32>
    %broadcast_in_dim3A_20 = vector.shape_cast %reduce_sum3A_19 : vector<1280xf32> to vector<1280x1xf32>
    %swap3A_21 = arith.constant 0 : index
    %swap3A_22 = arith.constant 0 : index
    %swap3A_23 = vector.load %arg6[%swap3A_21, %swap3A_22] : memref<1280x1xf32, #tpu.memory_space<vmem>>, vector<1280x1xf32>
    tpu.vector_store %arg6[%swap3A_21, %swap3A_22], %broadcast_in_dim3A {strides = array<i32>} : memref<1280x1xf32, #tpu.memory_space<vmem>>, vector<1280x1xf32>,
    %swap3A_24 = arith.constant 0 : index
    %swap3A_25 = arith.constant 0 : index
    %swap3A_26 = vector.load %arg7[%swap3A_24, %swap3A_25] : memref<1280x1xf32, #tpu.memory_space<vmem>>, vector<1280x1xf32>
    tpu.vector_store %arg7[%swap3A_24, %swap3A_25], %broadcast_in_dim3A_20 {strides = array<i32>} : memref<1280x1xf32, #tpu.memory_space<vmem>>, vector<1280x1xf32>,
    %eq3A = arith.constant 0 : i32
    %eq3A_27 = arith.cmpi eq, %arg0, %eq3A : i32
    %convert_element_type3A = arith.extui %eq3A_27 : i1 to i32
    %cond3A = arith.constant 0 : i32
    %cond3A_28 = arith.cmpi ne, %convert_element_type3A, %cond3A : i32
    scf.if %cond3A_28 {
      %broadcast_in_dim3A_40 = arith.constant 0xFF800000 : f32
      %broadcast_in_dim3A_41 = vector.broadcast %broadcast_in_dim3A_40 : f32 to vector<1x1xf32>
      %swap3A_42 = arith.constant 0 : index
      %swap3A_43 = arith.constant 0 : index
      %swap3A_44 = vector.load %arg8[%swap3A_42, %swap3A_43] : memref<1x1xf32, #tpu.memory_space<vmem>>, vector<1x1xf32>
      tpu.vector_store %arg8[%swap3A_42, %swap3A_43], %broadcast_in_dim3A_41 {strides = array<i32>} : memref<1x1xf32, #tpu.memory_space<vmem>>, vector<1x1xf32>,
    } else {
    }
    %get3A_29 = arith.constant 0 : index
    %get3A_30 = arith.constant 0 : index
    %get3A_31 = vector.load %arg8[%get3A_29, %get3A_30] : memref<1x1xf32, #tpu.memory_space<vmem>>, vector<1x1xf32>
    %reduce_max3A = vector.shape_cast %broadcast_in_dim3A : vector<1280x1xf32> to vector<1x1280x1xf32>
    %reduce_max3A_32 = arith.constant dense<0xFF800000> : vector<1xf32>
    %reduce_max3A_33 = vector.multi_reduction <maximumf>, %reduce_max3A, %reduce_max3A_32 [1, 2] : vector<1x1280x1xf32> to vector<1xf32>
    %reduce_max3A_34 = vector.shape_cast %reduce_max3A_33 : vector<1xf32> to vector<1x1x1xf32>
    %reduce_max3A_35 = vector.extract %reduce_max3A_34[0, 0, 0] : f32 from vector<1x1x1xf32>
    %max3A = vector.broadcast %reduce_max3A_35 : f32 to vector<1x1xf32>
    %max3A_36 = arith.maximumf %get3A_31, %max3A : vector<1x1xf32>
    %swap3A_37 = arith.constant 0 : index
    %swap3A_38 = arith.constant 0 : index
    %swap3A_39 = vector.load %arg8[%swap3A_37, %swap3A_38] : memref<1x1xf32, #tpu.memory_space<vmem>>, vector<1x1xf32>
    tpu.vector_store %arg8[%swap3A_37, %swap3A_38], %max3A_36 {strides = array<i32>} : memref<1x1xf32, #tpu.memory_space<vmem>>, vector<1x1xf32>,
    return
  }
  func.func @transform_0(%arg0: i32) -> (i32, i32) {
    %c0_i32 = arith.constant 0 : i32
    %c0_i32_0 = arith.constant 0 : i32
    return %arg0, %c0_i32 : i32, i32
  }
  func.func @transform_1(%arg0: i32) -> (i32, i32) {
    %c0_i32 = arith.constant 0 : i32
    %c0_i32_0 = arith.constant 0 : i32
    %c0_i32_1 = arith.constant 0 : i32
    return %c0_i32, %c0_i32_0 : i32, i32
  }
  func.func @transform_2(%arg0: i32) -> (i32, i32) {
    %c0_i32 = arith.constant 0 : i32
    %c0_i32_0 = arith.constant 0 : i32
    %c0_i32_1 = arith.constant 0 : i32
    return %c0_i32, %c0_i32_0 : i32, i32
  }
  func.func @transform_3(%arg0: i32) -> (i32, i32) {
    %c0_i32 = arith.constant 0 : i32
    %c0_i32_0 = arith.constant 0 : i32
    %c0_i32_1 = arith.constant 0 : i32
    return %c0_i32, %c0_i32_0 : i32, i32
  }
  func.func @transform_4(%arg0: i32) -> (i32, i32) {
    %c0_i32 = arith.constant 0 : i32
    %c0_i32_0 = arith.constant 0 : i32
    return %arg0, %c0_i32 : i32, i32
  }
  func.func @transform_5(%arg0: i32) -> (i32, i32) {
    %c0_i32 = arith.constant 0 : i32
    %c0_i32_0 = arith.constant 0 : i32
    return %arg0, %c0_i32 : i32, i32
  }
  func.func @transform_6(%arg0: i32) -> (i32, i32) {
    %c0_i32 = arith.constant 0 : i32
    %c0_i32_0 = arith.constant 0 : i32
    return %arg0, %c0_i32 : i32, i32
  }
  func.func @transform_7(%arg0: i32) -> (i32, i32) {
    %c0_i32 = arith.constant 0 : i32
    %c0_i32_0 = arith.constant 0 : i32
    %c0_i32_1 = arith.constant 0 : i32
    return %c0_i32, %c0_i32_0 : i32, i32
  }
}

module attributes {stable_mosaic.version = 14 : i64} {
  func.func @_tmid_body(%arg0: i32, %arg1: memref<2x1280x128xf32, #tpu.memory_space<vmem>>, %arg2: memref<32x1280xf32, #tpu.memory_space<vmem>>, %arg3: memref<1x128xf32, #tpu.memory_space<vmem>>, %arg4: memref<128x128xf32, #tpu.memory_space<vmem>>, %arg5: memref<1x128xf32, #tpu.memory_space<vmem>>, %arg6: memref<1x128xf32, #tpu.memory_space<vmem>>, %arg7: memref<1280x128xf32, #tpu.memory_space<vmem>>, %arg8: memref<1280x1xf32, #tpu.memory_space<vmem>>, %arg9: memref<1280x1xf32, #tpu.memory_space<vmem>>, %arg10: memref<1x1xf32, #tpu.memory_space<vmem>>) attributes {dimension_semantics = [#tpu.dimension_semantics<arbitrary>], iteration_bounds = array<i64: 8>, scalar_prefetch = 0 : i64, scratch_operands = 0 : i64, tpu.core_type = #tpu.core_type<tc>, window_params = [{transform_indices = @transform_0, window_bounds = array<i64: 2, 1280, 128>}, {transform_indices = @transform_1, window_bounds = array<i64: 32, 1280>}, {pipeline_mode = #tpu.pipeline_mode<synchronous>, transform_indices = @transform_2, window_bounds = array<i64: 1, 128>}, {pipeline_mode = #tpu.pipeline_mode<synchronous>, transform_indices = @transform_3, window_bounds = array<i64: 128, 128>}, {pipeline_mode = #tpu.pipeline_mode<synchronous>, transform_indices = @transform_4, window_bounds = array<i64: 1, 128>}, {pipeline_mode = #tpu.pipeline_mode<synchronous>, transform_indices = @transform_5, window_bounds = array<i64: 1, 128>}, {transform_indices = @transform_6, window_bounds = array<i64: 1280, 128>}, {transform_indices = @transform_7, window_bounds = array<i64: 1280, 1>}, {transform_indices = @transform_8, window_bounds = array<i64: 1280, 1>}, {pipeline_mode = #tpu.pipeline_mode<synchronous>, transform_indices = @transform_9, window_bounds = array<i64: 1, 1>}]} {
    %get3A = arith.constant 0 : index
    %get3A_0 = arith.constant 0 : index
    %get3A_1 = arith.constant 0 : index
    %get3A_2 = vector.load %arg1[%get3A, %get3A_0, %get3A_1] : memref<2x1280x128xf32, #tpu.memory_space<vmem>>, vector<1x1280x128xf32>
    %get3A_3 = vector.shape_cast %get3A_2 : vector<1x1280x128xf32> to vector<1280x128xf32>
    %get3A_4 = arith.constant 1 : index
    %get3A_5 = arith.constant 0 : index
    %get3A_6 = arith.constant 0 : index
    %get3A_7 = vector.load %arg1[%get3A_4, %get3A_5, %get3A_6] : memref<2x1280x128xf32, #tpu.memory_space<vmem>>, vector<1x1280x128xf32>
    %get3A_8 = vector.shape_cast %get3A_7 : vector<1x1280x128xf32> to vector<1280x128xf32>
    %add3A = arith.addf %get3A_3, %get3A_8 : vector<1280x128xf32>
    %get3A_9 = arith.constant 0 : index
    %get3A_10 = arith.constant 0 : index
    %get3A_11 = vector.load %arg2[%get3A_9, %get3A_10] : memref<32x1280xf32, #tpu.memory_space<vmem>>, vector<32x1280xf32>
    %reduce_sum3A = arith.constant dense<0.000000e+00> : vector<1280xf32>
    %reduce_sum3A_12 = vector.multi_reduction <add>, %get3A_11, %reduce_sum3A [0] : vector<32x1280xf32> to vector<1280xf32>
    %broadcast_in_dim3A = vector.shape_cast %reduce_sum3A_12 : vector<1280xf32> to vector<1280x1xf32>
    %add3A_13 = arith.constant 1.000000e-16 : f32
    %add3A_14 = vector.broadcast %add3A_13 : f32 to vector<1280x1xf32>
    %add3A_15 = arith.addf %broadcast_in_dim3A, %add3A_14 : vector<1280x1xf32>
    %div3A = vector.broadcast %add3A_15 : vector<1280x1xf32> to vector<1280x128xf32>
    %div3A_16 = arith.divf %add3A, %div3A : vector<1280x128xf32>
    %get3A_17 = arith.constant 0 : index
    %get3A_18 = arith.constant 0 : index
    %get3A_19 = vector.load %arg3[%get3A_17, %get3A_18] : memref<1x128xf32, #tpu.memory_space<vmem>>, vector<1x128xf32>
    %add3A_20 = vector.broadcast %get3A_19 : vector<1x128xf32> to vector<1280x128xf32>
    %add3A_21 = arith.addf %div3A_16, %add3A_20 : vector<1280x128xf32>
    %max3A = arith.constant 0.000000e+00 : f32
    %max3A_22 = vector.broadcast %max3A : f32 to vector<1280x128xf32>
    %max3A_23 = arith.maximumf %add3A_21, %max3A_22 : vector<1280x128xf32>
    %mul3A = arith.constant 1280 : i32
    %mul3A_24 = arith.muli %arg0, %mul3A : i32
    %iota3A = tpu.iota {dimensions = array<i32: 0>} : vector<1280x1xi32>
    %add3A_25 = vector.broadcast %mul3A_24 : i32 to vector<1280x1xi32>
    %add3A_26 = arith.addi %add3A_25, %iota3A : vector<1280x1xi32>
    %lt3A = arith.constant 10000 : i32
    %lt3A_27 = vector.broadcast %lt3A : i32 to vector<1280x1xi32>
    %lt3A_28 = arith.cmpi slt, %add3A_26, %lt3A_27 : vector<1280x1xi32>
    %jit3A = arith.constant 0.000000e+00 : f32
    %broadcast_in_dim3A_29 = vector.shape_cast %lt3A_28 : vector<1280x1xi1> to vector<1280x1xi1>
    %broadcast_in_dim3A_30 = vector.broadcast %broadcast_in_dim3A_29 : vector<1280x1xi1> to vector<1280x128xi1>
    %broadcast_in_dim3A_31 = vector.broadcast %jit3A : f32 to vector<1280x128xf32>
    %select_n3A = arith.select %broadcast_in_dim3A_30, %max3A_23, %broadcast_in_dim3A_31 : vector<1280x128xi1>, vector<1280x128xf32>
    %get3A_32 = arith.constant 0 : index
    %get3A_33 = arith.constant 0 : index
    %get3A_34 = vector.load %arg4[%get3A_32, %get3A_33] : memref<128x128xf32, #tpu.memory_space<vmem>>, vector<128x128xf32>
    %dot_general3A = arith.constant dense<0.000000e+00> : vector<1280x128xf32>
    %dot_general3A_35 = tpu.matmul %select_n3A, %get3A_34, %dot_general3A {dimension_numbers = #tpu.dot_dimension_numbers<[1], [0], [0], [1], [0, 0, 1, 1], [], []>, transpose_lhs_hint = false} : vector<1280x128xf32>, vector<128x128xf32>, vector<1280x128xf32> -> vector<1280x128xf32>
    %swap3A = arith.constant 0 : index
    %swap3A_36 = arith.constant 0 : index
    %swap3A_37 = vector.load %arg7[%swap3A, %swap3A_36] : memref<1280x128xf32, #tpu.memory_space<vmem>>, vector<1280x128xf32>
    tpu.vector_store %arg7[%swap3A, %swap3A_36], %dot_general3A_35 {strides = array<i32>} : memref<1280x128xf32, #tpu.memory_space<vmem>>, vector<1280x128xf32>,
    %get3A_38 = arith.constant 0 : index
    %get3A_39 = arith.constant 0 : index
    %get3A_40 = vector.load %arg5[%get3A_38, %get3A_39] : memref<1x128xf32, #tpu.memory_space<vmem>>, vector<1x128xf32>
    %mul3A_41 = vector.broadcast %get3A_40 : vector<1x128xf32> to vector<1280x128xf32>
    %mul3A_42 = arith.mulf %dot_general3A_35, %mul3A_41 : vector<1280x128xf32>
    %reduce_sum3A_43 = arith.constant dense<0.000000e+00> : vector<1280xf32>
    %reduce_sum3A_44 = vector.multi_reduction <add>, %mul3A_42, %reduce_sum3A_43 [1] : vector<1280x128xf32> to vector<1280xf32>
    %broadcast_in_dim3A_45 = vector.shape_cast %reduce_sum3A_44 : vector<1280xf32> to vector<1280x1xf32>
    %get3A_46 = arith.constant 0 : index
    %get3A_47 = arith.constant 0 : index
    %get3A_48 = vector.load %arg6[%get3A_46, %get3A_47] : memref<1x128xf32, #tpu.memory_space<vmem>>, vector<1x128xf32>
    %mul3A_49 = vector.broadcast %get3A_48 : vector<1x128xf32> to vector<1280x128xf32>
    %mul3A_50 = arith.mulf %dot_general3A_35, %mul3A_49 : vector<1280x128xf32>
    %reduce_sum3A_51 = arith.constant dense<0.000000e+00> : vector<1280xf32>
    %reduce_sum3A_52 = vector.multi_reduction <add>, %mul3A_50, %reduce_sum3A_51 [1] : vector<1280x128xf32> to vector<1280xf32>
    %broadcast_in_dim3A_53 = vector.shape_cast %reduce_sum3A_52 : vector<1280xf32> to vector<1280x1xf32>
    %swap3A_54 = arith.constant 0 : index
    %swap3A_55 = arith.constant 0 : index
    %swap3A_56 = vector.load %arg8[%swap3A_54, %swap3A_55] : memref<1280x1xf32, #tpu.memory_space<vmem>>, vector<1280x1xf32>
    tpu.vector_store %arg8[%swap3A_54, %swap3A_55], %broadcast_in_dim3A_45 {strides = array<i32>} : memref<1280x1xf32, #tpu.memory_space<vmem>>, vector<1280x1xf32>,
    %swap3A_57 = arith.constant 0 : index
    %swap3A_58 = arith.constant 0 : index
    %swap3A_59 = vector.load %arg9[%swap3A_57, %swap3A_58] : memref<1280x1xf32, #tpu.memory_space<vmem>>, vector<1280x1xf32>
    tpu.vector_store %arg9[%swap3A_57, %swap3A_58], %broadcast_in_dim3A_53 {strides = array<i32>} : memref<1280x1xf32, #tpu.memory_space<vmem>>, vector<1280x1xf32>,
    %eq3A = arith.constant 0 : i32
    %eq3A_60 = arith.cmpi eq, %arg0, %eq3A : i32
    %convert_element_type3A = arith.extui %eq3A_60 : i1 to i32
    %cond3A = arith.constant 0 : i32
    %cond3A_61 = arith.cmpi ne, %convert_element_type3A, %cond3A : i32
    scf.if %cond3A_61 {
      %broadcast_in_dim3A_74 = arith.constant 0xFF800000 : f32
      %broadcast_in_dim3A_75 = vector.broadcast %broadcast_in_dim3A_74 : f32 to vector<1x1xf32>
      %swap3A_76 = arith.constant 0 : index
      %swap3A_77 = arith.constant 0 : index
      %swap3A_78 = vector.load %arg10[%swap3A_76, %swap3A_77] : memref<1x1xf32, #tpu.memory_space<vmem>>, vector<1x1xf32>
      tpu.vector_store %arg10[%swap3A_76, %swap3A_77], %broadcast_in_dim3A_75 {strides = array<i32>} : memref<1x1xf32, #tpu.memory_space<vmem>>, vector<1x1xf32>,
    } else {
    }
    %get3A_62 = arith.constant 0 : index
    %get3A_63 = arith.constant 0 : index
    %get3A_64 = vector.load %arg10[%get3A_62, %get3A_63] : memref<1x1xf32, #tpu.memory_space<vmem>>, vector<1x1xf32>
    %reduce_max3A = vector.shape_cast %broadcast_in_dim3A_45 : vector<1280x1xf32> to vector<1x1280x1xf32>
    %reduce_max3A_65 = arith.constant dense<0xFF800000> : vector<1xf32>
    %reduce_max3A_66 = vector.multi_reduction <maximumf>, %reduce_max3A, %reduce_max3A_65 [1, 2] : vector<1x1280x1xf32> to vector<1xf32>
    %reduce_max3A_67 = vector.shape_cast %reduce_max3A_66 : vector<1xf32> to vector<1x1x1xf32>
    %reduce_max3A_68 = vector.extract %reduce_max3A_67[0, 0, 0] : f32 from vector<1x1x1xf32>
    %max3A_69 = vector.broadcast %reduce_max3A_68 : f32 to vector<1x1xf32>
    %max3A_70 = arith.maximumf %get3A_64, %max3A_69 : vector<1x1xf32>
    %swap3A_71 = arith.constant 0 : index
    %swap3A_72 = arith.constant 0 : index
    %swap3A_73 = vector.load %arg10[%swap3A_71, %swap3A_72] : memref<1x1xf32, #tpu.memory_space<vmem>>, vector<1x1xf32>
    tpu.vector_store %arg10[%swap3A_71, %swap3A_72], %max3A_70 {strides = array<i32>} : memref<1x1xf32, #tpu.memory_space<vmem>>, vector<1x1xf32>,
    return
  }
  func.func @transform_0(%arg0: i32) -> (i32, i32, i32) {
    %c0_i32 = arith.constant 0 : i32
    %c0_i32_0 = arith.constant 0 : i32
    %c0_i32_1 = arith.constant 0 : i32
    return %c0_i32, %arg0, %c0_i32_0 : i32, i32, i32
  }
  func.func @transform_1(%arg0: i32) -> (i32, i32) {
    %c0_i32 = arith.constant 0 : i32
    %c0_i32_0 = arith.constant 0 : i32
    return %c0_i32, %arg0 : i32, i32
  }
  func.func @transform_2(%arg0: i32) -> (i32, i32) {
    %c0_i32 = arith.constant 0 : i32
    %c0_i32_0 = arith.constant 0 : i32
    %c0_i32_1 = arith.constant 0 : i32
    return %c0_i32, %c0_i32_0 : i32, i32
  }
  func.func @transform_3(%arg0: i32) -> (i32, i32) {
    %c0_i32 = arith.constant 0 : i32
    %c0_i32_0 = arith.constant 0 : i32
    %c0_i32_1 = arith.constant 0 : i32
    return %c0_i32, %c0_i32_0 : i32, i32
  }
  func.func @transform_4(%arg0: i32) -> (i32, i32) {
    %c0_i32 = arith.constant 0 : i32
    %c0_i32_0 = arith.constant 0 : i32
    %c0_i32_1 = arith.constant 0 : i32
    return %c0_i32, %c0_i32_0 : i32, i32
  }
  func.func @transform_5(%arg0: i32) -> (i32, i32) {
    %c0_i32 = arith.constant 0 : i32
    %c0_i32_0 = arith.constant 0 : i32
    %c0_i32_1 = arith.constant 0 : i32
    return %c0_i32, %c0_i32_0 : i32, i32
  }
  func.func @transform_6(%arg0: i32) -> (i32, i32) {
    %c0_i32 = arith.constant 0 : i32
    %c0_i32_0 = arith.constant 0 : i32
    return %arg0, %c0_i32 : i32, i32
  }
  func.func @transform_7(%arg0: i32) -> (i32, i32) {
    %c0_i32 = arith.constant 0 : i32
    %c0_i32_0 = arith.constant 0 : i32
    return %arg0, %c0_i32 : i32, i32
  }
  func.func @transform_8(%arg0: i32) -> (i32, i32) {
    %c0_i32 = arith.constant 0 : i32
    %c0_i32_0 = arith.constant 0 : i32
    return %arg0, %c0_i32 : i32, i32
  }
  func.func @transform_9(%arg0: i32) -> (i32, i32) {
    %c0_i32 = arith.constant 0 : i32
    %c0_i32_0 = arith.constant 0 : i32
    %c0_i32_1 = arith.constant 0 : i32
    return %c0_i32, %c0_i32_0 : i32, i32
  }
}

module attributes {stable_mosaic.version = 14 : i64} {
  func.func @_t3_body(%arg0: i32, %arg1: memref<2x1280x128xf32, #tpu.memory_space<vmem>>, %arg2: memref<32x1280xf32, #tpu.memory_space<vmem>>, %arg3: memref<1x128xf32, #tpu.memory_space<vmem>>, %arg4: memref<1280x128xf32, #tpu.memory_space<vmem>>) attributes {dimension_semantics = [#tpu.dimension_semantics<arbitrary>], iteration_bounds = array<i64: 8>, scalar_prefetch = 0 : i64, scratch_operands = 0 : i64, tpu.core_type = #tpu.core_type<tc>, window_params = [{transform_indices = @transform_0, window_bounds = array<i64: 2, 1280, 128>}, {transform_indices = @transform_1, window_bounds = array<i64: 32, 1280>}, {pipeline_mode = #tpu.pipeline_mode<synchronous>, transform_indices = @transform_2, window_bounds = array<i64: 1, 128>}, {transform_indices = @transform_3, window_bounds = array<i64: 1280, 128>}]} {
    %get3A = arith.constant 0 : index
    %get3A_0 = arith.constant 0 : index
    %get3A_1 = arith.constant 0 : index
    %get3A_2 = vector.load %arg1[%get3A, %get3A_0, %get3A_1] : memref<2x1280x128xf32, #tpu.memory_space<vmem>>, vector<1x1280x128xf32>
    %get3A_3 = vector.shape_cast %get3A_2 : vector<1x1280x128xf32> to vector<1280x128xf32>
    %get3A_4 = arith.constant 1 : index
    %get3A_5 = arith.constant 0 : index
    %get3A_6 = arith.constant 0 : index
    %get3A_7 = vector.load %arg1[%get3A_4, %get3A_5, %get3A_6] : memref<2x1280x128xf32, #tpu.memory_space<vmem>>, vector<1x1280x128xf32>
    %get3A_8 = vector.shape_cast %get3A_7 : vector<1x1280x128xf32> to vector<1280x128xf32>
    %add3A = arith.addf %get3A_3, %get3A_8 : vector<1280x128xf32>
    %get3A_9 = arith.constant 0 : index
    %get3A_10 = arith.constant 0 : index
    %get3A_11 = vector.load %arg2[%get3A_9, %get3A_10] : memref<32x1280xf32, #tpu.memory_space<vmem>>, vector<32x1280xf32>
    %reduce_sum3A = arith.constant dense<0.000000e+00> : vector<1280xf32>
    %reduce_sum3A_12 = vector.multi_reduction <add>, %get3A_11, %reduce_sum3A [0] : vector<32x1280xf32> to vector<1280xf32>
    %broadcast_in_dim3A = vector.shape_cast %reduce_sum3A_12 : vector<1280xf32> to vector<1280x1xf32>
    %add3A_13 = arith.constant 1.000000e-16 : f32
    %add3A_14 = vector.broadcast %add3A_13 : f32 to vector<1280x1xf32>
    %add3A_15 = arith.addf %broadcast_in_dim3A, %add3A_14 : vector<1280x1xf32>
    %div3A = vector.broadcast %add3A_15 : vector<1280x1xf32> to vector<1280x128xf32>
    %div3A_16 = arith.divf %add3A, %div3A : vector<1280x128xf32>
    %get3A_17 = arith.constant 0 : index
    %get3A_18 = arith.constant 0 : index
    %get3A_19 = vector.load %arg3[%get3A_17, %get3A_18] : memref<1x128xf32, #tpu.memory_space<vmem>>, vector<1x128xf32>
    %add3A_20 = vector.broadcast %get3A_19 : vector<1x128xf32> to vector<1280x128xf32>
    %add3A_21 = arith.addf %div3A_16, %add3A_20 : vector<1280x128xf32>
    %max3A = arith.constant 0.000000e+00 : f32
    %max3A_22 = vector.broadcast %max3A : f32 to vector<1280x128xf32>
    %max3A_23 = arith.maximumf %add3A_21, %max3A_22 : vector<1280x128xf32>
    %mul3A = arith.constant 1280 : i32
    %mul3A_24 = arith.muli %arg0, %mul3A : i32
    %iota3A = tpu.iota {dimensions = array<i32: 0>} : vector<1280x1xi32>
    %add3A_25 = vector.broadcast %mul3A_24 : i32 to vector<1280x1xi32>
    %add3A_26 = arith.addi %add3A_25, %iota3A : vector<1280x1xi32>
    %lt3A = arith.constant 10000 : i32
    %lt3A_27 = vector.broadcast %lt3A : i32 to vector<1280x1xi32>
    %lt3A_28 = arith.cmpi slt, %add3A_26, %lt3A_27 : vector<1280x1xi32>
    %jit3A = arith.constant 0.000000e+00 : f32
    %broadcast_in_dim3A_29 = vector.shape_cast %lt3A_28 : vector<1280x1xi1> to vector<1280x1xi1>
    %broadcast_in_dim3A_30 = vector.broadcast %broadcast_in_dim3A_29 : vector<1280x1xi1> to vector<1280x128xi1>
    %broadcast_in_dim3A_31 = vector.broadcast %jit3A : f32 to vector<1280x128xf32>
    %select_n3A = arith.select %broadcast_in_dim3A_30, %max3A_23, %broadcast_in_dim3A_31 : vector<1280x128xi1>, vector<1280x128xf32>
    %swap3A = arith.constant 0 : index
    %swap3A_32 = arith.constant 0 : index
    %swap3A_33 = vector.load %arg4[%swap3A, %swap3A_32] : memref<1280x128xf32, #tpu.memory_space<vmem>>, vector<1280x128xf32>
    tpu.vector_store %arg4[%swap3A, %swap3A_32], %select_n3A {strides = array<i32>} : memref<1280x128xf32, #tpu.memory_space<vmem>>, vector<1280x128xf32>,
    return
  }
  func.func @transform_0(%arg0: i32) -> (i32, i32, i32) {
    %c0_i32 = arith.constant 0 : i32
    %c0_i32_0 = arith.constant 0 : i32
    %c0_i32_1 = arith.constant 0 : i32
    return %c0_i32, %arg0, %c0_i32_0 : i32, i32, i32
  }
  func.func @transform_1(%arg0: i32) -> (i32, i32) {
    %c0_i32 = arith.constant 0 : i32
    %c0_i32_0 = arith.constant 0 : i32
    return %c0_i32, %arg0 : i32, i32
  }
  func.func @transform_2(%arg0: i32) -> (i32, i32) {
    %c0_i32 = arith.constant 0 : i32
    %c0_i32_0 = arith.constant 0 : i32
    %c0_i32_1 = arith.constant 0 : i32
    return %c0_i32, %c0_i32_0 : i32, i32
  }
  func.func @transform_3(%arg0: i32) -> (i32, i32) {
    %c0_i32 = arith.constant 0 : i32
    %c0_i32_0 = arith.constant 0 : i32
    return %arg0, %c0_i32 : i32, i32
  }
}

</mosaic_0001>

<sc_bundles>
// kernel: kernel.12.cloned.1.call-start
scs
__scs_entry_jumppad:
0x0: {  	(pc) =	sbr.rel $0x88, $3  }
0x1: {  	(tag) =	ssettag $0x0;
	lr =	simm.s32 $0x1  }
0x2: {  	[smem:$0x3F97] =	sst lr;
	_ =	strace $0xD0000000  }
0x3: {  	_ = 	snop  }
0x4: {  	_ = 	snop  }
0x5: {  	_ = 	snop  }
0x6: {  	_ = 	snop  }
0x7: {  	_ = 	snop  }
__scs_overlays_trampoline_lowered:
0x8: {  	[smem:$0x3FA6] =	sst s0  }
0x9: {  	[smem:$0x3FA7] =	sst s1  }
0xa: {  	[smem:$0x3FA8] =	sst s2  }
0xb: {  	[smem:$0x3FA9] =	sst s3  }
0xc: {  	[smem:$0x3FAA] =	sst s4  }
0xd: {  	[smem:$0x3FAB] =	sst s5  }
0xe: {  	[smem:$0x3FAC] =	sst s6  }
0xf: {  	[smem:$0x3FAD] =	sst s7  }
0x10: {  	[smem:$0x3FAE] =	sst s8  }
0x11: {  	[smem:$0x3FAF] =	sst s9;
	s0 =	simm.s32 @!p0 $0x0  }
0x12: {  	s1 =	sld [smem:$0x3F95];
	s0 =	simm.s32 @p0 $0x1  }
0x13: {  	[smem:$0x3FB0] =	sst s0;
	s0 =	simm.s32 @!p1 $0x0  }
0x14: {  	s2 =	sld [smem:$0x3F94];
	s0 =	simm.s32 @p1 $0x1  }
0x15: {  	[smem:$0x3FB1] =	sst s0;
	s0 =	simm.s32 @!p2 $0x0  }
0x16: {  	s3 =	sld [smem:$0x3FDB];
	s0 =	simm.s32 @p2 $0x1  }
0x17: {  	s4 =	simm.s32 $0x1BF5;
	[smem:$0x3FB3] =	sst s0  }
0x18: {  	s0 =	sld [smem:$0x3F96];
	_ =	swait.ge [sflag:s4], $0x0  }
0x19: {  	s7 =	sld [smem:$0x3F97]  }
0x1a: {  	s8 =	sadd.s32 $0xFFFFE003, lr  }
0x1b: {  	s9 =	sadd.s32 $0xFFFFFEF7, lr;
	s5 =	simm.s32 $0xFFFFFFFF;
	p2 =	slt.u32 s8, $0xFFFFF086  }
0x1c: {  	p1 =	slt.u32 s9, $0xF7A;
	s5 =	simm.s32 @!p2 $0x0  }
0x1d: {  	s5 =	simm.s32 @p1 $0x1;
	p0 =	seq.s32 s7, s2  }
0x1e: {  	s7 =	smul.u32 @!p0 $0xF7A, s2;
	p2 =	seq.s32 @!p0 s5, $0x0  }
0x1f: {  	s9 =	smul.u32 $0xF7A, s1;
	s8 =	simm.s32 @!p0 $0x1BF5;
	p2 =	por !p2, p0  }
0x20: {  	[sflag:s8] =	ssyncset.s32 @!p0 $0xFFFFF086;
	s6 =	sadd.s32 @!p0 s3, s7;
	s7 =	simm.s32 @!p0 $0x108  }
0x21: {  	s3 =	sadd.s32 s3, s9;
	s6 =	sadd.s32 @!p0 $0x88, s6;
	s7 =	simm.s32 @p2 $0x1082  }
0x22: {  	[simem:s7], [sflag:s8] =	dma.local @!p0 [hbm:s6], $0xF7A  }
0x23: {  	s9 =	sor.u32 $0xD0000000, s2;
	s6 =	simm.s32 $0x108;
	_ =	swait.ge @!p0 [sflag:s8], $0x0  }
0x24: {  	s3 =	sadd.s32 $0x88, s3;
	s6 =	simm.s32 @!p1 $0x1082;
	[sflag:s4] =	ssyncset.s32 $0xFFFFF086  }
0x25: {  	[simem:s6], [sflag:s4] =	dma.local [hbm:s3], $0xF7A  }
0x26: {  	[smem:$0x3F97] =	sst s1;
	(tag) =	ssettag s2;
	_ =	strace s9  }
0x27: {  	s1 =	sld [smem:$0x3FA7]  }
0x28: {  	s2 =	sld [smem:$0x3FA8]  }
0x29: {  	s4 =	sld [smem:$0x3FAA]  }
0x2a: {  	p0 =	seq.s32 s5, $0x0;
	s5 =	sld [smem:$0x3FAB]  }
0x2b: {  	s6 =	sld [smem:$0x3FAC]  }
0x2c: {  	s7 =	sld [smem:$0x3FAD]  }
0x2d: {  	s3 =	simm.s32 $0x108;
	s8 =	sld [smem:$0x3FAE]  }
0x2e: {  	s3 =	simm.s32 @!p0 $0x1082;
	s9 =	sld [smem:$0x3FAF]  }
0x2f: {  	lr =	sadd.s32 s0, s3;
	s0 =	sld [smem:$0x3FA6]  }
0x30: {  	s3 =	sld [smem:$0x3FA9]  }
0x31: {  	[smem:$0x3FB2] =	sst s10  }
0x32: {  	s10 =	sld [smem:$0x3FB0];
	_ =	sdelay $0x3  }
0x33: {  	p0 =	seq.s32 s10, $0x1;
	s10 =	sld [smem:$0x3FB2];
	_ =	sdelay $0x3  }
0x34: {  	[smem:$0x3FB2] =	sst s10  }
0x35: {  	s10 =	sld [smem:$0x3FB1];
	_ =	sdelay $0x3  }
0x36: {  	p1 =	seq.s32 s10, $0x1;
	s10 =	sld [smem:$0x3FB2];
	_ =	sdelay $0x3  }
0x37: {  	[smem:$0x3FB2] =	sst s10  }
0x38: {  	s10 =	sld [smem:$0x3FB3]  }
0x39: {  	_ = 	snop;
	(pc) =	sbr.ind lr, $3  }
0x3a: {  	_ = 	snop  }
0x3b: {  	_ = 	snop  }
0x3c: {  	p2 =	seq.s32 s10, $0x1;
	s10 =	sld [smem:$0x3FB2]  }
0x3d: {  	_ =	shalt  }
0x3e: {  	_ =	shalt  }
0x3f: {  	_ =	shalt  }
0x40: {  	_ =	shalt  }
0x41: {  	_ =	shalt  }
0x42: {  	_ =	shalt  }
0x43: {  	_ =	shalt  }
0x44: {  	_ =	shalt  }
0x45: {  	_ =	shalt  }
0x46: {  	_ =	shalt  }
0x47: {  	_ =	shalt  }
0x48: {  	_ =	shalt  }
0x49: {  	_ =	shalt  }
0x4a: {  	_ =	shalt  }
0x4b: {  	_ =	shalt  }
0x4c: {  	_ =	shalt  }
0x4d: {  	_ =	shalt  }
0x4e: {  	_ =	shalt  }
0x4f: {  	_ =	shalt  }
0x50: {  	_ =	shalt  }
0x51: {  	_ =	shalt  }
0x52: {  	_ =	shalt  }
0x53: {  	_ =	shalt  }
0x54: {  	_ =	shalt  }
0x55: {  	_ =	shalt  }
0x56: {  	_ =	shalt  }
0x57: {  	_ =	shalt  }
0x58: {  	_ =	shalt  }
0x59: {  	_ =	shalt  }
0x5a: {  	_ =	shalt  }
0x5b: {  	_ =	shalt  }
0x5c: {  	_ =	shalt  }
0x5d: {  	_ =	shalt  }
0x5e: {  	_ =	shalt  }
0x5f: {  	_ =	shalt  }
0x60: {  	_ =	shalt  }
0x61: {  	_ =	shalt  }
0x62: {  	_ =	shalt  }
0x63: {  	_ =	shalt  }
0x64: {  	_ =	shalt  }
0x65: {  	_ =	shalt  }
0x66: {  	_ =	shalt  }
0x67: {  	_ =	shalt  }
0x68: {  	_ =	shalt  }
0x69: {  	_ =	shalt  }
0x6a: {  	_ =	shalt  }
0x6b: {  	_ =	shalt  }
0x6c: {  	_ =	shalt  }
0x6d: {  	_ =	shalt  }
0x6e: {  	_ =	shalt  }
0x6f: {  	_ =	shalt  }
0x70: {  	_ =	shalt  }
0x71: {  	_ =	shalt  }
0x72: {  	_ =	shalt  }
0x73: {  	_ =	shalt  }
0x74: {  	_ =	shalt  }
0x75: {  	_ =	shalt  }
0x76: {  	_ =	shalt  }
0x77: {  	_ =	shalt  }
0x78: {  	_ =	shalt  }
0x79: {  	_ =	shalt  }
0x7a: {  	_ =	shalt  }
0x7b: {  	_ =	shalt  }
0x7c: {  	_ =	shalt  }
0x7d: {  	_ =	shalt  }
0x7e: {  	_ =	shalt  }
0x7f: {  	_ =	shalt  }
0x80: {  	_ =	shalt  }
0x81: {  	_ =	shalt  }
0x82: {  	_ =	shalt  }
0x83: {  	_ =	shalt  }
0x84: {  	_ =	shalt  }
0x85: {  	_ =	shalt  }
0x86: {  	_ =	shalt  }
0x87: {  	_ =	shalt  }
.Lfunc_end0:
.L_simem_size_0:
called_computation.1_lowered:
.L_overlay_start_0:
0x88: {  	s2 =	sld [smem:$0x3FD9]  }
0x89: {  	s3 =	sld [smem:$0x3FFE];
	_ =	sdelay $0x1  }
0x8a: {  	s1 =	srdreg.scid  }
0x8b: {  	s0 =	sand.u32 $0x1, s1  }
0x8c: {  	s17 =	sshll.u32 s0, $0xA;
	s2 =	sadd.s32 s3, s2  }
0x8d: {  	s2 =	sadd.s32 s2, s17  }
0x8e: {  	[smem:$0x3FBE] =	sst s2  }
0x8f: {  	_ = 	snop  }
0x90: {  	s2 =	sld [smem:$0x3FD0];
	(tm) =	ssettm $0x1  }
0x91: {  	s18 =	sld [smem:$0x3FFB];
	_ =	sdelay $0x3  }
0x92: {  	_ =	strace s18  }
0x93: {  	s3 =	sld [smem:$0x3FFC];
	_ =	sdelay $0x3  }
0x94: {  	_ =	strace s3  }
0x95: {  	s3 =	sld [smem:$0x3FFD];
	_ =	sdelay $0x3  }
0x96: {  	_ =	strace s3  }
0x97: {  	_ =	strace $0x8FFFFFFF  }
0x98: {  	s19 =	sld [smem:$0x3FDB];
	_ =	sdelay $0x1  }
0x99: {  	s4 =	simm.s32 $_scs_section_size  }
0x9a: {  	s5 =	simm.s32 $_size__tile_overlayer_lowered;
	s6 =	simm.s32 $_tile_overlayer_lowered  }
0x9b: {  	s22 =	simm.s32 $0x1BFF;
	s21 =	sshll.u32 s6, $0x1;
	s3 =	sadd.s32 s4, s19  }
0x9c: {  	s7 =	simm.s32 $0x0;
	s20 =	sshll.u32 s5, $0x1;
	s5 =	sadd.s32 s21, s3  }
0x9d: {  	[timem:s7], [sflag:s22] =	dma.local [hbm:s5], s20  }
0x9e: {  	_ =	swait.ge [sflag:s22], s20  }
0x9f: {  	s4 =	ssub.s32 $0x0, s20;
	[sflag:s22] =	ssyncset.done $0x0  }
0xa0: {  	[sflag:s22] =	ssyncadd.s32 s4;
	_ =	sdelay $0x1  }
0xa1: {  	s23 =	simm.s32 $0x1B8B  }
0xa2: {  	_ =	swait.ge [sflag:s23], $0x1  }
0xa3: {  	[sflag:s23] =	ssyncset.done $0x0  }
0xa4: {  	s25 =	simm.s32 $0x1B8E;
	s24 =	sld [smem:$0x3FFE];
	[sflag:s23] =	ssyncadd.s32 $0xFFFFFFFF  }
0xa5: {  	s26 =	simm.s32 $execute0_lowered;
	[smem:$0x3FD2] =	sst s25  }
0xa6: {  	s5 =	sshll.u32 s26, $0x1;
	_ =	strace $0x80000049;
	[dreg:$0x1] =	wrdreg $0xFFFFFFFF  }
0xa7: {  	s28 =	simm.s32 $_size_execute0_lowered;
	s3 =	sadd.s32 s3, s5;
	[dreg:$0x0] =	wrdreg $0x0  }
0xa8: {  	s5 =	sshll.u32 s28, $0x1;
	[dreg:$0x2] =	wrdreg s3  }
0xa9: {  	[dreg:$0x3] =	wrdreg s5  }
0xaa: {  	[dreg:$0x4] =	wrdreg $0xC0  }
0xab: {  	_ =	task [dreg:s7], $0x5FFFF  }
0xac: {  	[dreg:$0x1] =	wrdreg $0xFFFFFFFF  }
0xad: {  	[dreg:$0x0] =	wrdreg $0x60  }
0xae: {  	[dreg:$0x2] =	wrdreg s24  }
0xaf: {  	[dreg:$0x3] =	wrdreg s2  }
0xb0: {  	[dreg:$0x4] =	wrdreg $0xBA800  }
0xb1: {  	[dreg:$0x5] =	wrdreg $0x9  }
0xb2: {  	_ =	task.clear_ibuf [dreg:s7], $0x6FFFF;
	_ =	strace $0x90000049  }
0xb3: {  	s29 =	simm.s32 $0x9;
	_ =	strace $0x8000004B  }
0xb4: {  	_ =	swait.ge [sflag:s29], $0x1  }
0xb5: {  	[sflag:s29] =	ssyncadd.s32 $0xFFFFFFFF  }
0xb6: {  	_ =	strace $0x9000004B  }
0xb7: {  	_ =	sfence  }
0xb8: {  	s30 =	sld [smem:$0x0];
	_ =	sdelay $0x2  }
0xb9: {  	s31 =	sshll.u32 s1, $0xD;
	s1 =	sshrl.u32 s1, $0x2  }
0xba: {  	s3 =	sand.u32 $0x4000, s31;
	s1 =	sadd.s32 s1, s30  }
0xbb: {  	s0 =	sor.u32 s3, s0;
	s1 =	sshll.u32 s1, $0x11  }
0xbc: {  	s0 =	sor.u32 s1, s0  }
0xbd: {  	s0 =	sadd.s32 $0x8F2B, s0  }
0xbe: {  	[sflag:s0] =	ssyncadd.remote.s32 $0x1  }
0xbf: {  	_ =	sfence.sel $0xFFFF  }
0xc0: {  	[dreg:$0x0] =	wrdreg $0xFFFFFFFF;
	(pc) =	sbr.abs _section_cstart, $3  }
0xc1: {  	[dreg:$0x1] =	wrdreg $0xFFFFFFFF  }
0xc2: {  	_ =	task.clear_ibuf [dreg:s7], $0x2FFFF;
	_ =	strace $0x9FFFFFFF  }
0xc3: {  	(tm) =	ssettm $0x7FFFFFFF  }
tec
execute0_lowered:
.L_overlay_start_1:
0x0: {  	(tag) =	ssettag $0x1  }
0x1: {  	s0 =	rddreg [dreg:$0x0]  }
0x2: {  	s2 =	rddreg [dreg:$0x2];
	s12 =	simm.s32 $0x0;
	s3 =	srdreg.scid  }
0x3: {  	s1 =	stileid.u32;
	s15 =	simm.s32 $0x7;
	s18 =	simm.s32 $0x200  }
0x4: {  	s19 =	simm.s32 $0x2000;
	s20 =	simm.s32 $0x60;
	s21 =	simm.s32 $0x2A80  }
0x5: {  	s22 =	simm.s32 $0x5A80;
	s28 =	simm.s32 $0x5;
	s29 =	simm.s32 $0x6  }
0x6: {  	[smem:$0x7FF] =	sst s12;
	s3 =	sand.u32 $0x1, s3;
	s8 =	smul.u32 $0x14000, s1  }
0x7: {  	s5 =	sadd.s32 $0x16200, s0;
	s6 =	sadd.s32 $0x53200, s0;
	s7 =	sadd.s32 $0x63200, s0  }
0x8: {  	s9 =	sadd.s32 $0x3E200, s0;
	s10 =	smul.u32 $0x50000, s1;
	s30 =	sshll.u32 s1, $0x6  }
0x9: {  	s4 =	smul.u32 $0x140000, s3;
	_ =	strace $0x8000004A;
	s23 =	ssub.s32 $0x2, s3  }
0xa: {  	[dreg:$0x5] =	wrdreg s9;
	s3 =	sshll.u32 s3, $0x4;
	s24 =	sshrl.u32 s23, $0x1  }
0xb: {  	s3 =	sor.u32 s1, s3;
	s26 =	sshrl.u32 s10, $0x2;
	s1 =	sor.u32 $0x1C07, s30  }
0xc: {  	s4 =	sadd.s32 s8, s4;
	s25 =	ssub.s32 s23, s24;
	s8 =	sadd.s32 s26, s2  }
0xd: {  	s10 =	sshll.u32 s3, $0xB;
	s11 =	smul.u32 $0x2A00, s3;
	s23 =	simm.s32 $0x1  }
0xe: {  	[dreg:$0x6] =	wrdreg s1;
	s4 =	sshrl.u32 s4, $0x3;
	s31 =	smax.u32 s25, $0x1  }
0xf: {  	s3 =	sshrl.u32 s8, $0x3;
	s0 =	sadd.s32 s4, s0;
	[dreg:$0x8] =	wrdreg s31  }
0x10: {  	s24 =	simm.s32 $0x8A80;
	[dreg:$0x9] =	wrdreg s3;
	s0 =	sadd.s32 $0x6DA00, s0  }
0x11: {  	s26 =	simm.s32 $0x4;
	s25 =	simm.s32 $0x2;
	[dreg:$0x7] =	wrdreg s0  }
.LBB2_1:
0x12: {  	[dreg:$0x4] =	wrdreg s12  }
0x13: {  	s0 =	rddreg [dreg:$0x5]  }
0x14: {  	[spmem:s3], [sflag:s1] =	dma.local [hbm:s0], $0x2800  }
0x15: {  	_ =	swait.ge [sflag:s15], $0x2800  }
0x16: {  	[sflag:s15] =	ssyncset.done $0x0  }
0x17: {  	[sflag:s15] =	ssyncadd.s32 $0xFFFFD800  }
0x18: {  	s30 =	simm.s32 $0x0;
	[bflag:$0x0] =	sbarrier.arrive $0xFFFF  }
.LBB2_2:
0x19: {  	s0 =	sshll.u32 s30, $0x9  }
0x1a: {  	s1 =	rddreg [dreg:$0x1];
	s0 =	sadd.s32 s10, s0  }
0x1b: {  	s31 =	simm.s32 $0x0;
	s3 =	sadd.s32 s1, s0  }
0x1c: {  	[tilespmem:s31], [sflag:$0x7] =	stream.linear.gather [hbm4b:s3+s31], $0xD80, $0x38;
	[tilespmem:$0x1FA80] =	vst v63  }
0x1d: {  	_ =	swait.ge [sflag:s15], $0xD80  }
0x1e: {  	s14 =	simm.s32 $0x1000;
	[sflag:s15] =	ssyncset.done $0x0  }
0x1f: {  	s16 =	sshll.u32 s30, $0x7;
	s0 =	sadd.s32 s6, s0;
	[sflag:s15] =	ssyncadd.s32 $0xFFFFF280  }
0x20: {  	[tilespmem:s14], [sflag:$0x7] =	stream.linear.gather [hbm4b:s0+s31], $0xD80, $0x38;
	[tilespmem:$0x1FA80] =	vst v63  }
0x21: {  	s0 =	sadd.s32 s11, s16;
	_ =	swait.ge [sflag:s15], $0xD80  }
0x22: {  	s0 =	sshrl.u32 s0, $0x3;
	[sflag:s15] =	ssyncset.done $0x0  }
0x23: {  	s17 =	simm.s32 $0x80;
	s0 =	sadd.s32 s7, s0;
	[sflag:s15] =	ssyncadd.s32 $0xFFFFF280  }
0x24: {  	[tilespmem:s19], [sflag:$0x7] =	stream.strided.gather [hbm4b:s0+s17], $0xA80, s18, s17, $0x38;
	[tilespmem:$0x1FA80] =	vst v63  }
0x25: {  	_ =	swait.ge [sflag:s15], $0xA80  }
0x26: {  	[sflag:s15] =	ssyncset.done $0x0  }
0x27: {  	[sflag:s15] =	ssyncadd.s32 $0xFFFFF580  }
0x28: {  	[tilespmem:s21], [sflag:$0x1] =	stream.indirect.gather [hbm4b:s5+s20], $0x80, s31, s20, $0xb8;
	[tilespmem:$0x1FA80] =	vst v63  }
.LBB2_3:
0x29: {  	s8 =	smul.u32 $0x120, s31;
	_ =	sdelay $0x1  }
0x2a: {  	p0 =	seq.s32 s31, $0x0;
	s13 =	sadd.s32 $0x3, s8  }
0x2b: {  	s0 =	smul.u32 $0x600, s31;
	s3 =	simm.s32 @!p0 $0x5;
	s4 =	sadd.s32 $0xFFFFFFFD, s13  }
0x2c: {  	_ =	swait.ge @!p0 [sflag:s3], $0x3000;
	v0 =	vmov s4  }
0x2d: {  	s0 =	sshra.s32 s0, $0x2;
	[sflag:s3] =	ssyncset.done @!p0 $0x0;
	v0 =	vand.u32 $0xFFFFFFFC, v0  }
0x2e: {  	s14 =	sadd.s32 $0x80, s0;
	[sflag:s3] =	ssyncadd.s32 @!p0 $0xFFFFD000;
	v0 =	vbroadcast v0, $0x0  }
0x2f: {  	[tilespmem:s22], [sflag:$0x2] =	stream.indirect.gather [hbm4b:s5+s20], $0x80, s14, s20, $0xb8;
	[tilespmem:$0x1FA80] =	vst v63  }
0x30: {  	_ =	swait.ge [sflag:s23], $0x3000  }
0x31: {  	[sflag:s23] =	ssyncset.done $0x0  }
0x32: {  	s12 =	simm.s32 $0x2B80;
	[sflag:s23] =	ssyncadd.s32 $0xFFFFD000  }
0x33: {  	v2 =	vld [tilespmem:s12+$0xFFFFFF70]  }
0x34: {  	v0 =	vld.idx.msk [tilespmem:v0+s19+$0x0], $0xffff  }
0x35: {  	v3 =	vld [tilespmem:s12+$0xFFFFFF00]  }
0x36: {  	v4 =	vld [tilespmem:s12+$0xFFFFFF20]  }
0x37: {  	v5 =	vld [tilespmem:s12+$0xFFFFFF30]  }
0x38: {  	v1 =	vld [tilespmem:s12+$0xFFFFFF50]  }
0x39: {  	v7 =	vld [tilespmem:s12+$0xFFFFFF10];
	v2 =	vmul.f32 v2, v0  }
0x3a: {  	s16 =	sadd.s32 $0xFFFFFFFE, s13;
	v6 =	vld [tilespmem:s12+$0xFFFFFF60];
	v3 =	vmul.f32 v3, v0  }
0x3b: {  	v9 =	vmov s16;
	v8 =	vld [tilespmem:s12+$0xFFFFFF40];
	v4 =	vmul.f32 v4, v0;
	[tilespmem:s12+$0xFFFFFF70] =	vst v2  }
0x3c: {  	v5 =	vmul.f32 v5, v0;
	v2 =	vand.u32 $0xFFFFFFFD, v9;
	[tilespmem:s12+$0xFFFFFF00] =	vst v3  }
0x3d: {  	v1 =	vmul.f32 v1, v0;
	[tilespmem:s12+$0xFFFFFF20] =	vst v4;
	v2 =	vbroadcast v2, $0x0  }
0x3e: {  	v3 =	vmul.f32 v7, v0;
	[tilespmem:s12+$0xFFFFFF30] =	vst v5  }
0x3f: {  	v4 =	vmul.f32 v6, v0;
	[tilespmem:s12+$0xFFFFFF50] =	vst v1  }
0x40: {  	v0 =	vmul.f32 v8, v0;
	[tilespmem:s12+$0xFFFFFF10] =	vst v3  }
0x41: {  	[tilespmem:s12+$0xFFFFFF60] =	vst v4  }
0x42: {  	[tilespmem:s12+$0xFFFFFF40] =	vst v0;
	v0 =	vld [tilespmem:s12+$0xFFFFFF80]  }
0x43: {  	v2 =	vld.idx.msk [tilespmem:v2+s19+$0x0], $0xffff  }
0x44: {  	v1 =	vld [tilespmem:s12+$0xFFFFFFA0]  }
0x45: {  	v3 =	vld [tilespmem:s12+$0xFFFFFF90]  }
0x46: {  	v4 =	vld [tilespmem:s12+$0xFFFFFFD0]  }
0x47: {  	v5 =	vld [tilespmem:s12+$0xFFFFFFE0]  }
0x48: {  	v6 =	vld [tilespmem:s12+$0xFFFFFFF0];
	v0 =	vmul.f32 v0, v2  }
0x49: {  	s17 =	sadd.s32 $0xFFFFFFFF, s13;
	v7 =	vld [tilespmem:s12+$0xFFFFFFB0];
	v1 =	vmul.f32 v1, v2  }
0x4a: {  	v63 =	vld [tilespmem:s12+$0xFFFFFFC0];
	v8 =	vmov s17;
	v3 =	vmul.f32 v3, v2;
	[tilespmem:s12+$0xFFFFFF80] =	vst v0  }
0x4b: {  	v4 =	vmul.f32 v4, v2;
	v0 =	vand.u32 $0xFFFFFFFE, v8;
	[tilespmem:s12+$0xFFFFFFA0] =	vst v1  }
0x4c: {  	v1 =	vmul.f32 v5, v2;
	[tilespmem:s12+$0xFFFFFF90] =	vst v3;
	v3 =	vbroadcast v0, $0x0  }
0x4d: {  	v5 =	vmul.f32 v6, v2;
	[tilespmem:s12+$0xFFFFFFD0] =	vst v4;
	v6 =	vld [tilespmem:s12+$0x30]  }
0x4e: {  	v4 =	vmul.f32 v7, v2;
	v0 =	vld [tilespmem:s12+$0x40];
	[tilespmem:s12+$0xFFFFFFE0] =	vst v1  }
0x4f: {  	v2 =	vmul.f32 v63, v2;
	v1 =	vld [tilespmem:s12+$0x70];
	[tilespmem:s12+$0xFFFFFFF0] =	vst v5  }
0x50: {  	[tilespmem:s12+$0xFFFFFFB0] =	vst v4;
	v4 =	vld [tilespmem:s12+$0x20]  }
0x51: {  	[tilespmem:s12+$0xFFFFFFC0] =	vst v2;
	v5 =	vld [tilespmem:s12+$0x0]  }
0x52: {  	v2 =	vld.idx.msk [tilespmem:v3+s19+$0x0], $0xffff  }
0x53: {  	s9 =	simm.s32 $0x7;
	s3 =	smul.u32 $0x3, s31;
	s14 =	simm.s32 $0x2B80;
	v3 =	vld [tilespmem:s12+$0x10]  }
.LBB2_4:
0x54: {  	p1 =	sne.s32 s9, $0x5F  }
0x55: {  	v7 =	vld [tilespmem:s12+$0x50];
	s14 =	sadd.s32 $0x200, s14;
	s4 =	smov.u32 s9;
	s9 =	sadd.s32 $0x4, s9  }
0x56: {  	v8 =	vld [tilespmem:s12+$0x60];
	_ =	sdelay $0x1  }
0x57: {  	v5 =	vmul.f32 v5, v2;
	v3 =	vmul.f32 v3, v2  }
0x58: {  	v4 =	vmul.f32 v4, v2;
	v6 =	vmul.f32 v6, v2  }
0x59: {  	v0 =	vmul.f32 v0, v2;
	v1 =	vmul.f32 v1, v2;
	[tilespmem:s12+$0x0] =	vst v5  }
0x5a: {  	[tilespmem:s12+$0x20] =	vst v4;
	v4 =	vmul.f32 v7, v2;
	v2 =	vmul.f32 v8, v2  }
0x5b: {  	[tilespmem:s12+$0x30] =	vst v6;
	v5 =	vld [tilespmem:s12+$0x80]  }
0x5c: {  	[tilespmem:s12+$0x60] =	vst v2;
	v2 =	vmov s13;
	v6 =	vld [tilespmem:s12+$0xD0]  }
0x5d: {  	[tilespmem:s12+$0x50] =	vst v4;
	v4 =	vld [tilespmem:s12+$0xE0]  }
0x5e: {  	[tilespmem:s12+$0x40] =	vst v0;
	v7 =	vld [tilespmem:s12+$0xB0]  }
0x5f: {  	v0 =	vld [tilespmem:s14+$0x40];
	[tilespmem:s12+$0x70] =	vst v1  }
0x60: {  	v1 =	vld [tilespmem:s14+$0x70];
	[tilespmem:s12+$0x10] =	vst v3  }
0x61: {  	v2 =	vld.idx.msk [tilespmem:v2+s19+$0x0], $0xffff  }
0x62: {  	v3 =	vld [tilespmem:s12+$0x90]  }
0x63: {  	v8 =	vld [tilespmem:s12+$0xA0]  }
0x64: {  	v9 =	vld [tilespmem:s12+$0xC0]  }
0x65: {  	v10 =	vld [tilespmem:s12+$0xF0];
	_ =	sdelay $0x1  }
0x66: {  	s13 =	sadd.s32 s8, s4;
	v5 =	vmul.f32 v5, v2;
	v3 =	vmul.f32 v3, v2  }
0x67: {  	s4 =	sadd.s32 $0xFFFFFFFD, s13;
	s1 =	sadd.s32 $0xFFFFFFFE, s13;
	s16 =	sadd.s32 $0xFFFFFFFF, s13;
	v7 =	vmul.f32 v7, v2;
	v8 =	vmul.f32 v8, v2  }
0x68: {  	v11 =	vmov s4;
	v6 =	vmul.f32 v6, v2;
	[tilespmem:s12+$0x80] =	vst v5;
	v5 =	vmul.f32 v9, v2  }
0x69: {  	v9 =	vand.u32 $0xFFFFFFFC, v11;
	[tilespmem:s12+$0x90] =	vst v3;
	v3 =	vmul.f32 v4, v2;
	v2 =	vmul.f32 v10, v2  }
0x6a: {  	v4 =	vbroadcast v9, $0x0;
	v9 =	vmov s1;
	v10 =	vmov s16;
	[tilespmem:s12+$0xA0] =	vst v8  }
0x6b: {  	v8 =	vand.u32 $0xFFFFFFFD, v9;
	v9 =	vand.u32 $0xFFFFFFFE, v10;
	[tilespmem:s12+$0xD0] =	vst v6  }
0x6c: {  	v6 =	vld [tilespmem:s14+$0xFFFFFF50];
	[tilespmem:s12+$0xB0] =	vst v7  }
0x6d: {  	v7 =	vld [tilespmem:s14+$0xFFFFFF30];
	[tilespmem:s12+$0xC0] =	vst v5  }
0x6e: {  	v5 =	vld [tilespmem:s14+$0xFFFFFF60];
	[tilespmem:s12+$0xE0] =	vst v3  }
0x6f: {  	v3 =	vld [tilespmem:s14+$0xFFFFFF70];
	[tilespmem:s12+$0xF0] =	vst v2;
	s12 =	smov.u32 s14  }
0x70: {  	v2 =	vld.idx.msk [tilespmem:v4+s19+$0x0], $0xffff  }
0x71: {  	v4 =	vld [tilespmem:s14+$0xFFFFFF00]  }
0x72: {  	v10 =	vld [tilespmem:s14+$0xFFFFFF20]  }
0x73: {  	v11 =	vld [tilespmem:s14+$0xFFFFFF10]  }
0x74: {  	v12 =	vld [tilespmem:s14+$0xFFFFFF40];
	_ =	sdelay $0x1  }
0x75: {  	v3 =	vmul.f32 v3, v2;
	v4 =	vmul.f32 v4, v2  }
0x76: {  	v5 =	vmul.f32 v5, v2;
	v10 =	vmul.f32 v10, v2  }
0x77: {  	v7 =	vmul.f32 v7, v2;
	v11 =	vmul.f32 v11, v2;
	[tilespmem:s14+$0xFFFFFF70] =	vst v3  }
0x78: {  	[tilespmem:s14+$0xFFFFFF00] =	vst v4;
	v3 =	vmul.f32 v12, v2;
	v2 =	vmul.f32 v6, v2  }
0x79: {  	v4 =	vbroadcast v8, $0x0;
	[tilespmem:s14+$0xFFFFFF20] =	vst v10  }
0x7a: {  	[tilespmem:s14+$0xFFFFFF30] =	vst v7  }
0x7b: {  	[tilespmem:s14+$0xFFFFFF50] =	vst v2;
	v2 =	vld [tilespmem:s14+$0xFFFFFFF0]  }
0x7c: {  	[tilespmem:s14+$0xFFFFFF10] =	vst v11;
	v6 =	vld [tilespmem:s14+$0xFFFFFFD0]  }
0x7d: {  	[tilespmem:s14+$0xFFFFFF60] =	vst v5;
	v5 =	vld [tilespmem:s14+$0xFFFFFFB0]  }
0x7e: {  	[tilespmem:s14+$0xFFFFFF40] =	vst v3;
	v3 =	vld [tilespmem:s14+$0xFFFFFF90]  }
0x7f: {  	v4 =	vld.idx.msk [tilespmem:v4+s19+$0x0], $0xffff  }
0x80: {  	v7 =	vld [tilespmem:s14+$0xFFFFFF80]  }
0x81: {  	v8 =	vld [tilespmem:s14+$0xFFFFFFA0]  }
0x82: {  	v10 =	vld [tilespmem:s14+$0xFFFFFFC0]  }
0x83: {  	v11 =	vld [tilespmem:s14+$0xFFFFFFE0];
	_ =	sdelay $0x1  }
0x84: {  	v3 =	vmul.f32 v3, v4;
	v7 =	vmul.f32 v7, v4  }
0x85: {  	v5 =	vmul.f32 v5, v4;
	v8 =	vmul.f32 v8, v4  }
0x86: {  	v6 =	vmul.f32 v6, v4;
	[tilespmem:s14+$0xFFFFFF80] =	vst v7;
	v7 =	vmul.f32 v10, v4  }
0x87: {  	v2 =	vmul.f32 v2, v4;
	[tilespmem:s14+$0xFFFFFFA0] =	vst v8;
	v8 =	vmul.f32 v11, v4  }
0x88: {  	[tilespmem:s14+$0xFFFFFF90] =	vst v3;
	v3 =	vbroadcast v9, $0x0  }
0x89: {  	[tilespmem:s14+$0xFFFFFFD0] =	vst v6  }
0x8a: {  	[tilespmem:s14+$0xFFFFFFE0] =	vst v8  }
0x8b: {  	[tilespmem:s14+$0xFFFFFFB0] =	vst v5  }
.Ltmp0:
0x8c: {  	[tilespmem:s14+$0xFFFFFFF0] =	vst v2;
	v4 =	vld [tilespmem:s14+$0x20];
	(pc) =	sbr.rel @p1 .LBB2_4-.Ltmp0, $4  }
0x8d: {  	[tilespmem:s14+$0xFFFFFFC0] =	vst v7;
	v5 =	vld [tilespmem:s14+$0x0]  }
0x8e: {  	v2 =	vld.idx.msk [tilespmem:v3+s19+$0x0], $0xffff  }
0x8f: {  	v3 =	vld [tilespmem:s14+$0x10]  }
0x90: {  	v6 =	vld [tilespmem:s14+$0x30]  }
0x91: {  	v7 =	vld [tilespmem:s12+$0x60];
	_ =	sdelay $0x1  }
0x92: {  	v5 =	vmul.f32 v5, v2  }
0x93: {  	v8 =	vld [tilespmem:s12+$0x50];
	v4 =	vmul.f32 v4, v2  }
0x94: {  	v0 =	vmul.f32 v0, v2;
	[tilespmem:s12+$0x0] =	vst v5  }
0x95: {  	[tilespmem:s12+$0x20] =	vst v4;
	v4 =	vmul.f32 v7, v2  }
0x96: {  	v1 =	vmul.f32 v1, v2;
	[tilespmem:s12+$0x40] =	vst v0  }
0x97: {  	v6 =	vmul.f32 v6, v2;
	[tilespmem:s12+$0x60] =	vst v4;
	v4 =	vmov s13  }
0x98: {  	[tilespmem:s12+$0x70] =	vst v1;
	v5 =	vmul.f32 v8, v2  }
0x99: {  	v2 =	vmul.f32 v3, v2;
	[tilespmem:s12+$0x30] =	vst v6  }
0x9a: {  	[tilespmem:s12+$0x50] =	vst v5  }
0x9b: {  	v6 =	vld [tilespmem:s12+$0x80];
	[tilespmem:s12+$0x10] =	vst v2  }
0x9c: {  	v0 =	vld.idx.msk [tilespmem:v4+s19+$0x0], $0xffff  }
0x9d: {  	v1 =	vld [tilespmem:s12+$0x90]  }
0x9e: {  	v2 =	vld [tilespmem:s12+$0xA0]  }
0x9f: {  	v3 =	vld [tilespmem:s12+$0xD0]  }
0xa0: {  	v4 =	vld [tilespmem:s12+$0xB0]  }
0xa1: {  	v5 =	vld [tilespmem:s12+$0xC0];
	v6 =	vmul.f32 v6, v0  }
0xa2: {  	v7 =	vld [tilespmem:s12+$0xE0];
	v1 =	vmul.f32 v1, v0  }
0xa3: {  	v8 =	vld [tilespmem:s12+$0xF0];
	v2 =	vmul.f32 v2, v0;
	[tilespmem:s12+$0x80] =	vst v6  }
0xa4: {  	v3 =	vmul.f32 v3, v0;
	[tilespmem:s12+$0x90] =	vst v1  }
0xa5: {  	v1 =	vmul.f32 v4, v0;
	[tilespmem:s12+$0xA0] =	vst v2  }
0xa6: {  	v2 =	vmul.f32 v5, v0;
	[tilespmem:s12+$0xD0] =	vst v3  }
0xa7: {  	s8 =	sadd.s32 $0x1, s3;
	v3 =	vmul.f32 v7, v0;
	[tilespmem:s12+$0xB0] =	vst v1  }
0xa8: {  	s13 =	smul.u32 $0x60, s8;
	v0 =	vmul.f32 v8, v0;
	[tilespmem:s12+$0xC0] =	vst v2  }
0xa9: {  	[tilespmem:s12+$0xE0] =	vst v3  }
0xaa: {  	s1 =	sadd.s32 $0x1000, s0;
	s9 =	sadd.s32 $0x3, s13;
	[tilespmem:s12+$0xF0] =	vst v0  }
0xab: {  	[spmem:s2] =	stream.indirect.scatter.add.f32 [tilespmem:s21], [sflag:$0x4], $0x80, s1, s20, $0xb8;
	[tilespmem:$0x1FA80] =	vst v63  }
0xac: {  	s4 =	sadd.s32 $0xFFFFFFFD, s9;
	s1 =	simm.s32 @!p0 $0x6  }
0xad: {  	v0 =	vmov s4;
	_ =	swait.ge @!p0 [sflag:s1], $0x3000  }
0xae: {  	v0 =	vand.u32 $0xFFFFFFFC, v0;
	[sflag:s1] =	ssyncset.done @!p0 $0x0  }
0xaf: {  	s14 =	sadd.s32 $0x100, s0;
	v0 =	vbroadcast v0, $0x0;
	[sflag:s1] =	ssyncadd.s32 @!p0 $0xFFFFD000  }
0xb0: {  	[tilespmem:s24], [sflag:$0x3] =	stream.indirect.gather [hbm4b:s5+s20], $0x80, s14, s20, $0xb8;
	[tilespmem:$0x1FA80] =	vst v63  }
0xb1: {  	_ =	swait.ge [sflag:s25], $0x3000  }
0xb2: {  	[sflag:s25] =	ssyncset.done $0x0  }
0xb3: {  	s12 =	simm.s32 $0x5B80;
	[sflag:s25] =	ssyncadd.s32 $0xFFFFD000  }
0xb4: {  	v2 =	vld [tilespmem:s12+$0xFFFFFF70]  }
0xb5: {  	v0 =	vld.idx.msk [tilespmem:v0+s19+$0x0], $0xffff  }
0xb6: {  	v3 =	vld [tilespmem:s12+$0xFFFFFF00]  }
0xb7: {  	v4 =	vld [tilespmem:s12+$0xFFFFFF20]  }
0xb8: {  	v5 =	vld [tilespmem:s12+$0xFFFFFF30]  }
0xb9: {  	v1 =	vld [tilespmem:s12+$0xFFFFFF50]  }
0xba: {  	v7 =	vld [tilespmem:s12+$0xFFFFFF10];
	v2 =	vmul.f32 v2, v0  }
0xbb: {  	s16 =	sadd.s32 $0xFFFFFFFE, s9;
	v6 =	vld [tilespmem:s12+$0xFFFFFF60];
	v3 =	vmul.f32 v3, v0  }
0xbc: {  	v9 =	vmov s16;
	v8 =	vld [tilespmem:s12+$0xFFFFFF40];
	v4 =	vmul.f32 v4, v0;
	[tilespmem:s12+$0xFFFFFF70] =	vst v2  }
0xbd: {  	v5 =	vmul.f32 v5, v0;
	v2 =	vand.u32 $0xFFFFFFFD, v9;
	[tilespmem:s12+$0xFFFFFF00] =	vst v3  }
0xbe: {  	v1 =	vmul.f32 v1, v0;
	[tilespmem:s12+$0xFFFFFF20] =	vst v4;
	v2 =	vbroadcast v2, $0x0  }
0xbf: {  	v3 =	vmul.f32 v7, v0;
	[tilespmem:s12+$0xFFFFFF30] =	vst v5  }
0xc0: {  	v4 =	vmul.f32 v6, v0;
	[tilespmem:s12+$0xFFFFFF50] =	vst v1  }
0xc1: {  	v0 =	vmul.f32 v8, v0;
	[tilespmem:s12+$0xFFFFFF10] =	vst v3  }
0xc2: {  	[tilespmem:s12+$0xFFFFFF60] =	vst v4  }
0xc3: {  	[tilespmem:s12+$0xFFFFFF40] =	vst v0;
	v0 =	vld [tilespmem:s12+$0xFFFFFF80]  }
0xc4: {  	v2 =	vld.idx.msk [tilespmem:v2+s19+$0x0], $0xffff  }
0xc5: {  	v1 =	vld [tilespmem:s12+$0xFFFFFFA0]  }
0xc6: {  	v3 =	vld [tilespmem:s12+$0xFFFFFF90]  }
0xc7: {  	v4 =	vld [tilespmem:s12+$0xFFFFFFD0]  }
0xc8: {  	v5 =	vld [tilespmem:s12+$0xFFFFFFE0]  }
0xc9: {  	v6 =	vld [tilespmem:s12+$0xFFFFFFF0];
	v0 =	vmul.f32 v0, v2  }
0xca: {  	s17 =	sadd.s32 $0xFFFFFFFF, s9;
	v7 =	vld [tilespmem:s12+$0xFFFFFFB0];
	v1 =	vmul.f32 v1, v2  }
0xcb: {  	v63 =	vld [tilespmem:s12+$0xFFFFFFC0];
	v8 =	vmov s17;
	v3 =	vmul.f32 v3, v2;
	[tilespmem:s12+$0xFFFFFF80] =	vst v0  }
0xcc: {  	v4 =	vmul.f32 v4, v2;
	v0 =	vand.u32 $0xFFFFFFFE, v8;
	[tilespmem:s12+$0xFFFFFFA0] =	vst v1  }
0xcd: {  	v1 =	vmul.f32 v5, v2;
	[tilespmem:s12+$0xFFFFFF90] =	vst v3;
	v3 =	vbroadcast v0, $0x0  }
0xce: {  	v5 =	vmul.f32 v6, v2;
	[tilespmem:s12+$0xFFFFFFD0] =	vst v4;
	v6 =	vld [tilespmem:s12+$0x30]  }
0xcf: {  	v4 =	vmul.f32 v7, v2;
	v0 =	vld [tilespmem:s12+$0x40];
	[tilespmem:s12+$0xFFFFFFE0] =	vst v1  }
0xd0: {  	v2 =	vmul.f32 v63, v2;
	v1 =	vld [tilespmem:s12+$0x70];
	[tilespmem:s12+$0xFFFFFFF0] =	vst v5  }
0xd1: {  	[tilespmem:s12+$0xFFFFFFB0] =	vst v4;
	v4 =	vld [tilespmem:s12+$0x20]  }
0xd2: {  	[tilespmem:s12+$0xFFFFFFC0] =	vst v2;
	v5 =	vld [tilespmem:s12+$0x0]  }
0xd3: {  	v2 =	vld.idx.msk [tilespmem:v3+s19+$0x0], $0xffff  }
0xd4: {  	s4 =	simm.s32 $0x5B80;
	s14 =	simm.s32 $0x7;
	v3 =	vld [tilespmem:s12+$0x10]  }
.LBB2_6:
0xd5: {  	p0 =	sne.s32 s14, $0x5F  }
0xd6: {  	v7 =	vld [tilespmem:s12+$0x50];
	s4 =	sadd.s32 $0x200, s4;
	s1 =	smov.u32 s14;
	s14 =	sadd.s32 $0x4, s14  }
0xd7: {  	v8 =	vld [tilespmem:s12+$0x60];
	_ =	sdelay $0x1  }
0xd8: {  	v5 =	vmul.f32 v5, v2;
	v3 =	vmul.f32 v3, v2  }
0xd9: {  	v4 =	vmul.f32 v4, v2;
	v6 =	vmul.f32 v6, v2  }
0xda: {  	v0 =	vmul.f32 v0, v2;
	v1 =	vmul.f32 v1, v2;
	[tilespmem:s12+$0x0] =	vst v5  }
0xdb: {  	[tilespmem:s12+$0x20] =	vst v4;
	v4 =	vmul.f32 v7, v2;
	v2 =	vmul.f32 v8, v2  }
0xdc: {  	[tilespmem:s12+$0x30] =	vst v6;
	v5 =	vld [tilespmem:s12+$0x80]  }
0xdd: {  	[tilespmem:s12+$0x60] =	vst v2;
	v2 =	vmov s9;
	v6 =	vld [tilespmem:s12+$0xD0]  }
0xde: {  	[tilespmem:s12+$0x50] =	vst v4;
	v4 =	vld [tilespmem:s12+$0xE0]  }
0xdf: {  	[tilespmem:s12+$0x40] =	vst v0;
	v7 =	vld [tilespmem:s12+$0xB0]  }
0xe0: {  	v0 =	vld [tilespmem:s4+$0x40];
	[tilespmem:s12+$0x70] =	vst v1  }
0xe1: {  	v1 =	vld [tilespmem:s4+$0x70];
	[tilespmem:s12+$0x10] =	vst v3  }
0xe2: {  	v2 =	vld.idx.msk [tilespmem:v2+s19+$0x0], $0xffff  }
0xe3: {  	v3 =	vld [tilespmem:s12+$0x90]  }
0xe4: {  	v8 =	vld [tilespmem:s12+$0xA0]  }
0xe5: {  	v9 =	vld [tilespmem:s12+$0xC0]  }
0xe6: {  	v10 =	vld [tilespmem:s12+$0xF0];
	_ =	sdelay $0x1  }
0xe7: {  	s9 =	sadd.s32 s13, s1;
	v5 =	vmul.f32 v5, v2;
	v3 =	vmul.f32 v3, v2  }
0xe8: {  	s1 =	sadd.s32 $0xFFFFFFFD, s9;
	s16 =	sadd.s32 $0xFFFFFFFE, s9;
	s17 =	sadd.s32 $0xFFFFFFFF, s9;
	v7 =	vmul.f32 v7, v2;
	v8 =	vmul.f32 v8, v2  }
0xe9: {  	v11 =	vmov s1;
	v6 =	vmul.f32 v6, v2;
	[tilespmem:s12+$0x80] =	vst v5;
	v5 =	vmul.f32 v9, v2  }
0xea: {  	v9 =	vand.u32 $0xFFFFFFFC, v11;
	[tilespmem:s12+$0x90] =	vst v3;
	v3 =	vmul.f32 v4, v2;
	v2 =	vmul.f32 v10, v2  }
0xeb: {  	v4 =	vbroadcast v9, $0x0;
	v9 =	vmov s16;
	v10 =	vmov s17;
	[tilespmem:s12+$0xA0] =	vst v8  }
0xec: {  	v8 =	vand.u32 $0xFFFFFFFD, v9;
	v9 =	vand.u32 $0xFFFFFFFE, v10;
	[tilespmem:s12+$0xD0] =	vst v6  }
0xed: {  	v6 =	vld [tilespmem:s4+$0xFFFFFF50];
	[tilespmem:s12+$0xB0] =	vst v7  }
0xee: {  	v7 =	vld [tilespmem:s4+$0xFFFFFF30];
	[tilespmem:s12+$0xC0] =	vst v5  }
0xef: {  	v5 =	vld [tilespmem:s4+$0xFFFFFF60];
	[tilespmem:s12+$0xE0] =	vst v3  }
0xf0: {  	v3 =	vld [tilespmem:s4+$0xFFFFFF70];
	[tilespmem:s12+$0xF0] =	vst v2;
	s12 =	smov.u32 s4  }
0xf1: {  	v2 =	vld.idx.msk [tilespmem:v4+s19+$0x0], $0xffff  }
0xf2: {  	v4 =	vld [tilespmem:s4+$0xFFFFFF00]  }
0xf3: {  	v10 =	vld [tilespmem:s4+$0xFFFFFF20]  }
0xf4: {  	v11 =	vld [tilespmem:s4+$0xFFFFFF10]  }
0xf5: {  	v12 =	vld [tilespmem:s4+$0xFFFFFF40];
	_ =	sdelay $0x1  }
0xf6: {  	v3 =	vmul.f32 v3, v2;
	v4 =	vmul.f32 v4, v2  }
0xf7: {  	v5 =	vmul.f32 v5, v2;
	v10 =	vmul.f32 v10, v2  }
0xf8: {  	v7 =	vmul.f32 v7, v2;
	v11 =	vmul.f32 v11, v2;
	[tilespmem:s4+$0xFFFFFF70] =	vst v3  }
0xf9: {  	[tilespmem:s4+$0xFFFFFF00] =	vst v4;
	v3 =	vmul.f32 v12, v2;
	v2 =	vmul.f32 v6, v2  }
0xfa: {  	v4 =	vbroadcast v8, $0x0;
	[tilespmem:s4+$0xFFFFFF20] =	vst v10  }
0xfb: {  	[tilespmem:s4+$0xFFFFFF30] =	vst v7  }
0xfc: {  	[tilespmem:s4+$0xFFFFFF50] =	vst v2;
	v2 =	vld [tilespmem:s4+$0xFFFFFFF0]  }
0xfd: {  	[tilespmem:s4+$0xFFFFFF10] =	vst v11;
	v6 =	vld [tilespmem:s4+$0xFFFFFFD0]  }
0xfe: {  	[tilespmem:s4+$0xFFFFFF60] =	vst v5;
	v5 =	vld [tilespmem:s4+$0xFFFFFFB0]  }
0xff: {  	[tilespmem:s4+$0xFFFFFF40] =	vst v3;
	v3 =	vld [tilespmem:s4+$0xFFFFFF90]  }
0x100: {  	v4 =	vld.idx.msk [tilespmem:v4+s19+$0x0], $0xffff  }
0x101: {  	v7 =	vld [tilespmem:s4+$0xFFFFFF80]  }
0x102: {  	v8 =	vld [tilespmem:s4+$0xFFFFFFA0]  }
0x103: {  	v10 =	vld [tilespmem:s4+$0xFFFFFFC0]  }
0x104: {  	v11 =	vld [tilespmem:s4+$0xFFFFFFE0];
	_ =	sdelay $0x1  }
0x105: {  	v3 =	vmul.f32 v3, v4;
	v7 =	vmul.f32 v7, v4  }
0x106: {  	v5 =	vmul.f32 v5, v4;
	v8 =	vmul.f32 v8, v4  }
0x107: {  	v6 =	vmul.f32 v6, v4;
	[tilespmem:s4+$0xFFFFFF80] =	vst v7;
	v7 =	vmul.f32 v10, v4  }
0x108: {  	v2 =	vmul.f32 v2, v4;
	[tilespmem:s4+$0xFFFFFFA0] =	vst v8;
	v8 =	vmul.f32 v11, v4  }
0x109: {  	[tilespmem:s4+$0xFFFFFF90] =	vst v3;
	v3 =	vbroadcast v9, $0x0  }
0x10a: {  	[tilespmem:s4+$0xFFFFFFD0] =	vst v6  }
0x10b: {  	[tilespmem:s4+$0xFFFFFFE0] =	vst v8  }
0x10c: {  	[tilespmem:s4+$0xFFFFFFB0] =	vst v5  }
.Ltmp1:
0x10d: {  	[tilespmem:s4+$0xFFFFFFF0] =	vst v2;
	v4 =	vld [tilespmem:s4+$0x20];
	(pc) =	sbr.rel @p0 .LBB2_6-.Ltmp1, $4  }
0x10e: {  	[tilespmem:s4+$0xFFFFFFC0] =	vst v7;
	v5 =	vld [tilespmem:s4+$0x0]  }
0x10f: {  	v2 =	vld.idx.msk [tilespmem:v3+s19+$0x0], $0xffff  }
0x110: {  	v3 =	vld [tilespmem:s4+$0x10]  }
0x111: {  	v6 =	vld [tilespmem:s4+$0x30]  }
0x112: {  	v7 =	vld [tilespmem:s12+$0x60];
	_ =	sdelay $0x1  }
0x113: {  	v5 =	vmul.f32 v5, v2  }
0x114: {  	v8 =	vld [tilespmem:s12+$0x50];
	v4 =	vmul.f32 v4, v2  }
0x115: {  	v0 =	vmul.f32 v0, v2;
	[tilespmem:s12+$0x0] =	vst v5  }
0x116: {  	[tilespmem:s12+$0x20] =	vst v4;
	v4 =	vmul.f32 v7, v2  }
0x117: {  	v1 =	vmul.f32 v1, v2;
	[tilespmem:s12+$0x40] =	vst v0  }
0x118: {  	v6 =	vmul.f32 v6, v2;
	[tilespmem:s12+$0x60] =	vst v4;
	v4 =	vmov s9  }
0x119: {  	[tilespmem:s12+$0x70] =	vst v1;
	v5 =	vmul.f32 v8, v2  }
0x11a: {  	v2 =	vmul.f32 v3, v2;
	[tilespmem:s12+$0x30] =	vst v6  }
0x11b: {  	[tilespmem:s12+$0x50] =	vst v5  }
0x11c: {  	v6 =	vld [tilespmem:s12+$0x80];
	[tilespmem:s12+$0x10] =	vst v2  }
0x11d: {  	v0 =	vld.idx.msk [tilespmem:v4+s19+$0x0], $0xffff  }
0x11e: {  	v1 =	vld [tilespmem:s12+$0x90]  }
0x11f: {  	v2 =	vld [tilespmem:s12+$0xA0]  }
0x120: {  	v3 =	vld [tilespmem:s12+$0xD0]  }
0x121: {  	v4 =	vld [tilespmem:s12+$0xB0]  }
0x122: {  	v5 =	vld [tilespmem:s12+$0xC0];
	v6 =	vmul.f32 v6, v0  }
0x123: {  	v7 =	vld [tilespmem:s12+$0xE0];
	v1 =	vmul.f32 v1, v0  }
0x124: {  	v8 =	vld [tilespmem:s12+$0xF0];
	v2 =	vmul.f32 v2, v0;
	[tilespmem:s12+$0x80] =	vst v6  }
0x125: {  	v3 =	vmul.f32 v3, v0;
	[tilespmem:s12+$0x90] =	vst v1  }
0x126: {  	v1 =	vmul.f32 v4, v0;
	[tilespmem:s12+$0xA0] =	vst v2  }
0x127: {  	v2 =	vmul.f32 v5, v0;
	[tilespmem:s12+$0xD0] =	vst v3  }
0x128: {  	s3 =	sadd.s32 $0x2, s3;
	v3 =	vmul.f32 v7, v0;
	[tilespmem:s12+$0xB0] =	vst v1  }
0x129: {  	s1 =	sshll.u32 s8, $0x7;
	s8 =	smul.u32 $0x60, s3;
	v0 =	vmul.f32 v8, v0;
	[tilespmem:s12+$0xC0] =	vst v2  }
0x12a: {  	s1 =	sand.u32 $0x3FFFFF80, s1;
	[tilespmem:s12+$0xE0] =	vst v3  }
0x12b: {  	s1 =	sadd.s32 $0x1000, s1;
	[tilespmem:s12+$0xF0] =	vst v0;
	s12 =	sadd.s32 $0x3, s8  }
0x12c: {  	[spmem:s2] =	stream.indirect.scatter.add.f32 [tilespmem:s22], [sflag:$0x5], $0x80, s1, s20, $0xb8;
	[tilespmem:$0x1FA80] =	vst v63  }
0x12d: {  	s13 =	sadd.s32 $0xFFFFFFFD, s12  }
0x12e: {  	p0 =	seq.s32 s31, $0x8;
	_ =	swait.ge [sflag:s26], $0x3000;
	v0 =	vmov s13  }
0x12f: {  	s14 =	simm.s32 $0x3;
	s0 =	sadd.s32 @!p0 $0x180, s0;
	[sflag:s26] =	ssyncset.done $0x0;
	v0 =	vand.u32 $0xFFFFFFFC, v0  }
0x130: {  	s4 =	simm.s32 @!p0 $0x60;
	s9 =	simm.s32 @!p0 $0x2A80;
	[sflag:s26] =	ssyncadd.s32 $0xFFFFD000;
	v0 =	vbroadcast v0, $0x0  }
0x131: {  	[tilespmem:s9], [sflag:$0x1] =	stream.indirect.gather @!p0 [hbm4b:s5+s4], $0x80, s0, s4, $0xb8;
	[tilespmem:$0x1FA80] =	vst v63  }
0x132: {  	_ =	swait.ge [sflag:s14], $0x3000  }
0x133: {  	[sflag:s14] =	ssyncset.done $0x0  }
0x134: {  	s0 =	simm.s32 $0x8B80;
	[sflag:s14] =	ssyncadd.s32 $0xFFFFD000  }
0x135: {  	v2 =	vld [tilespmem:s0+$0xFFFFFF70]  }
0x136: {  	v0 =	vld.idx.msk [tilespmem:v0+s19+$0x0], $0xffff  }
0x137: {  	v3 =	vld [tilespmem:s0+$0xFFFFFF00]  }
0x138: {  	v4 =	vld [tilespmem:s0+$0xFFFFFF20]  }
0x139: {  	v5 =	vld [tilespmem:s0+$0xFFFFFF30]  }
0x13a: {  	v1 =	vld [tilespmem:s0+$0xFFFFFF50]  }
0x13b: {  	v7 =	vld [tilespmem:s0+$0xFFFFFF10];
	v2 =	vmul.f32 v2, v0  }
0x13c: {  	s16 =	sadd.s32 $0xFFFFFFFE, s12;
	v6 =	vld [tilespmem:s0+$0xFFFFFF60];
	v3 =	vmul.f32 v3, v0  }
0x13d: {  	v9 =	vmov s16;
	v8 =	vld [tilespmem:s0+$0xFFFFFF40];
	v4 =	vmul.f32 v4, v0;
	[tilespmem:s0+$0xFFFFFF70] =	vst v2  }
0x13e: {  	v5 =	vmul.f32 v5, v0;
	v2 =	vand.u32 $0xFFFFFFFD, v9;
	[tilespmem:s0+$0xFFFFFF00] =	vst v3  }
0x13f: {  	v1 =	vmul.f32 v1, v0;
	[tilespmem:s0+$0xFFFFFF20] =	vst v4;
	v2 =	vbroadcast v2, $0x0  }
0x140: {  	v3 =	vmul.f32 v7, v0;
	[tilespmem:s0+$0xFFFFFF30] =	vst v5  }
0x141: {  	v4 =	vmul.f32 v6, v0;
	[tilespmem:s0+$0xFFFFFF50] =	vst v1  }
0x142: {  	v0 =	vmul.f32 v8, v0;
	[tilespmem:s0+$0xFFFFFF10] =	vst v3  }
0x143: {  	[tilespmem:s0+$0xFFFFFF60] =	vst v4  }
0x144: {  	[tilespmem:s0+$0xFFFFFF40] =	vst v0;
	v0 =	vld [tilespmem:s0+$0xFFFFFF80]  }
0x145: {  	v2 =	vld.idx.msk [tilespmem:v2+s19+$0x0], $0xffff  }
0x146: {  	v1 =	vld [tilespmem:s0+$0xFFFFFFA0]  }
0x147: {  	v3 =	vld [tilespmem:s0+$0xFFFFFF90]  }
0x148: {  	v4 =	vld [tilespmem:s0+$0xFFFFFFD0]  }
0x149: {  	v5 =	vld [tilespmem:s0+$0xFFFFFFE0]  }
0x14a: {  	v6 =	vld [tilespmem:s0+$0xFFFFFFF0];
	v0 =	vmul.f32 v0, v2  }
0x14b: {  	s17 =	sadd.s32 $0xFFFFFFFF, s12;
	v7 =	vld [tilespmem:s0+$0xFFFFFFB0];
	v1 =	vmul.f32 v1, v2  }
0x14c: {  	v63 =	vld [tilespmem:s0+$0xFFFFFFC0];
	v8 =	vmov s17;
	v3 =	vmul.f32 v3, v2;
	[tilespmem:s0+$0xFFFFFF80] =	vst v0  }
0x14d: {  	v4 =	vmul.f32 v4, v2;
	v0 =	vand.u32 $0xFFFFFFFE, v8;
	[tilespmem:s0+$0xFFFFFFA0] =	vst v1  }
0x14e: {  	v1 =	vmul.f32 v5, v2;
	[tilespmem:s0+$0xFFFFFF90] =	vst v3;
	v3 =	vbroadcast v0, $0x0  }
0x14f: {  	v5 =	vmul.f32 v6, v2;
	[tilespmem:s0+$0xFFFFFFD0] =	vst v4;
	v6 =	vld [tilespmem:s0+$0x30]  }
0x150: {  	v4 =	vmul.f32 v7, v2;
	v0 =	vld [tilespmem:s0+$0x40];
	[tilespmem:s0+$0xFFFFFFE0] =	vst v1  }
0x151: {  	v2 =	vmul.f32 v63, v2;
	v1 =	vld [tilespmem:s0+$0x70];
	[tilespmem:s0+$0xFFFFFFF0] =	vst v5  }
0x152: {  	[tilespmem:s0+$0xFFFFFFB0] =	vst v4;
	v4 =	vld [tilespmem:s0+$0x20]  }
0x153: {  	[tilespmem:s0+$0xFFFFFFC0] =	vst v2;
	v5 =	vld [tilespmem:s0+$0x0]  }
0x154: {  	v2 =	vld.idx.msk [tilespmem:v3+s19+$0x0], $0xffff  }
0x155: {  	s9 =	simm.s32 $0x7;
	s4 =	simm.s32 $0x8B80;
	v3 =	vld [tilespmem:s0+$0x10]  }
.LBB2_8:
0x156: {  	p0 =	sne.s32 s9, $0x5F  }
0x157: {  	v7 =	vld [tilespmem:s0+$0x50];
	s4 =	sadd.s32 $0x200, s4;
	s1 =	smov.u32 s9;
	s9 =	sadd.s32 $0x4, s9  }
0x158: {  	v8 =	vld [tilespmem:s0+$0x60];
	_ =	sdelay $0x1  }
0x159: {  	v5 =	vmul.f32 v5, v2;
	v3 =	vmul.f32 v3, v2  }
0x15a: {  	v4 =	vmul.f32 v4, v2;
	v6 =	vmul.f32 v6, v2  }
0x15b: {  	v0 =	vmul.f32 v0, v2;
	v1 =	vmul.f32 v1, v2;
	[tilespmem:s0+$0x0] =	vst v5  }
0x15c: {  	[tilespmem:s0+$0x20] =	vst v4;
	v4 =	vmul.f32 v7, v2;
	v2 =	vmul.f32 v8, v2  }
0x15d: {  	[tilespmem:s0+$0x30] =	vst v6;
	v5 =	vld [tilespmem:s0+$0x80]  }
0x15e: {  	[tilespmem:s0+$0x60] =	vst v2;
	v2 =	vmov s12;
	v6 =	vld [tilespmem:s0+$0xD0]  }
0x15f: {  	[tilespmem:s0+$0x50] =	vst v4;
	v4 =	vld [tilespmem:s0+$0xE0]  }
0x160: {  	[tilespmem:s0+$0x40] =	vst v0;
	v7 =	vld [tilespmem:s0+$0xB0]  }
0x161: {  	v0 =	vld [tilespmem:s4+$0x40];
	[tilespmem:s0+$0x70] =	vst v1  }
0x162: {  	v1 =	vld [tilespmem:s4+$0x70];
	[tilespmem:s0+$0x10] =	vst v3  }
0x163: {  	v2 =	vld.idx.msk [tilespmem:v2+s19+$0x0], $0xffff  }
0x164: {  	v3 =	vld [tilespmem:s0+$0x90]  }
0x165: {  	v8 =	vld [tilespmem:s0+$0xA0]  }
0x166: {  	v9 =	vld [tilespmem:s0+$0xC0]  }
0x167: {  	v10 =	vld [tilespmem:s0+$0xF0];
	_ =	sdelay $0x1  }
0x168: {  	s12 =	sadd.s32 s8, s1;
	v5 =	vmul.f32 v5, v2;
	v3 =	vmul.f32 v3, v2  }
0x169: {  	s1 =	sadd.s32 $0xFFFFFFFD, s12;
	s13 =	sadd.s32 $0xFFFFFFFE, s12;
	s14 =	sadd.s32 $0xFFFFFFFF, s12;
	v7 =	vmul.f32 v7, v2;
	v8 =	vmul.f32 v8, v2  }
0x16a: {  	v11 =	vmov s1;
	v6 =	vmul.f32 v6, v2;
	[tilespmem:s0+$0x80] =	vst v5;
	v5 =	vmul.f32 v9, v2  }
0x16b: {  	v9 =	vand.u32 $0xFFFFFFFC, v11;
	[tilespmem:s0+$0x90] =	vst v3;
	v3 =	vmul.f32 v4, v2;
	v2 =	vmul.f32 v10, v2  }
0x16c: {  	v4 =	vbroadcast v9, $0x0;
	v9 =	vmov s13;
	v10 =	vmov s14;
	[tilespmem:s0+$0xA0] =	vst v8  }
0x16d: {  	v8 =	vand.u32 $0xFFFFFFFD, v9;
	v9 =	vand.u32 $0xFFFFFFFE, v10;
	[tilespmem:s0+$0xD0] =	vst v6  }
0x16e: {  	v6 =	vld [tilespmem:s4+$0xFFFFFF50];
	[tilespmem:s0+$0xB0] =	vst v7  }
0x16f: {  	v7 =	vld [tilespmem:s4+$0xFFFFFF30];
	[tilespmem:s0+$0xC0] =	vst v5  }
0x170: {  	v5 =	vld [tilespmem:s4+$0xFFFFFF60];
	[tilespmem:s0+$0xE0] =	vst v3  }
0x171: {  	v3 =	vld [tilespmem:s4+$0xFFFFFF70];
	[tilespmem:s0+$0xF0] =	vst v2;
	s0 =	smov.u32 s4  }
0x172: {  	v2 =	vld.idx.msk [tilespmem:v4+s19+$0x0], $0xffff  }
0x173: {  	v4 =	vld [tilespmem:s4+$0xFFFFFF00]  }
0x174: {  	v10 =	vld [tilespmem:s4+$0xFFFFFF20]  }
0x175: {  	v11 =	vld [tilespmem:s4+$0xFFFFFF10]  }
0x176: {  	v12 =	vld [tilespmem:s4+$0xFFFFFF40];
	_ =	sdelay $0x1  }
0x177: {  	v3 =	vmul.f32 v3, v2;
	v4 =	vmul.f32 v4, v2  }
0x178: {  	v5 =	vmul.f32 v5, v2;
	v10 =	vmul.f32 v10, v2  }
0x179: {  	v7 =	vmul.f32 v7, v2;
	v11 =	vmul.f32 v11, v2;
	[tilespmem:s4+$0xFFFFFF70] =	vst v3  }
0x17a: {  	[tilespmem:s4+$0xFFFFFF00] =	vst v4;
	v3 =	vmul.f32 v12, v2;
	v2 =	vmul.f32 v6, v2  }
0x17b: {  	v4 =	vbroadcast v8, $0x0;
	[tilespmem:s4+$0xFFFFFF20] =	vst v10  }
0x17c: {  	[tilespmem:s4+$0xFFFFFF30] =	vst v7  }
0x17d: {  	[tilespmem:s4+$0xFFFFFF50] =	vst v2;
	v2 =	vld [tilespmem:s4+$0xFFFFFFF0]  }
0x17e: {  	[tilespmem:s4+$0xFFFFFF10] =	vst v11;
	v6 =	vld [tilespmem:s4+$0xFFFFFFD0]  }
0x17f: {  	[tilespmem:s4+$0xFFFFFF60] =	vst v5;
	v5 =	vld [tilespmem:s4+$0xFFFFFFB0]  }
0x180: {  	[tilespmem:s4+$0xFFFFFF40] =	vst v3;
	v3 =	vld [tilespmem:s4+$0xFFFFFF90]  }
0x181: {  	v4 =	vld.idx.msk [tilespmem:v4+s19+$0x0], $0xffff  }
0x182: {  	v7 =	vld [tilespmem:s4+$0xFFFFFF80]  }
0x183: {  	v8 =	vld [tilespmem:s4+$0xFFFFFFA0]  }
0x184: {  	v10 =	vld [tilespmem:s4+$0xFFFFFFC0]  }
0x185: {  	v11 =	vld [tilespmem:s4+$0xFFFFFFE0];
	_ =	sdelay $0x1  }
0x186: {  	v3 =	vmul.f32 v3, v4;
	v7 =	vmul.f32 v7, v4  }
0x187: {  	v5 =	vmul.f32 v5, v4;
	v8 =	vmul.f32 v8, v4  }
0x188: {  	v6 =	vmul.f32 v6, v4;
	[tilespmem:s4+$0xFFFFFF80] =	vst v7;
	v7 =	vmul.f32 v10, v4  }
0x189: {  	v2 =	vmul.f32 v2, v4;
	[tilespmem:s4+$0xFFFFFFA0] =	vst v8;
	v8 =	vmul.f32 v11, v4  }
0x18a: {  	[tilespmem:s4+$0xFFFFFF90] =	vst v3;
	v3 =	vbroadcast v9, $0x0  }
0x18b: {  	[tilespmem:s4+$0xFFFFFFD0] =	vst v6  }
0x18c: {  	[tilespmem:s4+$0xFFFFFFE0] =	vst v8  }
0x18d: {  	[tilespmem:s4+$0xFFFFFFB0] =	vst v5  }
.Ltmp2:
0x18e: {  	[tilespmem:s4+$0xFFFFFFF0] =	vst v2;
	v4 =	vld [tilespmem:s4+$0x20];
	(pc) =	sbr.rel @p0 .LBB2_8-.Ltmp2, $4  }
0x18f: {  	[tilespmem:s4+$0xFFFFFFC0] =	vst v7;
	v5 =	vld [tilespmem:s4+$0x0]  }
0x190: {  	v2 =	vld.idx.msk [tilespmem:v3+s19+$0x0], $0xffff  }
0x191: {  	v3 =	vld [tilespmem:s4+$0x10]  }
0x192: {  	v6 =	vld [tilespmem:s4+$0x30]  }
0x193: {  	_ =	sdelay $0x1  }
0x194: {  	v5 =	vmul.f32 v5, v2  }
0x195: {  	v7 =	vld [tilespmem:s0+$0x60];
	v4 =	vmul.f32 v4, v2  }
0x196: {  	v8 =	vld [tilespmem:s0+$0x50];
	v0 =	vmul.f32 v0, v2;
	[tilespmem:s0+$0x0] =	vst v5  }
0x197: {  	v1 =	vmul.f32 v1, v2;
	[tilespmem:s0+$0x20] =	vst v4  }
0x198: {  	v53 =	vmul.f32 v3, v2;
	[tilespmem:s0+$0x40] =	vst v0  }
0x199: {  	v52 =	vmov s12;
	v6 =	vmul.f32 v6, v2;
	[tilespmem:s0+$0x70] =	vst v1  }
0x19a: {  	v49 =	vmul.f32 v7, v2;
	[tilespmem:s0+$0x10] =	vst v53  }
0x19b: {  	v50 =	vmul.f32 v8, v2;
	[tilespmem:s0+$0x30] =	vst v6  }
0x19c: {  	[tilespmem:s0+$0x60] =	vst v49  }
0x19d: {  	v51 =	vld [tilespmem:s0+$0x80];
	[tilespmem:s0+$0x50] =	vst v50  }
0x19e: {  	v0 =	vld.idx.msk [tilespmem:v52+s19+$0x0], $0xffff  }
0x19f: {  	v54 =	vld [tilespmem:s0+$0x90]  }
0x1a0: {  	v55 =	vld [tilespmem:s0+$0xA0]  }
0x1a1: {  	v56 =	vld [tilespmem:s0+$0xD0]  }
0x1a2: {  	v57 =	vld [tilespmem:s0+$0xB0]  }
0x1a3: {  	v58 =	vld [tilespmem:s0+$0xC0];
	v6 =	vmul.f32 v51, v0  }
0x1a4: {  	v59 =	vld [tilespmem:s0+$0xE0];
	v1 =	vmul.f32 v54, v0  }
0x1a5: {  	v60 =	vld [tilespmem:s0+$0xF0];
	v2 =	vmul.f32 v55, v0;
	[tilespmem:s0+$0x80] =	vst v6  }
0x1a6: {  	v3 =	vmul.f32 v56, v0;
	[tilespmem:s0+$0x90] =	vst v1  }
0x1a7: {  	s31 =	sadd.s32 $0x1, s31;
	v61 =	vmul.f32 v57, v0;
	[tilespmem:s0+$0xA0] =	vst v2  }
0x1a8: {  	p0 =	sne.s32 s31, $0x9;
	v62 =	vmul.f32 v58, v0;
	[tilespmem:s0+$0xD0] =	vst v3  }
.Ltmp3:
0x1a9: {  	v63 =	vmul.f32 v59, v0;
	[tilespmem:s0+$0xB0] =	vst v61;
	(pc) =	sbr.rel @p0 .LBB2_3-.Ltmp3, $4  }
0x1aa: {  	s1 =	sshll.u32 s3, $0x7;
	v0 =	vmul.f32 v60, v0;
	[tilespmem:s0+$0xC0] =	vst v62  }
0x1ab: {  	s1 =	sand.u32 $0x3FFFFF80, s1;
	[tilespmem:s0+$0xE0] =	vst v63  }
0x1ac: {  	s17 =	sadd.s32 $0x1000, s1;
	[tilespmem:s0+$0xF0] =	vst v0  }
0x1ad: {  	[spmem:s2] =	stream.indirect.scatter.add.f32 [tilespmem:s24], [sflag:$0x6], $0x80, s17, s20, $0xb8;
	[tilespmem:$0x1FA80] =	vst v63  }
0x1ae: {  	s30 =	sadd.s32 $0x1, s30  }
0x1af: {  	_ =	swait.ge [sflag:s28], $0x3000;
	p0 =	sne.s32 s30, $0x4  }
.Ltmp4:
0x1b0: {  	[sflag:s28] =	ssyncset.done $0x0;
	(pc) =	sbr.rel @p0 .LBB2_2-.Ltmp4, $4  }
0x1b1: {  	[sflag:s28] =	ssyncadd.s32 $0xFFFFD000  }
0x1b2: {  	_ =	swait.ge [sflag:s29], $0x3000  }
0x1b3: {  	[sflag:s29] =	ssyncset.done $0x0  }
0x1b4: {  	[sflag:s29] =	ssyncadd.s32 $0xFFFFD000  }
0x1b5: {  	[bflag:$0x0] =	sbarrier.arrive $0xFFFF  }
0x1b6: {  	s1 =	rddreg [dreg:$0x6]  }
0x1b7: {  	s0 =	rddreg [dreg:$0x7]  }
0x1b8: {  	s3 =	rddreg [dreg:$0x9]  }
0x1b9: {  	[hbm:s0], [sflag:s1] =	dma.local [spmem:s3], $0x2800  }
0x1ba: {  	_ =	swait.ge [sflag:s15], $0x2800  }
0x1bb: {  	s12 =	rddreg [dreg:$0x4]  }
0x1bc: {  	s31 =	rddreg [dreg:$0x8];
	s12 =	sadd.s32 $0x1, s12  }
0x1bd: {  	p0 =	sne.s32 s12, s31  }
.Ltmp5:
0x1be: {  	_ = 	snop;
	(pc) =	sbr.rel @p0 .LBB2_1-.Ltmp5, $3  }
0x1bf: {  	_ =	sdelay $0x1  }
0x1c0: {  	[sflag:s15] =	ssyncset.done $0x0  }
0x1c1: {  	[sflag:s15] =	ssyncadd.s32 $0xFFFFD800  }
0x1c2: {  	_ =	sfence.sel $0x180000  }
0x1c3: {  	[bflag:$0x0] =	sbarrier.arrive $0xFFFF  }
0x1c4: {  	_ =	strace $0x9000004A  }
0x1c5: {  	s0 =	stileid.u32;
	[bflag:$0x2] =	sbarrier.arrive $0xFFFF  }
0x1c6: {  	p0 =	sne.s32 s0, $0x0;
	s0 =	rddreg [dreg:$0x3]  }
0x1c7: {  	s0 =	sadd.s32 @!p0 $0x100000, s0  }
0x1c8: {  	[sflag:s0] =	ssyncadd.tile.s32 @!p0 $0x1;
	_ =	shalt  }
.Lfunc_end2:
_tile_overlayer_lowered:
.L_overlay_start_2:
0x1c9: {  	(tag) =	ssettag $0x2  }
0x1ca: {  	s0 =	rddreg [dreg:$0x0];
	s2 =	stileid.u32  }
0x1cb: {  	s1 =	rddreg [dreg:$0x1];
	p0 =	sne.s32 s2, $0x0  }
0x1cc: {  	s3 =	rddreg [dreg:$0x2];
	[bflag:$0x3] =	sbarrier.arrive $0xFFFF;
	s2 =	simm.s32 @!p0 $0x1C07  }
0x1cd: {  	[timem:s3], [sflag:s2] =	dma.local @!p0 [hbm:s0], s1  }
0x1ce: {  	s0 =	simm.s32 @!p0 $0x7  }
0x1cf: {  	_ =	swait.ge @!p0 [sflag:s0], s1  }
0x1d0: {  	s1 =	ssub.s32 @!p0 $0x0, s1;
	[sflag:s0] =	ssyncset.done @!p0 $0x0  }
0x1d1: {  	[sflag:s0] =	ssyncadd.s32 @!p0 s1  }
0x1d2: {  	[bflag:$0x3] =	sbarrier.arrive $0xFFFF  }
0x1d3: {  	_ =	shalt  }

// kernel: kernel.15.cloned.1.call-start
scs
__scs_entry_jumppad:
0x0: {  	(pc) =	sbr.rel $0x88, $3  }
0x1: {  	(tag) =	ssettag $0x0;
	lr =	simm.s32 $0x1  }
0x2: {  	[smem:$0x3F97] =	sst lr;
	_ =	strace $0xD0000000  }
0x3: {  	_ = 	snop  }
0x4: {  	_ = 	snop  }
0x5: {  	_ = 	snop  }
0x6: {  	_ = 	snop  }
0x7: {  	_ = 	snop  }
__scs_overlays_trampoline_lowered:
0x8: {  	[smem:$0x3FA6] =	sst s0  }
0x9: {  	[smem:$0x3FA7] =	sst s1  }
0xa: {  	[smem:$0x3FA8] =	sst s2  }
0xb: {  	[smem:$0x3FA9] =	sst s3  }
0xc: {  	[smem:$0x3FAA] =	sst s4  }
0xd: {  	[smem:$0x3FAB] =	sst s5  }
0xe: {  	[smem:$0x3FAC] =	sst s6  }
0xf: {  	[smem:$0x3FAD] =	sst s7  }
0x10: {  	[smem:$0x3FAE] =	sst s8  }
0x11: {  	[smem:$0x3FAF] =	sst s9;
	s0 =	simm.s32 @!p0 $0x0  }
0x12: {  	s1 =	sld [smem:$0x3F95];
	s0 =	simm.s32 @p0 $0x1  }
0x13: {  	[smem:$0x3FB0] =	sst s0;
	s0 =	simm.s32 @!p1 $0x0  }
0x14: {  	s2 =	sld [smem:$0x3F94];
	s0 =	simm.s32 @p1 $0x1  }
0x15: {  	[smem:$0x3FB1] =	sst s0;
	s0 =	simm.s32 @!p2 $0x0  }
0x16: {  	s3 =	sld [smem:$0x3FDB];
	s0 =	simm.s32 @p2 $0x1  }
0x17: {  	s4 =	simm.s32 $0x1BF5;
	[smem:$0x3FB3] =	sst s0  }
0x18: {  	s0 =	sld [smem:$0x3F96];
	_ =	swait.ge [sflag:s4], $0x0  }
0x19: {  	s7 =	sld [smem:$0x3F97]  }
0x1a: {  	s8 =	sadd.s32 $0xFFFFE003, lr  }
0x1b: {  	s9 =	sadd.s32 $0xFFFFFEF7, lr;
	s5 =	simm.s32 $0xFFFFFFFF;
	p2 =	slt.u32 s8, $0xFFFFF086  }
0x1c: {  	p1 =	slt.u32 s9, $0xF7A;
	s5 =	simm.s32 @!p2 $0x0  }
0x1d: {  	s5 =	simm.s32 @p1 $0x1;
	p0 =	seq.s32 s7, s2  }
0x1e: {  	s7 =	smul.u32 @!p0 $0xF7A, s2;
	p2 =	seq.s32 @!p0 s5, $0x0  }
0x1f: {  	s9 =	smul.u32 $0xF7A, s1;
	s8 =	simm.s32 @!p0 $0x1BF5;
	p2 =	por !p2, p0  }
0x20: {  	[sflag:s8] =	ssyncset.s32 @!p0 $0xFFFFF086;
	s6 =	sadd.s32 @!p0 s3, s7;
	s7 =	simm.s32 @!p0 $0x108  }
0x21: {  	s3 =	sadd.s32 s3, s9;
	s6 =	sadd.s32 @!p0 $0x88, s6;
	s7 =	simm.s32 @p2 $0x1082  }
0x22: {  	[simem:s7], [sflag:s8] =	dma.local @!p0 [hbm:s6], $0xF7A  }
0x23: {  	s9 =	sor.u32 $0xD0000000, s2;
	s6 =	simm.s32 $0x108;
	_ =	swait.ge @!p0 [sflag:s8], $0x0  }
0x24: {  	s3 =	sadd.s32 $0x88, s3;
	s6 =	simm.s32 @!p1 $0x1082;
	[sflag:s4] =	ssyncset.s32 $0xFFFFF086  }
0x25: {  	[simem:s6], [sflag:s4] =	dma.local [hbm:s3], $0xF7A  }
0x26: {  	[smem:$0x3F97] =	sst s1;
	(tag) =	ssettag s2;
	_ =	strace s9  }
0x27: {  	s1 =	sld [smem:$0x3FA7]  }
0x28: {  	s2 =	sld [smem:$0x3FA8]  }
0x29: {  	s4 =	sld [smem:$0x3FAA]  }
0x2a: {  	p0 =	seq.s32 s5, $0x0;
	s5 =	sld [smem:$0x3FAB]  }
0x2b: {  	s6 =	sld [smem:$0x3FAC]  }
0x2c: {  	s7 =	sld [smem:$0x3FAD]  }
0x2d: {  	s3 =	simm.s32 $0x108;
	s8 =	sld [smem:$0x3FAE]  }
0x2e: {  	s3 =	simm.s32 @!p0 $0x1082;
	s9 =	sld [smem:$0x3FAF]  }
0x2f: {  	lr =	sadd.s32 s0, s3;
	s0 =	sld [smem:$0x3FA6]  }
0x30: {  	s3 =	sld [smem:$0x3FA9]  }
0x31: {  	[smem:$0x3FB2] =	sst s10  }
0x32: {  	s10 =	sld [smem:$0x3FB0];
	_ =	sdelay $0x3  }
0x33: {  	p0 =	seq.s32 s10, $0x1;
	s10 =	sld [smem:$0x3FB2];
	_ =	sdelay $0x3  }
0x34: {  	[smem:$0x3FB2] =	sst s10  }
0x35: {  	s10 =	sld [smem:$0x3FB1];
	_ =	sdelay $0x3  }
0x36: {  	p1 =	seq.s32 s10, $0x1;
	s10 =	sld [smem:$0x3FB2];
	_ =	sdelay $0x3  }
0x37: {  	[smem:$0x3FB2] =	sst s10  }
0x38: {  	s10 =	sld [smem:$0x3FB3]  }
0x39: {  	_ = 	snop;
	(pc) =	sbr.ind lr, $3  }
0x3a: {  	_ = 	snop  }
0x3b: {  	_ = 	snop  }
0x3c: {  	p2 =	seq.s32 s10, $0x1;
	s10 =	sld [smem:$0x3FB2]  }
0x3d: {  	_ =	shalt  }
0x3e: {  	_ =	shalt  }
0x3f: {  	_ =	shalt  }
0x40: {  	_ =	shalt  }
0x41: {  	_ =	shalt  }
0x42: {  	_ =	shalt  }
0x43: {  	_ =	shalt  }
0x44: {  	_ =	shalt  }
0x45: {  	_ =	shalt  }
0x46: {  	_ =	shalt  }
0x47: {  	_ =	shalt  }
0x48: {  	_ =	shalt  }
0x49: {  	_ =	shalt  }
0x4a: {  	_ =	shalt  }
0x4b: {  	_ =	shalt  }
0x4c: {  	_ =	shalt  }
0x4d: {  	_ =	shalt  }
0x4e: {  	_ =	shalt  }
0x4f: {  	_ =	shalt  }
0x50: {  	_ =	shalt  }
0x51: {  	_ =	shalt  }
0x52: {  	_ =	shalt  }
0x53: {  	_ =	shalt  }
0x54: {  	_ =	shalt  }
0x55: {  	_ =	shalt  }
0x56: {  	_ =	shalt  }
0x57: {  	_ =	shalt  }
0x58: {  	_ =	shalt  }
0x59: {  	_ =	shalt  }
0x5a: {  	_ =	shalt  }
0x5b: {  	_ =	shalt  }
0x5c: {  	_ =	shalt  }
0x5d: {  	_ =	shalt  }
0x5e: {  	_ =	shalt  }
0x5f: {  	_ =	shalt  }
0x60: {  	_ =	shalt  }
0x61: {  	_ =	shalt  }
0x62: {  	_ =	shalt  }
0x63: {  	_ =	shalt  }
0x64: {  	_ =	shalt  }
0x65: {  	_ =	shalt  }
0x66: {  	_ =	shalt  }
0x67: {  	_ =	shalt  }
0x68: {  	_ =	shalt  }
0x69: {  	_ =	shalt  }
0x6a: {  	_ =	shalt  }
0x6b: {  	_ =	shalt  }
0x6c: {  	_ =	shalt  }
0x6d: {  	_ =	shalt  }
0x6e: {  	_ =	shalt  }
0x6f: {  	_ =	shalt  }
0x70: {  	_ =	shalt  }
0x71: {  	_ =	shalt  }
0x72: {  	_ =	shalt  }
0x73: {  	_ =	shalt  }
0x74: {  	_ =	shalt  }
0x75: {  	_ =	shalt  }
0x76: {  	_ =	shalt  }
0x77: {  	_ =	shalt  }
0x78: {  	_ =	shalt  }
0x79: {  	_ =	shalt  }
0x7a: {  	_ =	shalt  }
0x7b: {  	_ =	shalt  }
0x7c: {  	_ =	shalt  }
0x7d: {  	_ =	shalt  }
0x7e: {  	_ =	shalt  }
0x7f: {  	_ =	shalt  }
0x80: {  	_ =	shalt  }
0x81: {  	_ =	shalt  }
0x82: {  	_ =	shalt  }
0x83: {  	_ =	shalt  }
0x84: {  	_ =	shalt  }
0x85: {  	_ =	shalt  }
0x86: {  	_ =	shalt  }
0x87: {  	_ =	shalt  }
.Lfunc_end0:
.L_simem_size_0:
called_computation.2_lowered:
.L_overlay_start_0:
0x88: {  	s2 =	sld [smem:$0x3FD9]  }
0x89: {  	s3 =	sld [smem:$0x3FFE];
	_ =	sdelay $0x1  }
0x8a: {  	s1 =	srdreg.scid  }
0x8b: {  	s0 =	sand.u32 $0x1, s1  }
0x8c: {  	s16 =	sshll.u32 s0, $0xA;
	s2 =	sadd.s32 s3, s2  }
0x8d: {  	s2 =	sadd.s32 s2, s16  }
0x8e: {  	[smem:$0x3FBE] =	sst s2  }
0x8f: {  	_ = 	snop  }
0x90: {  	(tm) =	ssettm $0x1  }
0x91: {  	s17 =	sld [smem:$0x3FFB];
	_ =	sdelay $0x3  }
0x92: {  	_ =	strace s17  }
0x93: {  	s2 =	sld [smem:$0x3FFC];
	_ =	sdelay $0x3  }
0x94: {  	_ =	strace s2  }
0x95: {  	s2 =	sld [smem:$0x3FFD];
	_ =	sdelay $0x3  }
0x96: {  	_ =	strace s2  }
0x97: {  	_ =	strace $0x8FFFFFFF  }
0x98: {  	s18 =	sld [smem:$0x3FDB];
	_ =	sdelay $0x1  }
0x99: {  	s19 =	simm.s32 $_scs_section_size  }
0x9a: {  	s4 =	simm.s32 $_size__tile_overlayer_lowered;
	s5 =	simm.s32 $_tile_overlayer_lowered  }
0x9b: {  	s22 =	simm.s32 $0x1BFF;
	s21 =	sshll.u32 s5, $0x1;
	s2 =	sadd.s32 s19, s18  }
0x9c: {  	s6 =	simm.s32 $0x0;
	s20 =	sshll.u32 s4, $0x1;
	s4 =	sadd.s32 s21, s2  }
0x9d: {  	[timem:s6], [sflag:s22] =	dma.local [hbm:s4], s20  }
0x9e: {  	_ =	swait.ge [sflag:s22], s20  }
0x9f: {  	s3 =	ssub.s32 $0x0, s20;
	[sflag:s22] =	ssyncset.done $0x0  }
0xa0: {  	[sflag:s22] =	ssyncadd.s32 s3;
	_ =	sdelay $0x1  }
0xa1: {  	s23 =	simm.s32 $0x1B8B  }
0xa2: {  	_ =	swait.ge [sflag:s23], $0x1  }
0xa3: {  	[sflag:s23] =	ssyncset.done $0x0  }
0xa4: {  	s25 =	simm.s32 $0x1B8E;
	s24 =	sld [smem:$0x3FFE];
	[sflag:s23] =	ssyncadd.s32 $0xFFFFFFFF  }
0xa5: {  	s26 =	simm.s32 $execute0_lowered;
	[smem:$0x3FD2] =	sst s25  }
0xa6: {  	s4 =	sshll.u32 s26, $0x1;
	_ =	strace $0x8000004C;
	[dreg:$0x1] =	wrdreg $0xFFFFFFFF  }
0xa7: {  	s28 =	simm.s32 $_size_execute0_lowered;
	s2 =	sadd.s32 s2, s4;
	[dreg:$0x0] =	wrdreg $0x0  }
0xa8: {  	s4 =	sshll.u32 s28, $0x1;
	[dreg:$0x2] =	wrdreg s2  }
0xa9: {  	[dreg:$0x3] =	wrdreg s4  }
0xaa: {  	[dreg:$0x4] =	wrdreg $0xC0  }
0xab: {  	_ =	task [dreg:s6], $0x5FFFF  }
0xac: {  	[dreg:$0x1] =	wrdreg $0xFFFFFFFF  }
0xad: {  	[dreg:$0x0] =	wrdreg $0x60  }
0xae: {  	[dreg:$0x2] =	wrdreg s24  }
0xaf: {  	[dreg:$0x3] =	wrdreg $0x9  }
0xb0: {  	_ =	task.clear_ibuf [dreg:s6], $0x4FFFF;
	_ =	strace $0x9000004C  }
0xb1: {  	s29 =	simm.s32 $0x9;
	_ =	strace $0x8000004E  }
0xb2: {  	_ =	swait.ge [sflag:s29], $0x1  }
0xb3: {  	[sflag:s29] =	ssyncadd.s32 $0xFFFFFFFF  }
0xb4: {  	_ =	strace $0x9000004E  }
0xb5: {  	_ =	sfence  }
0xb6: {  	s30 =	sld [smem:$0x0];
	_ =	sdelay $0x2  }
0xb7: {  	s31 =	sshll.u32 s1, $0xD;
	s1 =	sshrl.u32 s1, $0x2  }
0xb8: {  	s3 =	sand.u32 $0x4000, s31;
	s1 =	sadd.s32 s1, s30  }
0xb9: {  	s0 =	sor.u32 s3, s0;
	s1 =	sshll.u32 s1, $0x11  }
0xba: {  	s0 =	sor.u32 s1, s0  }
0xbb: {  	s0 =	sadd.s32 $0x8F2B, s0  }
0xbc: {  	[sflag:s0] =	ssyncadd.remote.s32 $0x1  }
0xbd: {  	_ =	sfence.sel $0xFFFF  }
0xbe: {  	[dreg:$0x0] =	wrdreg $0xFFFFFFFF;
	(pc) =	sbr.abs _section_cstart, $3  }
0xbf: {  	[dreg:$0x1] =	wrdreg $0xFFFFFFFF  }
0xc0: {  	_ =	task.clear_ibuf [dreg:s6], $0x2FFFF;
	_ =	strace $0x9FFFFFFF  }
0xc1: {  	(tm) =	ssettm $0x7FFFFFFF  }
tec
execute0_lowered:
.L_overlay_start_1:
0x0: {  	(tag) =	ssettag $0x1  }
0x1: {  	s0 =	srdreg.scid  }
0x2: {  	s7 =	rddreg [dreg:$0x0];
	s1 =	stileid.u32  }
0x3: {  	s2 =	simm.s32 $0x0;
	s11 =	simm.s32 $0x1;
	s12 =	simm.s32 $0x2800  }
0x4: {  	s13 =	simm.s32 $0x5000;
	s14 =	simm.s32 $0x80;
	s15 =	simm.s32 $0x400  }
0x5: {  	s16 =	simm.s32 $0x5080;
	s17 =	simm.s32 $0x7900;
	s6 =	sand.u32 $0x1, s0  }
0x6: {  	s18 =	simm.s32 $0xCA00;
	s19 =	simm.s32 $0xA180;
	s3 =	sshll.u32 s6, $0x4  }
0x7: {  	s20 =	simm.s32 $0x0;
	s0 =	rddreg [dreg:$0x1];
	s3 =	sor.u32 s1, s3  }
0x8: {  	[smem:$0x7FF] =	sst s2;
	s9 =	sshll.u32 s1, $0x7;
	s4 =	sshrl.u32 s3, $0x3  }
0x9: {  	s5 =	sadd.s32 $0x41600, s7;
	_ =	strace $0x8000004D;
	s8 =	smul.u32 $0x14400, s4  }
0xa: {  	s9 =	sand.u32 $0x380, s9;
	s6 =	ssub.s32 $0x2, s6;
	s10 =	smul.u32 $0x14000, s4  }
0xb: {  	s31 =	sshrl.u32 s6, $0x1;
	s3 =	sadd.s32 $0x40A00, s7;
	s8 =	sor.u32 s9, s8  }
0xc: {  	s4 =	sadd.s32 $0x41000, s7;
	s9 =	sor.u32 s9, s10;
	s8 =	sshrl.u32 s8, $0x3  }
0xd: {  	s10 =	ssub.s32 s6, s31;
	s9 =	sshrl.u32 s9, $0x3;
	s8 =	sadd.s32 s8, s7  }
0xe: {  	s10 =	smax.u32 s10, $0x1;
	s9 =	sadd.s32 s9, s7;
	s6 =	sadd.s32 $0xC000, s8  }
0xf: {  	v0 =	vimm.f32 $0.0e+00;
	s7 =	sadd.s32 $0x1E00, s8;
	s8 =	sadd.s32 $0x41800, s8;
	s9 =	sadd.s32 $0x63200, s9  }
.LBB2_1:
0x10: {  	[tilespmem:s2], [sflag:$0x1] =	stream.linear.gather [hbm4b:s3+s2], $0x2800, $0x38;
	[tilespmem:$0xF200] =	vst v63  }
0x11: {  	_ =	swait.ge [sflag:s11], $0x2800  }
0x12: {  	[sflag:s11] =	ssyncset.done $0x0  }
0x13: {  	[sflag:s11] =	ssyncadd.s32 $0xFFFFD800  }
0x14: {  	[tilespmem:s12], [sflag:$0x1] =	stream.linear.gather [hbm4b:s4+s2], $0x2800, $0x38;
	[tilespmem:$0xF200] =	vst v63  }
0x15: {  	_ =	swait.ge [sflag:s11], $0x2800  }
0x16: {  	[sflag:s11] =	ssyncset.done $0x0  }
0x17: {  	[sflag:s11] =	ssyncadd.s32 $0xFFFFD800  }
0x18: {  	[tilespmem:s13], [sflag:$0x1] =	stream.linear.gather [hbm4b:s5+s2], $0x80, $0x38;
	[tilespmem:$0xF200] =	vst v63  }
0x19: {  	_ =	swait.ge [sflag:s11], $0x80  }
0x1a: {  	[sflag:s11] =	ssyncset.done $0x0  }
0x1b: {  	[sflag:s11] =	ssyncadd.s32 $0xFFFFFF80  }
0x1c: {  	[tilespmem:s16], [sflag:$0x1] =	stream.strided.gather [hbm4b:s6+s14], $0x2880, s15, s14, $0x38;
	[tilespmem:$0xF200] =	vst v63  }
0x1d: {  	_ =	swait.ge [sflag:s11], $0x2880  }
0x1e: {  	[sflag:s11] =	ssyncset.done $0x0  }
0x1f: {  	[sflag:s11] =	ssyncadd.s32 $0xFFFFD780  }
0x20: {  	[tilespmem:s17], [sflag:$0x1] =	stream.strided.gather [hbm4b:s7+s14], $0x2880, s15, s14, $0x38;
	[tilespmem:$0xF200] =	vst v63  }
0x21: {  	_ =	swait.ge [sflag:s11], $0x2880  }
0x22: {  	[sflag:s11] =	ssyncset.done $0x0  }
0x23: {  	s22 =	simm.s32 $0x100;
	s21 =	simm.s32 $0x0;
	[sflag:s11] =	ssyncadd.s32 $0xFFFFD780  }
.LBB2_2:
0x24: {  	p0 =	sne.s32 s22, $0x9F00;
	[tilespmem:s21+$0xCA30] =	vst v0;
	s23 =	smov.u32 s22;
	s22 =	sadd.s32 $0x100, s22  }
.Ltmp0:
0x25: {  	[tilespmem:s21+$0xCA20] =	vst v0;
	(pc) =	sbr.rel @p0 .LBB2_2-.Ltmp0, $3  }
0x26: {  	[tilespmem:s21+$0xCA00] =	vst v0  }
0x27: {  	[tilespmem:s21+$0xCA10] =	vst v0;
	_ =	sdelay $0x1  }
0x28: {  	s21 =	sshra.s32 s23, $0x2  }
0x29: {  	[tilespmem:s21+$0xCA30] =	vst v0  }
0x2a: {  	[tilespmem:s21+$0xCA20] =	vst v0  }
0x2b: {  	[tilespmem:s21+$0xCA00] =	vst v0  }
0x2c: {  	[tilespmem:s21+$0xCA10] =	vst v0;
	s21 =	simm.s32 $0x0  }
0x2d: {  	v2 =	vld [tilespmem:s21+$0x5080]  }
0x2e: {  	v3 =	vld [tilespmem:s21+$0x7900];
	_ =	sdelay $0x5  }
0x2f: {  	v1 =	vld [tilespmem:$0x5000]  }
0x30: {  	v2 =	vld.idx.msk [tilespmem:v2+s2+$0x0], $0xffff  }
0x31: {  	v4 =	vld.idx.msk [tilespmem:v3+s12+$0x0], $0xffff;
	_ =	sdelay $0x4  }
0x32: {  	v2 =	vadd.f32 v4, v2;
	v4 =	vadd.f32 v4, v1;
	_ =	sdelay $0x1  }
0x33: {  	v5 =	vmul.f32 $2.000000030e-01, v2;
	v6 =	vmul.f32 $2.000000030e-01, v4  }
0x34: {  	vm0 =	vgt.f32 v2, $0.0e+00;
	vm1 =	vgt.f32 v4, $0.0e+00  }
0x35: {  	v2 =	vsel vm0, v2, v5;
	v4 =	vsel vm1, v4, v6  }
0x36: {  	v2 =	vsub.f32 v2, v4;
	_ =	sdelay $0x1  }
0x37: {  	v2 =	vmul.f32 $1.442695020e+00, v2;
	_ =	sdelay $0x1  }
0x38: {  	(erf) = vpow2.f32 v2;
	_ =	sdelay $0x8  }
0x39: {  	v2 =	vpop (erf)  }
0x3a: {  	[tilespmem:s21+$0xA180] =	vst v2  }
0x3b: {  	[tilespmem:v3+s18+$0x0] =	vst.idx.add.f32.msk $0xffff, v2  }
0x3c: {  	v3 =	vld [tilespmem:s21+$0x5090]  }
0x3d: {  	v2 =	vld [tilespmem:s21+$0x7910];
	_ =	sdelay $0x6  }
0x3e: {  	v3 =	vld.idx.msk [tilespmem:v3+s2+$0x0], $0xffff  }
0x3f: {  	v61 =	vld.idx.msk [tilespmem:v2+s12+$0x0], $0xffff;
	_ =	sdelay $0x4  }
0x40: {  	v3 =	vadd.f32 v61, v3;
	v4 =	vadd.f32 v61, v1;
	_ =	sdelay $0x1  }
0x41: {  	v62 =	vmul.f32 $2.000000030e-01, v3;
	v63 =	vmul.f32 $2.000000030e-01, v4  }
0x42: {  	vm14 =	vgt.f32 v3, $0.0e+00;
	vm15 =	vgt.f32 v4, $0.0e+00  }
0x43: {  	v3 =	vsel vm14, v3, v62;
	v4 =	vsel vm15, v4, v63  }
0x44: {  	v3 =	vsub.f32 v3, v4;
	_ =	sdelay $0x1  }
0x45: {  	v3 =	vmul.f32 $1.442695020e+00, v3;
	_ =	sdelay $0x1  }
0x46: {  	s22 =	simm.s32 $0x80;
	(erf) = vpow2.f32 v3  }
.LBB2_4:
0x47: {  	_ =	sdelay $0x7  }
0x48: {  	p0 =	sne.s32 s22, $0xA180;
	s23 =	smov.u32 s22;
	s22 =	sadd.s32 $0x80, s22;
	v3 =	vpop (erf)  }
0x49: {  	[tilespmem:s21+$0xA190] =	vst v3  }
0x4a: {  	s21 =	sshra.s32 s23, $0x2;
	[tilespmem:v2+s18+$0x0] =	vst.idx.add.f32.msk $0xffff, v3  }
0x4b: {  	v2 =	vld [tilespmem:s21+$0x5080]  }
0x4c: {  	v3 =	vld [tilespmem:s21+$0x7900];
	_ =	sdelay $0x6  }
0x4d: {  	v2 =	vld.idx.msk [tilespmem:v2+s2+$0x0], $0xffff  }
0x4e: {  	v4 =	vld.idx.msk [tilespmem:v3+s12+$0x0], $0xffff;
	_ =	sdelay $0x5  }
0x4f: {  	v2 =	vadd.f32 v4, v2;
	v4 =	vadd.f32 v4, v1;
	_ =	sdelay $0x1  }
0x50: {  	vm0 =	vgt.f32 v2, $0.0e+00;
	v5 =	vmul.f32 $2.000000030e-01, v2;
	v6 =	vmul.f32 $2.000000030e-01, v4  }
0x51: {  	vm1 =	vgt.f32 v4, $0.0e+00  }
0x52: {  	v2 =	vsel vm0, v2, v5;
	v4 =	vsel vm1, v4, v6  }
0x53: {  	v2 =	vsub.f32 v2, v4;
	_ =	sdelay $0x1  }
0x54: {  	v2 =	vmul.f32 $1.442695020e+00, v2;
	_ =	sdelay $0x1  }
0x55: {  	(erf) = vpow2.f32 v2;
	_ =	sdelay $0x8  }
0x56: {  	v2 =	vpop (erf)  }
0x57: {  	[tilespmem:s21+$0xA180] =	vst v2  }
0x58: {  	[tilespmem:v3+s18+$0x0] =	vst.idx.add.f32.msk $0xffff, v2  }
0x59: {  	v3 =	vld [tilespmem:s21+$0x5090]  }
0x5a: {  	v2 =	vld [tilespmem:s21+$0x7910];
	_ =	sdelay $0x6  }
0x5b: {  	v3 =	vld.idx.msk [tilespmem:v3+s2+$0x0], $0xffff  }
0x5c: {  	v4 =	vld.idx.msk [tilespmem:v2+s12+$0x0], $0xffff;
	_ =	sdelay $0x5  }
0x5d: {  	v3 =	vadd.f32 v4, v3;
	v4 =	vadd.f32 v4, v1;
	_ =	sdelay $0x1  }
0x5e: {  	vm0 =	vgt.f32 v3, $0.0e+00;
	v5 =	vmul.f32 $2.000000030e-01, v3;
	v6 =	vmul.f32 $2.000000030e-01, v4  }
0x5f: {  	vm1 =	vgt.f32 v4, $0.0e+00  }
0x60: {  	v3 =	vsel vm0, v3, v5;
	v4 =	vsel vm1, v4, v6  }
.Ltmp1:
0x61: {  	v3 =	vsub.f32 v3, v4;
	(pc) =	sbr.rel @p0 .LBB2_4-.Ltmp1, $3  }
0x62: {  	_ = 	snop  }
0x63: {  	v3 =	vmul.f32 $1.442695020e+00, v3;
	_ =	sdelay $0x1  }
0x64: {  	(erf) = vpow2.f32 v3  }
0x65: {  	_ =	sdelay $0x7  }
0x66: {  	v1 =	vpop (erf)  }
0x67: {  	[tilespmem:s21+$0xA190] =	vst v1  }
0x68: {  	[tilespmem:v2+s18+$0x0] =	vst.idx.add.f32.msk $0xffff, v1  }
0x69: {  	[hbm4b:s8+s14] =	stream.strided.scatter [tilespmem:s19], [sflag:$0x1], $0x2880, s15, s14, $0x38;
	[tilespmem:$0xF200] =	vst v63  }
0x6a: {  	s20 =	sadd.s32 $0x1, s20;
	_ =	swait.ge [sflag:s11], $0x2880  }
0x6b: {  	p0 =	sne.s32 s20, s10;
	[sflag:s11] =	ssyncset.done $0x0  }
.Ltmp2:
0x6c: {  	[sflag:s11] =	ssyncadd.s32 $0xFFFFD780;
	(pc) =	sbr.rel @p0 .LBB2_1-.Ltmp2, $4  }
0x6d: {  	[hbm4b:s9+s14] =	stream.strided.scatter [tilespmem:s18], [sflag:$0x1], $0x2800, s15, s14, $0x38;
	[tilespmem:$0xF200] =	vst v63  }
0x6e: {  	_ =	swait.ge [sflag:s11], $0x2800  }
0x6f: {  	[sflag:s11] =	ssyncset.done $0x0  }
0x70: {  	[sflag:s11] =	ssyncadd.s32 $0xFFFFD800  }
0x71: {  	_ =	sfence.sel $0x180000  }
0x72: {  	[bflag:$0x0] =	sbarrier.arrive $0xFFFF  }
0x73: {  	p0 =	sne.s32 s1, $0x0;
	_ =	strace $0x9000004D  }
0x74: {  	s0 =	sadd.s32 @!p0 $0x100000, s0;
	[bflag:$0x2] =	sbarrier.arrive $0xFFFF  }
0x75: {  	[sflag:s0] =	ssyncadd.tile.s32 @!p0 $0x1;
	_ =	shalt  }
.Lfunc_end2:
_tile_overlayer_lowered:
.L_overlay_start_2:
0x76: {  	(tag) =	ssettag $0x2  }
0x77: {  	s0 =	rddreg [dreg:$0x0];
	s2 =	stileid.u32  }
0x78: {  	s1 =	rddreg [dreg:$0x1];
	p0 =	sne.s32 s2, $0x0  }
0x79: {  	s3 =	rddreg [dreg:$0x2];
	[bflag:$0x3] =	sbarrier.arrive $0xFFFF;
	s2 =	simm.s32 @!p0 $0x1C01  }
0x7a: {  	[timem:s3], [sflag:s2] =	dma.local @!p0 [hbm:s0], s1  }
0x7b: {  	s0 =	simm.s32 @!p0 $0x1  }
0x7c: {  	_ =	swait.ge @!p0 [sflag:s0], s1  }
0x7d: {  	s1 =	ssub.s32 @!p0 $0x0, s1;
	[sflag:s0] =	ssyncset.done @!p0 $0x0  }
0x7e: {  	[sflag:s0] =	ssyncadd.s32 @!p0 s1  }
0x7f: {  	[bflag:$0x3] =	sbarrier.arrive $0xFFFF  }
0x80: {  	_ =	shalt  }

// kernel: kernel.18.cloned.1.call-start
scs
__scs_entry_jumppad:
0x0: {  	(pc) =	sbr.rel $0x88, $3  }
0x1: {  	(tag) =	ssettag $0x0;
	lr =	simm.s32 $0x1  }
0x2: {  	[smem:$0x3F97] =	sst lr;
	_ =	strace $0xD0000000  }
0x3: {  	_ = 	snop  }
0x4: {  	_ = 	snop  }
0x5: {  	_ = 	snop  }
0x6: {  	_ = 	snop  }
0x7: {  	_ = 	snop  }
__scs_overlays_trampoline_lowered:
0x8: {  	[smem:$0x3FA6] =	sst s0  }
0x9: {  	[smem:$0x3FA7] =	sst s1  }
0xa: {  	[smem:$0x3FA8] =	sst s2  }
0xb: {  	[smem:$0x3FA9] =	sst s3  }
0xc: {  	[smem:$0x3FAA] =	sst s4  }
0xd: {  	[smem:$0x3FAB] =	sst s5  }
0xe: {  	[smem:$0x3FAC] =	sst s6  }
0xf: {  	[smem:$0x3FAD] =	sst s7  }
0x10: {  	[smem:$0x3FAE] =	sst s8  }
0x11: {  	[smem:$0x3FAF] =	sst s9;
	s0 =	simm.s32 @!p0 $0x0  }
0x12: {  	s1 =	sld [smem:$0x3F95];
	s0 =	simm.s32 @p0 $0x1  }
0x13: {  	[smem:$0x3FB0] =	sst s0;
	s0 =	simm.s32 @!p1 $0x0  }
0x14: {  	s2 =	sld [smem:$0x3F94];
	s0 =	simm.s32 @p1 $0x1  }
0x15: {  	[smem:$0x3FB1] =	sst s0;
	s0 =	simm.s32 @!p2 $0x0  }
0x16: {  	s3 =	sld [smem:$0x3FDB];
	s0 =	simm.s32 @p2 $0x1  }
0x17: {  	s4 =	simm.s32 $0x1BF5;
	[smem:$0x3FB3] =	sst s0  }
0x18: {  	s0 =	sld [smem:$0x3F96];
	_ =	swait.ge [sflag:s4], $0x0  }
0x19: {  	s7 =	sld [smem:$0x3F97]  }
0x1a: {  	s8 =	sadd.s32 $0xFFFFE003, lr  }
0x1b: {  	s9 =	sadd.s32 $0xFFFFFEF7, lr;
	s5 =	simm.s32 $0xFFFFFFFF;
	p2 =	slt.u32 s8, $0xFFFFF086  }
0x1c: {  	p1 =	slt.u32 s9, $0xF7A;
	s5 =	simm.s32 @!p2 $0x0  }
0x1d: {  	s5 =	simm.s32 @p1 $0x1;
	p0 =	seq.s32 s7, s2  }
0x1e: {  	s7 =	smul.u32 @!p0 $0xF7A, s2;
	p2 =	seq.s32 @!p0 s5, $0x0  }
0x1f: {  	s9 =	smul.u32 $0xF7A, s1;
	s8 =	simm.s32 @!p0 $0x1BF5;
	p2 =	por !p2, p0  }
0x20: {  	[sflag:s8] =	ssyncset.s32 @!p0 $0xFFFFF086;
	s6 =	sadd.s32 @!p0 s3, s7;
	s7 =	simm.s32 @!p0 $0x108  }
0x21: {  	s3 =	sadd.s32 s3, s9;
	s6 =	sadd.s32 @!p0 $0x88, s6;
	s7 =	simm.s32 @p2 $0x1082  }
0x22: {  	[simem:s7], [sflag:s8] =	dma.local @!p0 [hbm:s6], $0xF7A  }
0x23: {  	s9 =	sor.u32 $0xD0000000, s2;
	s6 =	simm.s32 $0x108;
	_ =	swait.ge @!p0 [sflag:s8], $0x0  }
0x24: {  	s3 =	sadd.s32 $0x88, s3;
	s6 =	simm.s32 @!p1 $0x1082;
	[sflag:s4] =	ssyncset.s32 $0xFFFFF086  }
0x25: {  	[simem:s6], [sflag:s4] =	dma.local [hbm:s3], $0xF7A  }
0x26: {  	[smem:$0x3F97] =	sst s1;
	(tag) =	ssettag s2;
	_ =	strace s9  }
0x27: {  	s1 =	sld [smem:$0x3FA7]  }
0x28: {  	s2 =	sld [smem:$0x3FA8]  }
0x29: {  	s4 =	sld [smem:$0x3FAA]  }
0x2a: {  	p0 =	seq.s32 s5, $0x0;
	s5 =	sld [smem:$0x3FAB]  }
0x2b: {  	s6 =	sld [smem:$0x3FAC]  }
0x2c: {  	s7 =	sld [smem:$0x3FAD]  }
0x2d: {  	s3 =	simm.s32 $0x108;
	s8 =	sld [smem:$0x3FAE]  }
0x2e: {  	s3 =	simm.s32 @!p0 $0x1082;
	s9 =	sld [smem:$0x3FAF]  }
0x2f: {  	lr =	sadd.s32 s0, s3;
	s0 =	sld [smem:$0x3FA6]  }
0x30: {  	s3 =	sld [smem:$0x3FA9]  }
0x31: {  	[smem:$0x3FB2] =	sst s10  }
0x32: {  	s10 =	sld [smem:$0x3FB0];
	_ =	sdelay $0x3  }
0x33: {  	p0 =	seq.s32 s10, $0x1;
	s10 =	sld [smem:$0x3FB2];
	_ =	sdelay $0x3  }
0x34: {  	[smem:$0x3FB2] =	sst s10  }
0x35: {  	s10 =	sld [smem:$0x3FB1];
	_ =	sdelay $0x3  }
0x36: {  	p1 =	seq.s32 s10, $0x1;
	s10 =	sld [smem:$0x3FB2];
	_ =	sdelay $0x3  }
0x37: {  	[smem:$0x3FB2] =	sst s10  }
0x38: {  	s10 =	sld [smem:$0x3FB3]  }
0x39: {  	_ = 	snop;
	(pc) =	sbr.ind lr, $3  }
0x3a: {  	_ = 	snop  }
0x3b: {  	_ = 	snop  }
0x3c: {  	p2 =	seq.s32 s10, $0x1;
	s10 =	sld [smem:$0x3FB2]  }
0x3d: {  	_ =	shalt  }
0x3e: {  	_ =	shalt  }
0x3f: {  	_ =	shalt  }
0x40: {  	_ =	shalt  }
0x41: {  	_ =	shalt  }
0x42: {  	_ =	shalt  }
0x43: {  	_ =	shalt  }
0x44: {  	_ =	shalt  }
0x45: {  	_ =	shalt  }
0x46: {  	_ =	shalt  }
0x47: {  	_ =	shalt  }
0x48: {  	_ =	shalt  }
0x49: {  	_ =	shalt  }
0x4a: {  	_ =	shalt  }
0x4b: {  	_ =	shalt  }
0x4c: {  	_ =	shalt  }
0x4d: {  	_ =	shalt  }
0x4e: {  	_ =	shalt  }
0x4f: {  	_ =	shalt  }
0x50: {  	_ =	shalt  }
0x51: {  	_ =	shalt  }
0x52: {  	_ =	shalt  }
0x53: {  	_ =	shalt  }
0x54: {  	_ =	shalt  }
0x55: {  	_ =	shalt  }
0x56: {  	_ =	shalt  }
0x57: {  	_ =	shalt  }
0x58: {  	_ =	shalt  }
0x59: {  	_ =	shalt  }
0x5a: {  	_ =	shalt  }
0x5b: {  	_ =	shalt  }
0x5c: {  	_ =	shalt  }
0x5d: {  	_ =	shalt  }
0x5e: {  	_ =	shalt  }
0x5f: {  	_ =	shalt  }
0x60: {  	_ =	shalt  }
0x61: {  	_ =	shalt  }
0x62: {  	_ =	shalt  }
0x63: {  	_ =	shalt  }
0x64: {  	_ =	shalt  }
0x65: {  	_ =	shalt  }
0x66: {  	_ =	shalt  }
0x67: {  	_ =	shalt  }
0x68: {  	_ =	shalt  }
0x69: {  	_ =	shalt  }
0x6a: {  	_ =	shalt  }
0x6b: {  	_ =	shalt  }
0x6c: {  	_ =	shalt  }
0x6d: {  	_ =	shalt  }
0x6e: {  	_ =	shalt  }
0x6f: {  	_ =	shalt  }
0x70: {  	_ =	shalt  }
0x71: {  	_ =	shalt  }
0x72: {  	_ =	shalt  }
0x73: {  	_ =	shalt  }
0x74: {  	_ =	shalt  }
0x75: {  	_ =	shalt  }
0x76: {  	_ =	shalt  }
0x77: {  	_ =	shalt  }
0x78: {  	_ =	shalt  }
0x79: {  	_ =	shalt  }
0x7a: {  	_ =	shalt  }
0x7b: {  	_ =	shalt  }
0x7c: {  	_ =	shalt  }
0x7d: {  	_ =	shalt  }
0x7e: {  	_ =	shalt  }
0x7f: {  	_ =	shalt  }
0x80: {  	_ =	shalt  }
0x81: {  	_ =	shalt  }
0x82: {  	_ =	shalt  }
0x83: {  	_ =	shalt  }
0x84: {  	_ =	shalt  }
0x85: {  	_ =	shalt  }
0x86: {  	_ =	shalt  }
0x87: {  	_ =	shalt  }
.Lfunc_end0:
.L_simem_size_0:
called_computation.3_lowered:
.L_overlay_start_0:
0x88: {  	s2 =	sld [smem:$0x3FD9]  }
0x89: {  	s3 =	sld [smem:$0x3FFE];
	_ =	sdelay $0x1  }
0x8a: {  	s1 =	srdreg.scid  }
0x8b: {  	s0 =	sand.u32 $0x1, s1  }
0x8c: {  	s17 =	sshll.u32 s0, $0xA;
	s2 =	sadd.s32 s3, s2  }
0x8d: {  	s2 =	sadd.s32 s2, s17  }
0x8e: {  	[smem:$0x3FBE] =	sst s2  }
0x8f: {  	_ = 	snop  }
0x90: {  	s2 =	sld [smem:$0x3FD0];
	(tm) =	ssettm $0x1  }
0x91: {  	s18 =	sld [smem:$0x3FFB];
	_ =	sdelay $0x3  }
0x92: {  	_ =	strace s18  }
0x93: {  	s3 =	sld [smem:$0x3FFC];
	_ =	sdelay $0x3  }
0x94: {  	_ =	strace s3  }
0x95: {  	s3 =	sld [smem:$0x3FFD];
	_ =	sdelay $0x3  }
0x96: {  	_ =	strace s3  }
0x97: {  	_ =	strace $0x8FFFFFFF  }
0x98: {  	s19 =	sld [smem:$0x3FDB];
	_ =	sdelay $0x1  }
0x99: {  	s4 =	simm.s32 $_scs_section_size  }
0x9a: {  	s5 =	simm.s32 $_size__tile_overlayer_lowered;
	s6 =	simm.s32 $_tile_overlayer_lowered  }
0x9b: {  	s22 =	simm.s32 $0x1BFF;
	s21 =	sshll.u32 s6, $0x1;
	s3 =	sadd.s32 s4, s19  }
0x9c: {  	s7 =	simm.s32 $0x0;
	s20 =	sshll.u32 s5, $0x1;
	s5 =	sadd.s32 s21, s3  }
0x9d: {  	[timem:s7], [sflag:s22] =	dma.local [hbm:s5], s20  }
0x9e: {  	_ =	swait.ge [sflag:s22], s20  }
0x9f: {  	s4 =	ssub.s32 $0x0, s20;
	[sflag:s22] =	ssyncset.done $0x0  }
0xa0: {  	[sflag:s22] =	ssyncadd.s32 s4;
	_ =	sdelay $0x1  }
0xa1: {  	s23 =	simm.s32 $0x1B8B  }
0xa2: {  	_ =	swait.ge [sflag:s23], $0x1  }
0xa3: {  	[sflag:s23] =	ssyncset.done $0x0  }
0xa4: {  	s25 =	simm.s32 $0x1B8E;
	s24 =	sld [smem:$0x3FFE];
	[sflag:s23] =	ssyncadd.s32 $0xFFFFFFFF  }
0xa5: {  	s26 =	simm.s32 $execute0_lowered;
	[smem:$0x3FD2] =	sst s25  }
0xa6: {  	s5 =	sshll.u32 s26, $0x1;
	_ =	strace $0x8000004F;
	[dreg:$0x1] =	wrdreg $0xFFFFFFFF  }
0xa7: {  	s28 =	simm.s32 $_size_execute0_lowered;
	s3 =	sadd.s32 s3, s5;
	[dreg:$0x0] =	wrdreg $0x0  }
0xa8: {  	s5 =	sshll.u32 s28, $0x1;
	[dreg:$0x2] =	wrdreg s3  }
0xa9: {  	[dreg:$0x3] =	wrdreg s5  }
0xaa: {  	[dreg:$0x4] =	wrdreg $0xC0  }
0xab: {  	_ =	task [dreg:s7], $0x5FFFF  }
0xac: {  	[dreg:$0x1] =	wrdreg $0xFFFFFFFF  }
0xad: {  	[dreg:$0x0] =	wrdreg $0x60  }
0xae: {  	[dreg:$0x2] =	wrdreg s24  }
0xaf: {  	[dreg:$0x3] =	wrdreg s2  }
0xb0: {  	[dreg:$0x4] =	wrdreg $0xBA800  }
0xb1: {  	[dreg:$0x5] =	wrdreg $0x9  }
0xb2: {  	_ =	task.clear_ibuf [dreg:s7], $0x6FFFF;
	_ =	strace $0x9000004F  }
0xb3: {  	s29 =	simm.s32 $0x9;
	_ =	strace $0x80000051  }
0xb4: {  	_ =	swait.ge [sflag:s29], $0x1  }
0xb5: {  	[sflag:s29] =	ssyncadd.s32 $0xFFFFFFFF  }
0xb6: {  	_ =	strace $0x90000051  }
0xb7: {  	_ =	sfence  }
0xb8: {  	s30 =	sld [smem:$0x0];
	_ =	sdelay $0x2  }
0xb9: {  	s31 =	sshll.u32 s1, $0xD;
	s1 =	sshrl.u32 s1, $0x2  }
0xba: {  	s3 =	sand.u32 $0x4000, s31;
	s1 =	sadd.s32 s1, s30  }
0xbb: {  	s0 =	sor.u32 s3, s0;
	s1 =	sshll.u32 s1, $0x11  }
0xbc: {  	s0 =	sor.u32 s1, s0  }
0xbd: {  	s0 =	sadd.s32 $0x8F2B, s0  }
0xbe: {  	[sflag:s0] =	ssyncadd.remote.s32 $0x1  }
0xbf: {  	_ =	sfence.sel $0xFFFF  }
0xc0: {  	[dreg:$0x0] =	wrdreg $0xFFFFFFFF;
	(pc) =	sbr.abs _section_cstart, $3  }
0xc1: {  	[dreg:$0x1] =	wrdreg $0xFFFFFFFF  }
0xc2: {  	_ =	task.clear_ibuf [dreg:s7], $0x2FFFF;
	_ =	strace $0x9FFFFFFF  }
0xc3: {  	(tm) =	ssettm $0x7FFFFFFF  }
tec
execute0_lowered:
.L_overlay_start_1:
0x0: {  	(tag) =	ssettag $0x1  }
0x1: {  	s0 =	rddreg [dreg:$0x0]  }
0x2: {  	s2 =	rddreg [dreg:$0x2];
	s12 =	simm.s32 $0x0;
	s3 =	srdreg.scid  }
0x3: {  	s1 =	stileid.u32;
	s15 =	simm.s32 $0x7;
	s18 =	simm.s32 $0x200  }
0x4: {  	s19 =	simm.s32 $0x2000;
	s20 =	simm.s32 $0x60;
	s21 =	simm.s32 $0x2A80  }
0x5: {  	s22 =	simm.s32 $0x5A80;
	s28 =	simm.s32 $0x5;
	s29 =	simm.s32 $0x6  }
0x6: {  	[smem:$0x7FF] =	sst s12;
	s3 =	sand.u32 $0x1, s3;
	s8 =	smul.u32 $0x14000, s1  }
0x7: {  	s5 =	sadd.s32 $0x16200, s0;
	s6 =	sadd.s32 $0x53200, s0;
	s7 =	sadd.s32 $0x1E00, s0  }
0x8: {  	s9 =	sadd.s32 $0x3E200, s0;
	s10 =	smul.u32 $0x50000, s1;
	s30 =	sshll.u32 s1, $0x6  }
0x9: {  	s4 =	smul.u32 $0x140000, s3;
	_ =	strace $0x80000050;
	s23 =	ssub.s32 $0x2, s3  }
0xa: {  	[dreg:$0x5] =	wrdreg s9;
	s3 =	sshll.u32 s3, $0x4;
	s24 =	sshrl.u32 s23, $0x1  }
0xb: {  	s3 =	sor.u32 s1, s3;
	s26 =	sshrl.u32 s10, $0x2;
	s1 =	sor.u32 $0x1C07, s30  }
0xc: {  	s4 =	sadd.s32 s8, s4;
	s25 =	ssub.s32 s23, s24;
	s8 =	sadd.s32 s26, s2  }
0xd: {  	s10 =	sshll.u32 s3, $0xB;
	s11 =	smul.u32 $0x2A00, s3;
	s23 =	simm.s32 $0x1  }
0xe: {  	[dreg:$0x6] =	wrdreg s1;
	s4 =	sshrl.u32 s4, $0x3;
	s31 =	smax.u32 s25, $0x1  }
0xf: {  	s3 =	sshrl.u32 s8, $0x3;
	s0 =	sadd.s32 s4, s0;
	[dreg:$0x8] =	wrdreg s31  }
0x10: {  	s24 =	simm.s32 $0x8A80;
	[dreg:$0x9] =	wrdreg s3;
	s0 =	sadd.s32 $0x6D200, s0  }
0x11: {  	s26 =	simm.s32 $0x4;
	s25 =	simm.s32 $0x2;
	[dreg:$0x7] =	wrdreg s0  }
.LBB2_1:
0x12: {  	[dreg:$0x4] =	wrdreg s12  }
0x13: {  	s0 =	rddreg [dreg:$0x5]  }
0x14: {  	[spmem:s3], [sflag:s1] =	dma.local [hbm:s0], $0x2800  }
0x15: {  	_ =	swait.ge [sflag:s15], $0x2800  }
0x16: {  	[sflag:s15] =	ssyncset.done $0x0  }
0x17: {  	[sflag:s15] =	ssyncadd.s32 $0xFFFFD800  }
0x18: {  	s30 =	simm.s32 $0x0;
	[bflag:$0x0] =	sbarrier.arrive $0xFFFF  }
.LBB2_2:
0x19: {  	s0 =	sshll.u32 s30, $0x9  }
0x1a: {  	s1 =	rddreg [dreg:$0x1];
	s0 =	sadd.s32 s10, s0  }
0x1b: {  	s31 =	simm.s32 $0x0;
	s3 =	sadd.s32 s1, s0  }
0x1c: {  	[tilespmem:s31], [sflag:$0x7] =	stream.linear.gather [hbm4b:s3+s31], $0xD80, $0x38;
	[tilespmem:$0x1FA80] =	vst v63  }
0x1d: {  	_ =	swait.ge [sflag:s15], $0xD80  }
0x1e: {  	s14 =	simm.s32 $0x1000;
	[sflag:s15] =	ssyncset.done $0x0  }
0x1f: {  	s16 =	sshll.u32 s30, $0x7;
	s0 =	sadd.s32 s6, s0;
	[sflag:s15] =	ssyncadd.s32 $0xFFFFF280  }
0x20: {  	[tilespmem:s14], [sflag:$0x7] =	stream.linear.gather [hbm4b:s0+s31], $0xD80, $0x38;
	[tilespmem:$0x1FA80] =	vst v63  }
0x21: {  	s0 =	sadd.s32 s11, s16;
	_ =	swait.ge [sflag:s15], $0xD80  }
0x22: {  	s0 =	sshrl.u32 s0, $0x3;
	[sflag:s15] =	ssyncset.done $0x0  }
0x23: {  	s17 =	simm.s32 $0x80;
	s0 =	sadd.s32 s7, s0;
	[sflag:s15] =	ssyncadd.s32 $0xFFFFF280  }
0x24: {  	[tilespmem:s19], [sflag:$0x7] =	stream.strided.gather [hbm4b:s0+s17], $0xA80, s18, s17, $0x38;
	[tilespmem:$0x1FA80] =	vst v63  }
0x25: {  	_ =	swait.ge [sflag:s15], $0xA80  }
0x26: {  	[sflag:s15] =	ssyncset.done $0x0  }
0x27: {  	[sflag:s15] =	ssyncadd.s32 $0xFFFFF580  }
0x28: {  	[tilespmem:s21], [sflag:$0x1] =	stream.indirect.gather [hbm4b:s5+s20], $0x80, s31, s20, $0xb8;
	[tilespmem:$0x1FA80] =	vst v63  }
.LBB2_3:
0x29: {  	s8 =	smul.u32 $0x120, s31;
	_ =	sdelay $0x1  }
0x2a: {  	p0 =	seq.s32 s31, $0x0;
	s13 =	sadd.s32 $0x3, s8  }
0x2b: {  	s0 =	smul.u32 $0x600, s31;
	s3 =	simm.s32 @!p0 $0x5;
	s4 =	sadd.s32 $0xFFFFFFFD, s13  }
0x2c: {  	_ =	swait.ge @!p0 [sflag:s3], $0x3000;
	v0 =	vmov s4  }
0x2d: {  	s0 =	sshra.s32 s0, $0x2;
	[sflag:s3] =	ssyncset.done @!p0 $0x0;
	v0 =	vand.u32 $0xFFFFFFFC, v0  }
0x2e: {  	s14 =	sadd.s32 $0x80, s0;
	[sflag:s3] =	ssyncadd.s32 @!p0 $0xFFFFD000;
	v0 =	vbroadcast v0, $0x0  }
0x2f: {  	[tilespmem:s22], [sflag:$0x2] =	stream.indirect.gather [hbm4b:s5+s20], $0x80, s14, s20, $0xb8;
	[tilespmem:$0x1FA80] =	vst v63  }
0x30: {  	_ =	swait.ge [sflag:s23], $0x3000  }
0x31: {  	[sflag:s23] =	ssyncset.done $0x0  }
0x32: {  	s12 =	simm.s32 $0x2B80;
	[sflag:s23] =	ssyncadd.s32 $0xFFFFD000  }
0x33: {  	v2 =	vld [tilespmem:s12+$0xFFFFFF70]  }
0x34: {  	v0 =	vld.idx.msk [tilespmem:v0+s19+$0x0], $0xffff  }
0x35: {  	v3 =	vld [tilespmem:s12+$0xFFFFFF00]  }
0x36: {  	v4 =	vld [tilespmem:s12+$0xFFFFFF20]  }
0x37: {  	v5 =	vld [tilespmem:s12+$0xFFFFFF30]  }
0x38: {  	v1 =	vld [tilespmem:s12+$0xFFFFFF50]  }
0x39: {  	v7 =	vld [tilespmem:s12+$0xFFFFFF10];
	v2 =	vmul.f32 v2, v0  }
0x3a: {  	s16 =	sadd.s32 $0xFFFFFFFE, s13;
	v6 =	vld [tilespmem:s12+$0xFFFFFF60];
	v3 =	vmul.f32 v3, v0  }
0x3b: {  	v9 =	vmov s16;
	v8 =	vld [tilespmem:s12+$0xFFFFFF40];
	v4 =	vmul.f32 v4, v0;
	[tilespmem:s12+$0xFFFFFF70] =	vst v2  }
0x3c: {  	v5 =	vmul.f32 v5, v0;
	v2 =	vand.u32 $0xFFFFFFFD, v9;
	[tilespmem:s12+$0xFFFFFF00] =	vst v3  }
0x3d: {  	v1 =	vmul.f32 v1, v0;
	[tilespmem:s12+$0xFFFFFF20] =	vst v4;
	v2 =	vbroadcast v2, $0x0  }
0x3e: {  	v3 =	vmul.f32 v7, v0;
	[tilespmem:s12+$0xFFFFFF30] =	vst v5  }
0x3f: {  	v4 =	vmul.f32 v6, v0;
	[tilespmem:s12+$0xFFFFFF50] =	vst v1  }
0x40: {  	v0 =	vmul.f32 v8, v0;
	[tilespmem:s12+$0xFFFFFF10] =	vst v3  }
0x41: {  	[tilespmem:s12+$0xFFFFFF60] =	vst v4  }
0x42: {  	[tilespmem:s12+$0xFFFFFF40] =	vst v0;
	v0 =	vld [tilespmem:s12+$0xFFFFFF80]  }
0x43: {  	v2 =	vld.idx.msk [tilespmem:v2+s19+$0x0], $0xffff  }
0x44: {  	v1 =	vld [tilespmem:s12+$0xFFFFFFA0]  }
0x45: {  	v3 =	vld [tilespmem:s12+$0xFFFFFF90]  }
0x46: {  	v4 =	vld [tilespmem:s12+$0xFFFFFFD0]  }
0x47: {  	v5 =	vld [tilespmem:s12+$0xFFFFFFE0]  }
0x48: {  	v6 =	vld [tilespmem:s12+$0xFFFFFFF0];
	v0 =	vmul.f32 v0, v2  }
0x49: {  	s17 =	sadd.s32 $0xFFFFFFFF, s13;
	v7 =	vld [tilespmem:s12+$0xFFFFFFB0];
	v1 =	vmul.f32 v1, v2  }
0x4a: {  	v63 =	vld [tilespmem:s12+$0xFFFFFFC0];
	v8 =	vmov s17;
	v3 =	vmul.f32 v3, v2;
	[tilespmem:s12+$0xFFFFFF80] =	vst v0  }
0x4b: {  	v4 =	vmul.f32 v4, v2;
	v0 =	vand.u32 $0xFFFFFFFE, v8;
	[tilespmem:s12+$0xFFFFFFA0] =	vst v1  }
0x4c: {  	v1 =	vmul.f32 v5, v2;
	[tilespmem:s12+$0xFFFFFF90] =	vst v3;
	v3 =	vbroadcast v0, $0x0  }
0x4d: {  	v5 =	vmul.f32 v6, v2;
	[tilespmem:s12+$0xFFFFFFD0] =	vst v4;
	v6 =	vld [tilespmem:s12+$0x30]  }
0x4e: {  	v4 =	vmul.f32 v7, v2;
	v0 =	vld [tilespmem:s12+$0x40];
	[tilespmem:s12+$0xFFFFFFE0] =	vst v1  }
0x4f: {  	v2 =	vmul.f32 v63, v2;
	v1 =	vld [tilespmem:s12+$0x70];
	[tilespmem:s12+$0xFFFFFFF0] =	vst v5  }
0x50: {  	[tilespmem:s12+$0xFFFFFFB0] =	vst v4;
	v4 =	vld [tilespmem:s12+$0x20]  }
0x51: {  	[tilespmem:s12+$0xFFFFFFC0] =	vst v2;
	v5 =	vld [tilespmem:s12+$0x0]  }
0x52: {  	v2 =	vld.idx.msk [tilespmem:v3+s19+$0x0], $0xffff  }
0x53: {  	s9 =	simm.s32 $0x7;
	s3 =	smul.u32 $0x3, s31;
	s14 =	simm.s32 $0x2B80;
	v3 =	vld [tilespmem:s12+$0x10]  }
.LBB2_4:
0x54: {  	p1 =	sne.s32 s9, $0x5F  }
0x55: {  	v7 =	vld [tilespmem:s12+$0x50];
	s14 =	sadd.s32 $0x200, s14;
	s4 =	smov.u32 s9;
	s9 =	sadd.s32 $0x4, s9  }
0x56: {  	v8 =	vld [tilespmem:s12+$0x60];
	_ =	sdelay $0x1  }
0x57: {  	v5 =	vmul.f32 v5, v2;
	v3 =	vmul.f32 v3, v2  }
0x58: {  	v4 =	vmul.f32 v4, v2;
	v6 =	vmul.f32 v6, v2  }
0x59: {  	v0 =	vmul.f32 v0, v2;
	v1 =	vmul.f32 v1, v2;
	[tilespmem:s12+$0x0] =	vst v5  }
0x5a: {  	[tilespmem:s12+$0x20] =	vst v4;
	v4 =	vmul.f32 v7, v2;
	v2 =	vmul.f32 v8, v2  }
0x5b: {  	[tilespmem:s12+$0x30] =	vst v6;
	v5 =	vld [tilespmem:s12+$0x80]  }
0x5c: {  	[tilespmem:s12+$0x60] =	vst v2;
	v2 =	vmov s13;
	v6 =	vld [tilespmem:s12+$0xD0]  }
0x5d: {  	[tilespmem:s12+$0x50] =	vst v4;
	v4 =	vld [tilespmem:s12+$0xE0]  }
0x5e: {  	[tilespmem:s12+$0x40] =	vst v0;
	v7 =	vld [tilespmem:s12+$0xB0]  }
0x5f: {  	v0 =	vld [tilespmem:s14+$0x40];
	[tilespmem:s12+$0x70] =	vst v1  }
0x60: {  	v1 =	vld [tilespmem:s14+$0x70];
	[tilespmem:s12+$0x10] =	vst v3  }
0x61: {  	v2 =	vld.idx.msk [tilespmem:v2+s19+$0x0], $0xffff  }
0x62: {  	v3 =	vld [tilespmem:s12+$0x90]  }
0x63: {  	v8 =	vld [tilespmem:s12+$0xA0]  }
0x64: {  	v9 =	vld [tilespmem:s12+$0xC0]  }
0x65: {  	v10 =	vld [tilespmem:s12+$0xF0];
	_ =	sdelay $0x1  }
0x66: {  	s13 =	sadd.s32 s8, s4;
	v5 =	vmul.f32 v5, v2;
	v3 =	vmul.f32 v3, v2  }
0x67: {  	s4 =	sadd.s32 $0xFFFFFFFD, s13;
	s1 =	sadd.s32 $0xFFFFFFFE, s13;
	s16 =	sadd.s32 $0xFFFFFFFF, s13;
	v7 =	vmul.f32 v7, v2;
	v8 =	vmul.f32 v8, v2  }
0x68: {  	v11 =	vmov s4;
	v6 =	vmul.f32 v6, v2;
	[tilespmem:s12+$0x80] =	vst v5;
	v5 =	vmul.f32 v9, v2  }
0x69: {  	v9 =	vand.u32 $0xFFFFFFFC, v11;
	[tilespmem:s12+$0x90] =	vst v3;
	v3 =	vmul.f32 v4, v2;
	v2 =	vmul.f32 v10, v2  }
0x6a: {  	v4 =	vbroadcast v9, $0x0;
	v9 =	vmov s1;
	v10 =	vmov s16;
	[tilespmem:s12+$0xA0] =	vst v8  }
0x6b: {  	v8 =	vand.u32 $0xFFFFFFFD, v9;
	v9 =	vand.u32 $0xFFFFFFFE, v10;
	[tilespmem:s12+$0xD0] =	vst v6  }
0x6c: {  	v6 =	vld [tilespmem:s14+$0xFFFFFF50];
	[tilespmem:s12+$0xB0] =	vst v7  }
0x6d: {  	v7 =	vld [tilespmem:s14+$0xFFFFFF30];
	[tilespmem:s12+$0xC0] =	vst v5  }
0x6e: {  	v5 =	vld [tilespmem:s14+$0xFFFFFF60];
	[tilespmem:s12+$0xE0] =	vst v3  }
0x6f: {  	v3 =	vld [tilespmem:s14+$0xFFFFFF70];
	[tilespmem:s12+$0xF0] =	vst v2;
	s12 =	smov.u32 s14  }
0x70: {  	v2 =	vld.idx.msk [tilespmem:v4+s19+$0x0], $0xffff  }
0x71: {  	v4 =	vld [tilespmem:s14+$0xFFFFFF00]  }
0x72: {  	v10 =	vld [tilespmem:s14+$0xFFFFFF20]  }
0x73: {  	v11 =	vld [tilespmem:s14+$0xFFFFFF10]  }
0x74: {  	v12 =	vld [tilespmem:s14+$0xFFFFFF40];
	_ =	sdelay $0x1  }
0x75: {  	v3 =	vmul.f32 v3, v2;
	v4 =	vmul.f32 v4, v2  }
0x76: {  	v5 =	vmul.f32 v5, v2;
	v10 =	vmul.f32 v10, v2  }
0x77: {  	v7 =	vmul.f32 v7, v2;
	v11 =	vmul.f32 v11, v2;
	[tilespmem:s14+$0xFFFFFF70] =	vst v3  }
0x78: {  	[tilespmem:s14+$0xFFFFFF00] =	vst v4;
	v3 =	vmul.f32 v12, v2;
	v2 =	vmul.f32 v6, v2  }
0x79: {  	v4 =	vbroadcast v8, $0x0;
	[tilespmem:s14+$0xFFFFFF20] =	vst v10  }
0x7a: {  	[tilespmem:s14+$0xFFFFFF30] =	vst v7  }
0x7b: {  	[tilespmem:s14+$0xFFFFFF50] =	vst v2;
	v2 =	vld [tilespmem:s14+$0xFFFFFFF0]  }
0x7c: {  	[tilespmem:s14+$0xFFFFFF10] =	vst v11;
	v6 =	vld [tilespmem:s14+$0xFFFFFFD0]  }
0x7d: {  	[tilespmem:s14+$0xFFFFFF60] =	vst v5;
	v5 =	vld [tilespmem:s14+$0xFFFFFFB0]  }
0x7e: {  	[tilespmem:s14+$0xFFFFFF40] =	vst v3;
	v3 =	vld [tilespmem:s14+$0xFFFFFF90]  }
0x7f: {  	v4 =	vld.idx.msk [tilespmem:v4+s19+$0x0], $0xffff  }
0x80: {  	v7 =	vld [tilespmem:s14+$0xFFFFFF80]  }
0x81: {  	v8 =	vld [tilespmem:s14+$0xFFFFFFA0]  }
0x82: {  	v10 =	vld [tilespmem:s14+$0xFFFFFFC0]  }
0x83: {  	v11 =	vld [tilespmem:s14+$0xFFFFFFE0];
	_ =	sdelay $0x1  }
0x84: {  	v3 =	vmul.f32 v3, v4;
	v7 =	vmul.f32 v7, v4  }
0x85: {  	v5 =	vmul.f32 v5, v4;
	v8 =	vmul.f32 v8, v4  }
0x86: {  	v6 =	vmul.f32 v6, v4;
	[tilespmem:s14+$0xFFFFFF80] =	vst v7;
	v7 =	vmul.f32 v10, v4  }
0x87: {  	v2 =	vmul.f32 v2, v4;
	[tilespmem:s14+$0xFFFFFFA0] =	vst v8;
	v8 =	vmul.f32 v11, v4  }
0x88: {  	[tilespmem:s14+$0xFFFFFF90] =	vst v3;
	v3 =	vbroadcast v9, $0x0  }
0x89: {  	[tilespmem:s14+$0xFFFFFFD0] =	vst v6  }
0x8a: {  	[tilespmem:s14+$0xFFFFFFE0] =	vst v8  }
0x8b: {  	[tilespmem:s14+$0xFFFFFFB0] =	vst v5  }
.Ltmp0:
0x8c: {  	[tilespmem:s14+$0xFFFFFFF0] =	vst v2;
	v4 =	vld [tilespmem:s14+$0x20];
	(pc) =	sbr.rel @p1 .LBB2_4-.Ltmp0, $4  }
0x8d: {  	[tilespmem:s14+$0xFFFFFFC0] =	vst v7;
	v5 =	vld [tilespmem:s14+$0x0]  }
0x8e: {  	v2 =	vld.idx.msk [tilespmem:v3+s19+$0x0], $0xffff  }
0x8f: {  	v3 =	vld [tilespmem:s14+$0x10]  }
0x90: {  	v6 =	vld [tilespmem:s14+$0x30]  }
0x91: {  	v7 =	vld [tilespmem:s12+$0x60];
	_ =	sdelay $0x1  }
0x92: {  	v5 =	vmul.f32 v5, v2  }
0x93: {  	v8 =	vld [tilespmem:s12+$0x50];
	v4 =	vmul.f32 v4, v2  }
0x94: {  	v0 =	vmul.f32 v0, v2;
	[tilespmem:s12+$0x0] =	vst v5  }
0x95: {  	[tilespmem:s12+$0x20] =	vst v4;
	v4 =	vmul.f32 v7, v2  }
0x96: {  	v1 =	vmul.f32 v1, v2;
	[tilespmem:s12+$0x40] =	vst v0  }
0x97: {  	v6 =	vmul.f32 v6, v2;
	[tilespmem:s12+$0x60] =	vst v4;
	v4 =	vmov s13  }
0x98: {  	[tilespmem:s12+$0x70] =	vst v1;
	v5 =	vmul.f32 v8, v2  }
0x99: {  	v2 =	vmul.f32 v3, v2;
	[tilespmem:s12+$0x30] =	vst v6  }
0x9a: {  	[tilespmem:s12+$0x50] =	vst v5  }
0x9b: {  	v6 =	vld [tilespmem:s12+$0x80];
	[tilespmem:s12+$0x10] =	vst v2  }
0x9c: {  	v0 =	vld.idx.msk [tilespmem:v4+s19+$0x0], $0xffff  }
0x9d: {  	v1 =	vld [tilespmem:s12+$0x90]  }
0x9e: {  	v2 =	vld [tilespmem:s12+$0xA0]  }
0x9f: {  	v3 =	vld [tilespmem:s12+$0xD0]  }
0xa0: {  	v4 =	vld [tilespmem:s12+$0xB0]  }
0xa1: {  	v5 =	vld [tilespmem:s12+$0xC0];
	v6 =	vmul.f32 v6, v0  }
0xa2: {  	v7 =	vld [tilespmem:s12+$0xE0];
	v1 =	vmul.f32 v1, v0  }
0xa3: {  	v8 =	vld [tilespmem:s12+$0xF0];
	v2 =	vmul.f32 v2, v0;
	[tilespmem:s12+$0x80] =	vst v6  }
0xa4: {  	v3 =	vmul.f32 v3, v0;
	[tilespmem:s12+$0x90] =	vst v1  }
0xa5: {  	v1 =	vmul.f32 v4, v0;
	[tilespmem:s12+$0xA0] =	vst v2  }
0xa6: {  	v2 =	vmul.f32 v5, v0;
	[tilespmem:s12+$0xD0] =	vst v3  }
0xa7: {  	s8 =	sadd.s32 $0x1, s3;
	v3 =	vmul.f32 v7, v0;
	[tilespmem:s12+$0xB0] =	vst v1  }
0xa8: {  	s13 =	smul.u32 $0x60, s8;
	v0 =	vmul.f32 v8, v0;
	[tilespmem:s12+$0xC0] =	vst v2  }
0xa9: {  	[tilespmem:s12+$0xE0] =	vst v3  }
0xaa: {  	s1 =	sadd.s32 $0x1000, s0;
	s9 =	sadd.s32 $0x3, s13;
	[tilespmem:s12+$0xF0] =	vst v0  }
0xab: {  	[spmem:s2] =	stream.indirect.scatter.add.f32 [tilespmem:s21], [sflag:$0x4], $0x80, s1, s20, $0xb8;
	[tilespmem:$0x1FA80] =	vst v63  }
0xac: {  	s4 =	sadd.s32 $0xFFFFFFFD, s9;
	s1 =	simm.s32 @!p0 $0x6  }
0xad: {  	v0 =	vmov s4;
	_ =	swait.ge @!p0 [sflag:s1], $0x3000  }
0xae: {  	v0 =	vand.u32 $0xFFFFFFFC, v0;
	[sflag:s1] =	ssyncset.done @!p0 $0x0  }
0xaf: {  	s14 =	sadd.s32 $0x100, s0;
	v0 =	vbroadcast v0, $0x0;
	[sflag:s1] =	ssyncadd.s32 @!p0 $0xFFFFD000  }
0xb0: {  	[tilespmem:s24], [sflag:$0x3] =	stream.indirect.gather [hbm4b:s5+s20], $0x80, s14, s20, $0xb8;
	[tilespmem:$0x1FA80] =	vst v63  }
0xb1: {  	_ =	swait.ge [sflag:s25], $0x3000  }
0xb2: {  	[sflag:s25] =	ssyncset.done $0x0  }
0xb3: {  	s12 =	simm.s32 $0x5B80;
	[sflag:s25] =	ssyncadd.s32 $0xFFFFD000  }
0xb4: {  	v2 =	vld [tilespmem:s12+$0xFFFFFF70]  }
0xb5: {  	v0 =	vld.idx.msk [tilespmem:v0+s19+$0x0], $0xffff  }
0xb6: {  	v3 =	vld [tilespmem:s12+$0xFFFFFF00]  }
0xb7: {  	v4 =	vld [tilespmem:s12+$0xFFFFFF20]  }
0xb8: {  	v5 =	vld [tilespmem:s12+$0xFFFFFF30]  }
0xb9: {  	v1 =	vld [tilespmem:s12+$0xFFFFFF50]  }
0xba: {  	v7 =	vld [tilespmem:s12+$0xFFFFFF10];
	v2 =	vmul.f32 v2, v0  }
0xbb: {  	s16 =	sadd.s32 $0xFFFFFFFE, s9;
	v6 =	vld [tilespmem:s12+$0xFFFFFF60];
	v3 =	vmul.f32 v3, v0  }
0xbc: {  	v9 =	vmov s16;
	v8 =	vld [tilespmem:s12+$0xFFFFFF40];
	v4 =	vmul.f32 v4, v0;
	[tilespmem:s12+$0xFFFFFF70] =	vst v2  }
0xbd: {  	v5 =	vmul.f32 v5, v0;
	v2 =	vand.u32 $0xFFFFFFFD, v9;
	[tilespmem:s12+$0xFFFFFF00] =	vst v3  }
0xbe: {  	v1 =	vmul.f32 v1, v0;
	[tilespmem:s12+$0xFFFFFF20] =	vst v4;
	v2 =	vbroadcast v2, $0x0  }
0xbf: {  	v3 =	vmul.f32 v7, v0;
	[tilespmem:s12+$0xFFFFFF30] =	vst v5  }
0xc0: {  	v4 =	vmul.f32 v6, v0;
	[tilespmem:s12+$0xFFFFFF50] =	vst v1  }
0xc1: {  	v0 =	vmul.f32 v8, v0;
	[tilespmem:s12+$0xFFFFFF10] =	vst v3  }
0xc2: {  	[tilespmem:s12+$0xFFFFFF60] =	vst v4  }
0xc3: {  	[tilespmem:s12+$0xFFFFFF40] =	vst v0;
	v0 =	vld [tilespmem:s12+$0xFFFFFF80]  }
0xc4: {  	v2 =	vld.idx.msk [tilespmem:v2+s19+$0x0], $0xffff  }
0xc5: {  	v1 =	vld [tilespmem:s12+$0xFFFFFFA0]  }
0xc6: {  	v3 =	vld [tilespmem:s12+$0xFFFFFF90]  }
0xc7: {  	v4 =	vld [tilespmem:s12+$0xFFFFFFD0]  }
0xc8: {  	v5 =	vld [tilespmem:s12+$0xFFFFFFE0]  }
0xc9: {  	v6 =	vld [tilespmem:s12+$0xFFFFFFF0];
	v0 =	vmul.f32 v0, v2  }
0xca: {  	s17 =	sadd.s32 $0xFFFFFFFF, s9;
	v7 =	vld [tilespmem:s12+$0xFFFFFFB0];
	v1 =	vmul.f32 v1, v2  }
0xcb: {  	v63 =	vld [tilespmem:s12+$0xFFFFFFC0];
	v8 =	vmov s17;
	v3 =	vmul.f32 v3, v2;
	[tilespmem:s12+$0xFFFFFF80] =	vst v0  }
0xcc: {  	v4 =	vmul.f32 v4, v2;
	v0 =	vand.u32 $0xFFFFFFFE, v8;
	[tilespmem:s12+$0xFFFFFFA0] =	vst v1  }
0xcd: {  	v1 =	vmul.f32 v5, v2;
	[tilespmem:s12+$0xFFFFFF90] =	vst v3;
	v3 =	vbroadcast v0, $0x0  }
0xce: {  	v5 =	vmul.f32 v6, v2;
	[tilespmem:s12+$0xFFFFFFD0] =	vst v4;
	v6 =	vld [tilespmem:s12+$0x30]  }
0xcf: {  	v4 =	vmul.f32 v7, v2;
	v0 =	vld [tilespmem:s12+$0x40];
	[tilespmem:s12+$0xFFFFFFE0] =	vst v1  }
0xd0: {  	v2 =	vmul.f32 v63, v2;
	v1 =	vld [tilespmem:s12+$0x70];
	[tilespmem:s12+$0xFFFFFFF0] =	vst v5  }
0xd1: {  	[tilespmem:s12+$0xFFFFFFB0] =	vst v4;
	v4 =	vld [tilespmem:s12+$0x20]  }
0xd2: {  	[tilespmem:s12+$0xFFFFFFC0] =	vst v2;
	v5 =	vld [tilespmem:s12+$0x0]  }
0xd3: {  	v2 =	vld.idx.msk [tilespmem:v3+s19+$0x0], $0xffff  }
0xd4: {  	s4 =	simm.s32 $0x5B80;
	s14 =	simm.s32 $0x7;
	v3 =	vld [tilespmem:s12+$0x10]  }
.LBB2_6:
0xd5: {  	p0 =	sne.s32 s14, $0x5F  }
0xd6: {  	v7 =	vld [tilespmem:s12+$0x50];
	s4 =	sadd.s32 $0x200, s4;
	s1 =	smov.u32 s14;
	s14 =	sadd.s32 $0x4, s14  }
0xd7: {  	v8 =	vld [tilespmem:s12+$0x60];
	_ =	sdelay $0x1  }
0xd8: {  	v5 =	vmul.f32 v5, v2;
	v3 =	vmul.f32 v3, v2  }
0xd9: {  	v4 =	vmul.f32 v4, v2;
	v6 =	vmul.f32 v6, v2  }
0xda: {  	v0 =	vmul.f32 v0, v2;
	v1 =	vmul.f32 v1, v2;
	[tilespmem:s12+$0x0] =	vst v5  }
0xdb: {  	[tilespmem:s12+$0x20] =	vst v4;
	v4 =	vmul.f32 v7, v2;
	v2 =	vmul.f32 v8, v2  }
0xdc: {  	[tilespmem:s12+$0x30] =	vst v6;
	v5 =	vld [tilespmem:s12+$0x80]  }
0xdd: {  	[tilespmem:s12+$0x60] =	vst v2;
	v2 =	vmov s9;
	v6 =	vld [tilespmem:s12+$0xD0]  }
0xde: {  	[tilespmem:s12+$0x50] =	vst v4;
	v4 =	vld [tilespmem:s12+$0xE0]  }
0xdf: {  	[tilespmem:s12+$0x40] =	vst v0;
	v7 =	vld [tilespmem:s12+$0xB0]  }
0xe0: {  	v0 =	vld [tilespmem:s4+$0x40];
	[tilespmem:s12+$0x70] =	vst v1  }
0xe1: {  	v1 =	vld [tilespmem:s4+$0x70];
	[tilespmem:s12+$0x10] =	vst v3  }
0xe2: {  	v2 =	vld.idx.msk [tilespmem:v2+s19+$0x0], $0xffff  }
0xe3: {  	v3 =	vld [tilespmem:s12+$0x90]  }
0xe4: {  	v8 =	vld [tilespmem:s12+$0xA0]  }
0xe5: {  	v9 =	vld [tilespmem:s12+$0xC0]  }
0xe6: {  	v10 =	vld [tilespmem:s12+$0xF0];
	_ =	sdelay $0x1  }
0xe7: {  	s9 =	sadd.s32 s13, s1;
	v5 =	vmul.f32 v5, v2;
	v3 =	vmul.f32 v3, v2  }
0xe8: {  	s1 =	sadd.s32 $0xFFFFFFFD, s9;
	s16 =	sadd.s32 $0xFFFFFFFE, s9;
	s17 =	sadd.s32 $0xFFFFFFFF, s9;
	v7 =	vmul.f32 v7, v2;
	v8 =	vmul.f32 v8, v2  }
0xe9: {  	v11 =	vmov s1;
	v6 =	vmul.f32 v6, v2;
	[tilespmem:s12+$0x80] =	vst v5;
	v5 =	vmul.f32 v9, v2  }
0xea: {  	v9 =	vand.u32 $0xFFFFFFFC, v11;
	[tilespmem:s12+$0x90] =	vst v3;
	v3 =	vmul.f32 v4, v2;
	v2 =	vmul.f32 v10, v2  }
0xeb: {  	v4 =	vbroadcast v9, $0x0;
	v9 =	vmov s16;
	v10 =	vmov s17;
	[tilespmem:s12+$0xA0] =	vst v8  }
0xec: {  	v8 =	vand.u32 $0xFFFFFFFD, v9;
	v9 =	vand.u32 $0xFFFFFFFE, v10;
	[tilespmem:s12+$0xD0] =	vst v6  }
0xed: {  	v6 =	vld [tilespmem:s4+$0xFFFFFF50];
	[tilespmem:s12+$0xB0] =	vst v7  }
0xee: {  	v7 =	vld [tilespmem:s4+$0xFFFFFF30];
	[tilespmem:s12+$0xC0] =	vst v5  }
0xef: {  	v5 =	vld [tilespmem:s4+$0xFFFFFF60];
	[tilespmem:s12+$0xE0] =	vst v3  }
0xf0: {  	v3 =	vld [tilespmem:s4+$0xFFFFFF70];
	[tilespmem:s12+$0xF0] =	vst v2;
	s12 =	smov.u32 s4  }
0xf1: {  	v2 =	vld.idx.msk [tilespmem:v4+s19+$0x0], $0xffff  }
0xf2: {  	v4 =	vld [tilespmem:s4+$0xFFFFFF00]  }
0xf3: {  	v10 =	vld [tilespmem:s4+$0xFFFFFF20]  }
0xf4: {  	v11 =	vld [tilespmem:s4+$0xFFFFFF10]  }
0xf5: {  	v12 =	vld [tilespmem:s4+$0xFFFFFF40];
	_ =	sdelay $0x1  }
0xf6: {  	v3 =	vmul.f32 v3, v2;
	v4 =	vmul.f32 v4, v2  }
0xf7: {  	v5 =	vmul.f32 v5, v2;
	v10 =	vmul.f32 v10, v2  }
0xf8: {  	v7 =	vmul.f32 v7, v2;
	v11 =	vmul.f32 v11, v2;
	[tilespmem:s4+$0xFFFFFF70] =	vst v3  }
0xf9: {  	[tilespmem:s4+$0xFFFFFF00] =	vst v4;
	v3 =	vmul.f32 v12, v2;
	v2 =	vmul.f32 v6, v2  }
0xfa: {  	v4 =	vbroadcast v8, $0x0;
	[tilespmem:s4+$0xFFFFFF20] =	vst v10  }
0xfb: {  	[tilespmem:s4+$0xFFFFFF30] =	vst v7  }
0xfc: {  	[tilespmem:s4+$0xFFFFFF50] =	vst v2;
	v2 =	vld [tilespmem:s4+$0xFFFFFFF0]  }
0xfd: {  	[tilespmem:s4+$0xFFFFFF10] =	vst v11;
	v6 =	vld [tilespmem:s4+$0xFFFFFFD0]  }
0xfe: {  	[tilespmem:s4+$0xFFFFFF60] =	vst v5;
	v5 =	vld [tilespmem:s4+$0xFFFFFFB0]  }
0xff: {  	[tilespmem:s4+$0xFFFFFF40] =	vst v3;
	v3 =	vld [tilespmem:s4+$0xFFFFFF90]  }
0x100: {  	v4 =	vld.idx.msk [tilespmem:v4+s19+$0x0], $0xffff  }
0x101: {  	v7 =	vld [tilespmem:s4+$0xFFFFFF80]  }
0x102: {  	v8 =	vld [tilespmem:s4+$0xFFFFFFA0]  }
0x103: {  	v10 =	vld [tilespmem:s4+$0xFFFFFFC0]  }
0x104: {  	v11 =	vld [tilespmem:s4+$0xFFFFFFE0];
	_ =	sdelay $0x1  }
0x105: {  	v3 =	vmul.f32 v3, v4;
	v7 =	vmul.f32 v7, v4  }
0x106: {  	v5 =	vmul.f32 v5, v4;
	v8 =	vmul.f32 v8, v4  }
0x107: {  	v6 =	vmul.f32 v6, v4;
	[tilespmem:s4+$0xFFFFFF80] =	vst v7;
	v7 =	vmul.f32 v10, v4  }
0x108: {  	v2 =	vmul.f32 v2, v4;
	[tilespmem:s4+$0xFFFFFFA0] =	vst v8;
	v8 =	vmul.f32 v11, v4  }
0x109: {  	[tilespmem:s4+$0xFFFFFF90] =	vst v3;
	v3 =	vbroadcast v9, $0x0  }
0x10a: {  	[tilespmem:s4+$0xFFFFFFD0] =	vst v6  }
0x10b: {  	[tilespmem:s4+$0xFFFFFFE0] =	vst v8  }
0x10c: {  	[tilespmem:s4+$0xFFFFFFB0] =	vst v5  }
.Ltmp1:
0x10d: {  	[tilespmem:s4+$0xFFFFFFF0] =	vst v2;
	v4 =	vld [tilespmem:s4+$0x20];
	(pc) =	sbr.rel @p0 .LBB2_6-.Ltmp1, $4  }
0x10e: {  	[tilespmem:s4+$0xFFFFFFC0] =	vst v7;
	v5 =	vld [tilespmem:s4+$0x0]  }
0x10f: {  	v2 =	vld.idx.msk [tilespmem:v3+s19+$0x0], $0xffff  }
0x110: {  	v3 =	vld [tilespmem:s4+$0x10]  }
0x111: {  	v6 =	vld [tilespmem:s4+$0x30]  }
0x112: {  	v7 =	vld [tilespmem:s12+$0x60];
	_ =	sdelay $0x1  }
0x113: {  	v5 =	vmul.f32 v5, v2  }
0x114: {  	v8 =	vld [tilespmem:s12+$0x50];
	v4 =	vmul.f32 v4, v2  }
0x115: {  	v0 =	vmul.f32 v0, v2;
	[tilespmem:s12+$0x0] =	vst v5  }
0x116: {  	[tilespmem:s12+$0x20] =	vst v4;
	v4 =	vmul.f32 v7, v2  }
0x117: {  	v1 =	vmul.f32 v1, v2;
	[tilespmem:s12+$0x40] =	vst v0  }
0x118: {  	v6 =	vmul.f32 v6, v2;
	[tilespmem:s12+$0x60] =	vst v4;
	v4 =	vmov s9  }
0x119: {  	[tilespmem:s12+$0x70] =	vst v1;
	v5 =	vmul.f32 v8, v2  }
0x11a: {  	v2 =	vmul.f32 v3, v2;
	[tilespmem:s12+$0x30] =	vst v6  }
0x11b: {  	[tilespmem:s12+$0x50] =	vst v5  }
0x11c: {  	v6 =	vld [tilespmem:s12+$0x80];
	[tilespmem:s12+$0x10] =	vst v2  }
0x11d: {  	v0 =	vld.idx.msk [tilespmem:v4+s19+$0x0], $0xffff  }
0x11e: {  	v1 =	vld [tilespmem:s12+$0x90]  }
0x11f: {  	v2 =	vld [tilespmem:s12+$0xA0]  }
0x120: {  	v3 =	vld [tilespmem:s12+$0xD0]  }
0x121: {  	v4 =	vld [tilespmem:s12+$0xB0]  }
0x122: {  	v5 =	vld [tilespmem:s12+$0xC0];
	v6 =	vmul.f32 v6, v0  }
0x123: {  	v7 =	vld [tilespmem:s12+$0xE0];
	v1 =	vmul.f32 v1, v0  }
0x124: {  	v8 =	vld [tilespmem:s12+$0xF0];
	v2 =	vmul.f32 v2, v0;
	[tilespmem:s12+$0x80] =	vst v6  }
0x125: {  	v3 =	vmul.f32 v3, v0;
	[tilespmem:s12+$0x90] =	vst v1  }
0x126: {  	v1 =	vmul.f32 v4, v0;
	[tilespmem:s12+$0xA0] =	vst v2  }
0x127: {  	v2 =	vmul.f32 v5, v0;
	[tilespmem:s12+$0xD0] =	vst v3  }
0x128: {  	s3 =	sadd.s32 $0x2, s3;
	v3 =	vmul.f32 v7, v0;
	[tilespmem:s12+$0xB0] =	vst v1  }
0x129: {  	s1 =	sshll.u32 s8, $0x7;
	s8 =	smul.u32 $0x60, s3;
	v0 =	vmul.f32 v8, v0;
	[tilespmem:s12+$0xC0] =	vst v2  }
0x12a: {  	s1 =	sand.u32 $0x3FFFFF80, s1;
	[tilespmem:s12+$0xE0] =	vst v3  }
0x12b: {  	s1 =	sadd.s32 $0x1000, s1;
	[tilespmem:s12+$0xF0] =	vst v0;
	s12 =	sadd.s32 $0x3, s8  }
0x12c: {  	[spmem:s2] =	stream.indirect.scatter.add.f32 [tilespmem:s22], [sflag:$0x5], $0x80, s1, s20, $0xb8;
	[tilespmem:$0x1FA80] =	vst v63  }
0x12d: {  	s13 =	sadd.s32 $0xFFFFFFFD, s12  }
0x12e: {  	p0 =	seq.s32 s31, $0x8;
	_ =	swait.ge [sflag:s26], $0x3000;
	v0 =	vmov s13  }
0x12f: {  	s14 =	simm.s32 $0x3;
	s0 =	sadd.s32 @!p0 $0x180, s0;
	[sflag:s26] =	ssyncset.done $0x0;
	v0 =	vand.u32 $0xFFFFFFFC, v0  }
0x130: {  	s4 =	simm.s32 @!p0 $0x60;
	s9 =	simm.s32 @!p0 $0x2A80;
	[sflag:s26] =	ssyncadd.s32 $0xFFFFD000;
	v0 =	vbroadcast v0, $0x0  }
0x131: {  	[tilespmem:s9], [sflag:$0x1] =	stream.indirect.gather @!p0 [hbm4b:s5+s4], $0x80, s0, s4, $0xb8;
	[tilespmem:$0x1FA80] =	vst v63  }
0x132: {  	_ =	swait.ge [sflag:s14], $0x3000  }
0x133: {  	[sflag:s14] =	ssyncset.done $0x0  }
0x134: {  	s0 =	simm.s32 $0x8B80;
	[sflag:s14] =	ssyncadd.s32 $0xFFFFD000  }
0x135: {  	v2 =	vld [tilespmem:s0+$0xFFFFFF70]  }
0x136: {  	v0 =	vld.idx.msk [tilespmem:v0+s19+$0x0], $0xffff  }
0x137: {  	v3 =	vld [tilespmem:s0+$0xFFFFFF00]  }
0x138: {  	v4 =	vld [tilespmem:s0+$0xFFFFFF20]  }
0x139: {  	v5 =	vld [tilespmem:s0+$0xFFFFFF30]  }
0x13a: {  	v1 =	vld [tilespmem:s0+$0xFFFFFF50]  }
0x13b: {  	v7 =	vld [tilespmem:s0+$0xFFFFFF10];
	v2 =	vmul.f32 v2, v0  }
0x13c: {  	s16 =	sadd.s32 $0xFFFFFFFE, s12;
	v6 =	vld [tilespmem:s0+$0xFFFFFF60];
	v3 =	vmul.f32 v3, v0  }
0x13d: {  	v9 =	vmov s16;
	v8 =	vld [tilespmem:s0+$0xFFFFFF40];
	v4 =	vmul.f32 v4, v0;
	[tilespmem:s0+$0xFFFFFF70] =	vst v2  }
0x13e: {  	v5 =	vmul.f32 v5, v0;
	v2 =	vand.u32 $0xFFFFFFFD, v9;
	[tilespmem:s0+$0xFFFFFF00] =	vst v3  }
0x13f: {  	v1 =	vmul.f32 v1, v0;
	[tilespmem:s0+$0xFFFFFF20] =	vst v4;
	v2 =	vbroadcast v2, $0x0  }
0x140: {  	v3 =	vmul.f32 v7, v0;
	[tilespmem:s0+$0xFFFFFF30] =	vst v5  }
0x141: {  	v4 =	vmul.f32 v6, v0;
	[tilespmem:s0+$0xFFFFFF50] =	vst v1  }
0x142: {  	v0 =	vmul.f32 v8, v0;
	[tilespmem:s0+$0xFFFFFF10] =	vst v3  }
0x143: {  	[tilespmem:s0+$0xFFFFFF60] =	vst v4  }
0x144: {  	[tilespmem:s0+$0xFFFFFF40] =	vst v0;
	v0 =	vld [tilespmem:s0+$0xFFFFFF80]  }
0x145: {  	v2 =	vld.idx.msk [tilespmem:v2+s19+$0x0], $0xffff  }
0x146: {  	v1 =	vld [tilespmem:s0+$0xFFFFFFA0]  }
0x147: {  	v3 =	vld [tilespmem:s0+$0xFFFFFF90]  }
0x148: {  	v4 =	vld [tilespmem:s0+$0xFFFFFFD0]  }
0x149: {  	v5 =	vld [tilespmem:s0+$0xFFFFFFE0]  }
0x14a: {  	v6 =	vld [tilespmem:s0+$0xFFFFFFF0];
	v0 =	vmul.f32 v0, v2  }
0x14b: {  	s17 =	sadd.s32 $0xFFFFFFFF, s12;
	v7 =	vld [tilespmem:s0+$0xFFFFFFB0];
	v1 =	vmul.f32 v1, v2  }
0x14c: {  	v63 =	vld [tilespmem:s0+$0xFFFFFFC0];
	v8 =	vmov s17;
	v3 =	vmul.f32 v3, v2;
	[tilespmem:s0+$0xFFFFFF80] =	vst v0  }
0x14d: {  	v4 =	vmul.f32 v4, v2;
	v0 =	vand.u32 $0xFFFFFFFE, v8;
	[tilespmem:s0+$0xFFFFFFA0] =	vst v1  }
0x14e: {  	v1 =	vmul.f32 v5, v2;
	[tilespmem:s0+$0xFFFFFF90] =	vst v3;
	v3 =	vbroadcast v0, $0x0  }
0x14f: {  	v5 =	vmul.f32 v6, v2;
	[tilespmem:s0+$0xFFFFFFD0] =	vst v4;
	v6 =	vld [tilespmem:s0+$0x30]  }
0x150: {  	v4 =	vmul.f32 v7, v2;
	v0 =	vld [tilespmem:s0+$0x40];
	[tilespmem:s0+$0xFFFFFFE0] =	vst v1  }
0x151: {  	v2 =	vmul.f32 v63, v2;
	v1 =	vld [tilespmem:s0+$0x70];
	[tilespmem:s0+$0xFFFFFFF0] =	vst v5  }
0x152: {  	[tilespmem:s0+$0xFFFFFFB0] =	vst v4;
	v4 =	vld [tilespmem:s0+$0x20]  }
0x153: {  	[tilespmem:s0+$0xFFFFFFC0] =	vst v2;
	v5 =	vld [tilespmem:s0+$0x0]  }
0x154: {  	v2 =	vld.idx.msk [tilespmem:v3+s19+$0x0], $0xffff  }
0x155: {  	s9 =	simm.s32 $0x7;
	s4 =	simm.s32 $0x8B80;
	v3 =	vld [tilespmem:s0+$0x10]  }
.LBB2_8:
0x156: {  	p0 =	sne.s32 s9, $0x5F  }
0x157: {  	v7 =	vld [tilespmem:s0+$0x50];
	s4 =	sadd.s32 $0x200, s4;
	s1 =	smov.u32 s9;
	s9 =	sadd.s32 $0x4, s9  }
0x158: {  	v8 =	vld [tilespmem:s0+$0x60];
	_ =	sdelay $0x1  }
0x159: {  	v5 =	vmul.f32 v5, v2;
	v3 =	vmul.f32 v3, v2  }
0x15a: {  	v4 =	vmul.f32 v4, v2;
	v6 =	vmul.f32 v6, v2  }
0x15b: {  	v0 =	vmul.f32 v0, v2;
	v1 =	vmul.f32 v1, v2;
	[tilespmem:s0+$0x0] =	vst v5  }
0x15c: {  	[tilespmem:s0+$0x20] =	vst v4;
	v4 =	vmul.f32 v7, v2;
	v2 =	vmul.f32 v8, v2  }
0x15d: {  	[tilespmem:s0+$0x30] =	vst v6;
	v5 =	vld [tilespmem:s0+$0x80]  }
0x15e: {  	[tilespmem:s0+$0x60] =	vst v2;
	v2 =	vmov s12;
	v6 =	vld [tilespmem:s0+$0xD0]  }
0x15f: {  	[tilespmem:s0+$0x50] =	vst v4;
	v4 =	vld [tilespmem:s0+$0xE0]  }
0x160: {  	[tilespmem:s0+$0x40] =	vst v0;
	v7 =	vld [tilespmem:s0+$0xB0]  }
0x161: {  	v0 =	vld [tilespmem:s4+$0x40];
	[tilespmem:s0+$0x70] =	vst v1  }
0x162: {  	v1 =	vld [tilespmem:s4+$0x70];
	[tilespmem:s0+$0x10] =	vst v3  }
0x163: {  	v2 =	vld.idx.msk [tilespmem:v2+s19+$0x0], $0xffff  }
0x164: {  	v3 =	vld [tilespmem:s0+$0x90]  }
0x165: {  	v8 =	vld [tilespmem:s0+$0xA0]  }
0x166: {  	v9 =	vld [tilespmem:s0+$0xC0]  }
0x167: {  	v10 =	vld [tilespmem:s0+$0xF0];
	_ =	sdelay $0x1  }
0x168: {  	s12 =	sadd.s32 s8, s1;
	v5 =	vmul.f32 v5, v2;
	v3 =	vmul.f32 v3, v2  }
0x169: {  	s1 =	sadd.s32 $0xFFFFFFFD, s12;
	s13 =	sadd.s32 $0xFFFFFFFE, s12;
	s14 =	sadd.s32 $0xFFFFFFFF, s12;
	v7 =	vmul.f32 v7, v2;
	v8 =	vmul.f32 v8, v2  }
0x16a: {  	v11 =	vmov s1;
	v6 =	vmul.f32 v6, v2;
	[tilespmem:s0+$0x80] =	vst v5;
	v5 =	vmul.f32 v9, v2  }
0x16b: {  	v9 =	vand.u32 $0xFFFFFFFC, v11;
	[tilespmem:s0+$0x90] =	vst v3;
	v3 =	vmul.f32 v4, v2;
	v2 =	vmul.f32 v10, v2  }
0x16c: {  	v4 =	vbroadcast v9, $0x0;
	v9 =	vmov s13;
	v10 =	vmov s14;
	[tilespmem:s0+$0xA0] =	vst v8  }
0x16d: {  	v8 =	vand.u32 $0xFFFFFFFD, v9;
	v9 =	vand.u32 $0xFFFFFFFE, v10;
	[tilespmem:s0+$0xD0] =	vst v6  }
0x16e: {  	v6 =	vld [tilespmem:s4+$0xFFFFFF50];
	[tilespmem:s0+$0xB0] =	vst v7  }
0x16f: {  	v7 =	vld [tilespmem:s4+$0xFFFFFF30];
	[tilespmem:s0+$0xC0] =	vst v5  }
0x170: {  	v5 =	vld [tilespmem:s4+$0xFFFFFF60];
	[tilespmem:s0+$0xE0] =	vst v3  }
0x171: {  	v3 =	vld [tilespmem:s4+$0xFFFFFF70];
	[tilespmem:s0+$0xF0] =	vst v2;
	s0 =	smov.u32 s4  }
0x172: {  	v2 =	vld.idx.msk [tilespmem:v4+s19+$0x0], $0xffff  }
0x173: {  	v4 =	vld [tilespmem:s4+$0xFFFFFF00]  }
0x174: {  	v10 =	vld [tilespmem:s4+$0xFFFFFF20]  }
0x175: {  	v11 =	vld [tilespmem:s4+$0xFFFFFF10]  }
0x176: {  	v12 =	vld [tilespmem:s4+$0xFFFFFF40];
	_ =	sdelay $0x1  }
0x177: {  	v3 =	vmul.f32 v3, v2;
	v4 =	vmul.f32 v4, v2  }
0x178: {  	v5 =	vmul.f32 v5, v2;
	v10 =	vmul.f32 v10, v2  }
0x179: {  	v7 =	vmul.f32 v7, v2;
	v11 =	vmul.f32 v11, v2;
	[tilespmem:s4+$0xFFFFFF70] =	vst v3  }
0x17a: {  	[tilespmem:s4+$0xFFFFFF00] =	vst v4;
	v3 =	vmul.f32 v12, v2;
	v2 =	vmul.f32 v6, v2  }
0x17b: {  	v4 =	vbroadcast v8, $0x0;
	[tilespmem:s4+$0xFFFFFF20] =	vst v10  }
0x17c: {  	[tilespmem:s4+$0xFFFFFF30] =	vst v7  }
0x17d: {  	[tilespmem:s4+$0xFFFFFF50] =	vst v2;
	v2 =	vld [tilespmem:s4+$0xFFFFFFF0]  }
0x17e: {  	[tilespmem:s4+$0xFFFFFF10] =	vst v11;
	v6 =	vld [tilespmem:s4+$0xFFFFFFD0]  }
0x17f: {  	[tilespmem:s4+$0xFFFFFF60] =	vst v5;
	v5 =	vld [tilespmem:s4+$0xFFFFFFB0]  }
0x180: {  	[tilespmem:s4+$0xFFFFFF40] =	vst v3;
	v3 =	vld [tilespmem:s4+$0xFFFFFF90]  }
0x181: {  	v4 =	vld.idx.msk [tilespmem:v4+s19+$0x0], $0xffff  }
0x182: {  	v7 =	vld [tilespmem:s4+$0xFFFFFF80]  }
0x183: {  	v8 =	vld [tilespmem:s4+$0xFFFFFFA0]  }
0x184: {  	v10 =	vld [tilespmem:s4+$0xFFFFFFC0]  }
0x185: {  	v11 =	vld [tilespmem:s4+$0xFFFFFFE0];
	_ =	sdelay $0x1  }
0x186: {  	v3 =	vmul.f32 v3, v4;
	v7 =	vmul.f32 v7, v4  }
0x187: {  	v5 =	vmul.f32 v5, v4;
	v8 =	vmul.f32 v8, v4  }
0x188: {  	v6 =	vmul.f32 v6, v4;
	[tilespmem:s4+$0xFFFFFF80] =	vst v7;
	v7 =	vmul.f32 v10, v4  }
0x189: {  	v2 =	vmul.f32 v2, v4;
	[tilespmem:s4+$0xFFFFFFA0] =	vst v8;
	v8 =	vmul.f32 v11, v4  }
0x18a: {  	[tilespmem:s4+$0xFFFFFF90] =	vst v3;
	v3 =	vbroadcast v9, $0x0  }
0x18b: {  	[tilespmem:s4+$0xFFFFFFD0] =	vst v6  }
0x18c: {  	[tilespmem:s4+$0xFFFFFFE0] =	vst v8  }
0x18d: {  	[tilespmem:s4+$0xFFFFFFB0] =	vst v5  }
.Ltmp2:
0x18e: {  	[tilespmem:s4+$0xFFFFFFF0] =	vst v2;
	v4 =	vld [tilespmem:s4+$0x20];
	(pc) =	sbr.rel @p0 .LBB2_8-.Ltmp2, $4  }
0x18f: {  	[tilespmem:s4+$0xFFFFFFC0] =	vst v7;
	v5 =	vld [tilespmem:s4+$0x0]  }
0x190: {  	v2 =	vld.idx.msk [tilespmem:v3+s19+$0x0], $0xffff  }
0x191: {  	v3 =	vld [tilespmem:s4+$0x10]  }
0x192: {  	v6 =	vld [tilespmem:s4+$0x30]  }
0x193: {  	_ =	sdelay $0x1  }
0x194: {  	v5 =	vmul.f32 v5, v2  }
0x195: {  	v7 =	vld [tilespmem:s0+$0x60];
	v4 =	vmul.f32 v4, v2  }
0x196: {  	v8 =	vld [tilespmem:s0+$0x50];
	v0 =	vmul.f32 v0, v2;
	[tilespmem:s0+$0x0] =	vst v5  }
0x197: {  	v1 =	vmul.f32 v1, v2;
	[tilespmem:s0+$0x20] =	vst v4  }
0x198: {  	v53 =	vmul.f32 v3, v2;
	[tilespmem:s0+$0x40] =	vst v0  }
0x199: {  	v52 =	vmov s12;
	v6 =	vmul.f32 v6, v2;
	[tilespmem:s0+$0x70] =	vst v1  }
0x19a: {  	v49 =	vmul.f32 v7, v2;
	[tilespmem:s0+$0x10] =	vst v53  }
0x19b: {  	v50 =	vmul.f32 v8, v2;
	[tilespmem:s0+$0x30] =	vst v6  }
0x19c: {  	[tilespmem:s0+$0x60] =	vst v49  }
0x19d: {  	v51 =	vld [tilespmem:s0+$0x80];
	[tilespmem:s0+$0x50] =	vst v50  }
0x19e: {  	v0 =	vld.idx.msk [tilespmem:v52+s19+$0x0], $0xffff  }
0x19f: {  	v54 =	vld [tilespmem:s0+$0x90]  }
0x1a0: {  	v55 =	vld [tilespmem:s0+$0xA0]  }
0x1a1: {  	v56 =	vld [tilespmem:s0+$0xD0]  }
0x1a2: {  	v57 =	vld [tilespmem:s0+$0xB0]  }
0x1a3: {  	v58 =	vld [tilespmem:s0+$0xC0];
	v6 =	vmul.f32 v51, v0  }
0x1a4: {  	v59 =	vld [tilespmem:s0+$0xE0];
	v1 =	vmul.f32 v54, v0  }
0x1a5: {  	v60 =	vld [tilespmem:s0+$0xF0];
	v2 =	vmul.f32 v55, v0;
	[tilespmem:s0+$0x80] =	vst v6  }
0x1a6: {  	v3 =	vmul.f32 v56, v0;
	[tilespmem:s0+$0x90] =	vst v1  }
0x1a7: {  	s31 =	sadd.s32 $0x1, s31;
	v61 =	vmul.f32 v57, v0;
	[tilespmem:s0+$0xA0] =	vst v2  }
0x1a8: {  	p0 =	sne.s32 s31, $0x9;
	v62 =	vmul.f32 v58, v0;
	[tilespmem:s0+$0xD0] =	vst v3  }
.Ltmp3:
0x1a9: {  	v63 =	vmul.f32 v59, v0;
	[tilespmem:s0+$0xB0] =	vst v61;
	(pc) =	sbr.rel @p0 .LBB2_3-.Ltmp3, $4  }
0x1aa: {  	s1 =	sshll.u32 s3, $0x7;
	v0 =	vmul.f32 v60, v0;
	[tilespmem:s0+$0xC0] =	vst v62  }
0x1ab: {  	s1 =	sand.u32 $0x3FFFFF80, s1;
	[tilespmem:s0+$0xE0] =	vst v63  }
0x1ac: {  	s17 =	sadd.s32 $0x1000, s1;
	[tilespmem:s0+$0xF0] =	vst v0  }
0x1ad: {  	[spmem:s2] =	stream.indirect.scatter.add.f32 [tilespmem:s24], [sflag:$0x6], $0x80, s17, s20, $0xb8;
	[tilespmem:$0x1FA80] =	vst v63  }
0x1ae: {  	s30 =	sadd.s32 $0x1, s30  }
0x1af: {  	_ =	swait.ge [sflag:s28], $0x3000;
	p0 =	sne.s32 s30, $0x4  }
.Ltmp4:
0x1b0: {  	[sflag:s28] =	ssyncset.done $0x0;
	(pc) =	sbr.rel @p0 .LBB2_2-.Ltmp4, $4  }
0x1b1: {  	[sflag:s28] =	ssyncadd.s32 $0xFFFFD000  }
0x1b2: {  	_ =	swait.ge [sflag:s29], $0x3000  }
0x1b3: {  	[sflag:s29] =	ssyncset.done $0x0  }
0x1b4: {  	[sflag:s29] =	ssyncadd.s32 $0xFFFFD000  }
0x1b5: {  	[bflag:$0x0] =	sbarrier.arrive $0xFFFF  }
0x1b6: {  	s1 =	rddreg [dreg:$0x6]  }
0x1b7: {  	s0 =	rddreg [dreg:$0x7]  }
0x1b8: {  	s3 =	rddreg [dreg:$0x9]  }
0x1b9: {  	[hbm:s0], [sflag:s1] =	dma.local [spmem:s3], $0x2800  }
0x1ba: {  	_ =	swait.ge [sflag:s15], $0x2800  }
0x1bb: {  	s12 =	rddreg [dreg:$0x4]  }
0x1bc: {  	s31 =	rddreg [dreg:$0x8];
	s12 =	sadd.s32 $0x1, s12  }
0x1bd: {  	p0 =	sne.s32 s12, s31  }
.Ltmp5:
0x1be: {  	_ = 	snop;
	(pc) =	sbr.rel @p0 .LBB2_1-.Ltmp5, $3  }
0x1bf: {  	_ =	sdelay $0x1  }
0x1c0: {  	[sflag:s15] =	ssyncset.done $0x0  }
0x1c1: {  	[sflag:s15] =	ssyncadd.s32 $0xFFFFD800  }
0x1c2: {  	_ =	sfence.sel $0x180000  }
0x1c3: {  	[bflag:$0x0] =	sbarrier.arrive $0xFFFF  }
0x1c4: {  	_ =	strace $0x90000050  }
0x1c5: {  	s0 =	stileid.u32;
	[bflag:$0x2] =	sbarrier.arrive $0xFFFF  }
0x1c6: {  	p0 =	sne.s32 s0, $0x0;
	s0 =	rddreg [dreg:$0x3]  }
0x1c7: {  	s0 =	sadd.s32 @!p0 $0x100000, s0  }
0x1c8: {  	[sflag:s0] =	ssyncadd.tile.s32 @!p0 $0x1;
	_ =	shalt  }
.Lfunc_end2:
_tile_overlayer_lowered:
.L_overlay_start_2:
0x1c9: {  	(tag) =	ssettag $0x2  }
0x1ca: {  	s0 =	rddreg [dreg:$0x0];
	s2 =	stileid.u32  }
0x1cb: {  	s1 =	rddreg [dreg:$0x1];
	p0 =	sne.s32 s2, $0x0  }
0x1cc: {  	s3 =	rddreg [dreg:$0x2];
	[bflag:$0x3] =	sbarrier.arrive $0xFFFF;
	s2 =	simm.s32 @!p0 $0x1C07  }
0x1cd: {  	[timem:s3], [sflag:s2] =	dma.local @!p0 [hbm:s0], s1  }
0x1ce: {  	s0 =	simm.s32 @!p0 $0x7  }
0x1cf: {  	_ =	swait.ge @!p0 [sflag:s0], s1  }
0x1d0: {  	s1 =	ssub.s32 @!p0 $0x0, s1;
	[sflag:s0] =	ssyncset.done @!p0 $0x0  }
0x1d1: {  	[sflag:s0] =	ssyncadd.s32 @!p0 s1  }
0x1d2: {  	[bflag:$0x3] =	sbarrier.arrive $0xFFFF  }
0x1d3: {  	_ =	shalt  }

// kernel: kernel.9.cloned.1.call-start
scs
__scs_entry_jumppad:
0x0: {  	(pc) =	sbr.rel $0x88, $3  }
0x1: {  	(tag) =	ssettag $0x0;
	lr =	simm.s32 $0x1  }
0x2: {  	[smem:$0x3F97] =	sst lr;
	_ =	strace $0xD0000000  }
0x3: {  	_ = 	snop  }
0x4: {  	_ = 	snop  }
0x5: {  	_ = 	snop  }
0x6: {  	_ = 	snop  }
0x7: {  	_ = 	snop  }
__scs_overlays_trampoline_lowered:
0x8: {  	[smem:$0x3FA6] =	sst s0  }
0x9: {  	[smem:$0x3FA7] =	sst s1  }
0xa: {  	[smem:$0x3FA8] =	sst s2  }
0xb: {  	[smem:$0x3FA9] =	sst s3  }
0xc: {  	[smem:$0x3FAA] =	sst s4  }
0xd: {  	[smem:$0x3FAB] =	sst s5  }
0xe: {  	[smem:$0x3FAC] =	sst s6  }
0xf: {  	[smem:$0x3FAD] =	sst s7  }
0x10: {  	[smem:$0x3FAE] =	sst s8  }
0x11: {  	[smem:$0x3FAF] =	sst s9;
	s0 =	simm.s32 @!p0 $0x0  }
0x12: {  	s1 =	sld [smem:$0x3F95];
	s0 =	simm.s32 @p0 $0x1  }
0x13: {  	[smem:$0x3FB0] =	sst s0;
	s0 =	simm.s32 @!p1 $0x0  }
0x14: {  	s2 =	sld [smem:$0x3F94];
	s0 =	simm.s32 @p1 $0x1  }
0x15: {  	[smem:$0x3FB1] =	sst s0;
	s0 =	simm.s32 @!p2 $0x0  }
0x16: {  	s3 =	sld [smem:$0x3FDB];
	s0 =	simm.s32 @p2 $0x1  }
0x17: {  	s4 =	simm.s32 $0x1BF5;
	[smem:$0x3FB3] =	sst s0  }
0x18: {  	s0 =	sld [smem:$0x3F96];
	_ =	swait.ge [sflag:s4], $0x0  }
0x19: {  	s7 =	sld [smem:$0x3F97]  }
0x1a: {  	s8 =	sadd.s32 $0xFFFFE003, lr  }
0x1b: {  	s9 =	sadd.s32 $0xFFFFFEF7, lr;
	s5 =	simm.s32 $0xFFFFFFFF;
	p2 =	slt.u32 s8, $0xFFFFF086  }
0x1c: {  	p1 =	slt.u32 s9, $0xF7A;
	s5 =	simm.s32 @!p2 $0x0  }
0x1d: {  	s5 =	simm.s32 @p1 $0x1;
	p0 =	seq.s32 s7, s2  }
0x1e: {  	s7 =	smul.u32 @!p0 $0xF7A, s2;
	p2 =	seq.s32 @!p0 s5, $0x0  }
0x1f: {  	s9 =	smul.u32 $0xF7A, s1;
	s8 =	simm.s32 @!p0 $0x1BF5;
	p2 =	por !p2, p0  }
0x20: {  	[sflag:s8] =	ssyncset.s32 @!p0 $0xFFFFF086;
	s6 =	sadd.s32 @!p0 s3, s7;
	s7 =	simm.s32 @!p0 $0x108  }
0x21: {  	s3 =	sadd.s32 s3, s9;
	s6 =	sadd.s32 @!p0 $0x88, s6;
	s7 =	simm.s32 @p2 $0x1082  }
0x22: {  	[simem:s7], [sflag:s8] =	dma.local @!p0 [hbm:s6], $0xF7A  }
0x23: {  	s9 =	sor.u32 $0xD0000000, s2;
	s6 =	simm.s32 $0x108;
	_ =	swait.ge @!p0 [sflag:s8], $0x0  }
0x24: {  	s3 =	sadd.s32 $0x88, s3;
	s6 =	simm.s32 @!p1 $0x1082;
	[sflag:s4] =	ssyncset.s32 $0xFFFFF086  }
0x25: {  	[simem:s6], [sflag:s4] =	dma.local [hbm:s3], $0xF7A  }
0x26: {  	[smem:$0x3F97] =	sst s1;
	(tag) =	ssettag s2;
	_ =	strace s9  }
0x27: {  	s1 =	sld [smem:$0x3FA7]  }
0x28: {  	s2 =	sld [smem:$0x3FA8]  }
0x29: {  	s4 =	sld [smem:$0x3FAA]  }
0x2a: {  	p0 =	seq.s32 s5, $0x0;
	s5 =	sld [smem:$0x3FAB]  }
0x2b: {  	s6 =	sld [smem:$0x3FAC]  }
0x2c: {  	s7 =	sld [smem:$0x3FAD]  }
0x2d: {  	s3 =	simm.s32 $0x108;
	s8 =	sld [smem:$0x3FAE]  }
0x2e: {  	s3 =	simm.s32 @!p0 $0x1082;
	s9 =	sld [smem:$0x3FAF]  }
0x2f: {  	lr =	sadd.s32 s0, s3;
	s0 =	sld [smem:$0x3FA6]  }
0x30: {  	s3 =	sld [smem:$0x3FA9]  }
0x31: {  	[smem:$0x3FB2] =	sst s10  }
0x32: {  	s10 =	sld [smem:$0x3FB0];
	_ =	sdelay $0x3  }
0x33: {  	p0 =	seq.s32 s10, $0x1;
	s10 =	sld [smem:$0x3FB2];
	_ =	sdelay $0x3  }
0x34: {  	[smem:$0x3FB2] =	sst s10  }
0x35: {  	s10 =	sld [smem:$0x3FB1];
	_ =	sdelay $0x3  }
0x36: {  	p1 =	seq.s32 s10, $0x1;
	s10 =	sld [smem:$0x3FB2];
	_ =	sdelay $0x3  }
0x37: {  	[smem:$0x3FB2] =	sst s10  }
0x38: {  	s10 =	sld [smem:$0x3FB3]  }
0x39: {  	_ = 	snop;
	(pc) =	sbr.ind lr, $3  }
0x3a: {  	_ = 	snop  }
0x3b: {  	_ = 	snop  }
0x3c: {  	p2 =	seq.s32 s10, $0x1;
	s10 =	sld [smem:$0x3FB2]  }
0x3d: {  	_ =	shalt  }
0x3e: {  	_ =	shalt  }
0x3f: {  	_ =	shalt  }
0x40: {  	_ =	shalt  }
0x41: {  	_ =	shalt  }
0x42: {  	_ =	shalt  }
0x43: {  	_ =	shalt  }
0x44: {  	_ =	shalt  }
0x45: {  	_ =	shalt  }
0x46: {  	_ =	shalt  }
0x47: {  	_ =	shalt  }
0x48: {  	_ =	shalt  }
0x49: {  	_ =	shalt  }
0x4a: {  	_ =	shalt  }
0x4b: {  	_ =	shalt  }
0x4c: {  	_ =	shalt  }
0x4d: {  	_ =	shalt  }
0x4e: {  	_ =	shalt  }
0x4f: {  	_ =	shalt  }
0x50: {  	_ =	shalt  }
0x51: {  	_ =	shalt  }
0x52: {  	_ =	shalt  }
0x53: {  	_ =	shalt  }
0x54: {  	_ =	shalt  }
0x55: {  	_ =	shalt  }
0x56: {  	_ =	shalt  }
0x57: {  	_ =	shalt  }
0x58: {  	_ =	shalt  }
0x59: {  	_ =	shalt  }
0x5a: {  	_ =	shalt  }
0x5b: {  	_ =	shalt  }
0x5c: {  	_ =	shalt  }
0x5d: {  	_ =	shalt  }
0x5e: {  	_ =	shalt  }
0x5f: {  	_ =	shalt  }
0x60: {  	_ =	shalt  }
0x61: {  	_ =	shalt  }
0x62: {  	_ =	shalt  }
0x63: {  	_ =	shalt  }
0x64: {  	_ =	shalt  }
0x65: {  	_ =	shalt  }
0x66: {  	_ =	shalt  }
0x67: {  	_ =	shalt  }
0x68: {  	_ =	shalt  }
0x69: {  	_ =	shalt  }
0x6a: {  	_ =	shalt  }
0x6b: {  	_ =	shalt  }
0x6c: {  	_ =	shalt  }
0x6d: {  	_ =	shalt  }
0x6e: {  	_ =	shalt  }
0x6f: {  	_ =	shalt  }
0x70: {  	_ =	shalt  }
0x71: {  	_ =	shalt  }
0x72: {  	_ =	shalt  }
0x73: {  	_ =	shalt  }
0x74: {  	_ =	shalt  }
0x75: {  	_ =	shalt  }
0x76: {  	_ =	shalt  }
0x77: {  	_ =	shalt  }
0x78: {  	_ =	shalt  }
0x79: {  	_ =	shalt  }
0x7a: {  	_ =	shalt  }
0x7b: {  	_ =	shalt  }
0x7c: {  	_ =	shalt  }
0x7d: {  	_ =	shalt  }
0x7e: {  	_ =	shalt  }
0x7f: {  	_ =	shalt  }
0x80: {  	_ =	shalt  }
0x81: {  	_ =	shalt  }
0x82: {  	_ =	shalt  }
0x83: {  	_ =	shalt  }
0x84: {  	_ =	shalt  }
0x85: {  	_ =	shalt  }
0x86: {  	_ =	shalt  }
0x87: {  	_ =	shalt  }
.Lfunc_end0:
.L_simem_size_0:
called_computation_lowered:
.L_overlay_start_0:
0x88: {  	s2 =	sld [smem:$0x3FD9]  }
0x89: {  	s3 =	sld [smem:$0x3FFE];
	_ =	sdelay $0x1  }
0x8a: {  	s1 =	srdreg.scid  }
0x8b: {  	s0 =	sand.u32 $0x1, s1  }
0x8c: {  	s16 =	sshll.u32 s0, $0xA;
	s2 =	sadd.s32 s3, s2  }
0x8d: {  	s2 =	sadd.s32 s2, s16  }
0x8e: {  	[smem:$0x3FBE] =	sst s2  }
0x8f: {  	_ = 	snop  }
0x90: {  	(tm) =	ssettm $0x1  }
0x91: {  	s17 =	sld [smem:$0x3FFB];
	_ =	sdelay $0x3  }
0x92: {  	_ =	strace s17  }
0x93: {  	s2 =	sld [smem:$0x3FFC];
	_ =	sdelay $0x3  }
0x94: {  	_ =	strace s2  }
0x95: {  	s2 =	sld [smem:$0x3FFD];
	_ =	sdelay $0x3  }
0x96: {  	_ =	strace s2  }
0x97: {  	_ =	strace $0x8FFFFFFF  }
0x98: {  	s18 =	sld [smem:$0x3FDB];
	_ =	sdelay $0x1  }
0x99: {  	s19 =	simm.s32 $_scs_section_size  }
0x9a: {  	s4 =	simm.s32 $_size__tile_overlayer_lowered;
	s5 =	simm.s32 $_tile_overlayer_lowered  }
0x9b: {  	s22 =	simm.s32 $0x1BFF;
	s21 =	sshll.u32 s5, $0x1;
	s2 =	sadd.s32 s19, s18  }
0x9c: {  	s6 =	simm.s32 $0x0;
	s20 =	sshll.u32 s4, $0x1;
	s4 =	sadd.s32 s21, s2  }
0x9d: {  	[timem:s6], [sflag:s22] =	dma.local [hbm:s4], s20  }
0x9e: {  	_ =	swait.ge [sflag:s22], s20  }
0x9f: {  	s3 =	ssub.s32 $0x0, s20;
	[sflag:s22] =	ssyncset.done $0x0  }
0xa0: {  	[sflag:s22] =	ssyncadd.s32 s3;
	_ =	sdelay $0x1  }
0xa1: {  	s23 =	simm.s32 $0x1B8B  }
0xa2: {  	_ =	swait.ge [sflag:s23], $0x1  }
0xa3: {  	[sflag:s23] =	ssyncset.done $0x0  }
0xa4: {  	s25 =	simm.s32 $0x1B8E;
	s24 =	sld [smem:$0x3FFE];
	[sflag:s23] =	ssyncadd.s32 $0xFFFFFFFF  }
0xa5: {  	s26 =	simm.s32 $execute0_lowered;
	[smem:$0x3FD2] =	sst s25  }
0xa6: {  	s4 =	sshll.u32 s26, $0x1;
	_ =	strace $0x80000046;
	[dreg:$0x1] =	wrdreg $0xFFFFFFFF  }
0xa7: {  	s28 =	simm.s32 $_size_execute0_lowered;
	s2 =	sadd.s32 s2, s4;
	[dreg:$0x0] =	wrdreg $0x0  }
0xa8: {  	s4 =	sshll.u32 s28, $0x1;
	[dreg:$0x2] =	wrdreg s2  }
0xa9: {  	[dreg:$0x3] =	wrdreg s4  }
0xaa: {  	[dreg:$0x4] =	wrdreg $0xC0  }
0xab: {  	_ =	task [dreg:s6], $0x5FFFF  }
0xac: {  	[dreg:$0x1] =	wrdreg $0xFFFFFFFF  }
0xad: {  	[dreg:$0x0] =	wrdreg $0x60  }
0xae: {  	[dreg:$0x2] =	wrdreg s24  }
0xaf: {  	[dreg:$0x3] =	wrdreg $0x9  }
0xb0: {  	_ =	task.clear_ibuf [dreg:s6], $0x4FFFF;
	_ =	strace $0x90000046  }
0xb1: {  	s29 =	simm.s32 $0x9;
	_ =	strace $0x80000048  }
0xb2: {  	_ =	swait.ge [sflag:s29], $0x1  }
0xb3: {  	[sflag:s29] =	ssyncadd.s32 $0xFFFFFFFF  }
0xb4: {  	_ =	strace $0x90000048  }
0xb5: {  	_ =	sfence  }
0xb6: {  	s30 =	sld [smem:$0x0];
	_ =	sdelay $0x2  }
0xb7: {  	s31 =	sshll.u32 s1, $0xD;
	s1 =	sshrl.u32 s1, $0x2  }
0xb8: {  	s3 =	sand.u32 $0x4000, s31;
	s1 =	sadd.s32 s1, s30  }
0xb9: {  	s0 =	sor.u32 s3, s0;
	s1 =	sshll.u32 s1, $0x11  }
0xba: {  	s0 =	sor.u32 s1, s0  }
0xbb: {  	s0 =	sadd.s32 $0x8F2B, s0  }
0xbc: {  	[sflag:s0] =	ssyncadd.remote.s32 $0x1  }
0xbd: {  	_ =	sfence.sel $0xFFFF  }
0xbe: {  	[dreg:$0x0] =	wrdreg $0xFFFFFFFF;
	(pc) =	sbr.abs _section_cstart, $3  }
0xbf: {  	[dreg:$0x1] =	wrdreg $0xFFFFFFFF  }
0xc0: {  	_ =	task.clear_ibuf [dreg:s6], $0x2FFFF;
	_ =	strace $0x9FFFFFFF  }
0xc1: {  	(tm) =	ssettm $0x7FFFFFFF  }
tec
execute0_lowered:
.L_overlay_start_1:
0x0: {  	(tag) =	ssettag $0x1  }
0x1: {  	s0 =	srdreg.scid  }
0x2: {  	s7 =	rddreg [dreg:$0x0];
	s1 =	stileid.u32  }
0x3: {  	s2 =	simm.s32 $0x0;
	s11 =	simm.s32 $0x1;
	s12 =	simm.s32 $0x2800  }
0x4: {  	s13 =	simm.s32 $0x5000;
	s14 =	simm.s32 $0x80;
	s15 =	simm.s32 $0x400  }
0x5: {  	s16 =	simm.s32 $0x5080;
	s17 =	simm.s32 $0x7900;
	s6 =	sand.u32 $0x1, s0  }
0x6: {  	s18 =	simm.s32 $0xCA00;
	s19 =	simm.s32 $0xA180;
	s3 =	sshll.u32 s6, $0x4  }
0x7: {  	s20 =	simm.s32 $0x0;
	s0 =	rddreg [dreg:$0x1];
	s3 =	sor.u32 s1, s3  }
0x8: {  	[smem:$0x7FF] =	sst s2;
	s9 =	sshll.u32 s1, $0x7;
	s4 =	sshrl.u32 s3, $0x3  }
0x9: {  	s5 =	sadd.s32 $0x3EE00, s7;
	_ =	strace $0x80000047;
	s8 =	smul.u32 $0x14400, s4  }
0xa: {  	s9 =	sand.u32 $0x380, s9;
	s6 =	ssub.s32 $0x2, s6;
	s10 =	smul.u32 $0x14000, s4  }
0xb: {  	s31 =	sshrl.u32 s6, $0x1;
	s3 =	sadd.s32 $0x3E200, s7;
	s8 =	sor.u32 s9, s8  }
0xc: {  	s4 =	sadd.s32 $0x3E800, s7;
	s9 =	sor.u32 s9, s10;
	s8 =	sshrl.u32 s8, $0x3  }
0xd: {  	s10 =	ssub.s32 s6, s31;
	s9 =	sshrl.u32 s9, $0x3;
	s8 =	sadd.s32 s8, s7  }
0xe: {  	s10 =	smax.u32 s10, $0x1;
	s9 =	sadd.s32 s9, s7;
	s6 =	sadd.s32 $0xC000, s8  }
0xf: {  	v0 =	vimm.f32 $0.0e+00;
	s7 =	sadd.s32 $0x1E00, s8;
	s8 =	sadd.s32 $0x3F000, s8;
	s9 =	sadd.s32 $0x49200, s9  }
.LBB2_1:
0x10: {  	[tilespmem:s2], [sflag:$0x1] =	stream.linear.gather [hbm4b:s3+s2], $0x2800, $0x38;
	[tilespmem:$0xF200] =	vst v63  }
0x11: {  	_ =	swait.ge [sflag:s11], $0x2800  }
0x12: {  	[sflag:s11] =	ssyncset.done $0x0  }
0x13: {  	[sflag:s11] =	ssyncadd.s32 $0xFFFFD800  }
0x14: {  	[tilespmem:s12], [sflag:$0x1] =	stream.linear.gather [hbm4b:s4+s2], $0x2800, $0x38;
	[tilespmem:$0xF200] =	vst v63  }
0x15: {  	_ =	swait.ge [sflag:s11], $0x2800  }
0x16: {  	[sflag:s11] =	ssyncset.done $0x0  }
0x17: {  	[sflag:s11] =	ssyncadd.s32 $0xFFFFD800  }
0x18: {  	[tilespmem:s13], [sflag:$0x1] =	stream.linear.gather [hbm4b:s5+s2], $0x80, $0x38;
	[tilespmem:$0xF200] =	vst v63  }
0x19: {  	_ =	swait.ge [sflag:s11], $0x80  }
0x1a: {  	[sflag:s11] =	ssyncset.done $0x0  }
0x1b: {  	[sflag:s11] =	ssyncadd.s32 $0xFFFFFF80  }
0x1c: {  	[tilespmem:s16], [sflag:$0x1] =	stream.strided.gather [hbm4b:s6+s14], $0x2880, s15, s14, $0x38;
	[tilespmem:$0xF200] =	vst v63  }
0x1d: {  	_ =	swait.ge [sflag:s11], $0x2880  }
0x1e: {  	[sflag:s11] =	ssyncset.done $0x0  }
0x1f: {  	[sflag:s11] =	ssyncadd.s32 $0xFFFFD780  }
0x20: {  	[tilespmem:s17], [sflag:$0x1] =	stream.strided.gather [hbm4b:s7+s14], $0x2880, s15, s14, $0x38;
	[tilespmem:$0xF200] =	vst v63  }
0x21: {  	_ =	swait.ge [sflag:s11], $0x2880  }
0x22: {  	[sflag:s11] =	ssyncset.done $0x0  }
0x23: {  	s22 =	simm.s32 $0x100;
	s21 =	simm.s32 $0x0;
	[sflag:s11] =	ssyncadd.s32 $0xFFFFD780  }
.LBB2_2:
0x24: {  	p0 =	sne.s32 s22, $0x9F00;
	[tilespmem:s21+$0xCA30] =	vst v0;
	s23 =	smov.u32 s22;
	s22 =	sadd.s32 $0x100, s22  }
.Ltmp0:
0x25: {  	[tilespmem:s21+$0xCA20] =	vst v0;
	(pc) =	sbr.rel @p0 .LBB2_2-.Ltmp0, $3  }
0x26: {  	[tilespmem:s21+$0xCA00] =	vst v0  }
0x27: {  	[tilespmem:s21+$0xCA10] =	vst v0;
	_ =	sdelay $0x1  }
0x28: {  	s21 =	sshra.s32 s23, $0x2  }
0x29: {  	[tilespmem:s21+$0xCA30] =	vst v0  }
0x2a: {  	[tilespmem:s21+$0xCA20] =	vst v0  }
0x2b: {  	[tilespmem:s21+$0xCA00] =	vst v0  }
0x2c: {  	[tilespmem:s21+$0xCA10] =	vst v0;
	s21 =	simm.s32 $0x0  }
0x2d: {  	v2 =	vld [tilespmem:s21+$0x5080]  }
0x2e: {  	v3 =	vld [tilespmem:s21+$0x7900];
	_ =	sdelay $0x5  }
0x2f: {  	v1 =	vld [tilespmem:$0x5000]  }
0x30: {  	v2 =	vld.idx.msk [tilespmem:v2+s2+$0x0], $0xffff  }
0x31: {  	v4 =	vld.idx.msk [tilespmem:v3+s12+$0x0], $0xffff;
	_ =	sdelay $0x4  }
0x32: {  	v2 =	vadd.f32 v4, v2;
	v4 =	vadd.f32 v4, v1;
	_ =	sdelay $0x1  }
0x33: {  	v5 =	vmul.f32 $2.000000030e-01, v2;
	v6 =	vmul.f32 $2.000000030e-01, v4  }
0x34: {  	vm0 =	vgt.f32 v2, $0.0e+00;
	vm1 =	vgt.f32 v4, $0.0e+00  }
0x35: {  	v2 =	vsel vm0, v2, v5;
	v4 =	vsel vm1, v4, v6  }
0x36: {  	v2 =	vsub.f32 v2, v4;
	_ =	sdelay $0x1  }
0x37: {  	v2 =	vmul.f32 $1.442695020e+00, v2;
	_ =	sdelay $0x1  }
0x38: {  	(erf) = vpow2.f32 v2;
	_ =	sdelay $0x8  }
0x39: {  	v2 =	vpop (erf)  }
0x3a: {  	[tilespmem:s21+$0xA180] =	vst v2  }
0x3b: {  	[tilespmem:v3+s18+$0x0] =	vst.idx.add.f32.msk $0xffff, v2  }
0x3c: {  	v3 =	vld [tilespmem:s21+$0x5090]  }
0x3d: {  	v2 =	vld [tilespmem:s21+$0x7910];
	_ =	sdelay $0x6  }
0x3e: {  	v3 =	vld.idx.msk [tilespmem:v3+s2+$0x0], $0xffff  }
0x3f: {  	v61 =	vld.idx.msk [tilespmem:v2+s12+$0x0], $0xffff;
	_ =	sdelay $0x4  }
0x40: {  	v3 =	vadd.f32 v61, v3;
	v4 =	vadd.f32 v61, v1;
	_ =	sdelay $0x1  }
0x41: {  	v62 =	vmul.f32 $2.000000030e-01, v3;
	v63 =	vmul.f32 $2.000000030e-01, v4  }
0x42: {  	vm14 =	vgt.f32 v3, $0.0e+00;
	vm15 =	vgt.f32 v4, $0.0e+00  }
0x43: {  	v3 =	vsel vm14, v3, v62;
	v4 =	vsel vm15, v4, v63  }
0x44: {  	v3 =	vsub.f32 v3, v4;
	_ =	sdelay $0x1  }
0x45: {  	v3 =	vmul.f32 $1.442695020e+00, v3;
	_ =	sdelay $0x1  }
0x46: {  	s22 =	simm.s32 $0x80;
	(erf) = vpow2.f32 v3  }
.LBB2_4:
0x47: {  	_ =	sdelay $0x7  }
0x48: {  	p0 =	sne.s32 s22, $0xA180;
	s23 =	smov.u32 s22;
	s22 =	sadd.s32 $0x80, s22;
	v3 =	vpop (erf)  }
0x49: {  	[tilespmem:s21+$0xA190] =	vst v3  }
0x4a: {  	s21 =	sshra.s32 s23, $0x2;
	[tilespmem:v2+s18+$0x0] =	vst.idx.add.f32.msk $0xffff, v3  }
0x4b: {  	v2 =	vld [tilespmem:s21+$0x5080]  }
0x4c: {  	v3 =	vld [tilespmem:s21+$0x7900];
	_ =	sdelay $0x6  }
0x4d: {  	v2 =	vld.idx.msk [tilespmem:v2+s2+$0x0], $0xffff  }
0x4e: {  	v4 =	vld.idx.msk [tilespmem:v3+s12+$0x0], $0xffff;
	_ =	sdelay $0x5  }
0x4f: {  	v2 =	vadd.f32 v4, v2;
	v4 =	vadd.f32 v4, v1;
	_ =	sdelay $0x1  }
0x50: {  	vm0 =	vgt.f32 v2, $0.0e+00;
	v5 =	vmul.f32 $2.000000030e-01, v2;
	v6 =	vmul.f32 $2.000000030e-01, v4  }
0x51: {  	vm1 =	vgt.f32 v4, $0.0e+00  }
0x52: {  	v2 =	vsel vm0, v2, v5;
	v4 =	vsel vm1, v4, v6  }
0x53: {  	v2 =	vsub.f32 v2, v4;
	_ =	sdelay $0x1  }
0x54: {  	v2 =	vmul.f32 $1.442695020e+00, v2;
	_ =	sdelay $0x1  }
0x55: {  	(erf) = vpow2.f32 v2;
	_ =	sdelay $0x8  }
0x56: {  	v2 =	vpop (erf)  }
0x57: {  	[tilespmem:s21+$0xA180] =	vst v2  }
0x58: {  	[tilespmem:v3+s18+$0x0] =	vst.idx.add.f32.msk $0xffff, v2  }
0x59: {  	v3 =	vld [tilespmem:s21+$0x5090]  }
0x5a: {  	v2 =	vld [tilespmem:s21+$0x7910];
	_ =	sdelay $0x6  }
0x5b: {  	v3 =	vld.idx.msk [tilespmem:v3+s2+$0x0], $0xffff  }
0x5c: {  	v4 =	vld.idx.msk [tilespmem:v2+s12+$0x0], $0xffff;
	_ =	sdelay $0x5  }
0x5d: {  	v3 =	vadd.f32 v4, v3;
	v4 =	vadd.f32 v4, v1;
	_ =	sdelay $0x1  }
0x5e: {  	vm0 =	vgt.f32 v3, $0.0e+00;
	v5 =	vmul.f32 $2.000000030e-01, v3;
	v6 =	vmul.f32 $2.000000030e-01, v4  }
0x5f: {  	vm1 =	vgt.f32 v4, $0.0e+00  }
0x60: {  	v3 =	vsel vm0, v3, v5;
	v4 =	vsel vm1, v4, v6  }
.Ltmp1:
0x61: {  	v3 =	vsub.f32 v3, v4;
	(pc) =	sbr.rel @p0 .LBB2_4-.Ltmp1, $3  }
0x62: {  	_ = 	snop  }
0x63: {  	v3 =	vmul.f32 $1.442695020e+00, v3;
	_ =	sdelay $0x1  }
0x64: {  	(erf) = vpow2.f32 v3  }
0x65: {  	_ =	sdelay $0x7  }
0x66: {  	v1 =	vpop (erf)  }
0x67: {  	[tilespmem:s21+$0xA190] =	vst v1  }
0x68: {  	[tilespmem:v2+s18+$0x0] =	vst.idx.add.f32.msk $0xffff, v1  }
0x69: {  	[hbm4b:s8+s14] =	stream.strided.scatter [tilespmem:s19], [sflag:$0x1], $0x2880, s15, s14, $0x38;
	[tilespmem:$0xF200] =	vst v63  }
0x6a: {  	s20 =	sadd.s32 $0x1, s20;
	_ =	swait.ge [sflag:s11], $0x2880  }
0x6b: {  	p0 =	sne.s32 s20, s10;
	[sflag:s11] =	ssyncset.done $0x0  }
.Ltmp2:
0x6c: {  	[sflag:s11] =	ssyncadd.s32 $0xFFFFD780;
	(pc) =	sbr.rel @p0 .LBB2_1-.Ltmp2, $4  }
0x6d: {  	[hbm4b:s9+s14] =	stream.strided.scatter [tilespmem:s18], [sflag:$0x1], $0x2800, s15, s14, $0x38;
	[tilespmem:$0xF200] =	vst v63  }
0x6e: {  	_ =	swait.ge [sflag:s11], $0x2800  }
0x6f: {  	[sflag:s11] =	ssyncset.done $0x0  }
0x70: {  	[sflag:s11] =	ssyncadd.s32 $0xFFFFD800  }
0x71: {  	_ =	sfence.sel $0x180000  }
0x72: {  	[bflag:$0x0] =	sbarrier.arrive $0xFFFF  }
0x73: {  	p0 =	sne.s32 s1, $0x0;
	_ =	strace $0x90000047  }
0x74: {  	s0 =	sadd.s32 @!p0 $0x100000, s0;
	[bflag:$0x2] =	sbarrier.arrive $0xFFFF  }
0x75: {  	[sflag:s0] =	ssyncadd.tile.s32 @!p0 $0x1;
	_ =	shalt  }
.Lfunc_end2:
_tile_overlayer_lowered:
.L_overlay_start_2:
0x76: {  	(tag) =	ssettag $0x2  }
0x77: {  	s0 =	rddreg [dreg:$0x0];
	s2 =	stileid.u32  }
0x78: {  	s1 =	rddreg [dreg:$0x1];
	p0 =	sne.s32 s2, $0x0  }
0x79: {  	s3 =	rddreg [dreg:$0x2];
	[bflag:$0x3] =	sbarrier.arrive $0xFFFF;
	s2 =	simm.s32 @!p0 $0x1C01  }
0x7a: {  	[timem:s3], [sflag:s2] =	dma.local @!p0 [hbm:s0], s1  }
0x7b: {  	s0 =	simm.s32 @!p0 $0x1  }
0x7c: {  	_ =	swait.ge @!p0 [sflag:s0], s1  }
0x7d: {  	s1 =	ssub.s32 @!p0 $0x0, s1;
	[sflag:s0] =	ssyncset.done @!p0 $0x0  }
0x7e: {  	[sflag:s0] =	ssyncadd.s32 @!p0 s1  }
0x7f: {  	[bflag:$0x3] =	sbarrier.arrive $0xFFFF  }
0x80: {  	_ =	shalt  }

</sc_bundles>
